<compile_context>
chip_gen: v7x
topology: tpu7x:2x2x1
jax: 0.10.2.dev20260603
libtpu: 0.0.44.dev20260713+nightly
codegen_flags: <defaults>
</compile_context>

<pallas_src>
import jax
import jax.numpy as jnp
from jax import lax
from jax.experimental import pallas as pl
from jax.experimental.pallas import tpu as pltpu
from jax.experimental.pallas import tpu_sc as plsc

N_NODES = 10000
NP = 10240
N_EDGES = 160000
CH = 64
RMAX = 5.0
AVG = 16.0
S3 = 1.7320508075688772

NC = 2
NS = 16
NW = NC * NS
G = 128
RPT = NP // NS

BE = 2000
NEB = N_EDGES // BE
BN = 2048
NNB = NP // BN


def _sc_mesh():
    return plsc.VectorSubcoreMesh(core_axis_name="c", subcore_axis_name="s")



def _sc_gather(table, idx):
    rows, d = idx.shape[0], table.shape[1]
    ng = rows // G
    kmax = (ng + NW - 1) // NW

    def body(table_ref, idx_ref, out_ref, idxv, datv, sem):
        wid = lax.axis_index("s") * NC + lax.axis_index("c")

        def step(k, carry):
            g = wid + k * NW

            @pl.when(g < ng)
            def _():
                off = g * G
                pltpu.sync_copy(idx_ref.at[pl.ds(off, G)], idxv)
                pltpu.async_copy(table_ref.at[idxv], datv, sem).wait()
                pltpu.sync_copy(datv, out_ref.at[pl.ds(off, G)])

            return carry

        lax.fori_loop(0, kmax, step, 0)

    fn = pl.kernel(
        body,
        out_type=jax.ShapeDtypeStruct((rows, d), jnp.float32),
        mesh=_sc_mesh(),
        scratch_types=[
            pltpu.VMEM((G,), jnp.int32),
            pltpu.VMEM((G, d), jnp.float32),
            pltpu.SemaphoreType.DMA,
        ],
    )
    return fn(table, idx)


def _sc_scatter2(data_a, data_b, idx):
    rows, d = data_a.shape
    ng = rows // G
    kmax = (ng + NS - 1) // NS
    zeros = jnp.zeros((RPT, d), jnp.float32)
    out_t = jax.ShapeDtypeStruct((NP, d), jnp.float32)

    def body(da_ref, db_ref, idx_ref, z_ref, outa_ref, outb_ref,
             accum, idxv, datv):
        cc = lax.axis_index("c")
        sid = lax.axis_index("s")
        pltpu.sync_copy(z_ref, accum.at[pl.ds(sid * RPT, RPT)])
        plsc.subcore_barrier()

        def step(k, carry):
            g = sid + k * NS

            @pl.when(g < ng)
            def _():
                off = g * G
                pltpu.sync_copy(idx_ref.at[pl.ds(off, G)], idxv)

                @pl.when(cc == 0)
                def _():
                    pltpu.sync_copy(da_ref.at[pl.ds(off, G)], datv)

                @pl.when(cc == 1)
                def _():
                    pltpu.sync_copy(db_ref.at[pl.ds(off, G)], datv)

                pltpu.sync_copy(datv, accum.at[idxv], add=True)

            return carry

        lax.fori_loop(0, kmax, step, 0)
        plsc.subcore_barrier()

        @pl.when(cc == 0)
        def _():
            pltpu.sync_copy(accum.at[pl.ds(sid * RPT, RPT)],
                            outa_ref.at[pl.ds(sid * RPT, RPT)])

        @pl.when(cc == 1)
        def _():
            pltpu.sync_copy(accum.at[pl.ds(sid * RPT, RPT)],
                            outb_ref.at[pl.ds(sid * RPT, RPT)])

    fn = pl.kernel(
        body,
        out_type=(out_t, out_t),
        mesh=_sc_mesh(),
        scratch_types=[
            pltpu.VMEM_SHARED((NP, d), jnp.float32),
            pltpu.VMEM((G,), jnp.int32),
            pltpu.VMEM((G, d), jnp.float32),
        ],
    )
    return fn(data_a, data_b, idx, zeros)


def _sc_scatter_par(data, idx):
    rows, d = data.shape
    ng2 = rows // G // 2
    kmax = (ng2 + NS - 1) // NS
    zeros = jnp.zeros((RPT, d), jnp.float32)
    out_t = jax.ShapeDtypeStruct((NP, d), jnp.float32)

    def body(d_ref, idx_ref, z_ref, outa_ref, outb_ref, accum, idxv, datv):
        cc = lax.axis_index("c")
        sid = lax.axis_index("s")
        pltpu.sync_copy(z_ref, accum.at[pl.ds(sid * RPT, RPT)])
        plsc.subcore_barrier()

        def step(k, carry):
            gi = sid + k * NS

            @pl.when(gi < ng2)
            def _():
                off = (cc + 2 * gi) * G
                pltpu.sync_copy(idx_ref.at[pl.ds(off, G)], idxv)
                pltpu.sync_copy(d_ref.at[pl.ds(off, G)], datv)
                pltpu.sync_copy(datv, accum.at[idxv], add=True)

            return carry

        lax.fori_loop(0, kmax, step, 0)
        plsc.subcore_barrier()

        @pl.when(cc == 0)
        def _():
            pltpu.sync_copy(accum.at[pl.ds(sid * RPT, RPT)],
                            outa_ref.at[pl.ds(sid * RPT, RPT)])

        @pl.when(cc == 1)
        def _():
            pltpu.sync_copy(accum.at[pl.ds(sid * RPT, RPT)],
                            outb_ref.at[pl.ds(sid * RPT, RPT)])

    fn = pl.kernel(
        body,
        out_type=(out_t, out_t),
        mesh=_sc_mesh(),
        scratch_types=[
            pltpu.VMEM_SHARED((NP, d), jnp.float32),
            pltpu.VMEM((G,), jnp.int32),
            pltpu.VMEM((G, d), jnp.float32),
        ],
    )
    return fn(data, idx, zeros)


def _sc_scatter_pm(data, idx2):
    rows, d = data.shape
    ng = rows // G
    kmax = (ng + NS - 1) // NS
    zeros = jnp.zeros((RPT, d), jnp.float32)
    out_t = jax.ShapeDtypeStruct((NP, d), jnp.float32)

    def body(d_ref, idx_ref, z_ref, outa_ref, outb_ref, accum, idxv, datv):
        cc = lax.axis_index("c")
        sid = lax.axis_index("s")
        pltpu.sync_copy(z_ref, accum.at[pl.ds(sid * RPT, RPT)])
        plsc.subcore_barrier()

        def step(k, carry):
            g = sid + k * NS

            @pl.when(g < ng)
            def _():
                off = g * G
                pltpu.sync_copy(idx_ref.at[pl.ds(cc * rows + off, G)], idxv)
                pltpu.sync_copy(d_ref.at[pl.ds(off, G)], datv)
                pltpu.sync_copy(datv, accum.at[idxv], add=True)

            return carry

        lax.fori_loop(0, kmax, step, 0)
        plsc.subcore_barrier()

        @pl.when(cc == 0)
        def _():
            pltpu.sync_copy(accum.at[pl.ds(sid * RPT, RPT)],
                            outa_ref.at[pl.ds(sid * RPT, RPT)])

        @pl.when(cc == 1)
        def _():
            pltpu.sync_copy(accum.at[pl.ds(sid * RPT, RPT)],
                            outb_ref.at[pl.ds(sid * RPT, RPT)])

    fn = pl.kernel(
        body,
        out_type=(out_t, out_t),
        mesh=_sc_mesh(),
        scratch_types=[
            pltpu.VMEM_SHARED((NP, d), jnp.float32),
            pltpu.VMEM((G,), jnp.int32),
            pltpu.VMEM((G, d), jnp.float32),
        ],
    )
    return fn(data, idx2, zeros)



def _silu(x):
    return x / (1.0 + jnp.exp(-x))


def _dsilu(x):
    s = 1.0 / (1.0 + jnp.exp(-x))
    return s * (1.0 + x * (1.0 - s))


def _sin(x):
    inv_pi = 0.3183098861837907
    pi = 3.141592653589793
    k = jnp.floor(x * inv_pi + 0.5)
    r = x - k * pi
    parity = k - 2.0 * jnp.floor(k * 0.5)
    sign = 1.0 - 2.0 * parity
    r2 = r * r
    p = 2.5052108385441718e-08
    p = p * r2 - 2.7557319223985893e-06
    p = p * r2 + 1.984126984126984e-04
    p = p * r2 - 8.333333333333333e-03
    p = p * r2 + 1.6666666666666666e-01
    s = r - r * r2 * p
    return sign * s


def _bessel_cutoff(length):
    xc = jnp.maximum(length, 1e-6)
    n = lax.broadcasted_iota(jnp.int32, (1, 8), 1).astype(jnp.float32) + 1.0
    arg = n * (jnp.pi / RMAX) * xc
    b = jnp.sqrt(2.0 / RMAX) * _sin(arg) / xc
    u = length / RMAX
    u2 = u * u
    u4 = u2 * u2
    u5 = u4 * u
    f = 1.0 - 21.0 * u5 + 35.0 * u5 * u - 15.0 * u5 * u2
    fc = jnp.where(u < 1.0, f, 0.0)
    return b * fc


def _bessel_cutoff_grad(length):
    xc = jnp.maximum(length, 1e-6)
    n = lax.broadcasted_iota(jnp.int32, (1, 8), 1).astype(jnp.float32) + 1.0
    w = n * (jnp.pi / RMAX)
    arg = w * xc
    sn = _sin(arg)
    cs = _sin(arg + 0.5 * jnp.pi)
    s = jnp.sqrt(2.0 / RMAX)
    b = s * sn / xc
    db = s * (w * cs * xc - sn) / (xc * xc)
    db = jnp.where(length > 1e-6, db, 0.0)
    u = length / RMAX
    u2 = u * u
    u4 = u2 * u2
    u5 = u4 * u
    live = u < 1.0
    f = jnp.where(live, 1.0 - 21.0 * u5 + 35.0 * u5 * u - 15.0 * u5 * u2, 0.0)
    df = jnp.where(live, (-105.0 / RMAX) * u4 * (1.0 - u) * (1.0 - u), 0.0)
    return b * f, db * f + b * df


def _radial_fwd(eb, w0, w1, w2):
    a1 = jnp.dot(eb, w0, preferred_element_type=jnp.float32)
    h1 = _silu(a1)
    a2 = jnp.dot(h1, w1, preferred_element_type=jnp.float32)
    h2 = _silu(a2)
    a3 = jnp.dot(h2, w2, preferred_element_type=jnp.float32)
    h3 = _silu(a3)
    return a1, a2, a3, h3


def _radial_jvp(deb, a1, a2, a3, w0, w1, w2):
    da1 = jnp.dot(deb, w0, preferred_element_type=jnp.float32)
    da2 = jnp.dot(_dsilu(a1) * da1, w1, preferred_element_type=jnp.float32)
    da3 = jnp.dot(_dsilu(a2) * da2, w2, preferred_element_type=jnp.float32)
    return _dsilu(a3) * da3


def _mm(a, b):
    return jnp.dot(a, b, preferred_element_type=jnp.float32)



def _tc_node_a(na_ref, pos_ref, ch_ref, we_ref, up1_ref, wp1_ref, wp2_ref,
               ae_ref, th_ref, p1_ref, p2_ref, ne0_ref, cp_ref):
    na = na_ref[...]
    pos = pos_ref[...]
    f0 = _mm(na, we_ref[...])
    h = _mm(f0, up1_ref[...])
    zeros = jnp.zeros_like(h[:, 0:61])
    th_ref[...] = jnp.concatenate([h, pos[:, 0:3], zeros], axis=1)
    p1_ref[...] = _mm(na, wp1_ref[...])
    p2_ref[...] = _mm(na, wp2_ref[...])
    ne0_ref[...] = _mm(na, ae_ref[...])
    cp_ref[...] = pos * ch_ref[...]


def _tc_edge1(gs_ref, gd_ref, w0_ref, w1_ref, w2_ref, w3_ref,
              msga_ref, msgb_ref, geo_ref):
    gs = gs_ref[...]
    gd = gd_ref[...]
    vec = gd[:, 64:67] - gs[:, 64:67]
    l2 = jnp.sum(vec * vec, axis=1, keepdims=True) + 1e-12
    length = jnp.sqrt(l2)
    unit = vec / length
    eb = _bessel_cutoff(length)
    _, _, _, h3 = _radial_fwd(eb, w0_ref[...], w1_ref[...], w2_ref[...])
    t = _mm(h3, w3_ref[...])
    hs = gs[:, 0:64]
    y1 = S3 * unit[:, 0:1]
    y2 = S3 * unit[:, 1:2]
    y3 = S3 * unit[:, 2:3]
    msga_ref[...] = jnp.concatenate(
        [t[:, 0:64] * hs, t[:, 64:128] * hs * y1], axis=1)
    msgb_ref[...] = jnp.concatenate(
        [t[:, 128:192] * hs * y2, t[:, 192:256] * hs * y3], axis=1)
    zeros = jnp.zeros_like(eb[:, 0:4])
    geo_ref[...] = jnp.concatenate([length, unit, eb, zeros], axis=1)


def _tc_edge2(geo_ref, hs_ref, w0_ref, w1_ref, w2_ref, w3_ref,
              msga_ref, msgb_ref):
    geo = geo_ref[...]
    eb = geo[:, 4:12]
    _, _, _, h3 = _radial_fwd(eb, w0_ref[...], w1_ref[...], w2_ref[...])
    t = _mm(h3, w3_ref[...])
    hs = hs_ref[...][:, 0:64]
    y1 = S3 * geo[:, 1:2]
    y2 = S3 * geo[:, 2:3]
    y3 = S3 * geo[:, 3:4]
    msga_ref[...] = jnp.concatenate(
        [t[:, 0:64] * hs, t[:, 64:128] * hs * y1], axis=1)
    msgb_ref[...] = jnp.concatenate(
        [t[:, 128:192] * hs * y2, t[:, 192:256] * hs * y3], axis=1)


def _tc_node_b(agga_ref, aggb_ref, p1_ref, na_ref, mix_ref, wsc_ref,
               up2_ref, wr1s_ref, wr1v_ref,
               h2_ref, sca_ref, scb_ref, e1n_ref, d1_ref):
    p1 = p1_ref[...]
    na = na_ref[...]
    agga = agga_ref[...] * (1.0 / AVG)
    aggb = aggb_ref[...] * (1.0 / AVG)
    f1 = []
    for l in range(4):
        src = agga if l < 2 else aggb
        aggl = src[:, (l % 2) * 64:(l % 2) * 64 + 64]
        f1.append(_mm(aggl, mix_ref[l]) * p1)
    e1n_ref[...] = _mm(f1[0], wr1s_ref[...])
    wr1v = wr1v_ref[...]
    d1 = [_mm(f1[i], wr1v) for i in (1, 2, 3)]
    zero1 = jnp.zeros_like(d1[0])
    d1_ref[...] = jnp.concatenate(
        d1 + [zero1, zero1, zero1, zero1, zero1], axis=1)
    h2 = _mm(f1[0], up2_ref[...])
    h2_ref[...] = jnp.concatenate([h2, jnp.zeros_like(h2)], axis=1)
    sc = [0.0, 0.0, 0.0, 0.0]
    for t in range(10):
        mask = na[:, t:t + 1]
        for l in range(4):
            sc[l] += mask * _mm(f1[l], wsc_ref[t])
    sca_ref[...] = jnp.concatenate([sc[0], sc[1]], axis=1)
    scb_ref[...] = jnp.concatenate([sc[2], sc[3]], axis=1)


def _tc_node_c(agga_ref, aggb_ref, sca_ref, scb_ref, p2_ref, na_ref, d1_ref,
               mix_ref, wmlp1_ref, wmlp1t_ref, wmlp2_ref, wmlp2r_ref,
               wg_ref, wr2v_ref, wr1sr_ref, wsct_ref, mix0t_ref,
               e2n_ref, adip_ref, g2agg_ref, gf1p_ref):
    p2 = p2_ref[...]
    na = na_ref[...]
    agga = agga_ref[...] * (1.0 / AVG)
    aggb = aggb_ref[...] * (1.0 / AVG)
    sca = sca_ref[...]
    scb = scb_ref[...]
    f2 = []
    for l in range(4):
        asrc = agga if l < 2 else aggb
        ssrc = sca if l < 2 else scb
        o = (l % 2) * 64
        aggl = asrc[:, o:o + 64]
        f2.append(_mm(aggl, mix_ref[l]) * p2 + ssrc[:, o:o + 64])
    scal = f2[0]
    z = _mm(scal, wmlp1_ref[...])
    e2n_ref[...] = _mm(_silu(z), wmlp2_ref[...])
    gatev = _silu(_mm(scal, wg_ref[...]))
    wr2v = wr2v_ref[...]
    d1 = d1_ref[...]
    d2 = [_mm(f2[i] * gatev, wr2v) for i in (1, 2, 3)]
    zero1 = jnp.zeros_like(d2[0])
    adip_ref[...] = jnp.concatenate(
        [d1[:, 0:1] + d2[0], d1[:, 1:2] + d2[1], d1[:, 2:3] + d2[2],
         zero1, zero1, zero1, zero1, zero1], axis=1)
    gz = _dsilu(z) * wmlp2r_ref[...]
    gscal = _mm(gz, wmlp1t_ref[...])
    g2agg = _mm(gscal * p2, mix0t_ref[...])
    g2agg_ref[...] = jnp.concatenate([g2agg, jnp.zeros_like(g2agg)], axis=1)
    gf1p = wr1sr_ref[...] + jnp.zeros_like(gscal)
    for t in range(10):
        gf1p += na[:, t:t + 1] * _mm(gscal, wsct_ref[t])
    gf1p_ref[...] = gf1p


def _tc_edge3(geo_ref, g2a_ref, h2s_ref, w0_ref, w1_ref, w2_ref, w3c_ref,
              gh_ref):
    geo = geo_ref[...]
    length = geo[:, 0:1]
    eb, deb = _bessel_cutoff_grad(length)
    w0, w1, w2 = w0_ref[...], w1_ref[...], w2_ref[...]
    a1, a2, a3, h3 = _radial_fwd(eb, w0, w1, w2)
    dh3 = _radial_jvp(deb, a1, a2, a3, w0, w1, w2)
    w3c = w3c_ref[...]
    t0 = _mm(h3, w3c)
    dt0 = _mm(dh3, w3c)
    g2a = g2a_ref[...][:, 0:64]
    gh = g2a * t0 * (1.0 / AVG)
    dlen2 = jnp.sum(g2a * h2s_ref[...][:, 0:64] * dt0, axis=1,
                    keepdims=True) * (1.0 / AVG)
    zeros = jnp.zeros_like(gh[:, 0:63])
    gh_ref[...] = jnp.concatenate([gh, dlen2, zeros], axis=1)


def _tc_node_d(gha_ref, ghb_ref, gf1p_ref, p1_ref, up2t_ref, mix0t_ref,
               g1agg_ref):
    gh2 = gha_ref[...][:, 0:64] + ghb_ref[...][:, 0:64]
    gf1 = gf1p_ref[...] + _mm(gh2, up2t_ref[...])
    g1agg = _mm(gf1 * p1_ref[...], mix0t_ref[...])
    g1agg_ref[...] = jnp.concatenate([g1agg, jnp.zeros_like(g1agg)], axis=1)


def _tc_edge4(geo_ref, g1a_ref, gs_ref, gh_ref,
              w0_ref, w1_ref, w2_ref, w3c_ref, fvec_ref):
    geo = geo_ref[...]
    length = geo[:, 0:1]
    eb, deb = _bessel_cutoff_grad(length)
    w0, w1, w2 = w0_ref[...], w1_ref[...], w2_ref[...]
    a1, a2, a3, h3 = _radial_fwd(eb, w0, w1, w2)
    dh3 = _radial_jvp(deb, a1, a2, a3, w0, w1, w2)
    dt0 = _mm(dh3, w3c_ref[...])
    hs = gs_ref[...][:, 0:64]
    dlen1 = jnp.sum(g1a_ref[...][:, 0:64] * hs * dt0, axis=1,
                    keepdims=True) * (1.0 / AVG)
    dlen = dlen1 + gh_ref[...][:, 64:65]
    unit = geo[:, 1:4]
    fv = dlen * unit
    zeros = jnp.zeros_like(geo[:, 0:1]) * jnp.zeros((1, 125))
    fvec_ref[...] = jnp.concatenate([fv, zeros], axis=1)


def _tc_forces(fa_ref, fb_ref, out_ref):
    out_ref[...] = fa_ref[...][:, 0:8] - fb_ref[...][:, 0:8]


def _tc_final(ne0_ref, e1n_ref, e2n_ref, adip_ref, cp_ref, out_ref):
    e0 = jnp.sum(ne0_ref[...])
    e1 = jnp.sum(e1n_ref[...])
    e2 = jnp.sum(e2n_ref[...])
    adip = adip_ref[...]
    cp = cp_ref[...]
    td = jnp.sum(adip[:, 0:3] + cp[:, 0:3], axis=0)
    out = jnp.concatenate(
        [jnp.stack([e0, e1, e2, e0 + e1 + e2]), td, jnp.zeros((1,))])
    out_ref[...] = out[None, :]



def _full(shape):
    return pl.BlockSpec(shape, lambda i: (0,) * len(shape))


def _erow(d):
    return pl.BlockSpec((BE, d), lambda i: (i, 0))


def _nrow(d):
    return pl.BlockSpec((BN, d), lambda i: (i, 0))


def _eout(d, dtype=jnp.float32):
    return jax.ShapeDtypeStruct((N_EDGES, d), dtype)


def _nout(d, dtype=jnp.float32):
    return jax.ShapeDtypeStruct((NP, d), dtype)


def kernel(positions, node_attrs, charges, shifts, unit_shifts, cell,
           edge_index, batch, ptr, head,
           W_embed, atomic_E, up1, r1_w0, r1_w1, r1_w2, r1_w3, mix1, Wprod1,
           Wr1_s, Wr1_v, up2, r2_w0, r2_w1, r2_w2, r2_w3, mix2, Wsc2, Wprod2,
           Wg, Wmlp1, Wmlp2, Wr2_v):
    f32 = jnp.float32
    src = edge_index[0].astype(jnp.int32)
    dst = edge_index[1].astype(jnp.int32)

    padn = NP - N_NODES
    na16 = jnp.pad(node_attrs, ((0, padn), (0, 6)))
    pos16 = jnp.pad(positions, ((0, padn), (0, 13)))
    ch1 = jnp.pad(charges[:, None], ((0, padn), (0, 0)))
    we16 = jnp.pad(W_embed, ((0, 6), (0, 0)))
    ae16 = jnp.pad(atomic_E[:, None], ((0, 6), (0, 0)))
    wp1 = jnp.pad(Wprod1, ((0, 6), (0, 0)))
    wp2 = jnp.pad(Wprod2, ((0, 6), (0, 0)))

    def w3slice(w3):
        w = w3.reshape(CH, CH, 16)[:, :, :4]
        return jnp.transpose(w, (0, 2, 1)).reshape(CH, 4 * CH)

    w3s1 = w3slice(r1_w3)
    w3s2 = w3slice(r2_w3)
    w3c1 = w3s1[:, 0:CH]
    w3c2 = w3s2[:, 0:CH]
    mix1_4 = mix1[:4]
    mix2_4 = mix2[:4]
    mix1_0t = mix1[0].T
    mix2_0t = mix2[0].T
    wsc2t = jnp.transpose(Wsc2, (0, 2, 1))
    up2t = up2.T
    wmlp1t = Wmlp1.T
    wr1s = Wr1_s[:, None]
    wr1sr = Wr1_s[None, :]
    wr1v = Wr1_v[:, None]
    wr2v = Wr2_v[:, None]
    wmlp2 = Wmlp2[:, None]
    wmlp2r = Wmlp2[None, :]

    th, p1, p2, ne0, cp = pl.pallas_call(
        _tc_node_a,
        grid=(NNB,),
        in_specs=[_nrow(16), _nrow(16), _nrow(1), _full((16, 64)),
                  _full((64, 64)), _full((16, 64)), _full((16, 64)),
                  _full((16, 1))],
        out_specs=[_nrow(128), _nrow(64), _nrow(64), _nrow(1), _nrow(16)],
        out_shape=[_nout(128), _nout(64), _nout(64), _nout(1), _nout(16)],
    )(na16, pos16, ch1, we16, up1, wp1, wp2, ae16)

    cat_sd = jnp.concatenate([src, dst])
    gat1 = _sc_gather(th, cat_sd)

    gs_spec = pl.BlockSpec((BE, 128), lambda i: (i, 0))
    gd_spec = pl.BlockSpec((BE, 128), lambda i: (NEB + i, 0))
    msg1a, msg1b, geo = pl.pallas_call(
        _tc_edge1,
        grid=(NEB,),
        in_specs=[gs_spec, gd_spec, _full((8, 64)),
                  _full((64, 64)), _full((64, 64)), _full((64, 256))],
        out_specs=[_erow(128), _erow(128), _erow(16)],
        out_shape=[_eout(128), _eout(128), _eout(16)],
    )(gat1, gat1, r1_w0, r1_w1, r1_w2, w3s1)

    agg1a, agg1b = _sc_scatter2(msg1a, msg1b, dst)

    h2t, sca, scb, e1n, d1 = pl.pallas_call(
        _tc_node_b,
        grid=(NNB,),
        in_specs=[_nrow(128), _nrow(128), _nrow(64), _nrow(16),
                  _full((4, 64, 64)), _full((10, 64, 64)), _full((64, 64)),
                  _full((64, 1)), _full((64, 1))],
        out_specs=[_nrow(128), _nrow(128), _nrow(128), _nrow(1), _nrow(8)],
        out_shape=[_nout(128), _nout(128), _nout(128), _nout(1), _nout(8)],
    )(agg1a, agg1b, p1, na16, mix1_4, Wsc2, up2, wr1s, wr1v)

    h2src = _sc_gather(h2t, src)
    msg2a, msg2b = pl.pallas_call(
        _tc_edge2,
        grid=(NEB,),
        in_specs=[_erow(16), _erow(128), _full((8, 64)), _full((64, 64)),
                  _full((64, 64)), _full((64, 256))],
        out_specs=[_erow(128), _erow(128)],
        out_shape=[_eout(128), _eout(128)],
    )(geo, h2src, r2_w0, r2_w1, r2_w2, w3s2)
    agg2a, agg2b = _sc_scatter2(msg2a, msg2b, dst)

    e2n, adip, g2agg, gf1p = pl.pallas_call(
        _tc_node_c,
        grid=(NNB,),
        in_specs=[_nrow(128), _nrow(128), _nrow(128), _nrow(128), _nrow(64),
                  _nrow(16), _nrow(8), _full((4, 64, 64)), _full((64, 16)),
                  _full((16, 64)), _full((16, 1)), _full((1, 16)),
                  _full((64, 64)), _full((64, 1)), _full((1, 64)),
                  _full((10, 64, 64)), _full((64, 64))],
        out_specs=[_nrow(1), _nrow(8), _nrow(128), _nrow(64)],
        out_shape=[_nout(1), _nout(8), _nout(128), _nout(64)],
    )(agg2a, agg2b, sca, scb, p2, na16, d1, mix2_4, Wmlp1, wmlp1t, wmlp2,
      wmlp2r, Wg, wr2v, wr1sr, wsc2t, mix2_0t)

    g2a = _sc_gather(g2agg, dst)
    (ghmsg,) = pl.pallas_call(
        _tc_edge3,
        grid=(NEB,),
        in_specs=[_erow(16), _erow(128), _erow(128), _full((8, 64)),
                  _full((64, 64)), _full((64, 64)), _full((64, 64))],
        out_specs=[_erow(128)],
        out_shape=[_eout(128)],
    )(geo, g2a, h2src, r2_w0, r2_w1, r2_w2, w3c2)
    gh2a, gh2b = _sc_scatter_par(ghmsg, src)

    (g1agg,) = pl.pallas_call(
        _tc_node_d,
        grid=(NNB,),
        in_specs=[_nrow(128), _nrow(128), _nrow(64), _nrow(64),
                  _full((64, 64)), _full((64, 64))],
        out_specs=[_nrow(128)],
        out_shape=[_nout(128)],
    )(gh2a, gh2b, gf1p, p1, up2t, mix1_0t)

    g1a = _sc_gather(g1agg, dst)
    (fvec,) = pl.pallas_call(
        _tc_edge4,
        grid=(NEB,),
        in_specs=[_erow(16), _erow(128), gs_spec, _erow(128), _full((8, 64)),
                  _full((64, 64)), _full((64, 64)), _full((64, 64))],
        out_specs=[_erow(128)],
        out_shape=[_eout(128)],
    )(geo, g1a, gat1, ghmsg, r1_w0, r1_w1, r1_w2, w3c1)

    fsrc, fdst = _sc_scatter_pm(fvec, cat_sd)
    (forces8,) = pl.pallas_call(
        _tc_forces,
        grid=(NNB,),
        in_specs=[_nrow(128), _nrow(128)],
        out_specs=[_nrow(8)],
        out_shape=[_nout(8)],
    )(fsrc, fdst)

    (out8,) = pl.pallas_call(
        _tc_final,
        grid=(1,),
        in_specs=[_full((NP, 1)), _full((NP, 1)), _full((NP, 1)),
                  _full((NP, 8)), _full((NP, 16))],
        out_specs=[_full((1, 8))],
        out_shape=[jax.ShapeDtypeStruct((1, 8), f32)],
    )(ne0, e1n, e2n, adip, cp)

    total_energy = out8[0, 3:4]
    contributions = out8[:, 0:3]
    total_dipole = out8[:, 4:7]
    forces = forces8[:N_NODES, 0:3]
    atomic_dipoles = adip[:N_NODES, 0:3]
    node_energy = ne0[:N_NODES, 0]
    return (total_energy, forces, total_dipole, atomic_dipoles, node_energy,
            contributions)

# --- scband reference (transcript-rebuilt; emitter-appended) ---
"""Pipeline reference for scband-energy-dipoles-mace-38104949850362 (READ-ONLY COPY).

The authoritative reference and input builder live on the scoring server;
editing this copy changes nothing except your own understanding.
"""

import jax, jax.numpy as jnp
import numpy as np

N_NODES = 10000
N_EDGES = 160000
NUM_ELEM = 10
CH = 64
NUM_BESSEL = 8
R_MAX = 5.0
P_CUT = 5
SH_DIM = 16
AVG_NEIGH = 16.0


def _bessel(lengths):
    n = jnp.arange(1, NUM_BESSEL + 1, dtype=jnp.float32)
    x = jnp.clip(lengths, 1e-6, None)
    return jnp.sqrt(2.0 / R_MAX) * jnp.sin(n[None, :] * jnp.pi * x / R_MAX) / x


def _cutoff(lengths):
    u = lengths / R_MAX
    p = float(P_CUT)
    f = 1.0 - ((p + 1.0) * (p + 2.0) / 2.0) * u ** p + p * (p + 2.0) * u ** (p + 1.0) - (p * (p + 1.0) / 2.0) * u ** (p + 2.0)
    return f * (u < 1.0).astype(jnp.float32)


def _sph(unit):
    x, y, z = unit[:, 0], unit[:, 1], unit[:, 2]
    s3 = jnp.sqrt(3.0); s15 = jnp.sqrt(15.0); s5 = jnp.sqrt(5.0)
    c35 = jnp.sqrt(35.0 / 8.0); c105 = jnp.sqrt(105.0); c21 = jnp.sqrt(21.0 / 8.0); c7 = jnp.sqrt(7.0)
    comps = [jnp.ones_like(x),
             s3 * x, s3 * y, s3 * z,
             s15 * x * y, s15 * y * z, (s5 / 2.0) * (3.0 * z * z - 1.0), s15 * x * z, (s15 / 2.0) * (x * x - y * y),
             c35 * y * (3.0 * x * x - y * y), c105 * x * y * z, c21 * y * (5.0 * z * z - 1.0), (c7 / 2.0) * z * (5.0 * z * z - 3.0), c21 * x * (5.0 * z * z - 1.0), (c105 / 2.0) * (x * x - y * y) * z, c35 * x * (x * x - 3.0 * y * y)]
    return jnp.stack(comps, axis=1)


def _radial(eb, w0, w1, w2, w3):
    h = jax.nn.silu(eb @ w0)
    h = jax.nn.silu(h @ w1)
    h = jax.nn.silu(h @ w2)
    return (h @ w3).reshape(-1, CH, SH_DIM)


def setup_inputs(seed: int = 0):
    key = jax.random.key(seed)
    ks = jax.random.split(key, 40)
    positions = jax.random.normal(ks[0], (N_NODES, 3), jnp.float32) * 3.0
    elems = jax.random.randint(ks[1], (N_NODES,), 0, NUM_ELEM)
    node_attrs = jax.nn.one_hot(elems, NUM_ELEM, dtype=jnp.float32)
    edge_index = jax.random.randint(ks[2], (2, N_EDGES), 0, N_NODES).astype(jnp.int32)
    charges = jax.random.normal(ks[3], (N_NODES,), jnp.float32) * 0.1
    shifts = jnp.zeros((N_EDGES, 3), jnp.float32)
    unit_shifts = jnp.zeros((N_EDGES, 3), jnp.float32)
    cell = jnp.zeros((3, 3), jnp.float32)
    batch = jnp.zeros((N_NODES,), jnp.int32)
    ptr = jnp.array([0, N_NODES], jnp.int32)
    head = jnp.zeros((1,), jnp.int32)

    def w(k, shape):
        fan_in = int(np.prod(shape[:-1])) if len(shape) > 1 else int(shape[0])
        return jax.random.normal(k, shape, jnp.float32) / np.sqrt(float(fan_in))

    inp = dict(positions=positions, node_attrs=node_attrs, charges=charges, shifts=shifts,
               unit_shifts=unit_shifts, cell=cell, edge_index=edge_index, batch=batch, ptr=ptr, head=head,
               W_embed=w(ks[4], (NUM_ELEM, CH)), atomic_E=w(ks[5], (NUM_ELEM,)),
               up1=w(ks[6], (CH, CH)),
               r1_w0=w(ks[7], (NUM_BESSEL, 64)), r1_w1=w(ks[8], (64, 64)), r1_w2=w(ks[9], (64, 64)), r1_w3=w(ks[10], (64, CH * SH_DIM)),
               mix1=w(ks[11], (SH_DIM, CH, CH)), Wprod1=w(ks[12], (NUM_ELEM, CH)), Wr1_s=w(ks[13], (CH,)), Wr1_v=w(ks[14], (CH,)),
               up2=w(ks[15], (CH, CH)),
               r2_w0=w(ks[16], (NUM_BESSEL, 64)), r2_w1=w(ks[17], (64, 64)), r2_w2=w(ks[18], (64, 64)), r2_w3=w(ks[19], (64, CH * SH_DIM)),
               mix2=w(ks[20], (SH_DIM, CH, CH)), Wsc2=w(ks[21], (NUM_ELEM, CH, CH)), Wprod2=w(ks[22], (NUM_ELEM, CH)),
               Wg=w(ks[23], (CH, CH)), Wmlp1=w(ks[24], (CH, 16)), Wmlp2=w(ks[25], (16,)), Wr2_v=w(ks[26], (CH,)))
    return inp


def reference(positions, node_attrs, charges, shifts, unit_shifts, cell, edge_index, batch, ptr, head,
              W_embed, atomic_E, up1, r1_w0, r1_w1, r1_w2, r1_w3, mix1, Wprod1, Wr1_s, Wr1_v,
              up2, r2_w0, r2_w1, r2_w2, r2_w3, mix2, Wsc2, Wprod2, Wg, Wmlp1, Wmlp2, Wr2_v):
    num_graphs = int(ptr.shape[0]) - 1
    src = edge_index[0]
    dst = edge_index[1]

    def core(pos):
        vec = pos[dst] - pos[src] + shifts
        lengths = jnp.sqrt(jnp.sum(vec * vec, axis=1, keepdims=True) + 1e-12)
        unit = vec / lengths
        Y = _sph(unit)
        eb = _bessel(lengths) * _cutoff(lengths)
        node_e0 = node_attrs @ atomic_E
        e0 = jax.ops.segment_sum(node_e0, batch, num_segments=num_graphs)
        feats0 = node_attrs @ W_embed
        # interaction 1 (non-residual first block)
        h = feats0 @ up1
        tpw = _radial(eb, r1_w0, r1_w1, r1_w2, r1_w3)
        msg = h[src][:, :, None] * Y[:, None, :] * tpw
        agg = jax.ops.segment_sum(msg, dst, num_segments=N_NODES) / AVG_NEIGH
        mixed = jnp.einsum('ncl,lcd->ndl', agg, mix1)
        feats1 = mixed[:, :, :4] * (node_attrs @ Wprod1)[:, :, None]
        e1_node = feats1[:, :, 0] @ Wr1_s
        d1 = jnp.einsum('nci,c->ni', feats1[:, :, 1:4], Wr1_v)
        e1 = jax.ops.segment_sum(e1_node, batch, num_segments=num_graphs)
        # interaction 2 (residual, with skip tensor product node_attrs x node_feats)
        sc = jnp.einsum('ne,ncm,ecd->ndm', node_attrs, feats1, Wsc2)
        h2 = feats1[:, :, 0] @ up2
        tpw2 = _radial(eb, r2_w0, r2_w1, r2_w2, r2_w3)
        msg2 = h2[src][:, :, None] * Y[:, None, :] * tpw2
        agg2 = jax.ops.segment_sum(msg2, dst, num_segments=N_NODES) / AVG_NEIGH
        mixed2 = jnp.einsum('ncl,lcd->ndl', agg2, mix2)
        feats2 = mixed2[:, :, :4] * (node_attrs @ Wprod2)[:, :, None] + sc
        scal = feats2[:, :, 0]
        hid = jax.nn.silu(scal @ Wmlp1)
        e2_node = hid @ Wmlp2
        gatev = jax.nn.silu(scal @ Wg)
        d2 = jnp.einsum('nci,nc,c->ni', feats2[:, :, 1:4], gatev, Wr2_v)
        e2 = jax.ops.segment_sum(e2_node, batch, num_segments=num_graphs)
        contributions = jnp.stack([e0, e1, e2], axis=-1)
        total_energy = jnp.sum(contributions, axis=-1)
        atomic_dipoles = d1 + d2
        total_dipole = jax.ops.segment_sum(atomic_dipoles, batch, num_segments=num_graphs)
        baseline = jax.ops.segment_sum(charges[:, None] * pos, batch, num_segments=num_graphs)
        total_dipole = total_dipole + baseline
        return total_energy, total_dipole, atomic_dipoles, node_e0, contributions

    total_energy, total_dipole, atomic_dipoles, node_energy, contributions = core(positions)
    forces = -jax.grad(lambda p: jnp.sum(core(p)[0]))(positions)
    return total_energy, forces, total_dipole, atomic_dipoles, node_energy, contributions

if __name__ == "__main__":
    import jax
    _d = setup_inputs()
    print(jax.jit(kernel)(*tuple(_d.values())))

</pallas_src>

<mosaic_0001>
#map = affine_map<(d0, d1) -> (0, 0)>
#map1 = affine_map<(d0, d1) -> (0)>
module attributes {stable_mosaic.version = 14 : i64} {
  func.func @body(%arg0: i32, %arg1: i32, %arg2: memref<160000x128xf32, #tpu.memory_space<hbm>>, %arg3: memref<160000x128xf32, #tpu.memory_space<hbm>>, %arg4: memref<160000xi32, #tpu.memory_space<hbm>>, %arg5: memref<640x128xf32, #tpu.memory_space<hbm>>, %arg6: memref<10240x128xf32, #tpu.memory_space<hbm>>, %arg7: memref<10240x128xf32, #tpu.memory_space<hbm>>, %arg8: memref<10240x128xf32, #tpu.memory_space<vmem_shared>>, %arg9: memref<128xi32, #tpu.memory_space<vmem>>, %arg10: memref<128x128xf32, #tpu.memory_space<vmem>>) attributes {dimension_semantics = [#tpu.dimension_semantics<core_parallel>, #tpu.dimension_semantics<subcore_parallel>], iteration_bounds = array<i64: 2, 16>, scalar_prefetch = 0 : i64, scratch_operands = 3 : i64, tpu.core_type = #tpu.core_type<sc_vector_subcore>, window_params = [{transform_indices = #map}, {transform_indices = #map}, {transform_indices = #map1}, {transform_indices = #map}, {transform_indices = #map}, {transform_indices = #map}]} {
    %mul3A = arith.constant 640 : i32
    %mul3A_0 = arith.muli %arg1, %mul3A : i32
    "tpu.region"() ({
      %run_scoped3A = tpu.sem_alloc : memref<!tpu.dma_semaphore, #tpu.memory_space<semaphore_mem>>
      %dma_start3A = arith.constant 0 : i32
      %dma_start3A_14 = tpu.memref_slice %arg8[%mul3A_0, %dma_start3A] : memref<10240x128xf32, #tpu.memory_space<vmem_shared>> -> memref<640x128xf32, #tpu.memory_space<vmem_shared>>
      tpu.enqueue_dma source(%arg5 : memref<640x128xf32, #tpu.memory_space<hbm>>) target(%dma_start3A_14 : memref<640x128xf32, #tpu.memory_space<vmem_shared>>) target_semaphore(%run_scoped3A : memref<!tpu.dma_semaphore, #tpu.memory_space<semaphore_mem>>)
      %dma_wait3A = arith.constant 0 : i32
      %dma_wait3A_15 = tpu.memref_slice %arg8[%mul3A_0, %dma_wait3A] : memref<10240x128xf32, #tpu.memory_space<vmem_shared>> -> memref<640x128xf32, #tpu.memory_space<vmem_shared>>
      tpu.wait_dma2 semaphore(%run_scoped3A : memref<!tpu.dma_semaphore, #tpu.memory_space<semaphore_mem>>) src(%arg5 : memref<640x128xf32, #tpu.memory_space<hbm>>) dst(%dma_wait3A_15 : memref<640x128xf32, #tpu.memory_space<vmem_shared>>)
      tpu.yield
    }) : () -> ()
    %barrier3A = arith.constant 0 : index
    tpu.barrier barrier_id(%barrier3A)
    %scan3A = arith.constant 0 : i32
    %scan3A_1 = arith.constant 0 : i32
    %scan3A_2 = arith.constant 79 : i32
    %scan3A_3 = arith.addi %scan3A_1, %scan3A_2 : i32
    %scan3A_4 = arith.constant 1 : i32
    scf.for %scan3A_14 = %scan3A_1 to %scan3A_3 step %scan3A_4  : i32 {
      %mul3A_15 = arith.constant 16 : i32
      %mul3A_16 = arith.muli %scan3A_14, %mul3A_15 : i32
      %add3A = arith.addi %arg1, %mul3A_16 : i32
      %lt3A = arith.constant 1250 : i32
      %lt3A_17 = arith.cmpi slt, %add3A, %lt3A : i32
      %convert_element_type3A_18 = arith.extui %lt3A_17 : i1 to i32
      %cond3A_19 = arith.constant 0 : i32
      %cond3A_20 = arith.cmpi ne, %convert_element_type3A_18, %cond3A_19 : i32
      scf.if %cond3A_20 {
        %mul3A_21 = arith.constant 128 : i32
        %mul3A_22 = arith.muli %add3A, %mul3A_21 : i32
        "tpu.region"() ({
          %run_scoped3A = tpu.sem_alloc : memref<!tpu.dma_semaphore, #tpu.memory_space<semaphore_mem>>
          %dma_start3A = tpu.memref_slice %arg4[%mul3A_22] : memref<160000xi32, #tpu.memory_space<hbm>> -> memref<128xi32, #tpu.memory_space<hbm>>
          %dma_start3A_33 = tpu.memref_slice %arg4[%mul3A_22] : memref<160000xi32, #tpu.memory_space<hbm>> -> memref<128xi32, #tpu.memory_space<hbm>>
          tpu.enqueue_dma source(%dma_start3A_33 : memref<128xi32, #tpu.memory_space<hbm>>) target(%arg9 : memref<128xi32, #tpu.memory_space<vmem>>) target_semaphore(%run_scoped3A : memref<!tpu.dma_semaphore, #tpu.memory_space<semaphore_mem>>)
          %dma_wait3A = tpu.memref_slice %arg4[%mul3A_22] : memref<160000xi32, #tpu.memory_space<hbm>> -> memref<128xi32, #tpu.memory_space<hbm>>
          %dma_wait3A_34 = tpu.memref_slice %arg4[%mul3A_22] : memref<160000xi32, #tpu.memory_space<hbm>> -> memref<128xi32, #tpu.memory_space<hbm>>
          tpu.wait_dma2 semaphore(%run_scoped3A : memref<!tpu.dma_semaphore, #tpu.memory_space<semaphore_mem>>) src(%dma_wait3A_34 : memref<128xi32, #tpu.memory_space<hbm>>) dst(%arg9 : memref<128xi32, #tpu.memory_space<vmem>>)
          tpu.yield
        }) : () -> ()
        %eq3A_23 = arith.constant 0 : i32
        %eq3A_24 = arith.cmpi eq, %arg0, %eq3A_23 : i32
        %convert_element_type3A_25 = arith.extui %eq3A_24 : i1 to i32
        %cond3A_26 = arith.constant 0 : i32
        %cond3A_27 = arith.cmpi ne, %convert_element_type3A_25, %cond3A_26 : i32
        scf.if %cond3A_27 {
          "tpu.region"() ({
            %run_scoped3A = tpu.sem_alloc : memref<!tpu.dma_semaphore, #tpu.memory_space<semaphore_mem>>
            %dma_start3A = arith.constant 0 : i32
            %dma_start3A_33 = tpu.memref_slice %arg2[%mul3A_22, %dma_start3A] : memref<160000x128xf32, #tpu.memory_space<hbm>> -> memref<128x128xf32, #tpu.memory_space<hbm>>
            %dma_start3A_34 = arith.constant 0 : i32
            %dma_start3A_35 = tpu.memref_slice %arg2[%mul3A_22, %dma_start3A_34] : memref<160000x128xf32, #tpu.memory_space<hbm>> -> memref<128x128xf32, #tpu.memory_space<hbm>>
            tpu.enqueue_dma source(%dma_start3A_35 : memref<128x128xf32, #tpu.memory_space<hbm>>) target(%arg10 : memref<128x128xf32, #tpu.memory_space<vmem>>) target_semaphore(%run_scoped3A : memref<!tpu.dma_semaphore, #tpu.memory_space<semaphore_mem>>)
            %dma_wait3A = arith.constant 0 : i32
            %dma_wait3A_36 = tpu.memref_slice %arg2[%mul3A_22, %dma_wait3A] : memref<160000x128xf32, #tpu.memory_space<hbm>> -> memref<128x128xf32, #tpu.memory_space<hbm>>
            %dma_wait3A_37 = arith.constant 0 : i32
            %dma_wait3A_38 = tpu.memref_slice %arg2[%mul3A_22, %dma_wait3A_37] : memref<160000x128xf32, #tpu.memory_space<hbm>> -> memref<128x128xf32, #tpu.memory_space<hbm>>
            tpu.wait_dma2 semaphore(%run_scoped3A : memref<!tpu.dma_semaphore, #tpu.memory_space<semaphore_mem>>) src(%dma_wait3A_38 : memref<128x128xf32, #tpu.memory_space<hbm>>) dst(%arg10 : memref<128x128xf32, #tpu.memory_space<vmem>>)
            tpu.yield
          }) : () -> ()
        } else {
        }
        %eq3A_28 = arith.constant 1 : i32
        %eq3A_29 = arith.cmpi eq, %arg0, %eq3A_28 : i32
        %convert_element_type3A_30 = arith.extui %eq3A_29 : i1 to i32
        %cond3A_31 = arith.constant 0 : i32
        %cond3A_32 = arith.cmpi ne, %convert_element_type3A_30, %cond3A_31 : i32
        scf.if %cond3A_32 {
          "tpu.region"() ({
            %run_scoped3A = tpu.sem_alloc : memref<!tpu.dma_semaphore, #tpu.memory_space<semaphore_mem>>
            %dma_start3A = arith.constant 0 : i32
            %dma_start3A_33 = tpu.memref_slice %arg3[%mul3A_22, %dma_start3A] : memref<160000x128xf32, #tpu.memory_space<hbm>> -> memref<128x128xf32, #tpu.memory_space<hbm>>
            %dma_start3A_34 = arith.constant 0 : i32
            %dma_start3A_35 = tpu.memref_slice %arg3[%mul3A_22, %dma_start3A_34] : memref<160000x128xf32, #tpu.memory_space<hbm>> -> memref<128x128xf32, #tpu.memory_space<hbm>>
            tpu.enqueue_dma source(%dma_start3A_35 : memref<128x128xf32, #tpu.memory_space<hbm>>) target(%arg10 : memref<128x128xf32, #tpu.memory_space<vmem>>) target_semaphore(%run_scoped3A : memref<!tpu.dma_semaphore, #tpu.memory_space<semaphore_mem>>)
            %dma_wait3A = arith.constant 0 : i32
            %dma_wait3A_36 = tpu.memref_slice %arg3[%mul3A_22, %dma_wait3A] : memref<160000x128xf32, #tpu.memory_space<hbm>> -> memref<128x128xf32, #tpu.memory_space<hbm>>
            %dma_wait3A_37 = arith.constant 0 : i32
            %dma_wait3A_38 = tpu.memref_slice %arg3[%mul3A_22, %dma_wait3A_37] : memref<160000x128xf32, #tpu.memory_space<hbm>> -> memref<128x128xf32, #tpu.memory_space<hbm>>
            tpu.wait_dma2 semaphore(%run_scoped3A : memref<!tpu.dma_semaphore, #tpu.memory_space<semaphore_mem>>) src(%dma_wait3A_38 : memref<128x128xf32, #tpu.memory_space<hbm>>) dst(%arg10 : memref<128x128xf32, #tpu.memory_space<vmem>>)
            tpu.yield
          }) : () -> ()
        } else {
        }
        "tpu.region"() ({
          %run_scoped3A = tpu.sem_alloc : memref<!tpu.dma_semaphore, #tpu.memory_space<semaphore_mem>>
          %dma_start3A = arith.constant 0 : i32
          %dma_start3A_33 = arith.constant 0 : i32
          %dma_start3A_34 = tpu.memref_slice %arg8[%dma_start3A, %dma_start3A_33] : memref<10240x128xf32, #tpu.memory_space<vmem_shared>> -> memref<10240x128xf32, #tpu.memory_space<vmem_shared>>
          tpu.enqueue_indirect_dma source(%arg10 : memref<128x128xf32, #tpu.memory_space<vmem>>) target(%dma_start3A_34 : memref<10240x128xf32, #tpu.memory_space<vmem_shared>>) offsets(%arg9 : memref<128xi32, #tpu.memory_space<vmem>>) semaphore(%run_scoped3A : memref<!tpu.dma_semaphore, #tpu.memory_space<semaphore_mem>>) {add = true}
          %dma_wait3A = arith.constant 0 : i32
          %dma_wait3A_35 = arith.constant 0 : i32
          %dma_wait3A_36 = tpu.memref_slice %arg8[%dma_wait3A, %dma_wait3A_35] : memref<10240x128xf32, #tpu.memory_space<vmem_shared>> -> memref<10240x128xf32, #tpu.memory_space<vmem_shared>>
          tpu.wait_indirect_dma semaphore(%run_scoped3A : memref<!tpu.dma_semaphore, #tpu.memory_space<semaphore_mem>>) src(%arg10 : memref<128x128xf32, #tpu.memory_space<vmem>>) dst(%dma_wait3A_36 : memref<10240x128xf32, #tpu.memory_space<vmem_shared>>)
          tpu.yield
        }) : () -> ()
      } else {
      }
    }
    %scan3A_5 = arith.constant 79 : i32
    %barrier3A_6 = arith.constant 0 : index
    tpu.barrier barrier_id(%barrier3A_6)
    %eq3A = arith.constant 0 : i32
    %eq3A_7 = arith.cmpi eq, %arg0, %eq3A : i32
    %convert_element_type3A = arith.extui %eq3A_7 : i1 to i32
    %cond3A = arith.constant 0 : i32
    %cond3A_8 = arith.cmpi ne, %convert_element_type3A, %cond3A : i32
    scf.if %cond3A_8 {
      %mul3A_14 = arith.constant 640 : i32
      %mul3A_15 = arith.muli %arg1, %mul3A_14 : i32
      %mul3A_16 = arith.constant 640 : i32
      %mul3A_17 = arith.muli %arg1, %mul3A_16 : i32
      "tpu.region"() ({
        %run_scoped3A = tpu.sem_alloc : memref<!tpu.dma_semaphore, #tpu.memory_space<semaphore_mem>>
        %dma_start3A = arith.constant 0 : i32
        %dma_start3A_18 = tpu.memref_slice %arg6[%mul3A_17, %dma_start3A] : memref<10240x128xf32, #tpu.memory_space<hbm>> -> memref<640x128xf32, #tpu.memory_space<hbm>>
        %dma_start3A_19 = arith.constant 0 : i32
        %dma_start3A_20 = tpu.memref_slice %arg8[%mul3A_15, %dma_start3A_19] : memref<10240x128xf32, #tpu.memory_space<vmem_shared>> -> memref<640x128xf32, #tpu.memory_space<vmem_shared>>
        tpu.enqueue_dma source(%dma_start3A_20 : memref<640x128xf32, #tpu.memory_space<vmem_shared>>) target(%dma_start3A_18 : memref<640x128xf32, #tpu.memory_space<hbm>>) target_semaphore(%run_scoped3A : memref<!tpu.dma_semaphore, #tpu.memory_space<semaphore_mem>>)
        %dma_wait3A = arith.constant 0 : i32
        %dma_wait3A_21 = tpu.memref_slice %arg6[%mul3A_17, %dma_wait3A] : memref<10240x128xf32, #tpu.memory_space<hbm>> -> memref<640x128xf32, #tpu.memory_space<hbm>>
        %dma_wait3A_22 = arith.constant 0 : i32
        %dma_wait3A_23 = tpu.memref_slice %arg8[%mul3A_15, %dma_wait3A_22] : memref<10240x128xf32, #tpu.memory_space<vmem_shared>> -> memref<640x128xf32, #tpu.memory_space<vmem_shared>>
        tpu.wait_dma2 semaphore(%run_scoped3A : memref<!tpu.dma_semaphore, #tpu.memory_space<semaphore_mem>>) src(%dma_wait3A_23 : memref<640x128xf32, #tpu.memory_space<vmem_shared>>) dst(%dma_wait3A_21 : memref<640x128xf32, #tpu.memory_space<hbm>>)
        tpu.yield
      }) : () -> ()
    } else {
    }
    %eq3A_9 = arith.constant 1 : i32
    %eq3A_10 = arith.cmpi eq, %arg0, %eq3A_9 : i32
    %convert_element_type3A_11 = arith.extui %eq3A_10 : i1 to i32
    %cond3A_12 = arith.constant 0 : i32
    %cond3A_13 = arith.cmpi ne, %convert_element_type3A_11, %cond3A_12 : i32
    scf.if %cond3A_13 {
      %mul3A_14 = arith.constant 640 : i32
      %mul3A_15 = arith.muli %arg1, %mul3A_14 : i32
      %mul3A_16 = arith.constant 640 : i32
      %mul3A_17 = arith.muli %arg1, %mul3A_16 : i32
      "tpu.region"() ({
        %run_scoped3A = tpu.sem_alloc : memref<!tpu.dma_semaphore, #tpu.memory_space<semaphore_mem>>
        %dma_start3A = arith.constant 0 : i32
        %dma_start3A_18 = tpu.memref_slice %arg7[%mul3A_17, %dma_start3A] : memref<10240x128xf32, #tpu.memory_space<hbm>> -> memref<640x128xf32, #tpu.memory_space<hbm>>
        %dma_start3A_19 = arith.constant 0 : i32
        %dma_start3A_20 = tpu.memref_slice %arg8[%mul3A_15, %dma_start3A_19] : memref<10240x128xf32, #tpu.memory_space<vmem_shared>> -> memref<640x128xf32, #tpu.memory_space<vmem_shared>>
        tpu.enqueue_dma source(%dma_start3A_20 : memref<640x128xf32, #tpu.memory_space<vmem_shared>>) target(%dma_start3A_18 : memref<640x128xf32, #tpu.memory_space<hbm>>) target_semaphore(%run_scoped3A : memref<!tpu.dma_semaphore, #tpu.memory_space<semaphore_mem>>)
        %dma_wait3A = arith.constant 0 : i32
        %dma_wait3A_21 = tpu.memref_slice %arg7[%mul3A_17, %dma_wait3A] : memref<10240x128xf32, #tpu.memory_space<hbm>> -> memref<640x128xf32, #tpu.memory_space<hbm>>
        %dma_wait3A_22 = arith.constant 0 : i32
        %dma_wait3A_23 = tpu.memref_slice %arg8[%mul3A_15, %dma_wait3A_22] : memref<10240x128xf32, #tpu.memory_space<vmem_shared>> -> memref<640x128xf32, #tpu.memory_space<vmem_shared>>
        tpu.wait_dma2 semaphore(%run_scoped3A : memref<!tpu.dma_semaphore, #tpu.memory_space<semaphore_mem>>) src(%dma_wait3A_23 : memref<640x128xf32, #tpu.memory_space<vmem_shared>>) dst(%dma_wait3A_21 : memref<640x128xf32, #tpu.memory_space<hbm>>)
        tpu.yield
      }) : () -> ()
    } else {
    }
    return
  }
}

#map = affine_map<(d0, d1) -> (0, 0)>
#map1 = affine_map<(d0, d1) -> (0)>
module attributes {stable_mosaic.version = 14 : i64} {
  func.func @body(%arg0: i32, %arg1: i32, %arg2: memref<10240x128xf32, #tpu.memory_space<hbm>>, %arg3: memref<320000xi32, #tpu.memory_space<hbm>>, %arg4: memref<320000x128xf32, #tpu.memory_space<hbm>>, %arg5: memref<128xi32, #tpu.memory_space<vmem>>, %arg6: memref<128x128xf32, #tpu.memory_space<vmem>>, %arg7: memref<!tpu.dma_semaphore, #tpu.memory_space<semaphore_mem>>) attributes {dimension_semantics = [#tpu.dimension_semantics<core_parallel>, #tpu.dimension_semantics<subcore_parallel>], iteration_bounds = array<i64: 2, 16>, scalar_prefetch = 0 : i64, scratch_operands = 3 : i64, tpu.core_type = #tpu.core_type<sc_vector_subcore>, window_params = [{transform_indices = #map}, {transform_indices = #map1}, {transform_indices = #map}]} {
    %mul3A = arith.constant 2 : i32
    %mul3A_0 = arith.muli %arg1, %mul3A : i32
    %add3A = arith.addi %mul3A_0, %arg0 : i32
    %scan3A = arith.constant 0 : i32
    %scan3A_1 = arith.constant 0 : i32
    %scan3A_2 = arith.constant 79 : i32
    %scan3A_3 = arith.addi %scan3A_1, %scan3A_2 : i32
    %scan3A_4 = arith.constant 1 : i32
    scf.for %scan3A_6 = %scan3A_1 to %scan3A_3 step %scan3A_4  : i32 {
      %mul3A_7 = arith.constant 32 : i32
      %mul3A_8 = arith.muli %scan3A_6, %mul3A_7 : i32
      %add3A_9 = arith.addi %add3A, %mul3A_8 : i32
      %lt3A = arith.constant 2500 : i32
      %lt3A_10 = arith.cmpi slt, %add3A_9, %lt3A : i32
      %convert_element_type3A = arith.extui %lt3A_10 : i1 to i32
      %cond3A = arith.constant 0 : i32
      %cond3A_11 = arith.cmpi ne, %convert_element_type3A, %cond3A : i32
      scf.if %cond3A_11 {
        %mul3A_12 = arith.constant 128 : i32
        %mul3A_13 = arith.muli %add3A_9, %mul3A_12 : i32
        "tpu.region"() ({
          %run_scoped3A = tpu.sem_alloc : memref<!tpu.dma_semaphore, #tpu.memory_space<semaphore_mem>>
          %dma_start3A_18 = tpu.memref_slice %arg3[%mul3A_13] : memref<320000xi32, #tpu.memory_space<hbm>> -> memref<128xi32, #tpu.memory_space<hbm>>
          %dma_start3A_19 = tpu.memref_slice %arg3[%mul3A_13] : memref<320000xi32, #tpu.memory_space<hbm>> -> memref<128xi32, #tpu.memory_space<hbm>>
          tpu.enqueue_dma source(%dma_start3A_19 : memref<128xi32, #tpu.memory_space<hbm>>) target(%arg5 : memref<128xi32, #tpu.memory_space<vmem>>) target_semaphore(%run_scoped3A : memref<!tpu.dma_semaphore, #tpu.memory_space<semaphore_mem>>)
          %dma_wait3A_20 = tpu.memref_slice %arg3[%mul3A_13] : memref<320000xi32, #tpu.memory_space<hbm>> -> memref<128xi32, #tpu.memory_space<hbm>>
          %dma_wait3A_21 = tpu.memref_slice %arg3[%mul3A_13] : memref<320000xi32, #tpu.memory_space<hbm>> -> memref<128xi32, #tpu.memory_space<hbm>>
          tpu.wait_dma2 semaphore(%run_scoped3A : memref<!tpu.dma_semaphore, #tpu.memory_space<semaphore_mem>>) src(%dma_wait3A_21 : memref<128xi32, #tpu.memory_space<hbm>>) dst(%arg5 : memref<128xi32, #tpu.memory_space<vmem>>)
          tpu.yield
        }) : () -> ()
        %dma_start3A = arith.constant 0 : i32
        %dma_start3A_14 = arith.constant 0 : i32
        %dma_start3A_15 = tpu.memref_slice %arg2[%dma_start3A, %dma_start3A_14] : memref<10240x128xf32, #tpu.memory_space<hbm>> -> memref<10240x128xf32, #tpu.memory_space<hbm>>
        tpu.enqueue_indirect_dma source(%dma_start3A_15 : memref<10240x128xf32, #tpu.memory_space<hbm>>) target(%arg6 : memref<128x128xf32, #tpu.memory_space<vmem>>) offsets(%arg5 : memref<128xi32, #tpu.memory_space<vmem>>) semaphore(%arg7 : memref<!tpu.dma_semaphore, #tpu.memory_space<semaphore_mem>>)
        %dma_wait3A = arith.constant 0 : i32
        %dma_wait3A_16 = arith.constant 0 : i32
        %dma_wait3A_17 = tpu.memref_slice %arg2[%dma_wait3A, %dma_wait3A_16] : memref<10240x128xf32, #tpu.memory_space<hbm>> -> memref<10240x128xf32, #tpu.memory_space<hbm>>
        tpu.wait_indirect_dma semaphore(%arg7 : memref<!tpu.dma_semaphore, #tpu.memory_space<semaphore_mem>>) src(%dma_wait3A_17 : memref<10240x128xf32, #tpu.memory_space<hbm>>) dst(%arg6 : memref<128x128xf32, #tpu.memory_space<vmem>>)
        "tpu.region"() ({
          %run_scoped3A = tpu.sem_alloc : memref<!tpu.dma_semaphore, #tpu.memory_space<semaphore_mem>>
          %dma_start3A_18 = arith.constant 0 : i32
          %dma_start3A_19 = tpu.memref_slice %arg4[%mul3A_13, %dma_start3A_18] : memref<320000x128xf32, #tpu.memory_space<hbm>> -> memref<128x128xf32, #tpu.memory_space<hbm>>
          %dma_start3A_20 = arith.constant 0 : i32
          %dma_start3A_21 = tpu.memref_slice %arg4[%mul3A_13, %dma_start3A_20] : memref<320000x128xf32, #tpu.memory_space<hbm>> -> memref<128x128xf32, #tpu.memory_space<hbm>>
          tpu.enqueue_dma source(%arg6 : memref<128x128xf32, #tpu.memory_space<vmem>>) target(%dma_start3A_21 : memref<128x128xf32, #tpu.memory_space<hbm>>) target_semaphore(%run_scoped3A : memref<!tpu.dma_semaphore, #tpu.memory_space<semaphore_mem>>)
          %dma_wait3A_22 = arith.constant 0 : i32
          %dma_wait3A_23 = tpu.memref_slice %arg4[%mul3A_13, %dma_wait3A_22] : memref<320000x128xf32, #tpu.memory_space<hbm>> -> memref<128x128xf32, #tpu.memory_space<hbm>>
          %dma_wait3A_24 = arith.constant 0 : i32
          %dma_wait3A_25 = tpu.memref_slice %arg4[%mul3A_13, %dma_wait3A_24] : memref<320000x128xf32, #tpu.memory_space<hbm>> -> memref<128x128xf32, #tpu.memory_space<hbm>>
          tpu.wait_dma2 semaphore(%run_scoped3A : memref<!tpu.dma_semaphore, #tpu.memory_space<semaphore_mem>>) src(%arg6 : memref<128x128xf32, #tpu.memory_space<vmem>>) dst(%dma_wait3A_25 : memref<128x128xf32, #tpu.memory_space<hbm>>)
          tpu.yield
        }) : () -> ()
      } else {
      }
    }
    %scan3A_5 = arith.constant 79 : i32
    return
  }
}

#map = affine_map<(d0, d1) -> (0, 0)>
#map1 = affine_map<(d0, d1) -> (0)>
module attributes {stable_mosaic.version = 14 : i64} {
  func.func @body(%arg0: i32, %arg1: i32, %arg2: memref<160000x128xf32, #tpu.memory_space<hbm>>, %arg3: memref<160000x128xf32, #tpu.memory_space<hbm>>, %arg4: memref<160000xi32, #tpu.memory_space<hbm>>, %arg5: memref<640x128xf32, #tpu.memory_space<hbm>>, %arg6: memref<10240x128xf32, #tpu.memory_space<hbm>>, %arg7: memref<10240x128xf32, #tpu.memory_space<hbm>>, %arg8: memref<10240x128xf32, #tpu.memory_space<vmem_shared>>, %arg9: memref<128xi32, #tpu.memory_space<vmem>>, %arg10: memref<128x128xf32, #tpu.memory_space<vmem>>) attributes {dimension_semantics = [#tpu.dimension_semantics<core_parallel>, #tpu.dimension_semantics<subcore_parallel>], iteration_bounds = array<i64: 2, 16>, scalar_prefetch = 0 : i64, scratch_operands = 3 : i64, tpu.core_type = #tpu.core_type<sc_vector_subcore>, window_params = [{transform_indices = #map}, {transform_indices = #map}, {transform_indices = #map1}, {transform_indices = #map}, {transform_indices = #map}, {transform_indices = #map}]} {
    %mul3A = arith.constant 640 : i32
    %mul3A_0 = arith.muli %arg1, %mul3A : i32
    "tpu.region"() ({
      %run_scoped3A = tpu.sem_alloc : memref<!tpu.dma_semaphore, #tpu.memory_space<semaphore_mem>>
      %dma_start3A = arith.constant 0 : i32
      %dma_start3A_14 = tpu.memref_slice %arg8[%mul3A_0, %dma_start3A] : memref<10240x128xf32, #tpu.memory_space<vmem_shared>> -> memref<640x128xf32, #tpu.memory_space<vmem_shared>>
      tpu.enqueue_dma source(%arg5 : memref<640x128xf32, #tpu.memory_space<hbm>>) target(%dma_start3A_14 : memref<640x128xf32, #tpu.memory_space<vmem_shared>>) target_semaphore(%run_scoped3A : memref<!tpu.dma_semaphore, #tpu.memory_space<semaphore_mem>>)
      %dma_wait3A = arith.constant 0 : i32
      %dma_wait3A_15 = tpu.memref_slice %arg8[%mul3A_0, %dma_wait3A] : memref<10240x128xf32, #tpu.memory_space<vmem_shared>> -> memref<640x128xf32, #tpu.memory_space<vmem_shared>>
      tpu.wait_dma2 semaphore(%run_scoped3A : memref<!tpu.dma_semaphore, #tpu.memory_space<semaphore_mem>>) src(%arg5 : memref<640x128xf32, #tpu.memory_space<hbm>>) dst(%dma_wait3A_15 : memref<640x128xf32, #tpu.memory_space<vmem_shared>>)
      tpu.yield
    }) : () -> ()
    %barrier3A = arith.constant 0 : index
    tpu.barrier barrier_id(%barrier3A)
    %scan3A = arith.constant 0 : i32
    %scan3A_1 = arith.constant 0 : i32
    %scan3A_2 = arith.constant 79 : i32
    %scan3A_3 = arith.addi %scan3A_1, %scan3A_2 : i32
    %scan3A_4 = arith.constant 1 : i32
    scf.for %scan3A_14 = %scan3A_1 to %scan3A_3 step %scan3A_4  : i32 {
      %mul3A_15 = arith.constant 16 : i32
      %mul3A_16 = arith.muli %scan3A_14, %mul3A_15 : i32
      %add3A = arith.addi %arg1, %mul3A_16 : i32
      %lt3A = arith.constant 1250 : i32
      %lt3A_17 = arith.cmpi slt, %add3A, %lt3A : i32
      %convert_element_type3A_18 = arith.extui %lt3A_17 : i1 to i32
      %cond3A_19 = arith.constant 0 : i32
      %cond3A_20 = arith.cmpi ne, %convert_element_type3A_18, %cond3A_19 : i32
      scf.if %cond3A_20 {
        %mul3A_21 = arith.constant 128 : i32
        %mul3A_22 = arith.muli %add3A, %mul3A_21 : i32
        "tpu.region"() ({
          %run_scoped3A = tpu.sem_alloc : memref<!tpu.dma_semaphore, #tpu.memory_space<semaphore_mem>>
          %dma_start3A = tpu.memref_slice %arg4[%mul3A_22] : memref<160000xi32, #tpu.memory_space<hbm>> -> memref<128xi32, #tpu.memory_space<hbm>>
          %dma_start3A_33 = tpu.memref_slice %arg4[%mul3A_22] : memref<160000xi32, #tpu.memory_space<hbm>> -> memref<128xi32, #tpu.memory_space<hbm>>
          tpu.enqueue_dma source(%dma_start3A_33 : memref<128xi32, #tpu.memory_space<hbm>>) target(%arg9 : memref<128xi32, #tpu.memory_space<vmem>>) target_semaphore(%run_scoped3A : memref<!tpu.dma_semaphore, #tpu.memory_space<semaphore_mem>>)
          %dma_wait3A = tpu.memref_slice %arg4[%mul3A_22] : memref<160000xi32, #tpu.memory_space<hbm>> -> memref<128xi32, #tpu.memory_space<hbm>>
          %dma_wait3A_34 = tpu.memref_slice %arg4[%mul3A_22] : memref<160000xi32, #tpu.memory_space<hbm>> -> memref<128xi32, #tpu.memory_space<hbm>>
          tpu.wait_dma2 semaphore(%run_scoped3A : memref<!tpu.dma_semaphore, #tpu.memory_space<semaphore_mem>>) src(%dma_wait3A_34 : memref<128xi32, #tpu.memory_space<hbm>>) dst(%arg9 : memref<128xi32, #tpu.memory_space<vmem>>)
          tpu.yield
        }) : () -> ()
        %eq3A_23 = arith.constant 0 : i32
        %eq3A_24 = arith.cmpi eq, %arg0, %eq3A_23 : i32
        %convert_element_type3A_25 = arith.extui %eq3A_24 : i1 to i32
        %cond3A_26 = arith.constant 0 : i32
        %cond3A_27 = arith.cmpi ne, %convert_element_type3A_25, %cond3A_26 : i32
        scf.if %cond3A_27 {
          "tpu.region"() ({
            %run_scoped3A = tpu.sem_alloc : memref<!tpu.dma_semaphore, #tpu.memory_space<semaphore_mem>>
            %dma_start3A = arith.constant 0 : i32
            %dma_start3A_33 = tpu.memref_slice %arg2[%mul3A_22, %dma_start3A] : memref<160000x128xf32, #tpu.memory_space<hbm>> -> memref<128x128xf32, #tpu.memory_space<hbm>>
            %dma_start3A_34 = arith.constant 0 : i32
            %dma_start3A_35 = tpu.memref_slice %arg2[%mul3A_22, %dma_start3A_34] : memref<160000x128xf32, #tpu.memory_space<hbm>> -> memref<128x128xf32, #tpu.memory_space<hbm>>
            tpu.enqueue_dma source(%dma_start3A_35 : memref<128x128xf32, #tpu.memory_space<hbm>>) target(%arg10 : memref<128x128xf32, #tpu.memory_space<vmem>>) target_semaphore(%run_scoped3A : memref<!tpu.dma_semaphore, #tpu.memory_space<semaphore_mem>>)
            %dma_wait3A = arith.constant 0 : i32
            %dma_wait3A_36 = tpu.memref_slice %arg2[%mul3A_22, %dma_wait3A] : memref<160000x128xf32, #tpu.memory_space<hbm>> -> memref<128x128xf32, #tpu.memory_space<hbm>>
            %dma_wait3A_37 = arith.constant 0 : i32
            %dma_wait3A_38 = tpu.memref_slice %arg2[%mul3A_22, %dma_wait3A_37] : memref<160000x128xf32, #tpu.memory_space<hbm>> -> memref<128x128xf32, #tpu.memory_space<hbm>>
            tpu.wait_dma2 semaphore(%run_scoped3A : memref<!tpu.dma_semaphore, #tpu.memory_space<semaphore_mem>>) src(%dma_wait3A_38 : memref<128x128xf32, #tpu.memory_space<hbm>>) dst(%arg10 : memref<128x128xf32, #tpu.memory_space<vmem>>)
            tpu.yield
          }) : () -> ()
        } else {
        }
        %eq3A_28 = arith.constant 1 : i32
        %eq3A_29 = arith.cmpi eq, %arg0, %eq3A_28 : i32
        %convert_element_type3A_30 = arith.extui %eq3A_29 : i1 to i32
        %cond3A_31 = arith.constant 0 : i32
        %cond3A_32 = arith.cmpi ne, %convert_element_type3A_30, %cond3A_31 : i32
        scf.if %cond3A_32 {
          "tpu.region"() ({
            %run_scoped3A = tpu.sem_alloc : memref<!tpu.dma_semaphore, #tpu.memory_space<semaphore_mem>>
            %dma_start3A = arith.constant 0 : i32
            %dma_start3A_33 = tpu.memref_slice %arg3[%mul3A_22, %dma_start3A] : memref<160000x128xf32, #tpu.memory_space<hbm>> -> memref<128x128xf32, #tpu.memory_space<hbm>>
            %dma_start3A_34 = arith.constant 0 : i32
            %dma_start3A_35 = tpu.memref_slice %arg3[%mul3A_22, %dma_start3A_34] : memref<160000x128xf32, #tpu.memory_space<hbm>> -> memref<128x128xf32, #tpu.memory_space<hbm>>
            tpu.enqueue_dma source(%dma_start3A_35 : memref<128x128xf32, #tpu.memory_space<hbm>>) target(%arg10 : memref<128x128xf32, #tpu.memory_space<vmem>>) target_semaphore(%run_scoped3A : memref<!tpu.dma_semaphore, #tpu.memory_space<semaphore_mem>>)
            %dma_wait3A = arith.constant 0 : i32
            %dma_wait3A_36 = tpu.memref_slice %arg3[%mul3A_22, %dma_wait3A] : memref<160000x128xf32, #tpu.memory_space<hbm>> -> memref<128x128xf32, #tpu.memory_space<hbm>>
            %dma_wait3A_37 = arith.constant 0 : i32
            %dma_wait3A_38 = tpu.memref_slice %arg3[%mul3A_22, %dma_wait3A_37] : memref<160000x128xf32, #tpu.memory_space<hbm>> -> memref<128x128xf32, #tpu.memory_space<hbm>>
            tpu.wait_dma2 semaphore(%run_scoped3A : memref<!tpu.dma_semaphore, #tpu.memory_space<semaphore_mem>>) src(%dma_wait3A_38 : memref<128x128xf32, #tpu.memory_space<hbm>>) dst(%arg10 : memref<128x128xf32, #tpu.memory_space<vmem>>)
            tpu.yield
          }) : () -> ()
        } else {
        }
        "tpu.region"() ({
          %run_scoped3A = tpu.sem_alloc : memref<!tpu.dma_semaphore, #tpu.memory_space<semaphore_mem>>
          %dma_start3A = arith.constant 0 : i32
          %dma_start3A_33 = arith.constant 0 : i32
          %dma_start3A_34 = tpu.memref_slice %arg8[%dma_start3A, %dma_start3A_33] : memref<10240x128xf32, #tpu.memory_space<vmem_shared>> -> memref<10240x128xf32, #tpu.memory_space<vmem_shared>>
          tpu.enqueue_indirect_dma source(%arg10 : memref<128x128xf32, #tpu.memory_space<vmem>>) target(%dma_start3A_34 : memref<10240x128xf32, #tpu.memory_space<vmem_shared>>) offsets(%arg9 : memref<128xi32, #tpu.memory_space<vmem>>) semaphore(%run_scoped3A : memref<!tpu.dma_semaphore, #tpu.memory_space<semaphore_mem>>) {add = true}
          %dma_wait3A = arith.constant 0 : i32
          %dma_wait3A_35 = arith.constant 0 : i32
          %dma_wait3A_36 = tpu.memref_slice %arg8[%dma_wait3A, %dma_wait3A_35] : memref<10240x128xf32, #tpu.memory_space<vmem_shared>> -> memref<10240x128xf32, #tpu.memory_space<vmem_shared>>
          tpu.wait_indirect_dma semaphore(%run_scoped3A : memref<!tpu.dma_semaphore, #tpu.memory_space<semaphore_mem>>) src(%arg10 : memref<128x128xf32, #tpu.memory_space<vmem>>) dst(%dma_wait3A_36 : memref<10240x128xf32, #tpu.memory_space<vmem_shared>>)
          tpu.yield
        }) : () -> ()
      } else {
      }
    }
    %scan3A_5 = arith.constant 79 : i32
    %barrier3A_6 = arith.constant 0 : index
    tpu.barrier barrier_id(%barrier3A_6)
    %eq3A = arith.constant 0 : i32
    %eq3A_7 = arith.cmpi eq, %arg0, %eq3A : i32
    %convert_element_type3A = arith.extui %eq3A_7 : i1 to i32
    %cond3A = arith.constant 0 : i32
    %cond3A_8 = arith.cmpi ne, %convert_element_type3A, %cond3A : i32
    scf.if %cond3A_8 {
      %mul3A_14 = arith.constant 640 : i32
      %mul3A_15 = arith.muli %arg1, %mul3A_14 : i32
      %mul3A_16 = arith.constant 640 : i32
      %mul3A_17 = arith.muli %arg1, %mul3A_16 : i32
      "tpu.region"() ({
        %run_scoped3A = tpu.sem_alloc : memref<!tpu.dma_semaphore, #tpu.memory_space<semaphore_mem>>
        %dma_start3A = arith.constant 0 : i32
        %dma_start3A_18 = tpu.memref_slice %arg6[%mul3A_17, %dma_start3A] : memref<10240x128xf32, #tpu.memory_space<hbm>> -> memref<640x128xf32, #tpu.memory_space<hbm>>
        %dma_start3A_19 = arith.constant 0 : i32
        %dma_start3A_20 = tpu.memref_slice %arg8[%mul3A_15, %dma_start3A_19] : memref<10240x128xf32, #tpu.memory_space<vmem_shared>> -> memref<640x128xf32, #tpu.memory_space<vmem_shared>>
        tpu.enqueue_dma source(%dma_start3A_20 : memref<640x128xf32, #tpu.memory_space<vmem_shared>>) target(%dma_start3A_18 : memref<640x128xf32, #tpu.memory_space<hbm>>) target_semaphore(%run_scoped3A : memref<!tpu.dma_semaphore, #tpu.memory_space<semaphore_mem>>)
        %dma_wait3A = arith.constant 0 : i32
        %dma_wait3A_21 = tpu.memref_slice %arg6[%mul3A_17, %dma_wait3A] : memref<10240x128xf32, #tpu.memory_space<hbm>> -> memref<640x128xf32, #tpu.memory_space<hbm>>
        %dma_wait3A_22 = arith.constant 0 : i32
        %dma_wait3A_23 = tpu.memref_slice %arg8[%mul3A_15, %dma_wait3A_22] : memref<10240x128xf32, #tpu.memory_space<vmem_shared>> -> memref<640x128xf32, #tpu.memory_space<vmem_shared>>
        tpu.wait_dma2 semaphore(%run_scoped3A : memref<!tpu.dma_semaphore, #tpu.memory_space<semaphore_mem>>) src(%dma_wait3A_23 : memref<640x128xf32, #tpu.memory_space<vmem_shared>>) dst(%dma_wait3A_21 : memref<640x128xf32, #tpu.memory_space<hbm>>)
        tpu.yield
      }) : () -> ()
    } else {
    }
    %eq3A_9 = arith.constant 1 : i32
    %eq3A_10 = arith.cmpi eq, %arg0, %eq3A_9 : i32
    %convert_element_type3A_11 = arith.extui %eq3A_10 : i1 to i32
    %cond3A_12 = arith.constant 0 : i32
    %cond3A_13 = arith.cmpi ne, %convert_element_type3A_11, %cond3A_12 : i32
    scf.if %cond3A_13 {
      %mul3A_14 = arith.constant 640 : i32
      %mul3A_15 = arith.muli %arg1, %mul3A_14 : i32
      %mul3A_16 = arith.constant 640 : i32
      %mul3A_17 = arith.muli %arg1, %mul3A_16 : i32
      "tpu.region"() ({
        %run_scoped3A = tpu.sem_alloc : memref<!tpu.dma_semaphore, #tpu.memory_space<semaphore_mem>>
        %dma_start3A = arith.constant 0 : i32
        %dma_start3A_18 = tpu.memref_slice %arg7[%mul3A_17, %dma_start3A] : memref<10240x128xf32, #tpu.memory_space<hbm>> -> memref<640x128xf32, #tpu.memory_space<hbm>>
        %dma_start3A_19 = arith.constant 0 : i32
        %dma_start3A_20 = tpu.memref_slice %arg8[%mul3A_15, %dma_start3A_19] : memref<10240x128xf32, #tpu.memory_space<vmem_shared>> -> memref<640x128xf32, #tpu.memory_space<vmem_shared>>
        tpu.enqueue_dma source(%dma_start3A_20 : memref<640x128xf32, #tpu.memory_space<vmem_shared>>) target(%dma_start3A_18 : memref<640x128xf32, #tpu.memory_space<hbm>>) target_semaphore(%run_scoped3A : memref<!tpu.dma_semaphore, #tpu.memory_space<semaphore_mem>>)
        %dma_wait3A = arith.constant 0 : i32
        %dma_wait3A_21 = tpu.memref_slice %arg7[%mul3A_17, %dma_wait3A] : memref<10240x128xf32, #tpu.memory_space<hbm>> -> memref<640x128xf32, #tpu.memory_space<hbm>>
        %dma_wait3A_22 = arith.constant 0 : i32
        %dma_wait3A_23 = tpu.memref_slice %arg8[%mul3A_15, %dma_wait3A_22] : memref<10240x128xf32, #tpu.memory_space<vmem_shared>> -> memref<640x128xf32, #tpu.memory_space<vmem_shared>>
        tpu.wait_dma2 semaphore(%run_scoped3A : memref<!tpu.dma_semaphore, #tpu.memory_space<semaphore_mem>>) src(%dma_wait3A_23 : memref<640x128xf32, #tpu.memory_space<vmem_shared>>) dst(%dma_wait3A_21 : memref<640x128xf32, #tpu.memory_space<hbm>>)
        tpu.yield
      }) : () -> ()
    } else {
    }
    return
  }
}

#map = affine_map<(d0, d1) -> (0, 0)>
#map1 = affine_map<(d0, d1) -> (0)>
module attributes {stable_mosaic.version = 14 : i64} {
  func.func @body(%arg0: i32, %arg1: i32, %arg2: memref<10240x128xf32, #tpu.memory_space<hbm>>, %arg3: memref<160000xi32, #tpu.memory_space<hbm>>, %arg4: memref<160000x128xf32, #tpu.memory_space<hbm>>, %arg5: memref<128xi32, #tpu.memory_space<vmem>>, %arg6: memref<128x128xf32, #tpu.memory_space<vmem>>, %arg7: memref<!tpu.dma_semaphore, #tpu.memory_space<semaphore_mem>>) attributes {dimension_semantics = [#tpu.dimension_semantics<core_parallel>, #tpu.dimension_semantics<subcore_parallel>], iteration_bounds = array<i64: 2, 16>, scalar_prefetch = 0 : i64, scratch_operands = 3 : i64, tpu.core_type = #tpu.core_type<sc_vector_subcore>, window_params = [{transform_indices = #map}, {transform_indices = #map1}, {transform_indices = #map}]} {
    %mul3A = arith.constant 2 : i32
    %mul3A_0 = arith.muli %arg1, %mul3A : i32
    %add3A = arith.addi %mul3A_0, %arg0 : i32
    %scan3A = arith.constant 0 : i32
    %scan3A_1 = arith.constant 0 : i32
    %scan3A_2 = arith.constant 40 : i32
    %scan3A_3 = arith.addi %scan3A_1, %scan3A_2 : i32
    %scan3A_4 = arith.constant 1 : i32
    scf.for %scan3A_6 = %scan3A_1 to %scan3A_3 step %scan3A_4  : i32 {
      %mul3A_7 = arith.constant 32 : i32
      %mul3A_8 = arith.muli %scan3A_6, %mul3A_7 : i32
      %add3A_9 = arith.addi %add3A, %mul3A_8 : i32
      %lt3A = arith.constant 1250 : i32
      %lt3A_10 = arith.cmpi slt, %add3A_9, %lt3A : i32
      %convert_element_type3A = arith.extui %lt3A_10 : i1 to i32
      %cond3A = arith.constant 0 : i32
      %cond3A_11 = arith.cmpi ne, %convert_element_type3A, %cond3A : i32
      scf.if %cond3A_11 {
        %mul3A_12 = arith.constant 128 : i32
        %mul3A_13 = arith.muli %add3A_9, %mul3A_12 : i32
        "tpu.region"() ({
          %run_scoped3A = tpu.sem_alloc : memref<!tpu.dma_semaphore, #tpu.memory_space<semaphore_mem>>
          %dma_start3A_18 = tpu.memref_slice %arg3[%mul3A_13] : memref<160000xi32, #tpu.memory_space<hbm>> -> memref<128xi32, #tpu.memory_space<hbm>>
          %dma_start3A_19 = tpu.memref_slice %arg3[%mul3A_13] : memref<160000xi32, #tpu.memory_space<hbm>> -> memref<128xi32, #tpu.memory_space<hbm>>
          tpu.enqueue_dma source(%dma_start3A_19 : memref<128xi32, #tpu.memory_space<hbm>>) target(%arg5 : memref<128xi32, #tpu.memory_space<vmem>>) target_semaphore(%run_scoped3A : memref<!tpu.dma_semaphore, #tpu.memory_space<semaphore_mem>>)
          %dma_wait3A_20 = tpu.memref_slice %arg3[%mul3A_13] : memref<160000xi32, #tpu.memory_space<hbm>> -> memref<128xi32, #tpu.memory_space<hbm>>
          %dma_wait3A_21 = tpu.memref_slice %arg3[%mul3A_13] : memref<160000xi32, #tpu.memory_space<hbm>> -> memref<128xi32, #tpu.memory_space<hbm>>
          tpu.wait_dma2 semaphore(%run_scoped3A : memref<!tpu.dma_semaphore, #tpu.memory_space<semaphore_mem>>) src(%dma_wait3A_21 : memref<128xi32, #tpu.memory_space<hbm>>) dst(%arg5 : memref<128xi32, #tpu.memory_space<vmem>>)
          tpu.yield
        }) : () -> ()
        %dma_start3A = arith.constant 0 : i32
        %dma_start3A_14 = arith.constant 0 : i32
        %dma_start3A_15 = tpu.memref_slice %arg2[%dma_start3A, %dma_start3A_14] : memref<10240x128xf32, #tpu.memory_space<hbm>> -> memref<10240x128xf32, #tpu.memory_space<hbm>>
        tpu.enqueue_indirect_dma source(%dma_start3A_15 : memref<10240x128xf32, #tpu.memory_space<hbm>>) target(%arg6 : memref<128x128xf32, #tpu.memory_space<vmem>>) offsets(%arg5 : memref<128xi32, #tpu.memory_space<vmem>>) semaphore(%arg7 : memref<!tpu.dma_semaphore, #tpu.memory_space<semaphore_mem>>)
        %dma_wait3A = arith.constant 0 : i32
        %dma_wait3A_16 = arith.constant 0 : i32
        %dma_wait3A_17 = tpu.memref_slice %arg2[%dma_wait3A, %dma_wait3A_16] : memref<10240x128xf32, #tpu.memory_space<hbm>> -> memref<10240x128xf32, #tpu.memory_space<hbm>>
        tpu.wait_indirect_dma semaphore(%arg7 : memref<!tpu.dma_semaphore, #tpu.memory_space<semaphore_mem>>) src(%dma_wait3A_17 : memref<10240x128xf32, #tpu.memory_space<hbm>>) dst(%arg6 : memref<128x128xf32, #tpu.memory_space<vmem>>)
        "tpu.region"() ({
          %run_scoped3A = tpu.sem_alloc : memref<!tpu.dma_semaphore, #tpu.memory_space<semaphore_mem>>
          %dma_start3A_18 = arith.constant 0 : i32
          %dma_start3A_19 = tpu.memref_slice %arg4[%mul3A_13, %dma_start3A_18] : memref<160000x128xf32, #tpu.memory_space<hbm>> -> memref<128x128xf32, #tpu.memory_space<hbm>>
          %dma_start3A_20 = arith.constant 0 : i32
          %dma_start3A_21 = tpu.memref_slice %arg4[%mul3A_13, %dma_start3A_20] : memref<160000x128xf32, #tpu.memory_space<hbm>> -> memref<128x128xf32, #tpu.memory_space<hbm>>
          tpu.enqueue_dma source(%arg6 : memref<128x128xf32, #tpu.memory_space<vmem>>) target(%dma_start3A_21 : memref<128x128xf32, #tpu.memory_space<hbm>>) target_semaphore(%run_scoped3A : memref<!tpu.dma_semaphore, #tpu.memory_space<semaphore_mem>>)
          %dma_wait3A_22 = arith.constant 0 : i32
          %dma_wait3A_23 = tpu.memref_slice %arg4[%mul3A_13, %dma_wait3A_22] : memref<160000x128xf32, #tpu.memory_space<hbm>> -> memref<128x128xf32, #tpu.memory_space<hbm>>
          %dma_wait3A_24 = arith.constant 0 : i32
          %dma_wait3A_25 = tpu.memref_slice %arg4[%mul3A_13, %dma_wait3A_24] : memref<160000x128xf32, #tpu.memory_space<hbm>> -> memref<128x128xf32, #tpu.memory_space<hbm>>
          tpu.wait_dma2 semaphore(%run_scoped3A : memref<!tpu.dma_semaphore, #tpu.memory_space<semaphore_mem>>) src(%arg6 : memref<128x128xf32, #tpu.memory_space<vmem>>) dst(%dma_wait3A_25 : memref<128x128xf32, #tpu.memory_space<hbm>>)
          tpu.yield
        }) : () -> ()
      } else {
      }
    }
    %scan3A_5 = arith.constant 40 : i32
    return
  }
}

#map = affine_map<(d0, d1) -> (0, 0)>
#map1 = affine_map<(d0, d1) -> (0)>
module attributes {stable_mosaic.version = 14 : i64} {
  func.func @body(%arg0: i32, %arg1: i32, %arg2: memref<10240x128xf32, #tpu.memory_space<hbm>>, %arg3: memref<160000xi32, #tpu.memory_space<hbm>>, %arg4: memref<160000x128xf32, #tpu.memory_space<hbm>>, %arg5: memref<128xi32, #tpu.memory_space<vmem>>, %arg6: memref<128x128xf32, #tpu.memory_space<vmem>>, %arg7: memref<!tpu.dma_semaphore, #tpu.memory_space<semaphore_mem>>) attributes {dimension_semantics = [#tpu.dimension_semantics<core_parallel>, #tpu.dimension_semantics<subcore_parallel>], iteration_bounds = array<i64: 2, 16>, scalar_prefetch = 0 : i64, scratch_operands = 3 : i64, tpu.core_type = #tpu.core_type<sc_vector_subcore>, window_params = [{transform_indices = #map}, {transform_indices = #map1}, {transform_indices = #map}]} {
    %mul3A = arith.constant 2 : i32
    %mul3A_0 = arith.muli %arg1, %mul3A : i32
    %add3A = arith.addi %mul3A_0, %arg0 : i32
    %scan3A = arith.constant 0 : i32
    %scan3A_1 = arith.constant 0 : i32
    %scan3A_2 = arith.constant 40 : i32
    %scan3A_3 = arith.addi %scan3A_1, %scan3A_2 : i32
    %scan3A_4 = arith.constant 1 : i32
    scf.for %scan3A_6 = %scan3A_1 to %scan3A_3 step %scan3A_4  : i32 {
      %mul3A_7 = arith.constant 32 : i32
      %mul3A_8 = arith.muli %scan3A_6, %mul3A_7 : i32
      %add3A_9 = arith.addi %add3A, %mul3A_8 : i32
      %lt3A = arith.constant 1250 : i32
      %lt3A_10 = arith.cmpi slt, %add3A_9, %lt3A : i32
      %convert_element_type3A = arith.extui %lt3A_10 : i1 to i32
      %cond3A = arith.constant 0 : i32
      %cond3A_11 = arith.cmpi ne, %convert_element_type3A, %cond3A : i32
      scf.if %cond3A_11 {
        %mul3A_12 = arith.constant 128 : i32
        %mul3A_13 = arith.muli %add3A_9, %mul3A_12 : i32
        "tpu.region"() ({
          %run_scoped3A = tpu.sem_alloc : memref<!tpu.dma_semaphore, #tpu.memory_space<semaphore_mem>>
          %dma_start3A_18 = tpu.memref_slice %arg3[%mul3A_13] : memref<160000xi32, #tpu.memory_space<hbm>> -> memref<128xi32, #tpu.memory_space<hbm>>
          %dma_start3A_19 = tpu.memref_slice %arg3[%mul3A_13] : memref<160000xi32, #tpu.memory_space<hbm>> -> memref<128xi32, #tpu.memory_space<hbm>>
          tpu.enqueue_dma source(%dma_start3A_19 : memref<128xi32, #tpu.memory_space<hbm>>) target(%arg5 : memref<128xi32, #tpu.memory_space<vmem>>) target_semaphore(%run_scoped3A : memref<!tpu.dma_semaphore, #tpu.memory_space<semaphore_mem>>)
          %dma_wait3A_20 = tpu.memref_slice %arg3[%mul3A_13] : memref<160000xi32, #tpu.memory_space<hbm>> -> memref<128xi32, #tpu.memory_space<hbm>>
          %dma_wait3A_21 = tpu.memref_slice %arg3[%mul3A_13] : memref<160000xi32, #tpu.memory_space<hbm>> -> memref<128xi32, #tpu.memory_space<hbm>>
          tpu.wait_dma2 semaphore(%run_scoped3A : memref<!tpu.dma_semaphore, #tpu.memory_space<semaphore_mem>>) src(%dma_wait3A_21 : memref<128xi32, #tpu.memory_space<hbm>>) dst(%arg5 : memref<128xi32, #tpu.memory_space<vmem>>)
          tpu.yield
        }) : () -> ()
        %dma_start3A = arith.constant 0 : i32
        %dma_start3A_14 = arith.constant 0 : i32
        %dma_start3A_15 = tpu.memref_slice %arg2[%dma_start3A, %dma_start3A_14] : memref<10240x128xf32, #tpu.memory_space<hbm>> -> memref<10240x128xf32, #tpu.memory_space<hbm>>
        tpu.enqueue_indirect_dma source(%dma_start3A_15 : memref<10240x128xf32, #tpu.memory_space<hbm>>) target(%arg6 : memref<128x128xf32, #tpu.memory_space<vmem>>) offsets(%arg5 : memref<128xi32, #tpu.memory_space<vmem>>) semaphore(%arg7 : memref<!tpu.dma_semaphore, #tpu.memory_space<semaphore_mem>>)
        %dma_wait3A = arith.constant 0 : i32
        %dma_wait3A_16 = arith.constant 0 : i32
        %dma_wait3A_17 = tpu.memref_slice %arg2[%dma_wait3A, %dma_wait3A_16] : memref<10240x128xf32, #tpu.memory_space<hbm>> -> memref<10240x128xf32, #tpu.memory_space<hbm>>
        tpu.wait_indirect_dma semaphore(%arg7 : memref<!tpu.dma_semaphore, #tpu.memory_space<semaphore_mem>>) src(%dma_wait3A_17 : memref<10240x128xf32, #tpu.memory_space<hbm>>) dst(%arg6 : memref<128x128xf32, #tpu.memory_space<vmem>>)
        "tpu.region"() ({
          %run_scoped3A = tpu.sem_alloc : memref<!tpu.dma_semaphore, #tpu.memory_space<semaphore_mem>>
          %dma_start3A_18 = arith.constant 0 : i32
          %dma_start3A_19 = tpu.memref_slice %arg4[%mul3A_13, %dma_start3A_18] : memref<160000x128xf32, #tpu.memory_space<hbm>> -> memref<128x128xf32, #tpu.memory_space<hbm>>
          %dma_start3A_20 = arith.constant 0 : i32
          %dma_start3A_21 = tpu.memref_slice %arg4[%mul3A_13, %dma_start3A_20] : memref<160000x128xf32, #tpu.memory_space<hbm>> -> memref<128x128xf32, #tpu.memory_space<hbm>>
          tpu.enqueue_dma source(%arg6 : memref<128x128xf32, #tpu.memory_space<vmem>>) target(%dma_start3A_21 : memref<128x128xf32, #tpu.memory_space<hbm>>) target_semaphore(%run_scoped3A : memref<!tpu.dma_semaphore, #tpu.memory_space<semaphore_mem>>)
          %dma_wait3A_22 = arith.constant 0 : i32
          %dma_wait3A_23 = tpu.memref_slice %arg4[%mul3A_13, %dma_wait3A_22] : memref<160000x128xf32, #tpu.memory_space<hbm>> -> memref<128x128xf32, #tpu.memory_space<hbm>>
          %dma_wait3A_24 = arith.constant 0 : i32
          %dma_wait3A_25 = tpu.memref_slice %arg4[%mul3A_13, %dma_wait3A_24] : memref<160000x128xf32, #tpu.memory_space<hbm>> -> memref<128x128xf32, #tpu.memory_space<hbm>>
          tpu.wait_dma2 semaphore(%run_scoped3A : memref<!tpu.dma_semaphore, #tpu.memory_space<semaphore_mem>>) src(%arg6 : memref<128x128xf32, #tpu.memory_space<vmem>>) dst(%dma_wait3A_25 : memref<128x128xf32, #tpu.memory_space<hbm>>)
          tpu.yield
        }) : () -> ()
      } else {
      }
    }
    %scan3A_5 = arith.constant 40 : i32
    return
  }
}

#map = affine_map<(d0, d1) -> (0, 0)>
#map1 = affine_map<(d0, d1) -> (0)>
module attributes {stable_mosaic.version = 14 : i64} {
  func.func @body(%arg0: i32, %arg1: i32, %arg2: memref<160000x128xf32, #tpu.memory_space<hbm>>, %arg3: memref<160000xi32, #tpu.memory_space<hbm>>, %arg4: memref<640x128xf32, #tpu.memory_space<hbm>>, %arg5: memref<10240x128xf32, #tpu.memory_space<hbm>>, %arg6: memref<10240x128xf32, #tpu.memory_space<hbm>>, %arg7: memref<10240x128xf32, #tpu.memory_space<vmem_shared>>, %arg8: memref<128xi32, #tpu.memory_space<vmem>>, %arg9: memref<128x128xf32, #tpu.memory_space<vmem>>) attributes {dimension_semantics = [#tpu.dimension_semantics<core_parallel>, #tpu.dimension_semantics<subcore_parallel>], iteration_bounds = array<i64: 2, 16>, scalar_prefetch = 0 : i64, scratch_operands = 3 : i64, tpu.core_type = #tpu.core_type<sc_vector_subcore>, window_params = [{transform_indices = #map}, {transform_indices = #map1}, {transform_indices = #map}, {transform_indices = #map}, {transform_indices = #map}]} {
    %mul3A = arith.constant 640 : i32
    %mul3A_0 = arith.muli %arg1, %mul3A : i32
    "tpu.region"() ({
      %run_scoped3A = tpu.sem_alloc : memref<!tpu.dma_semaphore, #tpu.memory_space<semaphore_mem>>
      %dma_start3A = arith.constant 0 : i32
      %dma_start3A_14 = tpu.memref_slice %arg7[%mul3A_0, %dma_start3A] : memref<10240x128xf32, #tpu.memory_space<vmem_shared>> -> memref<640x128xf32, #tpu.memory_space<vmem_shared>>
      tpu.enqueue_dma source(%arg4 : memref<640x128xf32, #tpu.memory_space<hbm>>) target(%dma_start3A_14 : memref<640x128xf32, #tpu.memory_space<vmem_shared>>) target_semaphore(%run_scoped3A : memref<!tpu.dma_semaphore, #tpu.memory_space<semaphore_mem>>)
      %dma_wait3A = arith.constant 0 : i32
      %dma_wait3A_15 = tpu.memref_slice %arg7[%mul3A_0, %dma_wait3A] : memref<10240x128xf32, #tpu.memory_space<vmem_shared>> -> memref<640x128xf32, #tpu.memory_space<vmem_shared>>
      tpu.wait_dma2 semaphore(%run_scoped3A : memref<!tpu.dma_semaphore, #tpu.memory_space<semaphore_mem>>) src(%arg4 : memref<640x128xf32, #tpu.memory_space<hbm>>) dst(%dma_wait3A_15 : memref<640x128xf32, #tpu.memory_space<vmem_shared>>)
      tpu.yield
    }) : () -> ()
    %barrier3A = arith.constant 0 : index
    tpu.barrier barrier_id(%barrier3A)
    %scan3A = arith.constant 0 : i32
    %scan3A_1 = arith.constant 0 : i32
    %scan3A_2 = arith.constant 40 : i32
    %scan3A_3 = arith.addi %scan3A_1, %scan3A_2 : i32
    %scan3A_4 = arith.constant 1 : i32
    scf.for %scan3A_14 = %scan3A_1 to %scan3A_3 step %scan3A_4  : i32 {
      %mul3A_15 = arith.constant 16 : i32
      %mul3A_16 = arith.muli %scan3A_14, %mul3A_15 : i32
      %add3A = arith.addi %arg1, %mul3A_16 : i32
      %lt3A = arith.constant 625 : i32
      %lt3A_17 = arith.cmpi slt, %add3A, %lt3A : i32
      %convert_element_type3A_18 = arith.extui %lt3A_17 : i1 to i32
      %cond3A_19 = arith.constant 0 : i32
      %cond3A_20 = arith.cmpi ne, %convert_element_type3A_18, %cond3A_19 : i32
      scf.if %cond3A_20 {
        %mul3A_21 = arith.constant 2 : i32
        %mul3A_22 = arith.muli %mul3A_21, %add3A : i32
        %add3A_23 = arith.addi %arg0, %mul3A_22 : i32
        %mul3A_24 = arith.constant 128 : i32
        %mul3A_25 = arith.muli %add3A_23, %mul3A_24 : i32
        "tpu.region"() ({
          %run_scoped3A = tpu.sem_alloc : memref<!tpu.dma_semaphore, #tpu.memory_space<semaphore_mem>>
          %dma_start3A = tpu.memref_slice %arg3[%mul3A_25] : memref<160000xi32, #tpu.memory_space<hbm>> -> memref<128xi32, #tpu.memory_space<hbm>>
          %dma_start3A_26 = tpu.memref_slice %arg3[%mul3A_25] : memref<160000xi32, #tpu.memory_space<hbm>> -> memref<128xi32, #tpu.memory_space<hbm>>
          tpu.enqueue_dma source(%dma_start3A_26 : memref<128xi32, #tpu.memory_space<hbm>>) target(%arg8 : memref<128xi32, #tpu.memory_space<vmem>>) target_semaphore(%run_scoped3A : memref<!tpu.dma_semaphore, #tpu.memory_space<semaphore_mem>>)
          %dma_wait3A = tpu.memref_slice %arg3[%mul3A_25] : memref<160000xi32, #tpu.memory_space<hbm>> -> memref<128xi32, #tpu.memory_space<hbm>>
          %dma_wait3A_27 = tpu.memref_slice %arg3[%mul3A_25] : memref<160000xi32, #tpu.memory_space<hbm>> -> memref<128xi32, #tpu.memory_space<hbm>>
          tpu.wait_dma2 semaphore(%run_scoped3A : memref<!tpu.dma_semaphore, #tpu.memory_space<semaphore_mem>>) src(%dma_wait3A_27 : memref<128xi32, #tpu.memory_space<hbm>>) dst(%arg8 : memref<128xi32, #tpu.memory_space<vmem>>)
          tpu.yield
        }) : () -> ()
        "tpu.region"() ({
          %run_scoped3A = tpu.sem_alloc : memref<!tpu.dma_semaphore, #tpu.memory_space<semaphore_mem>>
          %dma_start3A = arith.constant 0 : i32
          %dma_start3A_26 = tpu.memref_slice %arg2[%mul3A_25, %dma_start3A] : memref<160000x128xf32, #tpu.memory_space<hbm>> -> memref<128x128xf32, #tpu.memory_space<hbm>>
          %dma_start3A_27 = arith.constant 0 : i32
          %dma_start3A_28 = tpu.memref_slice %arg2[%mul3A_25, %dma_start3A_27] : memref<160000x128xf32, #tpu.memory_space<hbm>> -> memref<128x128xf32, #tpu.memory_space<hbm>>
          tpu.enqueue_dma source(%dma_start3A_28 : memref<128x128xf32, #tpu.memory_space<hbm>>) target(%arg9 : memref<128x128xf32, #tpu.memory_space<vmem>>) target_semaphore(%run_scoped3A : memref<!tpu.dma_semaphore, #tpu.memory_space<semaphore_mem>>)
          %dma_wait3A = arith.constant 0 : i32
          %dma_wait3A_29 = tpu.memref_slice %arg2[%mul3A_25, %dma_wait3A] : memref<160000x128xf32, #tpu.memory_space<hbm>> -> memref<128x128xf32, #tpu.memory_space<hbm>>
          %dma_wait3A_30 = arith.constant 0 : i32
          %dma_wait3A_31 = tpu.memref_slice %arg2[%mul3A_25, %dma_wait3A_30] : memref<160000x128xf32, #tpu.memory_space<hbm>> -> memref<128x128xf32, #tpu.memory_space<hbm>>
          tpu.wait_dma2 semaphore(%run_scoped3A : memref<!tpu.dma_semaphore, #tpu.memory_space<semaphore_mem>>) src(%dma_wait3A_31 : memref<128x128xf32, #tpu.memory_space<hbm>>) dst(%arg9 : memref<128x128xf32, #tpu.memory_space<vmem>>)
          tpu.yield
        }) : () -> ()
        "tpu.region"() ({
          %run_scoped3A = tpu.sem_alloc : memref<!tpu.dma_semaphore, #tpu.memory_space<semaphore_mem>>
          %dma_start3A = arith.constant 0 : i32
          %dma_start3A_26 = arith.constant 0 : i32
          %dma_start3A_27 = tpu.memref_slice %arg7[%dma_start3A, %dma_start3A_26] : memref<10240x128xf32, #tpu.memory_space<vmem_shared>> -> memref<10240x128xf32, #tpu.memory_space<vmem_shared>>
          tpu.enqueue_indirect_dma source(%arg9 : memref<128x128xf32, #tpu.memory_space<vmem>>) target(%dma_start3A_27 : memref<10240x128xf32, #tpu.memory_space<vmem_shared>>) offsets(%arg8 : memref<128xi32, #tpu.memory_space<vmem>>) semaphore(%run_scoped3A : memref<!tpu.dma_semaphore, #tpu.memory_space<semaphore_mem>>) {add = true}
          %dma_wait3A = arith.constant 0 : i32
          %dma_wait3A_28 = arith.constant 0 : i32
          %dma_wait3A_29 = tpu.memref_slice %arg7[%dma_wait3A, %dma_wait3A_28] : memref<10240x128xf32, #tpu.memory_space<vmem_shared>> -> memref<10240x128xf32, #tpu.memory_space<vmem_shared>>
          tpu.wait_indirect_dma semaphore(%run_scoped3A : memref<!tpu.dma_semaphore, #tpu.memory_space<semaphore_mem>>) src(%arg9 : memref<128x128xf32, #tpu.memory_space<vmem>>) dst(%dma_wait3A_29 : memref<10240x128xf32, #tpu.memory_space<vmem_shared>>)
          tpu.yield
        }) : () -> ()
      } else {
      }
    }
    %scan3A_5 = arith.constant 40 : i32
    %barrier3A_6 = arith.constant 0 : index
    tpu.barrier barrier_id(%barrier3A_6)
    %eq3A = arith.constant 0 : i32
    %eq3A_7 = arith.cmpi eq, %arg0, %eq3A : i32
    %convert_element_type3A = arith.extui %eq3A_7 : i1 to i32
    %cond3A = arith.constant 0 : i32
    %cond3A_8 = arith.cmpi ne, %convert_element_type3A, %cond3A : i32
    scf.if %cond3A_8 {
      %mul3A_14 = arith.constant 640 : i32
      %mul3A_15 = arith.muli %arg1, %mul3A_14 : i32
      %mul3A_16 = arith.constant 640 : i32
      %mul3A_17 = arith.muli %arg1, %mul3A_16 : i32
      "tpu.region"() ({
        %run_scoped3A = tpu.sem_alloc : memref<!tpu.dma_semaphore, #tpu.memory_space<semaphore_mem>>
        %dma_start3A = arith.constant 0 : i32
        %dma_start3A_18 = tpu.memref_slice %arg5[%mul3A_17, %dma_start3A] : memref<10240x128xf32, #tpu.memory_space<hbm>> -> memref<640x128xf32, #tpu.memory_space<hbm>>
        %dma_start3A_19 = arith.constant 0 : i32
        %dma_start3A_20 = tpu.memref_slice %arg7[%mul3A_15, %dma_start3A_19] : memref<10240x128xf32, #tpu.memory_space<vmem_shared>> -> memref<640x128xf32, #tpu.memory_space<vmem_shared>>
        tpu.enqueue_dma source(%dma_start3A_20 : memref<640x128xf32, #tpu.memory_space<vmem_shared>>) target(%dma_start3A_18 : memref<640x128xf32, #tpu.memory_space<hbm>>) target_semaphore(%run_scoped3A : memref<!tpu.dma_semaphore, #tpu.memory_space<semaphore_mem>>)
        %dma_wait3A = arith.constant 0 : i32
        %dma_wait3A_21 = tpu.memref_slice %arg5[%mul3A_17, %dma_wait3A] : memref<10240x128xf32, #tpu.memory_space<hbm>> -> memref<640x128xf32, #tpu.memory_space<hbm>>
        %dma_wait3A_22 = arith.constant 0 : i32
        %dma_wait3A_23 = tpu.memref_slice %arg7[%mul3A_15, %dma_wait3A_22] : memref<10240x128xf32, #tpu.memory_space<vmem_shared>> -> memref<640x128xf32, #tpu.memory_space<vmem_shared>>
        tpu.wait_dma2 semaphore(%run_scoped3A : memref<!tpu.dma_semaphore, #tpu.memory_space<semaphore_mem>>) src(%dma_wait3A_23 : memref<640x128xf32, #tpu.memory_space<vmem_shared>>) dst(%dma_wait3A_21 : memref<640x128xf32, #tpu.memory_space<hbm>>)
        tpu.yield
      }) : () -> ()
    } else {
    }
    %eq3A_9 = arith.constant 1 : i32
    %eq3A_10 = arith.cmpi eq, %arg0, %eq3A_9 : i32
    %convert_element_type3A_11 = arith.extui %eq3A_10 : i1 to i32
    %cond3A_12 = arith.constant 0 : i32
    %cond3A_13 = arith.cmpi ne, %convert_element_type3A_11, %cond3A_12 : i32
    scf.if %cond3A_13 {
      %mul3A_14 = arith.constant 640 : i32
      %mul3A_15 = arith.muli %arg1, %mul3A_14 : i32
      %mul3A_16 = arith.constant 640 : i32
      %mul3A_17 = arith.muli %arg1, %mul3A_16 : i32
      "tpu.region"() ({
        %run_scoped3A = tpu.sem_alloc : memref<!tpu.dma_semaphore, #tpu.memory_space<semaphore_mem>>
        %dma_start3A = arith.constant 0 : i32
        %dma_start3A_18 = tpu.memref_slice %arg6[%mul3A_17, %dma_start3A] : memref<10240x128xf32, #tpu.memory_space<hbm>> -> memref<640x128xf32, #tpu.memory_space<hbm>>
        %dma_start3A_19 = arith.constant 0 : i32
        %dma_start3A_20 = tpu.memref_slice %arg7[%mul3A_15, %dma_start3A_19] : memref<10240x128xf32, #tpu.memory_space<vmem_shared>> -> memref<640x128xf32, #tpu.memory_space<vmem_shared>>
        tpu.enqueue_dma source(%dma_start3A_20 : memref<640x128xf32, #tpu.memory_space<vmem_shared>>) target(%dma_start3A_18 : memref<640x128xf32, #tpu.memory_space<hbm>>) target_semaphore(%run_scoped3A : memref<!tpu.dma_semaphore, #tpu.memory_space<semaphore_mem>>)
        %dma_wait3A = arith.constant 0 : i32
        %dma_wait3A_21 = tpu.memref_slice %arg6[%mul3A_17, %dma_wait3A] : memref<10240x128xf32, #tpu.memory_space<hbm>> -> memref<640x128xf32, #tpu.memory_space<hbm>>
        %dma_wait3A_22 = arith.constant 0 : i32
        %dma_wait3A_23 = tpu.memref_slice %arg7[%mul3A_15, %dma_wait3A_22] : memref<10240x128xf32, #tpu.memory_space<vmem_shared>> -> memref<640x128xf32, #tpu.memory_space<vmem_shared>>
        tpu.wait_dma2 semaphore(%run_scoped3A : memref<!tpu.dma_semaphore, #tpu.memory_space<semaphore_mem>>) src(%dma_wait3A_23 : memref<640x128xf32, #tpu.memory_space<vmem_shared>>) dst(%dma_wait3A_21 : memref<640x128xf32, #tpu.memory_space<hbm>>)
        tpu.yield
      }) : () -> ()
    } else {
    }
    return
  }
}

#map = affine_map<(d0, d1) -> (0, 0)>
#map1 = affine_map<(d0, d1) -> (0)>
module attributes {stable_mosaic.version = 14 : i64} {
  func.func @body(%arg0: i32, %arg1: i32, %arg2: memref<10240x128xf32, #tpu.memory_space<hbm>>, %arg3: memref<160000xi32, #tpu.memory_space<hbm>>, %arg4: memref<160000x128xf32, #tpu.memory_space<hbm>>, %arg5: memref<128xi32, #tpu.memory_space<vmem>>, %arg6: memref<128x128xf32, #tpu.memory_space<vmem>>, %arg7: memref<!tpu.dma_semaphore, #tpu.memory_space<semaphore_mem>>) attributes {dimension_semantics = [#tpu.dimension_semantics<core_parallel>, #tpu.dimension_semantics<subcore_parallel>], iteration_bounds = array<i64: 2, 16>, scalar_prefetch = 0 : i64, scratch_operands = 3 : i64, tpu.core_type = #tpu.core_type<sc_vector_subcore>, window_params = [{transform_indices = #map}, {transform_indices = #map1}, {transform_indices = #map}]} {
    %mul3A = arith.constant 2 : i32
    %mul3A_0 = arith.muli %arg1, %mul3A : i32
    %add3A = arith.addi %mul3A_0, %arg0 : i32
    %scan3A = arith.constant 0 : i32
    %scan3A_1 = arith.constant 0 : i32
    %scan3A_2 = arith.constant 40 : i32
    %scan3A_3 = arith.addi %scan3A_1, %scan3A_2 : i32
    %scan3A_4 = arith.constant 1 : i32
    scf.for %scan3A_6 = %scan3A_1 to %scan3A_3 step %scan3A_4  : i32 {
      %mul3A_7 = arith.constant 32 : i32
      %mul3A_8 = arith.muli %scan3A_6, %mul3A_7 : i32
      %add3A_9 = arith.addi %add3A, %mul3A_8 : i32
      %lt3A = arith.constant 1250 : i32
      %lt3A_10 = arith.cmpi slt, %add3A_9, %lt3A : i32
      %convert_element_type3A = arith.extui %lt3A_10 : i1 to i32
      %cond3A = arith.constant 0 : i32
      %cond3A_11 = arith.cmpi ne, %convert_element_type3A, %cond3A : i32
      scf.if %cond3A_11 {
        %mul3A_12 = arith.constant 128 : i32
        %mul3A_13 = arith.muli %add3A_9, %mul3A_12 : i32
        "tpu.region"() ({
          %run_scoped3A = tpu.sem_alloc : memref<!tpu.dma_semaphore, #tpu.memory_space<semaphore_mem>>
          %dma_start3A_18 = tpu.memref_slice %arg3[%mul3A_13] : memref<160000xi32, #tpu.memory_space<hbm>> -> memref<128xi32, #tpu.memory_space<hbm>>
          %dma_start3A_19 = tpu.memref_slice %arg3[%mul3A_13] : memref<160000xi32, #tpu.memory_space<hbm>> -> memref<128xi32, #tpu.memory_space<hbm>>
          tpu.enqueue_dma source(%dma_start3A_19 : memref<128xi32, #tpu.memory_space<hbm>>) target(%arg5 : memref<128xi32, #tpu.memory_space<vmem>>) target_semaphore(%run_scoped3A : memref<!tpu.dma_semaphore, #tpu.memory_space<semaphore_mem>>)
          %dma_wait3A_20 = tpu.memref_slice %arg3[%mul3A_13] : memref<160000xi32, #tpu.memory_space<hbm>> -> memref<128xi32, #tpu.memory_space<hbm>>
          %dma_wait3A_21 = tpu.memref_slice %arg3[%mul3A_13] : memref<160000xi32, #tpu.memory_space<hbm>> -> memref<128xi32, #tpu.memory_space<hbm>>
          tpu.wait_dma2 semaphore(%run_scoped3A : memref<!tpu.dma_semaphore, #tpu.memory_space<semaphore_mem>>) src(%dma_wait3A_21 : memref<128xi32, #tpu.memory_space<hbm>>) dst(%arg5 : memref<128xi32, #tpu.memory_space<vmem>>)
          tpu.yield
        }) : () -> ()
        %dma_start3A = arith.constant 0 : i32
        %dma_start3A_14 = arith.constant 0 : i32
        %dma_start3A_15 = tpu.memref_slice %arg2[%dma_start3A, %dma_start3A_14] : memref<10240x128xf32, #tpu.memory_space<hbm>> -> memref<10240x128xf32, #tpu.memory_space<hbm>>
        tpu.enqueue_indirect_dma source(%dma_start3A_15 : memref<10240x128xf32, #tpu.memory_space<hbm>>) target(%arg6 : memref<128x128xf32, #tpu.memory_space<vmem>>) offsets(%arg5 : memref<128xi32, #tpu.memory_space<vmem>>) semaphore(%arg7 : memref<!tpu.dma_semaphore, #tpu.memory_space<semaphore_mem>>)
        %dma_wait3A = arith.constant 0 : i32
        %dma_wait3A_16 = arith.constant 0 : i32
        %dma_wait3A_17 = tpu.memref_slice %arg2[%dma_wait3A, %dma_wait3A_16] : memref<10240x128xf32, #tpu.memory_space<hbm>> -> memref<10240x128xf32, #tpu.memory_space<hbm>>
        tpu.wait_indirect_dma semaphore(%arg7 : memref<!tpu.dma_semaphore, #tpu.memory_space<semaphore_mem>>) src(%dma_wait3A_17 : memref<10240x128xf32, #tpu.memory_space<hbm>>) dst(%arg6 : memref<128x128xf32, #tpu.memory_space<vmem>>)
        "tpu.region"() ({
          %run_scoped3A = tpu.sem_alloc : memref<!tpu.dma_semaphore, #tpu.memory_space<semaphore_mem>>
          %dma_start3A_18 = arith.constant 0 : i32
          %dma_start3A_19 = tpu.memref_slice %arg4[%mul3A_13, %dma_start3A_18] : memref<160000x128xf32, #tpu.memory_space<hbm>> -> memref<128x128xf32, #tpu.memory_space<hbm>>
          %dma_start3A_20 = arith.constant 0 : i32
          %dma_start3A_21 = tpu.memref_slice %arg4[%mul3A_13, %dma_start3A_20] : memref<160000x128xf32, #tpu.memory_space<hbm>> -> memref<128x128xf32, #tpu.memory_space<hbm>>
          tpu.enqueue_dma source(%arg6 : memref<128x128xf32, #tpu.memory_space<vmem>>) target(%dma_start3A_21 : memref<128x128xf32, #tpu.memory_space<hbm>>) target_semaphore(%run_scoped3A : memref<!tpu.dma_semaphore, #tpu.memory_space<semaphore_mem>>)
          %dma_wait3A_22 = arith.constant 0 : i32
          %dma_wait3A_23 = tpu.memref_slice %arg4[%mul3A_13, %dma_wait3A_22] : memref<160000x128xf32, #tpu.memory_space<hbm>> -> memref<128x128xf32, #tpu.memory_space<hbm>>
          %dma_wait3A_24 = arith.constant 0 : i32
          %dma_wait3A_25 = tpu.memref_slice %arg4[%mul3A_13, %dma_wait3A_24] : memref<160000x128xf32, #tpu.memory_space<hbm>> -> memref<128x128xf32, #tpu.memory_space<hbm>>
          tpu.wait_dma2 semaphore(%run_scoped3A : memref<!tpu.dma_semaphore, #tpu.memory_space<semaphore_mem>>) src(%arg6 : memref<128x128xf32, #tpu.memory_space<vmem>>) dst(%dma_wait3A_25 : memref<128x128xf32, #tpu.memory_space<hbm>>)
          tpu.yield
        }) : () -> ()
      } else {
      }
    }
    %scan3A_5 = arith.constant 40 : i32
    return
  }
}

#map = affine_map<(d0, d1) -> (0, 0)>
#map1 = affine_map<(d0, d1) -> (0)>
module attributes {stable_mosaic.version = 14 : i64} {
  func.func @body(%arg0: i32, %arg1: i32, %arg2: memref<160000x128xf32, #tpu.memory_space<hbm>>, %arg3: memref<320000xi32, #tpu.memory_space<hbm>>, %arg4: memref<640x128xf32, #tpu.memory_space<hbm>>, %arg5: memref<10240x128xf32, #tpu.memory_space<hbm>>, %arg6: memref<10240x128xf32, #tpu.memory_space<hbm>>, %arg7: memref<10240x128xf32, #tpu.memory_space<vmem_shared>>, %arg8: memref<128xi32, #tpu.memory_space<vmem>>, %arg9: memref<128x128xf32, #tpu.memory_space<vmem>>) attributes {dimension_semantics = [#tpu.dimension_semantics<core_parallel>, #tpu.dimension_semantics<subcore_parallel>], iteration_bounds = array<i64: 2, 16>, scalar_prefetch = 0 : i64, scratch_operands = 3 : i64, tpu.core_type = #tpu.core_type<sc_vector_subcore>, window_params = [{transform_indices = #map}, {transform_indices = #map1}, {transform_indices = #map}, {transform_indices = #map}, {transform_indices = #map}]} {
    %mul3A = arith.constant 640 : i32
    %mul3A_0 = arith.muli %arg1, %mul3A : i32
    "tpu.region"() ({
      %run_scoped3A = tpu.sem_alloc : memref<!tpu.dma_semaphore, #tpu.memory_space<semaphore_mem>>
      %dma_start3A = arith.constant 0 : i32
      %dma_start3A_14 = tpu.memref_slice %arg7[%mul3A_0, %dma_start3A] : memref<10240x128xf32, #tpu.memory_space<vmem_shared>> -> memref<640x128xf32, #tpu.memory_space<vmem_shared>>
      tpu.enqueue_dma source(%arg4 : memref<640x128xf32, #tpu.memory_space<hbm>>) target(%dma_start3A_14 : memref<640x128xf32, #tpu.memory_space<vmem_shared>>) target_semaphore(%run_scoped3A : memref<!tpu.dma_semaphore, #tpu.memory_space<semaphore_mem>>)
      %dma_wait3A = arith.constant 0 : i32
      %dma_wait3A_15 = tpu.memref_slice %arg7[%mul3A_0, %dma_wait3A] : memref<10240x128xf32, #tpu.memory_space<vmem_shared>> -> memref<640x128xf32, #tpu.memory_space<vmem_shared>>
      tpu.wait_dma2 semaphore(%run_scoped3A : memref<!tpu.dma_semaphore, #tpu.memory_space<semaphore_mem>>) src(%arg4 : memref<640x128xf32, #tpu.memory_space<hbm>>) dst(%dma_wait3A_15 : memref<640x128xf32, #tpu.memory_space<vmem_shared>>)
      tpu.yield
    }) : () -> ()
    %barrier3A = arith.constant 0 : index
    tpu.barrier barrier_id(%barrier3A)
    %scan3A = arith.constant 0 : i32
    %scan3A_1 = arith.constant 0 : i32
    %scan3A_2 = arith.constant 79 : i32
    %scan3A_3 = arith.addi %scan3A_1, %scan3A_2 : i32
    %scan3A_4 = arith.constant 1 : i32
    scf.for %scan3A_14 = %scan3A_1 to %scan3A_3 step %scan3A_4  : i32 {
      %mul3A_15 = arith.constant 16 : i32
      %mul3A_16 = arith.muli %scan3A_14, %mul3A_15 : i32
      %add3A = arith.addi %arg1, %mul3A_16 : i32
      %lt3A = arith.constant 1250 : i32
      %lt3A_17 = arith.cmpi slt, %add3A, %lt3A : i32
      %convert_element_type3A_18 = arith.extui %lt3A_17 : i1 to i32
      %cond3A_19 = arith.constant 0 : i32
      %cond3A_20 = arith.cmpi ne, %convert_element_type3A_18, %cond3A_19 : i32
      scf.if %cond3A_20 {
        %mul3A_21 = arith.constant 128 : i32
        %mul3A_22 = arith.muli %add3A, %mul3A_21 : i32
        %mul3A_23 = arith.constant 160000 : i32
        %mul3A_24 = arith.muli %arg0, %mul3A_23 : i32
        %add3A_25 = arith.addi %mul3A_24, %mul3A_22 : i32
        "tpu.region"() ({
          %run_scoped3A = tpu.sem_alloc : memref<!tpu.dma_semaphore, #tpu.memory_space<semaphore_mem>>
          %dma_start3A = tpu.memref_slice %arg3[%add3A_25] : memref<320000xi32, #tpu.memory_space<hbm>> -> memref<128xi32, #tpu.memory_space<hbm>>
          %dma_start3A_26 = tpu.memref_slice %arg3[%add3A_25] : memref<320000xi32, #tpu.memory_space<hbm>> -> memref<128xi32, #tpu.memory_space<hbm>>
          tpu.enqueue_dma source(%dma_start3A_26 : memref<128xi32, #tpu.memory_space<hbm>>) target(%arg8 : memref<128xi32, #tpu.memory_space<vmem>>) target_semaphore(%run_scoped3A : memref<!tpu.dma_semaphore, #tpu.memory_space<semaphore_mem>>)
          %dma_wait3A = tpu.memref_slice %arg3[%add3A_25] : memref<320000xi32, #tpu.memory_space<hbm>> -> memref<128xi32, #tpu.memory_space<hbm>>
          %dma_wait3A_27 = tpu.memref_slice %arg3[%add3A_25] : memref<320000xi32, #tpu.memory_space<hbm>> -> memref<128xi32, #tpu.memory_space<hbm>>
          tpu.wait_dma2 semaphore(%run_scoped3A : memref<!tpu.dma_semaphore, #tpu.memory_space<semaphore_mem>>) src(%dma_wait3A_27 : memref<128xi32, #tpu.memory_space<hbm>>) dst(%arg8 : memref<128xi32, #tpu.memory_space<vmem>>)
          tpu.yield
        }) : () -> ()
        "tpu.region"() ({
          %run_scoped3A = tpu.sem_alloc : memref<!tpu.dma_semaphore, #tpu.memory_space<semaphore_mem>>
          %dma_start3A = arith.constant 0 : i32
          %dma_start3A_26 = tpu.memref_slice %arg2[%mul3A_22, %dma_start3A] : memref<160000x128xf32, #tpu.memory_space<hbm>> -> memref<128x128xf32, #tpu.memory_space<hbm>>
          %dma_start3A_27 = arith.constant 0 : i32
          %dma_start3A_28 = tpu.memref_slice %arg2[%mul3A_22, %dma_start3A_27] : memref<160000x128xf32, #tpu.memory_space<hbm>> -> memref<128x128xf32, #tpu.memory_space<hbm>>
          tpu.enqueue_dma source(%dma_start3A_28 : memref<128x128xf32, #tpu.memory_space<hbm>>) target(%arg9 : memref<128x128xf32, #tpu.memory_space<vmem>>) target_semaphore(%run_scoped3A : memref<!tpu.dma_semaphore, #tpu.memory_space<semaphore_mem>>)
          %dma_wait3A = arith.constant 0 : i32
          %dma_wait3A_29 = tpu.memref_slice %arg2[%mul3A_22, %dma_wait3A] : memref<160000x128xf32, #tpu.memory_space<hbm>> -> memref<128x128xf32, #tpu.memory_space<hbm>>
          %dma_wait3A_30 = arith.constant 0 : i32
          %dma_wait3A_31 = tpu.memref_slice %arg2[%mul3A_22, %dma_wait3A_30] : memref<160000x128xf32, #tpu.memory_space<hbm>> -> memref<128x128xf32, #tpu.memory_space<hbm>>
          tpu.wait_dma2 semaphore(%run_scoped3A : memref<!tpu.dma_semaphore, #tpu.memory_space<semaphore_mem>>) src(%dma_wait3A_31 : memref<128x128xf32, #tpu.memory_space<hbm>>) dst(%arg9 : memref<128x128xf32, #tpu.memory_space<vmem>>)
          tpu.yield
        }) : () -> ()
        "tpu.region"() ({
          %run_scoped3A = tpu.sem_alloc : memref<!tpu.dma_semaphore, #tpu.memory_space<semaphore_mem>>
          %dma_start3A = arith.constant 0 : i32
          %dma_start3A_26 = arith.constant 0 : i32
          %dma_start3A_27 = tpu.memref_slice %arg7[%dma_start3A, %dma_start3A_26] : memref<10240x128xf32, #tpu.memory_space<vmem_shared>> -> memref<10240x128xf32, #tpu.memory_space<vmem_shared>>
          tpu.enqueue_indirect_dma source(%arg9 : memref<128x128xf32, #tpu.memory_space<vmem>>) target(%dma_start3A_27 : memref<10240x128xf32, #tpu.memory_space<vmem_shared>>) offsets(%arg8 : memref<128xi32, #tpu.memory_space<vmem>>) semaphore(%run_scoped3A : memref<!tpu.dma_semaphore, #tpu.memory_space<semaphore_mem>>) {add = true}
          %dma_wait3A = arith.constant 0 : i32
          %dma_wait3A_28 = arith.constant 0 : i32
          %dma_wait3A_29 = tpu.memref_slice %arg7[%dma_wait3A, %dma_wait3A_28] : memref<10240x128xf32, #tpu.memory_space<vmem_shared>> -> memref<10240x128xf32, #tpu.memory_space<vmem_shared>>
          tpu.wait_indirect_dma semaphore(%run_scoped3A : memref<!tpu.dma_semaphore, #tpu.memory_space<semaphore_mem>>) src(%arg9 : memref<128x128xf32, #tpu.memory_space<vmem>>) dst(%dma_wait3A_29 : memref<10240x128xf32, #tpu.memory_space<vmem_shared>>)
          tpu.yield
        }) : () -> ()
      } else {
      }
    }
    %scan3A_5 = arith.constant 79 : i32
    %barrier3A_6 = arith.constant 0 : index
    tpu.barrier barrier_id(%barrier3A_6)
    %eq3A = arith.constant 0 : i32
    %eq3A_7 = arith.cmpi eq, %arg0, %eq3A : i32
    %convert_element_type3A = arith.extui %eq3A_7 : i1 to i32
    %cond3A = arith.constant 0 : i32
    %cond3A_8 = arith.cmpi ne, %convert_element_type3A, %cond3A : i32
    scf.if %cond3A_8 {
      %mul3A_14 = arith.constant 640 : i32
      %mul3A_15 = arith.muli %arg1, %mul3A_14 : i32
      %mul3A_16 = arith.constant 640 : i32
      %mul3A_17 = arith.muli %arg1, %mul3A_16 : i32
      "tpu.region"() ({
        %run_scoped3A = tpu.sem_alloc : memref<!tpu.dma_semaphore, #tpu.memory_space<semaphore_mem>>
        %dma_start3A = arith.constant 0 : i32
        %dma_start3A_18 = tpu.memref_slice %arg5[%mul3A_17, %dma_start3A] : memref<10240x128xf32, #tpu.memory_space<hbm>> -> memref<640x128xf32, #tpu.memory_space<hbm>>
        %dma_start3A_19 = arith.constant 0 : i32
        %dma_start3A_20 = tpu.memref_slice %arg7[%mul3A_15, %dma_start3A_19] : memref<10240x128xf32, #tpu.memory_space<vmem_shared>> -> memref<640x128xf32, #tpu.memory_space<vmem_shared>>
        tpu.enqueue_dma source(%dma_start3A_20 : memref<640x128xf32, #tpu.memory_space<vmem_shared>>) target(%dma_start3A_18 : memref<640x128xf32, #tpu.memory_space<hbm>>) target_semaphore(%run_scoped3A : memref<!tpu.dma_semaphore, #tpu.memory_space<semaphore_mem>>)
        %dma_wait3A = arith.constant 0 : i32
        %dma_wait3A_21 = tpu.memref_slice %arg5[%mul3A_17, %dma_wait3A] : memref<10240x128xf32, #tpu.memory_space<hbm>> -> memref<640x128xf32, #tpu.memory_space<hbm>>
        %dma_wait3A_22 = arith.constant 0 : i32
        %dma_wait3A_23 = tpu.memref_slice %arg7[%mul3A_15, %dma_wait3A_22] : memref<10240x128xf32, #tpu.memory_space<vmem_shared>> -> memref<640x128xf32, #tpu.memory_space<vmem_shared>>
        tpu.wait_dma2 semaphore(%run_scoped3A : memref<!tpu.dma_semaphore, #tpu.memory_space<semaphore_mem>>) src(%dma_wait3A_23 : memref<640x128xf32, #tpu.memory_space<vmem_shared>>) dst(%dma_wait3A_21 : memref<640x128xf32, #tpu.memory_space<hbm>>)
        tpu.yield
      }) : () -> ()
    } else {
    }
    %eq3A_9 = arith.constant 1 : i32
    %eq3A_10 = arith.cmpi eq, %arg0, %eq3A_9 : i32
    %convert_element_type3A_11 = arith.extui %eq3A_10 : i1 to i32
    %cond3A_12 = arith.constant 0 : i32
    %cond3A_13 = arith.cmpi ne, %convert_element_type3A_11, %cond3A_12 : i32
    scf.if %cond3A_13 {
      %mul3A_14 = arith.constant 640 : i32
      %mul3A_15 = arith.muli %arg1, %mul3A_14 : i32
      %mul3A_16 = arith.constant 640 : i32
      %mul3A_17 = arith.muli %arg1, %mul3A_16 : i32
      "tpu.region"() ({
        %run_scoped3A = tpu.sem_alloc : memref<!tpu.dma_semaphore, #tpu.memory_space<semaphore_mem>>
        %dma_start3A = arith.constant 0 : i32
        %dma_start3A_18 = tpu.memref_slice %arg6[%mul3A_17, %dma_start3A] : memref<10240x128xf32, #tpu.memory_space<hbm>> -> memref<640x128xf32, #tpu.memory_space<hbm>>
        %dma_start3A_19 = arith.constant 0 : i32
        %dma_start3A_20 = tpu.memref_slice %arg7[%mul3A_15, %dma_start3A_19] : memref<10240x128xf32, #tpu.memory_space<vmem_shared>> -> memref<640x128xf32, #tpu.memory_space<vmem_shared>>
        tpu.enqueue_dma source(%dma_start3A_20 : memref<640x128xf32, #tpu.memory_space<vmem_shared>>) target(%dma_start3A_18 : memref<640x128xf32, #tpu.memory_space<hbm>>) target_semaphore(%run_scoped3A : memref<!tpu.dma_semaphore, #tpu.memory_space<semaphore_mem>>)
        %dma_wait3A = arith.constant 0 : i32
        %dma_wait3A_21 = tpu.memref_slice %arg6[%mul3A_17, %dma_wait3A] : memref<10240x128xf32, #tpu.memory_space<hbm>> -> memref<640x128xf32, #tpu.memory_space<hbm>>
        %dma_wait3A_22 = arith.constant 0 : i32
        %dma_wait3A_23 = tpu.memref_slice %arg7[%mul3A_15, %dma_wait3A_22] : memref<10240x128xf32, #tpu.memory_space<vmem_shared>> -> memref<640x128xf32, #tpu.memory_space<vmem_shared>>
        tpu.wait_dma2 semaphore(%run_scoped3A : memref<!tpu.dma_semaphore, #tpu.memory_space<semaphore_mem>>) src(%dma_wait3A_23 : memref<640x128xf32, #tpu.memory_space<vmem_shared>>) dst(%dma_wait3A_21 : memref<640x128xf32, #tpu.memory_space<hbm>>)
        tpu.yield
      }) : () -> ()
    } else {
    }
    return
  }
}

module attributes {stable_mosaic.version = 14 : i64} {
  func.func @_tc_node_a(%arg0: i32, %arg1: memref<2048x16xf32, #tpu.memory_space<vmem>>, %arg2: memref<2048x16xf32, #tpu.memory_space<vmem>>, %arg3: memref<2048x1xf32, #tpu.memory_space<vmem>>, %arg4: memref<16x64xf32, #tpu.memory_space<vmem>>, %arg5: memref<64x64xf32, #tpu.memory_space<vmem>>, %arg6: memref<16x64xf32, #tpu.memory_space<vmem>>, %arg7: memref<16x64xf32, #tpu.memory_space<vmem>>, %arg8: memref<16x1xf32, #tpu.memory_space<vmem>>, %arg9: memref<2048x128xf32, #tpu.memory_space<vmem>>, %arg10: memref<2048x64xf32, #tpu.memory_space<vmem>>, %arg11: memref<2048x64xf32, #tpu.memory_space<vmem>>, %arg12: memref<2048x1xf32, #tpu.memory_space<vmem>>, %arg13: memref<2048x16xf32, #tpu.memory_space<vmem>>) attributes {dimension_semantics = [#tpu.dimension_semantics<arbitrary>], iteration_bounds = array<i64: 5>, scalar_prefetch = 0 : i64, scratch_operands = 0 : i64, tpu.core_type = #tpu.core_type<tc>, window_params = [{transform_indices = @transform_0, window_bounds = array<i64: 2048, 16>}, {transform_indices = @transform_1, window_bounds = array<i64: 2048, 16>}, {transform_indices = @transform_2, window_bounds = array<i64: 2048, 1>}, {pipeline_mode = #tpu.pipeline_mode<synchronous>, transform_indices = @transform_3, window_bounds = array<i64: 16, 64>}, {pipeline_mode = #tpu.pipeline_mode<synchronous>, transform_indices = @transform_4, window_bounds = array<i64: 64, 64>}, {pipeline_mode = #tpu.pipeline_mode<synchronous>, transform_indices = @transform_5, window_bounds = array<i64: 16, 64>}, {pipeline_mode = #tpu.pipeline_mode<synchronous>, transform_indices = @transform_6, window_bounds = array<i64: 16, 64>}, {pipeline_mode = #tpu.pipeline_mode<synchronous>, transform_indices = @transform_7, window_bounds = array<i64: 16, 1>}, {transform_indices = @transform_8, window_bounds = array<i64: 2048, 128>}, {transform_indices = @transform_9, window_bounds = array<i64: 2048, 64>}, {transform_indices = @transform_10, window_bounds = array<i64: 2048, 64>}, {transform_indices = @transform_11, window_bounds = array<i64: 2048, 1>}, {transform_indices = @transform_12, window_bounds = array<i64: 2048, 16>}]} {
    %get3A = arith.constant 0 : index
    %get3A_0 = arith.constant 0 : index
    %get3A_1 = vector.load %arg1[%get3A, %get3A_0] : memref<2048x16xf32, #tpu.memory_space<vmem>>, vector<2048x16xf32>
    %get3A_2 = arith.constant 0 : index
    %get3A_3 = arith.constant 0 : index
    %get3A_4 = vector.load %arg2[%get3A_2, %get3A_3] : memref<2048x16xf32, #tpu.memory_space<vmem>>, vector<2048x16xf32>
    %get3A_5 = arith.constant 0 : index
    %get3A_6 = arith.constant 0 : index
    %get3A_7 = vector.load %arg4[%get3A_5, %get3A_6] : memref<16x64xf32, #tpu.memory_space<vmem>>, vector<16x64xf32>
    %dot_general3A = arith.constant dense<0.000000e+00> : vector<2048x64xf32>
    %dot_general3A_8 = tpu.matmul %get3A_1, %get3A_7, %dot_general3A {dimension_numbers = #tpu.dot_dimension_numbers<[1], [0], [0], [1], [0, 0, 1, 1], [], []>, transpose_lhs_hint = false} : vector<2048x16xf32>, vector<16x64xf32>, vector<2048x64xf32> -> vector<2048x64xf32>
    %get3A_9 = arith.constant 0 : index
    %get3A_10 = arith.constant 0 : index
    %get3A_11 = vector.load %arg5[%get3A_9, %get3A_10] : memref<64x64xf32, #tpu.memory_space<vmem>>, vector<64x64xf32>
    %dot_general3A_12 = arith.constant dense<0.000000e+00> : vector<2048x64xf32>
    %dot_general3A_13 = tpu.matmul %dot_general3A_8, %get3A_11, %dot_general3A_12 {dimension_numbers = #tpu.dot_dimension_numbers<[1], [0], [0], [1], [0, 0, 1, 1], [], []>, transpose_lhs_hint = false} : vector<2048x64xf32>, vector<64x64xf32>, vector<2048x64xf32> -> vector<2048x64xf32>
    %broadcast_in_dim3A = arith.constant 0.000000e+00 : f32
    %broadcast_in_dim3A_14 = vector.broadcast %broadcast_in_dim3A : f32 to vector<2048x61xf32>
    %slice3A = vector.extract_strided_slice %get3A_4 {offsets = [0, 0], sizes = [2048, 3], strides = [1, 1]} : vector<2048x16xf32> to vector<2048x3xf32>
    %concatenate3A = tpu.concatenate %dot_general3A_13, %slice3A, %broadcast_in_dim3A_14 in 1 : vector<2048x64xf32>, vector<2048x3xf32>, vector<2048x61xf32> -> vector<2048x128xf32>
    %swap3A = arith.constant 0 : index
    %swap3A_15 = arith.constant 0 : index
    %swap3A_16 = vector.load %arg9[%swap3A, %swap3A_15] : memref<2048x128xf32, #tpu.memory_space<vmem>>, vector<2048x128xf32>
    tpu.vector_store %arg9[%swap3A, %swap3A_15], %concatenate3A {strides = array<i32>} : memref<2048x128xf32, #tpu.memory_space<vmem>>, vector<2048x128xf32>,
    %get3A_17 = arith.constant 0 : index
    %get3A_18 = arith.constant 0 : index
    %get3A_19 = vector.load %arg6[%get3A_17, %get3A_18] : memref<16x64xf32, #tpu.memory_space<vmem>>, vector<16x64xf32>
    %dot_general3A_20 = arith.constant dense<0.000000e+00> : vector<2048x64xf32>
    %dot_general3A_21 = tpu.matmul %get3A_1, %get3A_19, %dot_general3A_20 {dimension_numbers = #tpu.dot_dimension_numbers<[1], [0], [0], [1], [0, 0, 1, 1], [], []>, transpose_lhs_hint = false} : vector<2048x16xf32>, vector<16x64xf32>, vector<2048x64xf32> -> vector<2048x64xf32>
    %swap3A_22 = arith.constant 0 : index
    %swap3A_23 = arith.constant 0 : index
    %swap3A_24 = vector.load %arg10[%swap3A_22, %swap3A_23] : memref<2048x64xf32, #tpu.memory_space<vmem>>, vector<2048x64xf32>
    tpu.vector_store %arg10[%swap3A_22, %swap3A_23], %dot_general3A_21 {strides = array<i32>} : memref<2048x64xf32, #tpu.memory_space<vmem>>, vector<2048x64xf32>,
    %get3A_25 = arith.constant 0 : index
    %get3A_26 = arith.constant 0 : index
    %get3A_27 = vector.load %arg7[%get3A_25, %get3A_26] : memref<16x64xf32, #tpu.memory_space<vmem>>, vector<16x64xf32>
    %dot_general3A_28 = arith.constant dense<0.000000e+00> : vector<2048x64xf32>
    %dot_general3A_29 = tpu.matmul %get3A_1, %get3A_27, %dot_general3A_28 {dimension_numbers = #tpu.dot_dimension_numbers<[1], [0], [0], [1], [0, 0, 1, 1], [], []>, transpose_lhs_hint = false} : vector<2048x16xf32>, vector<16x64xf32>, vector<2048x64xf32> -> vector<2048x64xf32>
    %swap3A_30 = arith.constant 0 : index
    %swap3A_31 = arith.constant 0 : index
    %swap3A_32 = vector.load %arg11[%swap3A_30, %swap3A_31] : memref<2048x64xf32, #tpu.memory_space<vmem>>, vector<2048x64xf32>
    tpu.vector_store %arg11[%swap3A_30, %swap3A_31], %dot_general3A_29 {strides = array<i32>} : memref<2048x64xf32, #tpu.memory_space<vmem>>, vector<2048x64xf32>,
    %get3A_33 = arith.constant 0 : index
    %get3A_34 = arith.constant 0 : index
    %get3A_35 = vector.load %arg8[%get3A_33, %get3A_34] : memref<16x1xf32, #tpu.memory_space<vmem>>, vector<16x1xf32>
    %dot_general3A_36 = arith.constant dense<0.000000e+00> : vector<2048x1xf32>
    %dot_general3A_37 = tpu.matmul %get3A_1, %get3A_35, %dot_general3A_36 {dimension_numbers = #tpu.dot_dimension_numbers<[1], [0], [0], [1], [0, 0, 1, 1], [], []>, transpose_lhs_hint = false} : vector<2048x16xf32>, vector<16x1xf32>, vector<2048x1xf32> -> vector<2048x1xf32>
    %swap3A_38 = arith.constant 0 : index
    %swap3A_39 = arith.constant 0 : index
    %swap3A_40 = vector.load %arg12[%swap3A_38, %swap3A_39] : memref<2048x1xf32, #tpu.memory_space<vmem>>, vector<2048x1xf32>
    tpu.vector_store %arg12[%swap3A_38, %swap3A_39], %dot_general3A_37 {strides = array<i32>} : memref<2048x1xf32, #tpu.memory_space<vmem>>, vector<2048x1xf32>,
    %get3A_41 = arith.constant 0 : index
    %get3A_42 = arith.constant 0 : index
    %get3A_43 = vector.load %arg3[%get3A_41, %get3A_42] : memref<2048x1xf32, #tpu.memory_space<vmem>>, vector<2048x1xf32>
    %mul3A = vector.broadcast %get3A_43 : vector<2048x1xf32> to vector<2048x16xf32>
    %mul3A_44 = arith.mulf %get3A_4, %mul3A : vector<2048x16xf32>
    %swap3A_45 = arith.constant 0 : index
    %swap3A_46 = arith.constant 0 : index
    %swap3A_47 = vector.load %arg13[%swap3A_45, %swap3A_46] : memref<2048x16xf32, #tpu.memory_space<vmem>>, vector<2048x16xf32>
    tpu.vector_store %arg13[%swap3A_45, %swap3A_46], %mul3A_44 {strides = array<i32>} : memref<2048x16xf32, #tpu.memory_space<vmem>>, vector<2048x16xf32>,
    return
  }
  func.func @transform_0(%arg0: i32) -> (i32, i32) {
    %c0_i32 = arith.constant 0 : i32
    %c0_i32_0 = arith.constant 0 : i32
    return %arg0, %c0_i32 : i32, i32
  }
  func.func @transform_1(%arg0: i32) -> (i32, i32) {
    %c0_i32 = arith.constant 0 : i32
    %c0_i32_0 = arith.constant 0 : i32
    return %arg0, %c0_i32 : i32, i32
  }
  func.func @transform_2(%arg0: i32) -> (i32, i32) {
    %c0_i32 = arith.constant 0 : i32
    %c0_i32_0 = arith.constant 0 : i32
    return %arg0, %c0_i32 : i32, i32
  }
  func.func @transform_3(%arg0: i32) -> (i32, i32) {
    %c0_i32 = arith.constant 0 : i32
    %c0_i32_0 = arith.constant 0 : i32
    %c0_i32_1 = arith.constant 0 : i32
    return %c0_i32, %c0_i32_0 : i32, i32
  }
  func.func @transform_4(%arg0: i32) -> (i32, i32) {
    %c0_i32 = arith.constant 0 : i32
    %c0_i32_0 = arith.constant 0 : i32
    %c0_i32_1 = arith.constant 0 : i32
    return %c0_i32, %c0_i32_0 : i32, i32
  }
  func.func @transform_5(%arg0: i32) -> (i32, i32) {
    %c0_i32 = arith.constant 0 : i32
    %c0_i32_0 = arith.constant 0 : i32
    %c0_i32_1 = arith.constant 0 : i32
    return %c0_i32, %c0_i32_0 : i32, i32
  }
  func.func @transform_6(%arg0: i32) -> (i32, i32) {
    %c0_i32 = arith.constant 0 : i32
    %c0_i32_0 = arith.constant 0 : i32
    %c0_i32_1 = arith.constant 0 : i32
    return %c0_i32, %c0_i32_0 : i32, i32
  }
  func.func @transform_7(%arg0: i32) -> (i32, i32) {
    %c0_i32 = arith.constant 0 : i32
    %c0_i32_0 = arith.constant 0 : i32
    %c0_i32_1 = arith.constant 0 : i32
    return %c0_i32, %c0_i32_0 : i32, i32
  }
  func.func @transform_8(%arg0: i32) -> (i32, i32) {
    %c0_i32 = arith.constant 0 : i32
    %c0_i32_0 = arith.constant 0 : i32
    return %arg0, %c0_i32 : i32, i32
  }
  func.func @transform_9(%arg0: i32) -> (i32, i32) {
    %c0_i32 = arith.constant 0 : i32
    %c0_i32_0 = arith.constant 0 : i32
    return %arg0, %c0_i32 : i32, i32
  }
  func.func @transform_10(%arg0: i32) -> (i32, i32) {
    %c0_i32 = arith.constant 0 : i32
    %c0_i32_0 = arith.constant 0 : i32
    return %arg0, %c0_i32 : i32, i32
  }
  func.func @transform_11(%arg0: i32) -> (i32, i32) {
    %c0_i32 = arith.constant 0 : i32
    %c0_i32_0 = arith.constant 0 : i32
    return %arg0, %c0_i32 : i32, i32
  }
  func.func @transform_12(%arg0: i32) -> (i32, i32) {
    %c0_i32 = arith.constant 0 : i32
    %c0_i32_0 = arith.constant 0 : i32
    return %arg0, %c0_i32 : i32, i32
  }
}

module attributes {stable_mosaic.version = 14 : i64} {
  func.func @_tc_edge1(%arg0: i32, %arg1: memref<2000x128xf32, #tpu.memory_space<vmem>>, %arg2: memref<2000x128xf32, #tpu.memory_space<vmem>>, %arg3: memref<8x64xf32, #tpu.memory_space<vmem>>, %arg4: memref<64x64xf32, #tpu.memory_space<vmem>>, %arg5: memref<64x64xf32, #tpu.memory_space<vmem>>, %arg6: memref<64x256xf32, #tpu.memory_space<vmem>>, %arg7: memref<2000x128xf32, #tpu.memory_space<vmem>>, %arg8: memref<2000x128xf32, #tpu.memory_space<vmem>>, %arg9: memref<2000x16xf32, #tpu.memory_space<vmem>>) attributes {dimension_semantics = [#tpu.dimension_semantics<arbitrary>], iteration_bounds = array<i64: 80>, scalar_prefetch = 0 : i64, scratch_operands = 0 : i64, tpu.core_type = #tpu.core_type<tc>, window_params = [{transform_indices = @transform_0, window_bounds = array<i64: 2000, 128>}, {transform_indices = @transform_1, window_bounds = array<i64: 2000, 128>}, {pipeline_mode = #tpu.pipeline_mode<synchronous>, transform_indices = @transform_2, window_bounds = array<i64: 8, 64>}, {pipeline_mode = #tpu.pipeline_mode<synchronous>, transform_indices = @transform_3, window_bounds = array<i64: 64, 64>}, {pipeline_mode = #tpu.pipeline_mode<synchronous>, transform_indices = @transform_4, window_bounds = array<i64: 64, 64>}, {pipeline_mode = #tpu.pipeline_mode<synchronous>, transform_indices = @transform_5, window_bounds = array<i64: 64, 256>}, {transform_indices = @transform_6, window_bounds = array<i64: 2000, 128>}, {transform_indices = @transform_7, window_bounds = array<i64: 2000, 128>}, {transform_indices = @transform_8, window_bounds = array<i64: 2000, 16>}]} {
    %get3A = arith.constant 0 : index
    %get3A_0 = arith.constant 0 : index
    %get3A_1 = vector.load %arg1[%get3A, %get3A_0] : memref<2000x128xf32, #tpu.memory_space<vmem>>, vector<2000x128xf32>
    %get3A_2 = arith.constant 0 : index
    %get3A_3 = arith.constant 0 : index
    %get3A_4 = vector.load %arg2[%get3A_2, %get3A_3] : memref<2000x128xf32, #tpu.memory_space<vmem>>, vector<2000x128xf32>
    %slice3A = vector.extract_strided_slice %get3A_4 {offsets = [0, 64], sizes = [2000, 3], strides = [1, 1]} : vector<2000x128xf32> to vector<2000x3xf32>
    %slice3A_5 = vector.extract_strided_slice %get3A_1 {offsets = [0, 64], sizes = [2000, 3], strides = [1, 1]} : vector<2000x128xf32> to vector<2000x3xf32>
    %sub3A = arith.subf %slice3A, %slice3A_5 : vector<2000x3xf32>
    %mul3A = arith.mulf %sub3A, %sub3A : vector<2000x3xf32>
    %reduce_sum3A = arith.constant dense<0.000000e+00> : vector<2000xf32>
    %reduce_sum3A_6 = vector.multi_reduction <add>, %mul3A, %reduce_sum3A [1] : vector<2000x3xf32> to vector<2000xf32>
    %broadcast_in_dim3A = vector.shape_cast %reduce_sum3A_6 : vector<2000xf32> to vector<2000x1xf32>
    %add3A = arith.constant 9.99999996E-13 : f32
    %add3A_7 = vector.broadcast %add3A : f32 to vector<2000x1xf32>
    %add3A_8 = arith.addf %broadcast_in_dim3A, %add3A_7 : vector<2000x1xf32>
    %sqrt3A = math.sqrt %add3A_8 : vector<2000x1xf32>
    %div3A = vector.broadcast %sqrt3A : vector<2000x1xf32> to vector<2000x3xf32>
    %div3A_9 = arith.divf %sub3A, %div3A : vector<2000x3xf32>
    %max3A = arith.constant 9.99999997E-7 : f32
    %max3A_10 = vector.broadcast %max3A : f32 to vector<2000x1xf32>
    %max3A_11 = arith.maximumf %sqrt3A, %max3A_10 : vector<2000x1xf32>
    %iota3A = tpu.iota {dimensions = array<i32: 1>} : vector<1x8xi32>
    %convert_element_type3A = arith.sitofp %iota3A : vector<1x8xi32> to vector<1x8xf32>
    %add3A_12 = arith.constant 1.000000e+00 : f32
    %add3A_13 = vector.broadcast %add3A_12 : f32 to vector<1x8xf32>
    %add3A_14 = arith.addf %convert_element_type3A, %add3A_13 : vector<1x8xf32>
    %mul3A_15 = arith.constant 0.628318548 : f32
    %mul3A_16 = vector.broadcast %mul3A_15 : f32 to vector<1x8xf32>
    %mul3A_17 = arith.mulf %add3A_14, %mul3A_16 : vector<1x8xf32>
    %mul3A_18 = vector.broadcast %mul3A_17 : vector<1x8xf32> to vector<2000x8xf32>
    %mul3A_19 = vector.broadcast %max3A_11 : vector<2000x1xf32> to vector<2000x8xf32>
    %mul3A_20 = arith.mulf %mul3A_18, %mul3A_19 : vector<2000x8xf32>
    %sqrt3A_21 = arith.constant 4.000000e-01 : f32
    %sqrt3A_22 = math.sqrt %sqrt3A_21 : f32
    %mul3A_23 = arith.constant 0.318309873 : f32
    %mul3A_24 = vector.broadcast %mul3A_23 : f32 to vector<2000x8xf32>
    %mul3A_25 = arith.mulf %mul3A_20, %mul3A_24 : vector<2000x8xf32>
    %add3A_26 = arith.constant 5.000000e-01 : f32
    %add3A_27 = vector.broadcast %add3A_26 : f32 to vector<2000x8xf32>
    %add3A_28 = arith.addf %mul3A_25, %add3A_27 : vector<2000x8xf32>
    %floor3A = math.floor %add3A_28 : vector<2000x8xf32>
    %mul3A_29 = arith.constant 3.14159274 : f32
    %mul3A_30 = vector.broadcast %mul3A_29 : f32 to vector<2000x8xf32>
    %mul3A_31 = arith.mulf %floor3A, %mul3A_30 : vector<2000x8xf32>
    %sub3A_32 = arith.subf %mul3A_20, %mul3A_31 : vector<2000x8xf32>
    %mul3A_33 = arith.constant 5.000000e-01 : f32
    %mul3A_34 = vector.broadcast %mul3A_33 : f32 to vector<2000x8xf32>
    %mul3A_35 = arith.mulf %floor3A, %mul3A_34 : vector<2000x8xf32>
    %floor3A_36 = math.floor %mul3A_35 : vector<2000x8xf32>
    %mul3A_37 = arith.constant 2.000000e+00 : f32
    %mul3A_38 = vector.broadcast %mul3A_37 : f32 to vector<2000x8xf32>
    %mul3A_39 = arith.mulf %mul3A_38, %floor3A_36 : vector<2000x8xf32>
    %sub3A_40 = arith.subf %floor3A, %mul3A_39 : vector<2000x8xf32>
    %mul3A_41 = arith.constant 2.000000e+00 : f32
    %mul3A_42 = vector.broadcast %mul3A_41 : f32 to vector<2000x8xf32>
    %mul3A_43 = arith.mulf %mul3A_42, %sub3A_40 : vector<2000x8xf32>
    %sub3A_44 = arith.constant 1.000000e+00 : f32
    %sub3A_45 = vector.broadcast %sub3A_44 : f32 to vector<2000x8xf32>
    %sub3A_46 = arith.subf %sub3A_45, %mul3A_43 : vector<2000x8xf32>
    %mul3A_47 = arith.mulf %sub3A_32, %sub3A_32 : vector<2000x8xf32>
    %mul3A_48 = arith.constant 2.50521079E-8 : f32
    %mul3A_49 = vector.broadcast %mul3A_48 : f32 to vector<2000x8xf32>
    %mul3A_50 = arith.mulf %mul3A_49, %mul3A_47 : vector<2000x8xf32>
    %sub3A_51 = arith.constant 2.75573188E-6 : f32
    %sub3A_52 = vector.broadcast %sub3A_51 : f32 to vector<2000x8xf32>
    %sub3A_53 = arith.subf %mul3A_50, %sub3A_52 : vector<2000x8xf32>
    %mul3A_54 = arith.mulf %sub3A_53, %mul3A_47 : vector<2000x8xf32>
    %add3A_55 = arith.constant 1.98412701E-4 : f32
    %add3A_56 = vector.broadcast %add3A_55 : f32 to vector<2000x8xf32>
    %add3A_57 = arith.addf %mul3A_54, %add3A_56 : vector<2000x8xf32>
    %mul3A_58 = arith.mulf %add3A_57, %mul3A_47 : vector<2000x8xf32>
    %sub3A_59 = arith.constant 0.00833333377 : f32
    %sub3A_60 = vector.broadcast %sub3A_59 : f32 to vector<2000x8xf32>
    %sub3A_61 = arith.subf %mul3A_58, %sub3A_60 : vector<2000x8xf32>
    %mul3A_62 = arith.mulf %sub3A_61, %mul3A_47 : vector<2000x8xf32>
    %add3A_63 = arith.constant 0.166666672 : f32
    %add3A_64 = vector.broadcast %add3A_63 : f32 to vector<2000x8xf32>
    %add3A_65 = arith.addf %mul3A_62, %add3A_64 : vector<2000x8xf32>
    %mul3A_66 = arith.mulf %sub3A_32, %mul3A_47 : vector<2000x8xf32>
    %mul3A_67 = arith.mulf %mul3A_66, %add3A_65 : vector<2000x8xf32>
    %sub3A_68 = arith.subf %sub3A_32, %mul3A_67 : vector<2000x8xf32>
    %mul3A_69 = arith.mulf %sub3A_46, %sub3A_68 : vector<2000x8xf32>
    %mul3A_70 = vector.broadcast %sqrt3A_22 : f32 to vector<2000x8xf32>
    %mul3A_71 = arith.mulf %mul3A_70, %mul3A_69 : vector<2000x8xf32>
    %div3A_72 = vector.broadcast %max3A_11 : vector<2000x1xf32> to vector<2000x8xf32>
    %div3A_73 = arith.divf %mul3A_71, %div3A_72 : vector<2000x8xf32>
    %div3A_74 = arith.constant 5.000000e+00 : f32
    %div3A_75 = vector.broadcast %div3A_74 : f32 to vector<2000x1xf32>
    %div3A_76 = arith.divf %sqrt3A, %div3A_75 : vector<2000x1xf32>
    %mul3A_77 = arith.mulf %div3A_76, %div3A_76 : vector<2000x1xf32>
    %mul3A_78 = arith.mulf %mul3A_77, %mul3A_77 : vector<2000x1xf32>
    %mul3A_79 = arith.mulf %mul3A_78, %div3A_76 : vector<2000x1xf32>
    %mul3A_80 = arith.constant 2.100000e+01 : f32
    %mul3A_81 = vector.broadcast %mul3A_80 : f32 to vector<2000x1xf32>
    %mul3A_82 = arith.mulf %mul3A_81, %mul3A_79 : vector<2000x1xf32>
    %sub3A_83 = arith.constant 1.000000e+00 : f32
    %sub3A_84 = vector.broadcast %sub3A_83 : f32 to vector<2000x1xf32>
    %sub3A_85 = arith.subf %sub3A_84, %mul3A_82 : vector<2000x1xf32>
    %mul3A_86 = arith.constant 3.500000e+01 : f32
    %mul3A_87 = vector.broadcast %mul3A_86 : f32 to vector<2000x1xf32>
    %mul3A_88 = arith.mulf %mul3A_87, %mul3A_79 : vector<2000x1xf32>
    %mul3A_89 = arith.mulf %mul3A_88, %div3A_76 : vector<2000x1xf32>
    %add3A_90 = arith.addf %sub3A_85, %mul3A_89 : vector<2000x1xf32>
    %mul3A_91 = arith.constant 1.500000e+01 : f32
    %mul3A_92 = vector.broadcast %mul3A_91 : f32 to vector<2000x1xf32>
    %mul3A_93 = arith.mulf %mul3A_92, %mul3A_79 : vector<2000x1xf32>
    %mul3A_94 = arith.mulf %mul3A_93, %mul3A_77 : vector<2000x1xf32>
    %sub3A_95 = arith.subf %add3A_90, %mul3A_94 : vector<2000x1xf32>
    %lt3A = arith.constant 1.000000e+00 : f32
    %lt3A_96 = vector.broadcast %lt3A : f32 to vector<2000x1xf32>
    %lt3A_97 = arith.cmpf olt, %div3A_76, %lt3A_96 : vector<2000x1xf32>
    %jit3A = arith.constant 0.000000e+00 : f32
    %broadcast_in_dim3A_98 = vector.broadcast %jit3A : f32 to vector<2000x1xf32>
    %select_n3A = arith.select %lt3A_97, %sub3A_95, %broadcast_in_dim3A_98 : vector<2000x1xi1>, vector<2000x1xf32>
    %mul3A_99 = vector.broadcast %select_n3A : vector<2000x1xf32> to vector<2000x8xf32>
    %mul3A_100 = arith.mulf %div3A_73, %mul3A_99 : vector<2000x8xf32>
    %get3A_101 = arith.constant 0 : index
    %get3A_102 = arith.constant 0 : index
    %get3A_103 = vector.load %arg3[%get3A_101, %get3A_102] : memref<8x64xf32, #tpu.memory_space<vmem>>, vector<8x64xf32>
    %get3A_104 = arith.constant 0 : index
    %get3A_105 = arith.constant 0 : index
    %get3A_106 = vector.load %arg4[%get3A_104, %get3A_105] : memref<64x64xf32, #tpu.memory_space<vmem>>, vector<64x64xf32>
    %get3A_107 = arith.constant 0 : index
    %get3A_108 = arith.constant 0 : index
    %get3A_109 = vector.load %arg5[%get3A_107, %get3A_108] : memref<64x64xf32, #tpu.memory_space<vmem>>, vector<64x64xf32>
    %dot_general3A = arith.constant dense<0.000000e+00> : vector<2000x64xf32>
    %dot_general3A_110 = tpu.matmul %mul3A_100, %get3A_103, %dot_general3A {dimension_numbers = #tpu.dot_dimension_numbers<[1], [0], [0], [1], [0, 0, 1, 1], [], []>, transpose_lhs_hint = false} : vector<2000x8xf32>, vector<8x64xf32>, vector<2000x64xf32> -> vector<2000x64xf32>
    %neg3A = arith.constant 0.000000e+00 : f32
    %neg3A_111 = vector.broadcast %neg3A : f32 to vector<2000x64xf32>
    %neg3A_112 = arith.subf %neg3A_111, %dot_general3A_110 : vector<2000x64xf32>
    %exp3A = math.exp %neg3A_112 : vector<2000x64xf32>
    %add3A_113 = arith.constant 1.000000e+00 : f32
    %add3A_114 = vector.broadcast %add3A_113 : f32 to vector<2000x64xf32>
    %add3A_115 = arith.addf %add3A_114, %exp3A : vector<2000x64xf32>
    %div3A_116 = arith.divf %dot_general3A_110, %add3A_115 : vector<2000x64xf32>
    %dot_general3A_117 = arith.constant dense<0.000000e+00> : vector<2000x64xf32>
    %dot_general3A_118 = tpu.matmul %div3A_116, %get3A_106, %dot_general3A_117 {dimension_numbers = #tpu.dot_dimension_numbers<[1], [0], [0], [1], [0, 0, 1, 1], [], []>, transpose_lhs_hint = false} : vector<2000x64xf32>, vector<64x64xf32>, vector<2000x64xf32> -> vector<2000x64xf32>
    %neg3A_119 = arith.constant 0.000000e+00 : f32
    %neg3A_120 = vector.broadcast %neg3A_119 : f32 to vector<2000x64xf32>
    %neg3A_121 = arith.subf %neg3A_120, %dot_general3A_118 : vector<2000x64xf32>
    %exp3A_122 = math.exp %neg3A_121 : vector<2000x64xf32>
    %add3A_123 = arith.constant 1.000000e+00 : f32
    %add3A_124 = vector.broadcast %add3A_123 : f32 to vector<2000x64xf32>
    %add3A_125 = arith.addf %add3A_124, %exp3A_122 : vector<2000x64xf32>
    %div3A_126 = arith.divf %dot_general3A_118, %add3A_125 : vector<2000x64xf32>
    %dot_general3A_127 = arith.constant dense<0.000000e+00> : vector<2000x64xf32>
    %dot_general3A_128 = tpu.matmul %div3A_126, %get3A_109, %dot_general3A_127 {dimension_numbers = #tpu.dot_dimension_numbers<[1], [0], [0], [1], [0, 0, 1, 1], [], []>, transpose_lhs_hint = false} : vector<2000x64xf32>, vector<64x64xf32>, vector<2000x64xf32> -> vector<2000x64xf32>
    %neg3A_129 = arith.constant 0.000000e+00 : f32
    %neg3A_130 = vector.broadcast %neg3A_129 : f32 to vector<2000x64xf32>
    %neg3A_131 = arith.subf %neg3A_130, %dot_general3A_128 : vector<2000x64xf32>
    %exp3A_132 = math.exp %neg3A_131 : vector<2000x64xf32>
    %add3A_133 = arith.constant 1.000000e+00 : f32
    %add3A_134 = vector.broadcast %add3A_133 : f32 to vector<2000x64xf32>
    %add3A_135 = arith.addf %add3A_134, %exp3A_132 : vector<2000x64xf32>
    %div3A_136 = arith.divf %dot_general3A_128, %add3A_135 : vector<2000x64xf32>
    %get3A_137 = arith.constant 0 : index
    %get3A_138 = arith.constant 0 : index
    %get3A_139 = vector.load %arg6[%get3A_137, %get3A_138] : memref<64x256xf32, #tpu.memory_space<vmem>>, vector<64x256xf32>
    %dot_general3A_140 = arith.constant dense<0.000000e+00> : vector<2000x256xf32>
    %dot_general3A_141 = tpu.matmul %div3A_136, %get3A_139, %dot_general3A_140 {dimension_numbers = #tpu.dot_dimension_numbers<[1], [0], [0], [1], [0, 0, 1, 1], [], []>, transpose_lhs_hint = false} : vector<2000x64xf32>, vector<64x256xf32>, vector<2000x256xf32> -> vector<2000x256xf32>
    %slice3A_142 = vector.extract_strided_slice %get3A_1 {offsets = [0, 0], sizes = [2000, 64], strides = [1, 1]} : vector<2000x128xf32> to vector<2000x64xf32>
    %slice3A_143 = vector.extract_strided_slice %div3A_9 {offsets = [0, 0], sizes = [2000, 1], strides = [1, 1]} : vector<2000x3xf32> to vector<2000x1xf32>
    %mul3A_144 = arith.constant 1.73205078 : f32
    %mul3A_145 = vector.broadcast %mul3A_144 : f32 to vector<2000x1xf32>
    %mul3A_146 = arith.mulf %mul3A_145, %slice3A_143 : vector<2000x1xf32>
    %slice3A_147 = vector.extract_strided_slice %div3A_9 {offsets = [0, 1], sizes = [2000, 1], strides = [1, 1]} : vector<2000x3xf32> to vector<2000x1xf32>
    %mul3A_148 = arith.constant 1.73205078 : f32
    %mul3A_149 = vector.broadcast %mul3A_148 : f32 to vector<2000x1xf32>
    %mul3A_150 = arith.mulf %mul3A_149, %slice3A_147 : vector<2000x1xf32>
    %slice3A_151 = vector.extract_strided_slice %div3A_9 {offsets = [0, 2], sizes = [2000, 1], strides = [1, 1]} : vector<2000x3xf32> to vector<2000x1xf32>
    %mul3A_152 = arith.constant 1.73205078 : f32
    %mul3A_153 = vector.broadcast %mul3A_152 : f32 to vector<2000x1xf32>
    %mul3A_154 = arith.mulf %mul3A_153, %slice3A_151 : vector<2000x1xf32>
    %slice3A_155 = vector.extract_strided_slice %dot_general3A_141 {offsets = [0, 0], sizes = [2000, 64], strides = [1, 1]} : vector<2000x256xf32> to vector<2000x64xf32>
    %mul3A_156 = arith.mulf %slice3A_155, %slice3A_142 : vector<2000x64xf32>
    %slice3A_157 = vector.extract_strided_slice %dot_general3A_141 {offsets = [0, 64], sizes = [2000, 64], strides = [1, 1]} : vector<2000x256xf32> to vector<2000x64xf32>
    %mul3A_158 = arith.mulf %slice3A_157, %slice3A_142 : vector<2000x64xf32>
    %mul3A_159 = vector.broadcast %mul3A_146 : vector<2000x1xf32> to vector<2000x64xf32>
    %mul3A_160 = arith.mulf %mul3A_158, %mul3A_159 : vector<2000x64xf32>
    %concatenate3A = tpu.concatenate %mul3A_156, %mul3A_160 in 1 : vector<2000x64xf32>, vector<2000x64xf32> -> vector<2000x128xf32>
    %swap3A = arith.constant 0 : index
    %swap3A_161 = arith.constant 0 : index
    %swap3A_162 = vector.load %arg7[%swap3A, %swap3A_161] : memref<2000x128xf32, #tpu.memory_space<vmem>>, vector<2000x128xf32>
    tpu.vector_store %arg7[%swap3A, %swap3A_161], %concatenate3A {strides = array<i32>} : memref<2000x128xf32, #tpu.memory_space<vmem>>, vector<2000x128xf32>,
    %slice3A_163 = vector.extract_strided_slice %dot_general3A_141 {offsets = [0, 128], sizes = [2000, 64], strides = [1, 1]} : vector<2000x256xf32> to vector<2000x64xf32>
    %mul3A_164 = arith.mulf %slice3A_163, %slice3A_142 : vector<2000x64xf32>
    %mul3A_165 = vector.broadcast %mul3A_150 : vector<2000x1xf32> to vector<2000x64xf32>
    %mul3A_166 = arith.mulf %mul3A_164, %mul3A_165 : vector<2000x64xf32>
    %slice3A_167 = vector.extract_strided_slice %dot_general3A_141 {offsets = [0, 192], sizes = [2000, 64], strides = [1, 1]} : vector<2000x256xf32> to vector<2000x64xf32>
    %mul3A_168 = arith.mulf %slice3A_167, %slice3A_142 : vector<2000x64xf32>
    %mul3A_169 = vector.broadcast %mul3A_154 : vector<2000x1xf32> to vector<2000x64xf32>
    %mul3A_170 = arith.mulf %mul3A_168, %mul3A_169 : vector<2000x64xf32>
    %concatenate3A_171 = tpu.concatenate %mul3A_166, %mul3A_170 in 1 : vector<2000x64xf32>, vector<2000x64xf32> -> vector<2000x128xf32>
    %swap3A_172 = arith.constant 0 : index
    %swap3A_173 = arith.constant 0 : index
    %swap3A_174 = vector.load %arg8[%swap3A_172, %swap3A_173] : memref<2000x128xf32, #tpu.memory_space<vmem>>, vector<2000x128xf32>
    tpu.vector_store %arg8[%swap3A_172, %swap3A_173], %concatenate3A_171 {strides = array<i32>} : memref<2000x128xf32, #tpu.memory_space<vmem>>, vector<2000x128xf32>,
    %broadcast_in_dim3A_175 = arith.constant 0.000000e+00 : f32
    %broadcast_in_dim3A_176 = vector.broadcast %broadcast_in_dim3A_175 : f32 to vector<2000x4xf32>
    %concatenate3A_177 = tpu.concatenate %sqrt3A, %div3A_9, %mul3A_100, %broadcast_in_dim3A_176 in 1 : vector<2000x1xf32>, vector<2000x3xf32>, vector<2000x8xf32>, vector<2000x4xf32> -> vector<2000x16xf32>
    %swap3A_178 = arith.constant 0 : index
    %swap3A_179 = arith.constant 0 : index
    %swap3A_180 = vector.load %arg9[%swap3A_178, %swap3A_179] : memref<2000x16xf32, #tpu.memory_space<vmem>>, vector<2000x16xf32>
    tpu.vector_store %arg9[%swap3A_178, %swap3A_179], %concatenate3A_177 {strides = array<i32>} : memref<2000x16xf32, #tpu.memory_space<vmem>>, vector<2000x16xf32>,
    return
  }
  func.func @transform_0(%arg0: i32) -> (i32, i32) {
    %c0_i32 = arith.constant 0 : i32
    %c0_i32_0 = arith.constant 0 : i32
    return %arg0, %c0_i32 : i32, i32
  }
  func.func @transform_1(%arg0: i32) -> (i32, i32) {
    %add3A = arith.constant 80 : i32
    %add3A_0 = arith.addi %add3A, %arg0 : i32
    %c0_i32 = arith.constant 0 : i32
    %c0_i32_1 = arith.constant 0 : i32
    return %add3A_0, %c0_i32 : i32, i32
  }
  func.func @transform_2(%arg0: i32) -> (i32, i32) {
    %c0_i32 = arith.constant 0 : i32
    %c0_i32_0 = arith.constant 0 : i32
    %c0_i32_1 = arith.constant 0 : i32
    return %c0_i32, %c0_i32_0 : i32, i32
  }
  func.func @transform_3(%arg0: i32) -> (i32, i32) {
    %c0_i32 = arith.constant 0 : i32
    %c0_i32_0 = arith.constant 0 : i32
    %c0_i32_1 = arith.constant 0 : i32
    return %c0_i32, %c0_i32_0 : i32, i32
  }
  func.func @transform_4(%arg0: i32) -> (i32, i32) {
    %c0_i32 = arith.constant 0 : i32
    %c0_i32_0 = arith.constant 0 : i32
    %c0_i32_1 = arith.constant 0 : i32
    return %c0_i32, %c0_i32_0 : i32, i32
  }
  func.func @transform_5(%arg0: i32) -> (i32, i32) {
    %c0_i32 = arith.constant 0 : i32
    %c0_i32_0 = arith.constant 0 : i32
    %c0_i32_1 = arith.constant 0 : i32
    return %c0_i32, %c0_i32_0 : i32, i32
  }
  func.func @transform_6(%arg0: i32) -> (i32, i32) {
    %c0_i32 = arith.constant 0 : i32
    %c0_i32_0 = arith.constant 0 : i32
    return %arg0, %c0_i32 : i32, i32
  }
  func.func @transform_7(%arg0: i32) -> (i32, i32) {
    %c0_i32 = arith.constant 0 : i32
    %c0_i32_0 = arith.constant 0 : i32
    return %arg0, %c0_i32 : i32, i32
  }
  func.func @transform_8(%arg0: i32) -> (i32, i32) {
    %c0_i32 = arith.constant 0 : i32
    %c0_i32_0 = arith.constant 0 : i32
    return %arg0, %c0_i32 : i32, i32
  }
}

module attributes {stable_mosaic.version = 14 : i64} {
  func.func @_tc_node_b(%arg0: i32, %arg1: memref<2048x128xf32, #tpu.memory_space<vmem>>, %arg2: memref<2048x128xf32, #tpu.memory_space<vmem>>, %arg3: memref<2048x64xf32, #tpu.memory_space<vmem>>, %arg4: memref<2048x16xf32, #tpu.memory_space<vmem>>, %arg5: memref<4x64x64xf32, #tpu.memory_space<vmem>>, %arg6: memref<10x64x64xf32, #tpu.memory_space<vmem>>, %arg7: memref<64x64xf32, #tpu.memory_space<vmem>>, %arg8: memref<64x1xf32, #tpu.memory_space<vmem>>, %arg9: memref<64x1xf32, #tpu.memory_space<vmem>>, %arg10: memref<2048x128xf32, #tpu.memory_space<vmem>>, %arg11: memref<2048x128xf32, #tpu.memory_space<vmem>>, %arg12: memref<2048x128xf32, #tpu.memory_space<vmem>>, %arg13: memref<2048x1xf32, #tpu.memory_space<vmem>>, %arg14: memref<2048x8xf32, #tpu.memory_space<vmem>>) attributes {dimension_semantics = [#tpu.dimension_semantics<arbitrary>], iteration_bounds = array<i64: 5>, scalar_prefetch = 0 : i64, scratch_operands = 0 : i64, tpu.core_type = #tpu.core_type<tc>, window_params = [{transform_indices = @transform_0, window_bounds = array<i64: 2048, 128>}, {transform_indices = @transform_1, window_bounds = array<i64: 2048, 128>}, {transform_indices = @transform_2, window_bounds = array<i64: 2048, 64>}, {transform_indices = @transform_3, window_bounds = array<i64: 2048, 16>}, {pipeline_mode = #tpu.pipeline_mode<synchronous>, transform_indices = @transform_4, window_bounds = array<i64: 4, 64, 64>}, {pipeline_mode = #tpu.pipeline_mode<synchronous>, transform_indices = @transform_5, window_bounds = array<i64: 10, 64, 64>}, {pipeline_mode = #tpu.pipeline_mode<synchronous>, transform_indices = @transform_6, window_bounds = array<i64: 64, 64>}, {pipeline_mode = #tpu.pipeline_mode<synchronous>, transform_indices = @transform_7, window_bounds = array<i64: 64, 1>}, {pipeline_mode = #tpu.pipeline_mode<synchronous>, transform_indices = @transform_8, window_bounds = array<i64: 64, 1>}, {transform_indices = @transform_9, window_bounds = array<i64: 2048, 128>}, {transform_indices = @transform_10, window_bounds = array<i64: 2048, 128>}, {transform_indices = @transform_11, window_bounds = array<i64: 2048, 128>}, {transform_indices = @transform_12, window_bounds = array<i64: 2048, 1>}, {transform_indices = @transform_13, window_bounds = array<i64: 2048, 8>}]} {
    %get3A = arith.constant 0 : index
    %get3A_0 = arith.constant 0 : index
    %get3A_1 = vector.load %arg3[%get3A, %get3A_0] : memref<2048x64xf32, #tpu.memory_space<vmem>>, vector<2048x64xf32>
    %get3A_2 = arith.constant 0 : index
    %get3A_3 = arith.constant 0 : index
    %get3A_4 = vector.load %arg4[%get3A_2, %get3A_3] : memref<2048x16xf32, #tpu.memory_space<vmem>>, vector<2048x16xf32>
    %get3A_5 = arith.constant 0 : index
    %get3A_6 = arith.constant 0 : index
    %get3A_7 = vector.load %arg1[%get3A_5, %get3A_6] : memref<2048x128xf32, #tpu.memory_space<vmem>>, vector<2048x128xf32>
    %mul3A = arith.constant 6.250000e-02 : f32
    %mul3A_8 = vector.broadcast %mul3A : f32 to vector<2048x128xf32>
    %mul3A_9 = arith.mulf %get3A_7, %mul3A_8 : vector<2048x128xf32>
    %get3A_10 = arith.constant 0 : index
    %get3A_11 = arith.constant 0 : index
    %get3A_12 = vector.load %arg2[%get3A_10, %get3A_11] : memref<2048x128xf32, #tpu.memory_space<vmem>>, vector<2048x128xf32>
    %mul3A_13 = arith.constant 6.250000e-02 : f32
    %mul3A_14 = vector.broadcast %mul3A_13 : f32 to vector<2048x128xf32>
    %mul3A_15 = arith.mulf %get3A_12, %mul3A_14 : vector<2048x128xf32>
    %slice3A = vector.extract_strided_slice %mul3A_9 {offsets = [0, 0], sizes = [2048, 64], strides = [1, 1]} : vector<2048x128xf32> to vector<2048x64xf32>
    %get3A_16 = arith.constant 0 : index
    %get3A_17 = arith.constant 0 : index
    %get3A_18 = arith.constant 0 : index
    %get3A_19 = vector.load %arg5[%get3A_16, %get3A_17, %get3A_18] : memref<4x64x64xf32, #tpu.memory_space<vmem>>, vector<1x64x64xf32>
    %get3A_20 = vector.shape_cast %get3A_19 : vector<1x64x64xf32> to vector<64x64xf32>
    %dot_general3A = arith.constant dense<0.000000e+00> : vector<2048x64xf32>
    %dot_general3A_21 = tpu.matmul %slice3A, %get3A_20, %dot_general3A {dimension_numbers = #tpu.dot_dimension_numbers<[1], [0], [0], [1], [0, 0, 1, 1], [], []>, transpose_lhs_hint = false} : vector<2048x64xf32>, vector<64x64xf32>, vector<2048x64xf32> -> vector<2048x64xf32>
    %mul3A_22 = arith.mulf %dot_general3A_21, %get3A_1 : vector<2048x64xf32>
    %slice3A_23 = vector.extract_strided_slice %mul3A_9 {offsets = [0, 64], sizes = [2048, 64], strides = [1, 1]} : vector<2048x128xf32> to vector<2048x64xf32>
    %get3A_24 = arith.constant 1 : index
    %get3A_25 = arith.constant 0 : index
    %get3A_26 = arith.constant 0 : index
    %get3A_27 = vector.load %arg5[%get3A_24, %get3A_25, %get3A_26] : memref<4x64x64xf32, #tpu.memory_space<vmem>>, vector<1x64x64xf32>
    %get3A_28 = vector.shape_cast %get3A_27 : vector<1x64x64xf32> to vector<64x64xf32>
    %dot_general3A_29 = arith.constant dense<0.000000e+00> : vector<2048x64xf32>
    %dot_general3A_30 = tpu.matmul %slice3A_23, %get3A_28, %dot_general3A_29 {dimension_numbers = #tpu.dot_dimension_numbers<[1], [0], [0], [1], [0, 0, 1, 1], [], []>, transpose_lhs_hint = false} : vector<2048x64xf32>, vector<64x64xf32>, vector<2048x64xf32> -> vector<2048x64xf32>
    %mul3A_31 = arith.mulf %dot_general3A_30, %get3A_1 : vector<2048x64xf32>
    %slice3A_32 = vector.extract_strided_slice %mul3A_15 {offsets = [0, 0], sizes = [2048, 64], strides = [1, 1]} : vector<2048x128xf32> to vector<2048x64xf32>
    %get3A_33 = arith.constant 2 : index
    %get3A_34 = arith.constant 0 : index
    %get3A_35 = arith.constant 0 : index
    %get3A_36 = vector.load %arg5[%get3A_33, %get3A_34, %get3A_35] : memref<4x64x64xf32, #tpu.memory_space<vmem>>, vector<1x64x64xf32>
    %get3A_37 = vector.shape_cast %get3A_36 : vector<1x64x64xf32> to vector<64x64xf32>
    %dot_general3A_38 = arith.constant dense<0.000000e+00> : vector<2048x64xf32>
    %dot_general3A_39 = tpu.matmul %slice3A_32, %get3A_37, %dot_general3A_38 {dimension_numbers = #tpu.dot_dimension_numbers<[1], [0], [0], [1], [0, 0, 1, 1], [], []>, transpose_lhs_hint = false} : vector<2048x64xf32>, vector<64x64xf32>, vector<2048x64xf32> -> vector<2048x64xf32>
    %mul3A_40 = arith.mulf %dot_general3A_39, %get3A_1 : vector<2048x64xf32>
    %slice3A_41 = vector.extract_strided_slice %mul3A_15 {offsets = [0, 64], sizes = [2048, 64], strides = [1, 1]} : vector<2048x128xf32> to vector<2048x64xf32>
    %get3A_42 = arith.constant 3 : index
    %get3A_43 = arith.constant 0 : index
    %get3A_44 = arith.constant 0 : index
    %get3A_45 = vector.load %arg5[%get3A_42, %get3A_43, %get3A_44] : memref<4x64x64xf32, #tpu.memory_space<vmem>>, vector<1x64x64xf32>
    %get3A_46 = vector.shape_cast %get3A_45 : vector<1x64x64xf32> to vector<64x64xf32>
    %dot_general3A_47 = arith.constant dense<0.000000e+00> : vector<2048x64xf32>
    %dot_general3A_48 = tpu.matmul %slice3A_41, %get3A_46, %dot_general3A_47 {dimension_numbers = #tpu.dot_dimension_numbers<[1], [0], [0], [1], [0, 0, 1, 1], [], []>, transpose_lhs_hint = false} : vector<2048x64xf32>, vector<64x64xf32>, vector<2048x64xf32> -> vector<2048x64xf32>
    %mul3A_49 = arith.mulf %dot_general3A_48, %get3A_1 : vector<2048x64xf32>
    %get3A_50 = arith.constant 0 : index
    %get3A_51 = arith.constant 0 : index
    %get3A_52 = vector.load %arg8[%get3A_50, %get3A_51] : memref<64x1xf32, #tpu.memory_space<vmem>>, vector<64x1xf32>
    %dot_general3A_53 = arith.constant dense<0.000000e+00> : vector<2048x1xf32>
    %dot_general3A_54 = tpu.matmul %mul3A_22, %get3A_52, %dot_general3A_53 {dimension_numbers = #tpu.dot_dimension_numbers<[1], [0], [0], [1], [0, 0, 1, 1], [], []>, transpose_lhs_hint = false} : vector<2048x64xf32>, vector<64x1xf32>, vector<2048x1xf32> -> vector<2048x1xf32>
    %swap3A = arith.constant 0 : index
    %swap3A_55 = arith.constant 0 : index
    %swap3A_56 = vector.load %arg13[%swap3A, %swap3A_55] : memref<2048x1xf32, #tpu.memory_space<vmem>>, vector<2048x1xf32>
    tpu.vector_store %arg13[%swap3A, %swap3A_55], %dot_general3A_54 {strides = array<i32>} : memref<2048x1xf32, #tpu.memory_space<vmem>>, vector<2048x1xf32>,
    %get3A_57 = arith.constant 0 : index
    %get3A_58 = arith.constant 0 : index
    %get3A_59 = vector.load %arg9[%get3A_57, %get3A_58] : memref<64x1xf32, #tpu.memory_space<vmem>>, vector<64x1xf32>
    %dot_general3A_60 = arith.constant dense<0.000000e+00> : vector<2048x1xf32>
    %dot_general3A_61 = tpu.matmul %mul3A_31, %get3A_59, %dot_general3A_60 {dimension_numbers = #tpu.dot_dimension_numbers<[1], [0], [0], [1], [0, 0, 1, 1], [], []>, transpose_lhs_hint = false} : vector<2048x64xf32>, vector<64x1xf32>, vector<2048x1xf32> -> vector<2048x1xf32>
    %dot_general3A_62 = arith.constant dense<0.000000e+00> : vector<2048x1xf32>
    %dot_general3A_63 = tpu.matmul %mul3A_40, %get3A_59, %dot_general3A_62 {dimension_numbers = #tpu.dot_dimension_numbers<[1], [0], [0], [1], [0, 0, 1, 1], [], []>, transpose_lhs_hint = false} : vector<2048x64xf32>, vector<64x1xf32>, vector<2048x1xf32> -> vector<2048x1xf32>
    %dot_general3A_64 = arith.constant dense<0.000000e+00> : vector<2048x1xf32>
    %dot_general3A_65 = tpu.matmul %mul3A_49, %get3A_59, %dot_general3A_64 {dimension_numbers = #tpu.dot_dimension_numbers<[1], [0], [0], [1], [0, 0, 1, 1], [], []>, transpose_lhs_hint = false} : vector<2048x64xf32>, vector<64x1xf32>, vector<2048x1xf32> -> vector<2048x1xf32>
    %broadcast_in_dim3A = arith.constant 0.000000e+00 : f32
    %broadcast_in_dim3A_66 = vector.broadcast %broadcast_in_dim3A : f32 to vector<2048x1xf32>
    %concatenate3A = tpu.concatenate %dot_general3A_61, %dot_general3A_63, %dot_general3A_65, %broadcast_in_dim3A_66, %broadcast_in_dim3A_66, %broadcast_in_dim3A_66, %broadcast_in_dim3A_66, %broadcast_in_dim3A_66 in 1 : vector<2048x1xf32>, vector<2048x1xf32>, vector<2048x1xf32>, vector<2048x1xf32>, vector<2048x1xf32>, vector<2048x1xf32>, vector<2048x1xf32>, vector<2048x1xf32> -> vector<2048x8xf32>
    %swap3A_67 = arith.constant 0 : index
    %swap3A_68 = arith.constant 0 : index
    %swap3A_69 = vector.load %arg14[%swap3A_67, %swap3A_68] : memref<2048x8xf32, #tpu.memory_space<vmem>>, vector<2048x8xf32>
    tpu.vector_store %arg14[%swap3A_67, %swap3A_68], %concatenate3A {strides = array<i32>} : memref<2048x8xf32, #tpu.memory_space<vmem>>, vector<2048x8xf32>,
    %get3A_70 = arith.constant 0 : index
    %get3A_71 = arith.constant 0 : index
    %get3A_72 = vector.load %arg7[%get3A_70, %get3A_71] : memref<64x64xf32, #tpu.memory_space<vmem>>, vector<64x64xf32>
    %dot_general3A_73 = arith.constant dense<0.000000e+00> : vector<2048x64xf32>
    %dot_general3A_74 = tpu.matmul %mul3A_22, %get3A_72, %dot_general3A_73 {dimension_numbers = #tpu.dot_dimension_numbers<[1], [0], [0], [1], [0, 0, 1, 1], [], []>, transpose_lhs_hint = false} : vector<2048x64xf32>, vector<64x64xf32>, vector<2048x64xf32> -> vector<2048x64xf32>
    %broadcast_in_dim3A_75 = arith.constant 0.000000e+00 : f32
    %broadcast_in_dim3A_76 = vector.broadcast %broadcast_in_dim3A_75 : f32 to vector<2048x64xf32>
    %concatenate3A_77 = tpu.concatenate %dot_general3A_74, %broadcast_in_dim3A_76 in 1 : vector<2048x64xf32>, vector<2048x64xf32> -> vector<2048x128xf32>
    %swap3A_78 = arith.constant 0 : index
    %swap3A_79 = arith.constant 0 : index
    %swap3A_80 = vector.load %arg10[%swap3A_78, %swap3A_79] : memref<2048x128xf32, #tpu.memory_space<vmem>>, vector<2048x128xf32>
    tpu.vector_store %arg10[%swap3A_78, %swap3A_79], %concatenate3A_77 {strides = array<i32>} : memref<2048x128xf32, #tpu.memory_space<vmem>>, vector<2048x128xf32>,
    %slice3A_81 = vector.extract_strided_slice %get3A_4 {offsets = [0, 0], sizes = [2048, 1], strides = [1, 1]} : vector<2048x16xf32> to vector<2048x1xf32>
    %get3A_82 = arith.constant 0 : index
    %get3A_83 = arith.constant 0 : index
    %get3A_84 = arith.constant 0 : index
    %get3A_85 = vector.load %arg6[%get3A_82, %get3A_83, %get3A_84] : memref<10x64x64xf32, #tpu.memory_space<vmem>>, vector<1x64x64xf32>
    %get3A_86 = vector.shape_cast %get3A_85 : vector<1x64x64xf32> to vector<64x64xf32>
    %dot_general3A_87 = arith.constant dense<0.000000e+00> : vector<2048x64xf32>
    %dot_general3A_88 = tpu.matmul %mul3A_22, %get3A_86, %dot_general3A_87 {dimension_numbers = #tpu.dot_dimension_numbers<[1], [0], [0], [1], [0, 0, 1, 1], [], []>, transpose_lhs_hint = false} : vector<2048x64xf32>, vector<64x64xf32>, vector<2048x64xf32> -> vector<2048x64xf32>
    %mul3A_89 = vector.broadcast %slice3A_81 : vector<2048x1xf32> to vector<2048x64xf32>
    %mul3A_90 = arith.mulf %mul3A_89, %dot_general3A_88 : vector<2048x64xf32>
    %add3A = arith.constant 0.000000e+00 : f32
    %add3A_91 = vector.broadcast %add3A : f32 to vector<2048x64xf32>
    %add3A_92 = arith.addf %add3A_91, %mul3A_90 : vector<2048x64xf32>
    %get3A_93 = arith.constant 0 : index
    %get3A_94 = arith.constant 0 : index
    %get3A_95 = arith.constant 0 : index
    %get3A_96 = vector.load %arg6[%get3A_93, %get3A_94, %get3A_95] : memref<10x64x64xf32, #tpu.memory_space<vmem>>, vector<1x64x64xf32>
    %get3A_97 = vector.shape_cast %get3A_96 : vector<1x64x64xf32> to vector<64x64xf32>
    %dot_general3A_98 = arith.constant dense<0.000000e+00> : vector<2048x64xf32>
    %dot_general3A_99 = tpu.matmul %mul3A_31, %get3A_97, %dot_general3A_98 {dimension_numbers = #tpu.dot_dimension_numbers<[1], [0], [0], [1], [0, 0, 1, 1], [], []>, transpose_lhs_hint = false} : vector<2048x64xf32>, vector<64x64xf32>, vector<2048x64xf32> -> vector<2048x64xf32>
    %mul3A_100 = vector.broadcast %slice3A_81 : vector<2048x1xf32> to vector<2048x64xf32>
    %mul3A_101 = arith.mulf %mul3A_100, %dot_general3A_99 : vector<2048x64xf32>
    %add3A_102 = arith.constant 0.000000e+00 : f32
    %add3A_103 = vector.broadcast %add3A_102 : f32 to vector<2048x64xf32>
    %add3A_104 = arith.addf %add3A_103, %mul3A_101 : vector<2048x64xf32>
    %get3A_105 = arith.constant 0 : index
    %get3A_106 = arith.constant 0 : index
    %get3A_107 = arith.constant 0 : index
    %get3A_108 = vector.load %arg6[%get3A_105, %get3A_106, %get3A_107] : memref<10x64x64xf32, #tpu.memory_space<vmem>>, vector<1x64x64xf32>
    %get3A_109 = vector.shape_cast %get3A_108 : vector<1x64x64xf32> to vector<64x64xf32>
    %dot_general3A_110 = arith.constant dense<0.000000e+00> : vector<2048x64xf32>
    %dot_general3A_111 = tpu.matmul %mul3A_40, %get3A_109, %dot_general3A_110 {dimension_numbers = #tpu.dot_dimension_numbers<[1], [0], [0], [1], [0, 0, 1, 1], [], []>, transpose_lhs_hint = false} : vector<2048x64xf32>, vector<64x64xf32>, vector<2048x64xf32> -> vector<2048x64xf32>
    %mul3A_112 = vector.broadcast %slice3A_81 : vector<2048x1xf32> to vector<2048x64xf32>
    %mul3A_113 = arith.mulf %mul3A_112, %dot_general3A_111 : vector<2048x64xf32>
    %add3A_114 = arith.constant 0.000000e+00 : f32
    %add3A_115 = vector.broadcast %add3A_114 : f32 to vector<2048x64xf32>
    %add3A_116 = arith.addf %add3A_115, %mul3A_113 : vector<2048x64xf32>
    %get3A_117 = arith.constant 0 : index
    %get3A_118 = arith.constant 0 : index
    %get3A_119 = arith.constant 0 : index
    %get3A_120 = vector.load %arg6[%get3A_117, %get3A_118, %get3A_119] : memref<10x64x64xf32, #tpu.memory_space<vmem>>, vector<1x64x64xf32>
    %get3A_121 = vector.shape_cast %get3A_120 : vector<1x64x64xf32> to vector<64x64xf32>
    %dot_general3A_122 = arith.constant dense<0.000000e+00> : vector<2048x64xf32>
    %dot_general3A_123 = tpu.matmul %mul3A_49, %get3A_121, %dot_general3A_122 {dimension_numbers = #tpu.dot_dimension_numbers<[1], [0], [0], [1], [0, 0, 1, 1], [], []>, transpose_lhs_hint = false} : vector<2048x64xf32>, vector<64x64xf32>, vector<2048x64xf32> -> vector<2048x64xf32>
    %mul3A_124 = vector.broadcast %slice3A_81 : vector<2048x1xf32> to vector<2048x64xf32>
    %mul3A_125 = arith.mulf %mul3A_124, %dot_general3A_123 : vector<2048x64xf32>
    %add3A_126 = arith.constant 0.000000e+00 : f32
    %add3A_127 = vector.broadcast %add3A_126 : f32 to vector<2048x64xf32>
    %add3A_128 = arith.addf %add3A_127, %mul3A_125 : vector<2048x64xf32>
    %slice3A_129 = vector.extract_strided_slice %get3A_4 {offsets = [0, 1], sizes = [2048, 1], strides = [1, 1]} : vector<2048x16xf32> to vector<2048x1xf32>
    %get3A_130 = arith.constant 1 : index
    %get3A_131 = arith.constant 0 : index
    %get3A_132 = arith.constant 0 : index
    %get3A_133 = vector.load %arg6[%get3A_130, %get3A_131, %get3A_132] : memref<10x64x64xf32, #tpu.memory_space<vmem>>, vector<1x64x64xf32>
    %get3A_134 = vector.shape_cast %get3A_133 : vector<1x64x64xf32> to vector<64x64xf32>
    %dot_general3A_135 = arith.constant dense<0.000000e+00> : vector<2048x64xf32>
    %dot_general3A_136 = tpu.matmul %mul3A_22, %get3A_134, %dot_general3A_135 {dimension_numbers = #tpu.dot_dimension_numbers<[1], [0], [0], [1], [0, 0, 1, 1], [], []>, transpose_lhs_hint = false} : vector<2048x64xf32>, vector<64x64xf32>, vector<2048x64xf32> -> vector<2048x64xf32>
    %mul3A_137 = vector.broadcast %slice3A_129 : vector<2048x1xf32> to vector<2048x64xf32>
    %mul3A_138 = arith.mulf %mul3A_137, %dot_general3A_136 : vector<2048x64xf32>
    %add3A_139 = arith.addf %add3A_92, %mul3A_138 : vector<2048x64xf32>
    %get3A_140 = arith.constant 1 : index
    %get3A_141 = arith.constant 0 : index
    %get3A_142 = arith.constant 0 : index
    %get3A_143 = vector.load %arg6[%get3A_140, %get3A_141, %get3A_142] : memref<10x64x64xf32, #tpu.memory_space<vmem>>, vector<1x64x64xf32>
    %get3A_144 = vector.shape_cast %get3A_143 : vector<1x64x64xf32> to vector<64x64xf32>
    %dot_general3A_145 = arith.constant dense<0.000000e+00> : vector<2048x64xf32>
    %dot_general3A_146 = tpu.matmul %mul3A_31, %get3A_144, %dot_general3A_145 {dimension_numbers = #tpu.dot_dimension_numbers<[1], [0], [0], [1], [0, 0, 1, 1], [], []>, transpose_lhs_hint = false} : vector<2048x64xf32>, vector<64x64xf32>, vector<2048x64xf32> -> vector<2048x64xf32>
    %mul3A_147 = vector.broadcast %slice3A_129 : vector<2048x1xf32> to vector<2048x64xf32>
    %mul3A_148 = arith.mulf %mul3A_147, %dot_general3A_146 : vector<2048x64xf32>
    %add3A_149 = arith.addf %add3A_104, %mul3A_148 : vector<2048x64xf32>
    %get3A_150 = arith.constant 1 : index
    %get3A_151 = arith.constant 0 : index
    %get3A_152 = arith.constant 0 : index
    %get3A_153 = vector.load %arg6[%get3A_150, %get3A_151, %get3A_152] : memref<10x64x64xf32, #tpu.memory_space<vmem>>, vector<1x64x64xf32>
    %get3A_154 = vector.shape_cast %get3A_153 : vector<1x64x64xf32> to vector<64x64xf32>
    %dot_general3A_155 = arith.constant dense<0.000000e+00> : vector<2048x64xf32>
    %dot_general3A_156 = tpu.matmul %mul3A_40, %get3A_154, %dot_general3A_155 {dimension_numbers = #tpu.dot_dimension_numbers<[1], [0], [0], [1], [0, 0, 1, 1], [], []>, transpose_lhs_hint = false} : vector<2048x64xf32>, vector<64x64xf32>, vector<2048x64xf32> -> vector<2048x64xf32>
    %mul3A_157 = vector.broadcast %slice3A_129 : vector<2048x1xf32> to vector<2048x64xf32>
    %mul3A_158 = arith.mulf %mul3A_157, %dot_general3A_156 : vector<2048x64xf32>
    %add3A_159 = arith.addf %add3A_116, %mul3A_158 : vector<2048x64xf32>
    %get3A_160 = arith.constant 1 : index
    %get3A_161 = arith.constant 0 : index
    %get3A_162 = arith.constant 0 : index
    %get3A_163 = vector.load %arg6[%get3A_160, %get3A_161, %get3A_162] : memref<10x64x64xf32, #tpu.memory_space<vmem>>, vector<1x64x64xf32>
    %get3A_164 = vector.shape_cast %get3A_163 : vector<1x64x64xf32> to vector<64x64xf32>
    %dot_general3A_165 = arith.constant dense<0.000000e+00> : vector<2048x64xf32>
    %dot_general3A_166 = tpu.matmul %mul3A_49, %get3A_164, %dot_general3A_165 {dimension_numbers = #tpu.dot_dimension_numbers<[1], [0], [0], [1], [0, 0, 1, 1], [], []>, transpose_lhs_hint = false} : vector<2048x64xf32>, vector<64x64xf32>, vector<2048x64xf32> -> vector<2048x64xf32>
    %mul3A_167 = vector.broadcast %slice3A_129 : vector<2048x1xf32> to vector<2048x64xf32>
    %mul3A_168 = arith.mulf %mul3A_167, %dot_general3A_166 : vector<2048x64xf32>
    %add3A_169 = arith.addf %add3A_128, %mul3A_168 : vector<2048x64xf32>
    %slice3A_170 = vector.extract_strided_slice %get3A_4 {offsets = [0, 2], sizes = [2048, 1], strides = [1, 1]} : vector<2048x16xf32> to vector<2048x1xf32>
    %get3A_171 = arith.constant 2 : index
    %get3A_172 = arith.constant 0 : index
    %get3A_173 = arith.constant 0 : index
    %get3A_174 = vector.load %arg6[%get3A_171, %get3A_172, %get3A_173] : memref<10x64x64xf32, #tpu.memory_space<vmem>>, vector<1x64x64xf32>
    %get3A_175 = vector.shape_cast %get3A_174 : vector<1x64x64xf32> to vector<64x64xf32>
    %dot_general3A_176 = arith.constant dense<0.000000e+00> : vector<2048x64xf32>
    %dot_general3A_177 = tpu.matmul %mul3A_22, %get3A_175, %dot_general3A_176 {dimension_numbers = #tpu.dot_dimension_numbers<[1], [0], [0], [1], [0, 0, 1, 1], [], []>, transpose_lhs_hint = false} : vector<2048x64xf32>, vector<64x64xf32>, vector<2048x64xf32> -> vector<2048x64xf32>
    %mul3A_178 = vector.broadcast %slice3A_170 : vector<2048x1xf32> to vector<2048x64xf32>
    %mul3A_179 = arith.mulf %mul3A_178, %dot_general3A_177 : vector<2048x64xf32>
    %add3A_180 = arith.addf %add3A_139, %mul3A_179 : vector<2048x64xf32>
    %get3A_181 = arith.constant 2 : index
    %get3A_182 = arith.constant 0 : index
    %get3A_183 = arith.constant 0 : index
    %get3A_184 = vector.load %arg6[%get3A_181, %get3A_182, %get3A_183] : memref<10x64x64xf32, #tpu.memory_space<vmem>>, vector<1x64x64xf32>
    %get3A_185 = vector.shape_cast %get3A_184 : vector<1x64x64xf32> to vector<64x64xf32>
    %dot_general3A_186 = arith.constant dense<0.000000e+00> : vector<2048x64xf32>
    %dot_general3A_187 = tpu.matmul %mul3A_31, %get3A_185, %dot_general3A_186 {dimension_numbers = #tpu.dot_dimension_numbers<[1], [0], [0], [1], [0, 0, 1, 1], [], []>, transpose_lhs_hint = false} : vector<2048x64xf32>, vector<64x64xf32>, vector<2048x64xf32> -> vector<2048x64xf32>
    %mul3A_188 = vector.broadcast %slice3A_170 : vector<2048x1xf32> to vector<2048x64xf32>
    %mul3A_189 = arith.mulf %mul3A_188, %dot_general3A_187 : vector<2048x64xf32>
    %add3A_190 = arith.addf %add3A_149, %mul3A_189 : vector<2048x64xf32>
    %get3A_191 = arith.constant 2 : index
    %get3A_192 = arith.constant 0 : index
    %get3A_193 = arith.constant 0 : index
    %get3A_194 = vector.load %arg6[%get3A_191, %get3A_192, %get3A_193] : memref<10x64x64xf32, #tpu.memory_space<vmem>>, vector<1x64x64xf32>
    %get3A_195 = vector.shape_cast %get3A_194 : vector<1x64x64xf32> to vector<64x64xf32>
    %dot_general3A_196 = arith.constant dense<0.000000e+00> : vector<2048x64xf32>
    %dot_general3A_197 = tpu.matmul %mul3A_40, %get3A_195, %dot_general3A_196 {dimension_numbers = #tpu.dot_dimension_numbers<[1], [0], [0], [1], [0, 0, 1, 1], [], []>, transpose_lhs_hint = false} : vector<2048x64xf32>, vector<64x64xf32>, vector<2048x64xf32> -> vector<2048x64xf32>
    %mul3A_198 = vector.broadcast %slice3A_170 : vector<2048x1xf32> to vector<2048x64xf32>
    %mul3A_199 = arith.mulf %mul3A_198, %dot_general3A_197 : vector<2048x64xf32>
    %add3A_200 = arith.addf %add3A_159, %mul3A_199 : vector<2048x64xf32>
    %get3A_201 = arith.constant 2 : index
    %get3A_202 = arith.constant 0 : index
    %get3A_203 = arith.constant 0 : index
    %get3A_204 = vector.load %arg6[%get3A_201, %get3A_202, %get3A_203] : memref<10x64x64xf32, #tpu.memory_space<vmem>>, vector<1x64x64xf32>
    %get3A_205 = vector.shape_cast %get3A_204 : vector<1x64x64xf32> to vector<64x64xf32>
    %dot_general3A_206 = arith.constant dense<0.000000e+00> : vector<2048x64xf32>
    %dot_general3A_207 = tpu.matmul %mul3A_49, %get3A_205, %dot_general3A_206 {dimension_numbers = #tpu.dot_dimension_numbers<[1], [0], [0], [1], [0, 0, 1, 1], [], []>, transpose_lhs_hint = false} : vector<2048x64xf32>, vector<64x64xf32>, vector<2048x64xf32> -> vector<2048x64xf32>
    %mul3A_208 = vector.broadcast %slice3A_170 : vector<2048x1xf32> to vector<2048x64xf32>
    %mul3A_209 = arith.mulf %mul3A_208, %dot_general3A_207 : vector<2048x64xf32>
    %add3A_210 = arith.addf %add3A_169, %mul3A_209 : vector<2048x64xf32>
    %slice3A_211 = vector.extract_strided_slice %get3A_4 {offsets = [0, 3], sizes = [2048, 1], strides = [1, 1]} : vector<2048x16xf32> to vector<2048x1xf32>
    %get3A_212 = arith.constant 3 : index
    %get3A_213 = arith.constant 0 : index
    %get3A_214 = arith.constant 0 : index
    %get3A_215 = vector.load %arg6[%get3A_212, %get3A_213, %get3A_214] : memref<10x64x64xf32, #tpu.memory_space<vmem>>, vector<1x64x64xf32>
    %get3A_216 = vector.shape_cast %get3A_215 : vector<1x64x64xf32> to vector<64x64xf32>
    %dot_general3A_217 = arith.constant dense<0.000000e+00> : vector<2048x64xf32>
    %dot_general3A_218 = tpu.matmul %mul3A_22, %get3A_216, %dot_general3A_217 {dimension_numbers = #tpu.dot_dimension_numbers<[1], [0], [0], [1], [0, 0, 1, 1], [], []>, transpose_lhs_hint = false} : vector<2048x64xf32>, vector<64x64xf32>, vector<2048x64xf32> -> vector<2048x64xf32>
    %mul3A_219 = vector.broadcast %slice3A_211 : vector<2048x1xf32> to vector<2048x64xf32>
    %mul3A_220 = arith.mulf %mul3A_219, %dot_general3A_218 : vector<2048x64xf32>
    %add3A_221 = arith.addf %add3A_180, %mul3A_220 : vector<2048x64xf32>
    %get3A_222 = arith.constant 3 : index
    %get3A_223 = arith.constant 0 : index
    %get3A_224 = arith.constant 0 : index
    %get3A_225 = vector.load %arg6[%get3A_222, %get3A_223, %get3A_224] : memref<10x64x64xf32, #tpu.memory_space<vmem>>, vector<1x64x64xf32>
    %get3A_226 = vector.shape_cast %get3A_225 : vector<1x64x64xf32> to vector<64x64xf32>
    %dot_general3A_227 = arith.constant dense<0.000000e+00> : vector<2048x64xf32>
    %dot_general3A_228 = tpu.matmul %mul3A_31, %get3A_226, %dot_general3A_227 {dimension_numbers = #tpu.dot_dimension_numbers<[1], [0], [0], [1], [0, 0, 1, 1], [], []>, transpose_lhs_hint = false} : vector<2048x64xf32>, vector<64x64xf32>, vector<2048x64xf32> -> vector<2048x64xf32>
    %mul3A_229 = vector.broadcast %slice3A_211 : vector<2048x1xf32> to vector<2048x64xf32>
    %mul3A_230 = arith.mulf %mul3A_229, %dot_general3A_228 : vector<2048x64xf32>
    %add3A_231 = arith.addf %add3A_190, %mul3A_230 : vector<2048x64xf32>
    %get3A_232 = arith.constant 3 : index
    %get3A_233 = arith.constant 0 : index
    %get3A_234 = arith.constant 0 : index
    %get3A_235 = vector.load %arg6[%get3A_232, %get3A_233, %get3A_234] : memref<10x64x64xf32, #tpu.memory_space<vmem>>, vector<1x64x64xf32>
    %get3A_236 = vector.shape_cast %get3A_235 : vector<1x64x64xf32> to vector<64x64xf32>
    %dot_general3A_237 = arith.constant dense<0.000000e+00> : vector<2048x64xf32>
    %dot_general3A_238 = tpu.matmul %mul3A_40, %get3A_236, %dot_general3A_237 {dimension_numbers = #tpu.dot_dimension_numbers<[1], [0], [0], [1], [0, 0, 1, 1], [], []>, transpose_lhs_hint = false} : vector<2048x64xf32>, vector<64x64xf32>, vector<2048x64xf32> -> vector<2048x64xf32>
    %mul3A_239 = vector.broadcast %slice3A_211 : vector<2048x1xf32> to vector<2048x64xf32>
    %mul3A_240 = arith.mulf %mul3A_239, %dot_general3A_238 : vector<2048x64xf32>
    %add3A_241 = arith.addf %add3A_200, %mul3A_240 : vector<2048x64xf32>
    %get3A_242 = arith.constant 3 : index
    %get3A_243 = arith.constant 0 : index
    %get3A_244 = arith.constant 0 : index
    %get3A_245 = vector.load %arg6[%get3A_242, %get3A_243, %get3A_244] : memref<10x64x64xf32, #tpu.memory_space<vmem>>, vector<1x64x64xf32>
    %get3A_246 = vector.shape_cast %get3A_245 : vector<1x64x64xf32> to vector<64x64xf32>
    %dot_general3A_247 = arith.constant dense<0.000000e+00> : vector<2048x64xf32>
    %dot_general3A_248 = tpu.matmul %mul3A_49, %get3A_246, %dot_general3A_247 {dimension_numbers = #tpu.dot_dimension_numbers<[1], [0], [0], [1], [0, 0, 1, 1], [], []>, transpose_lhs_hint = false} : vector<2048x64xf32>, vector<64x64xf32>, vector<2048x64xf32> -> vector<2048x64xf32>
    %mul3A_249 = vector.broadcast %slice3A_211 : vector<2048x1xf32> to vector<2048x64xf32>
    %mul3A_250 = arith.mulf %mul3A_249, %dot_general3A_248 : vector<2048x64xf32>
    %add3A_251 = arith.addf %add3A_210, %mul3A_250 : vector<2048x64xf32>
    %slice3A_252 = vector.extract_strided_slice %get3A_4 {offsets = [0, 4], sizes = [2048, 1], strides = [1, 1]} : vector<2048x16xf32> to vector<2048x1xf32>
    %get3A_253 = arith.constant 4 : index
    %get3A_254 = arith.constant 0 : index
    %get3A_255 = arith.constant 0 : index
    %get3A_256 = vector.load %arg6[%get3A_253, %get3A_254, %get3A_255] : memref<10x64x64xf32, #tpu.memory_space<vmem>>, vector<1x64x64xf32>
    %get3A_257 = vector.shape_cast %get3A_256 : vector<1x64x64xf32> to vector<64x64xf32>
    %dot_general3A_258 = arith.constant dense<0.000000e+00> : vector<2048x64xf32>
    %dot_general3A_259 = tpu.matmul %mul3A_22, %get3A_257, %dot_general3A_258 {dimension_numbers = #tpu.dot_dimension_numbers<[1], [0], [0], [1], [0, 0, 1, 1], [], []>, transpose_lhs_hint = false} : vector<2048x64xf32>, vector<64x64xf32>, vector<2048x64xf32> -> vector<2048x64xf32>
    %mul3A_260 = vector.broadcast %slice3A_252 : vector<2048x1xf32> to vector<2048x64xf32>
    %mul3A_261 = arith.mulf %mul3A_260, %dot_general3A_259 : vector<2048x64xf32>
    %add3A_262 = arith.addf %add3A_221, %mul3A_261 : vector<2048x64xf32>
    %get3A_263 = arith.constant 4 : index
    %get3A_264 = arith.constant 0 : index
    %get3A_265 = arith.constant 0 : index
    %get3A_266 = vector.load %arg6[%get3A_263, %get3A_264, %get3A_265] : memref<10x64x64xf32, #tpu.memory_space<vmem>>, vector<1x64x64xf32>
    %get3A_267 = vector.shape_cast %get3A_266 : vector<1x64x64xf32> to vector<64x64xf32>
    %dot_general3A_268 = arith.constant dense<0.000000e+00> : vector<2048x64xf32>
    %dot_general3A_269 = tpu.matmul %mul3A_31, %get3A_267, %dot_general3A_268 {dimension_numbers = #tpu.dot_dimension_numbers<[1], [0], [0], [1], [0, 0, 1, 1], [], []>, transpose_lhs_hint = false} : vector<2048x64xf32>, vector<64x64xf32>, vector<2048x64xf32> -> vector<2048x64xf32>
    %mul3A_270 = vector.broadcast %slice3A_252 : vector<2048x1xf32> to vector<2048x64xf32>
    %mul3A_271 = arith.mulf %mul3A_270, %dot_general3A_269 : vector<2048x64xf32>
    %add3A_272 = arith.addf %add3A_231, %mul3A_271 : vector<2048x64xf32>
    %get3A_273 = arith.constant 4 : index
    %get3A_274 = arith.constant 0 : index
    %get3A_275 = arith.constant 0 : index
    %get3A_276 = vector.load %arg6[%get3A_273, %get3A_274, %get3A_275] : memref<10x64x64xf32, #tpu.memory_space<vmem>>, vector<1x64x64xf32>
    %get3A_277 = vector.shape_cast %get3A_276 : vector<1x64x64xf32> to vector<64x64xf32>
    %dot_general3A_278 = arith.constant dense<0.000000e+00> : vector<2048x64xf32>
    %dot_general3A_279 = tpu.matmul %mul3A_40, %get3A_277, %dot_general3A_278 {dimension_numbers = #tpu.dot_dimension_numbers<[1], [0], [0], [1], [0, 0, 1, 1], [], []>, transpose_lhs_hint = false} : vector<2048x64xf32>, vector<64x64xf32>, vector<2048x64xf32> -> vector<2048x64xf32>
    %mul3A_280 = vector.broadcast %slice3A_252 : vector<2048x1xf32> to vector<2048x64xf32>
    %mul3A_281 = arith.mulf %mul3A_280, %dot_general3A_279 : vector<2048x64xf32>
    %add3A_282 = arith.addf %add3A_241, %mul3A_281 : vector<2048x64xf32>
    %get3A_283 = arith.constant 4 : index
    %get3A_284 = arith.constant 0 : index
    %get3A_285 = arith.constant 0 : index
    %get3A_286 = vector.load %arg6[%get3A_283, %get3A_284, %get3A_285] : memref<10x64x64xf32, #tpu.memory_space<vmem>>, vector<1x64x64xf32>
    %get3A_287 = vector.shape_cast %get3A_286 : vector<1x64x64xf32> to vector<64x64xf32>
    %dot_general3A_288 = arith.constant dense<0.000000e+00> : vector<2048x64xf32>
    %dot_general3A_289 = tpu.matmul %mul3A_49, %get3A_287, %dot_general3A_288 {dimension_numbers = #tpu.dot_dimension_numbers<[1], [0], [0], [1], [0, 0, 1, 1], [], []>, transpose_lhs_hint = false} : vector<2048x64xf32>, vector<64x64xf32>, vector<2048x64xf32> -> vector<2048x64xf32>
    %mul3A_290 = vector.broadcast %slice3A_252 : vector<2048x1xf32> to vector<2048x64xf32>
    %mul3A_291 = arith.mulf %mul3A_290, %dot_general3A_289 : vector<2048x64xf32>
    %add3A_292 = arith.addf %add3A_251, %mul3A_291 : vector<2048x64xf32>
    %slice3A_293 = vector.extract_strided_slice %get3A_4 {offsets = [0, 5], sizes = [2048, 1], strides = [1, 1]} : vector<2048x16xf32> to vector<2048x1xf32>
    %get3A_294 = arith.constant 5 : index
    %get3A_295 = arith.constant 0 : index
    %get3A_296 = arith.constant 0 : index
    %get3A_297 = vector.load %arg6[%get3A_294, %get3A_295, %get3A_296] : memref<10x64x64xf32, #tpu.memory_space<vmem>>, vector<1x64x64xf32>
    %get3A_298 = vector.shape_cast %get3A_297 : vector<1x64x64xf32> to vector<64x64xf32>
    %dot_general3A_299 = arith.constant dense<0.000000e+00> : vector<2048x64xf32>
    %dot_general3A_300 = tpu.matmul %mul3A_22, %get3A_298, %dot_general3A_299 {dimension_numbers = #tpu.dot_dimension_numbers<[1], [0], [0], [1], [0, 0, 1, 1], [], []>, transpose_lhs_hint = false} : vector<2048x64xf32>, vector<64x64xf32>, vector<2048x64xf32> -> vector<2048x64xf32>
    %mul3A_301 = vector.broadcast %slice3A_293 : vector<2048x1xf32> to vector<2048x64xf32>
    %mul3A_302 = arith.mulf %mul3A_301, %dot_general3A_300 : vector<2048x64xf32>
    %add3A_303 = arith.addf %add3A_262, %mul3A_302 : vector<2048x64xf32>
    %get3A_304 = arith.constant 5 : index
    %get3A_305 = arith.constant 0 : index
    %get3A_306 = arith.constant 0 : index
    %get3A_307 = vector.load %arg6[%get3A_304, %get3A_305, %get3A_306] : memref<10x64x64xf32, #tpu.memory_space<vmem>>, vector<1x64x64xf32>
    %get3A_308 = vector.shape_cast %get3A_307 : vector<1x64x64xf32> to vector<64x64xf32>
    %dot_general3A_309 = arith.constant dense<0.000000e+00> : vector<2048x64xf32>
    %dot_general3A_310 = tpu.matmul %mul3A_31, %get3A_308, %dot_general3A_309 {dimension_numbers = #tpu.dot_dimension_numbers<[1], [0], [0], [1], [0, 0, 1, 1], [], []>, transpose_lhs_hint = false} : vector<2048x64xf32>, vector<64x64xf32>, vector<2048x64xf32> -> vector<2048x64xf32>
    %mul3A_311 = vector.broadcast %slice3A_293 : vector<2048x1xf32> to vector<2048x64xf32>
    %mul3A_312 = arith.mulf %mul3A_311, %dot_general3A_310 : vector<2048x64xf32>
    %add3A_313 = arith.addf %add3A_272, %mul3A_312 : vector<2048x64xf32>
    %get3A_314 = arith.constant 5 : index
    %get3A_315 = arith.constant 0 : index
    %get3A_316 = arith.constant 0 : index
    %get3A_317 = vector.load %arg6[%get3A_314, %get3A_315, %get3A_316] : memref<10x64x64xf32, #tpu.memory_space<vmem>>, vector<1x64x64xf32>
    %get3A_318 = vector.shape_cast %get3A_317 : vector<1x64x64xf32> to vector<64x64xf32>
    %dot_general3A_319 = arith.constant dense<0.000000e+00> : vector<2048x64xf32>
    %dot_general3A_320 = tpu.matmul %mul3A_40, %get3A_318, %dot_general3A_319 {dimension_numbers = #tpu.dot_dimension_numbers<[1], [0], [0], [1], [0, 0, 1, 1], [], []>, transpose_lhs_hint = false} : vector<2048x64xf32>, vector<64x64xf32>, vector<2048x64xf32> -> vector<2048x64xf32>
    %mul3A_321 = vector.broadcast %slice3A_293 : vector<2048x1xf32> to vector<2048x64xf32>
    %mul3A_322 = arith.mulf %mul3A_321, %dot_general3A_320 : vector<2048x64xf32>
    %add3A_323 = arith.addf %add3A_282, %mul3A_322 : vector<2048x64xf32>
    %get3A_324 = arith.constant 5 : index
    %get3A_325 = arith.constant 0 : index
    %get3A_326 = arith.constant 0 : index
    %get3A_327 = vector.load %arg6[%get3A_324, %get3A_325, %get3A_326] : memref<10x64x64xf32, #tpu.memory_space<vmem>>, vector<1x64x64xf32>
    %get3A_328 = vector.shape_cast %get3A_327 : vector<1x64x64xf32> to vector<64x64xf32>
    %dot_general3A_329 = arith.constant dense<0.000000e+00> : vector<2048x64xf32>
    %dot_general3A_330 = tpu.matmul %mul3A_49, %get3A_328, %dot_general3A_329 {dimension_numbers = #tpu.dot_dimension_numbers<[1], [0], [0], [1], [0, 0, 1, 1], [], []>, transpose_lhs_hint = false} : vector<2048x64xf32>, vector<64x64xf32>, vector<2048x64xf32> -> vector<2048x64xf32>
    %mul3A_331 = vector.broadcast %slice3A_293 : vector<2048x1xf32> to vector<2048x64xf32>
    %mul3A_332 = arith.mulf %mul3A_331, %dot_general3A_330 : vector<2048x64xf32>
    %add3A_333 = arith.addf %add3A_292, %mul3A_332 : vector<2048x64xf32>
    %slice3A_334 = vector.extract_strided_slice %get3A_4 {offsets = [0, 6], sizes = [2048, 1], strides = [1, 1]} : vector<2048x16xf32> to vector<2048x1xf32>
    %get3A_335 = arith.constant 6 : index
    %get3A_336 = arith.constant 0 : index
    %get3A_337 = arith.constant 0 : index
    %get3A_338 = vector.load %arg6[%get3A_335, %get3A_336, %get3A_337] : memref<10x64x64xf32, #tpu.memory_space<vmem>>, vector<1x64x64xf32>
    %get3A_339 = vector.shape_cast %get3A_338 : vector<1x64x64xf32> to vector<64x64xf32>
    %dot_general3A_340 = arith.constant dense<0.000000e+00> : vector<2048x64xf32>
    %dot_general3A_341 = tpu.matmul %mul3A_22, %get3A_339, %dot_general3A_340 {dimension_numbers = #tpu.dot_dimension_numbers<[1], [0], [0], [1], [0, 0, 1, 1], [], []>, transpose_lhs_hint = false} : vector<2048x64xf32>, vector<64x64xf32>, vector<2048x64xf32> -> vector<2048x64xf32>
    %mul3A_342 = vector.broadcast %slice3A_334 : vector<2048x1xf32> to vector<2048x64xf32>
    %mul3A_343 = arith.mulf %mul3A_342, %dot_general3A_341 : vector<2048x64xf32>
    %add3A_344 = arith.addf %add3A_303, %mul3A_343 : vector<2048x64xf32>
    %get3A_345 = arith.constant 6 : index
    %get3A_346 = arith.constant 0 : index
    %get3A_347 = arith.constant 0 : index
    %get3A_348 = vector.load %arg6[%get3A_345, %get3A_346, %get3A_347] : memref<10x64x64xf32, #tpu.memory_space<vmem>>, vector<1x64x64xf32>
    %get3A_349 = vector.shape_cast %get3A_348 : vector<1x64x64xf32> to vector<64x64xf32>
    %dot_general3A_350 = arith.constant dense<0.000000e+00> : vector<2048x64xf32>
    %dot_general3A_351 = tpu.matmul %mul3A_31, %get3A_349, %dot_general3A_350 {dimension_numbers = #tpu.dot_dimension_numbers<[1], [0], [0], [1], [0, 0, 1, 1], [], []>, transpose_lhs_hint = false} : vector<2048x64xf32>, vector<64x64xf32>, vector<2048x64xf32> -> vector<2048x64xf32>
    %mul3A_352 = vector.broadcast %slice3A_334 : vector<2048x1xf32> to vector<2048x64xf32>
    %mul3A_353 = arith.mulf %mul3A_352, %dot_general3A_351 : vector<2048x64xf32>
    %add3A_354 = arith.addf %add3A_313, %mul3A_353 : vector<2048x64xf32>
    %get3A_355 = arith.constant 6 : index
    %get3A_356 = arith.constant 0 : index
    %get3A_357 = arith.constant 0 : index
    %get3A_358 = vector.load %arg6[%get3A_355, %get3A_356, %get3A_357] : memref<10x64x64xf32, #tpu.memory_space<vmem>>, vector<1x64x64xf32>
    %get3A_359 = vector.shape_cast %get3A_358 : vector<1x64x64xf32> to vector<64x64xf32>
    %dot_general3A_360 = arith.constant dense<0.000000e+00> : vector<2048x64xf32>
    %dot_general3A_361 = tpu.matmul %mul3A_40, %get3A_359, %dot_general3A_360 {dimension_numbers = #tpu.dot_dimension_numbers<[1], [0], [0], [1], [0, 0, 1, 1], [], []>, transpose_lhs_hint = false} : vector<2048x64xf32>, vector<64x64xf32>, vector<2048x64xf32> -> vector<2048x64xf32>
    %mul3A_362 = vector.broadcast %slice3A_334 : vector<2048x1xf32> to vector<2048x64xf32>
    %mul3A_363 = arith.mulf %mul3A_362, %dot_general3A_361 : vector<2048x64xf32>
    %add3A_364 = arith.addf %add3A_323, %mul3A_363 : vector<2048x64xf32>
    %get3A_365 = arith.constant 6 : index
    %get3A_366 = arith.constant 0 : index
    %get3A_367 = arith.constant 0 : index
    %get3A_368 = vector.load %arg6[%get3A_365, %get3A_366, %get3A_367] : memref<10x64x64xf32, #tpu.memory_space<vmem>>, vector<1x64x64xf32>
    %get3A_369 = vector.shape_cast %get3A_368 : vector<1x64x64xf32> to vector<64x64xf32>
    %dot_general3A_370 = arith.constant dense<0.000000e+00> : vector<2048x64xf32>
    %dot_general3A_371 = tpu.matmul %mul3A_49, %get3A_369, %dot_general3A_370 {dimension_numbers = #tpu.dot_dimension_numbers<[1], [0], [0], [1], [0, 0, 1, 1], [], []>, transpose_lhs_hint = false} : vector<2048x64xf32>, vector<64x64xf32>, vector<2048x64xf32> -> vector<2048x64xf32>
    %mul3A_372 = vector.broadcast %slice3A_334 : vector<2048x1xf32> to vector<2048x64xf32>
    %mul3A_373 = arith.mulf %mul3A_372, %dot_general3A_371 : vector<2048x64xf32>
    %add3A_374 = arith.addf %add3A_333, %mul3A_373 : vector<2048x64xf32>
    %slice3A_375 = vector.extract_strided_slice %get3A_4 {offsets = [0, 7], sizes = [2048, 1], strides = [1, 1]} : vector<2048x16xf32> to vector<2048x1xf32>
    %get3A_376 = arith.constant 7 : index
    %get3A_377 = arith.constant 0 : index
    %get3A_378 = arith.constant 0 : index
    %get3A_379 = vector.load %arg6[%get3A_376, %get3A_377, %get3A_378] : memref<10x64x64xf32, #tpu.memory_space<vmem>>, vector<1x64x64xf32>
    %get3A_380 = vector.shape_cast %get3A_379 : vector<1x64x64xf32> to vector<64x64xf32>
    %dot_general3A_381 = arith.constant dense<0.000000e+00> : vector<2048x64xf32>
    %dot_general3A_382 = tpu.matmul %mul3A_22, %get3A_380, %dot_general3A_381 {dimension_numbers = #tpu.dot_dimension_numbers<[1], [0], [0], [1], [0, 0, 1, 1], [], []>, transpose_lhs_hint = false} : vector<2048x64xf32>, vector<64x64xf32>, vector<2048x64xf32> -> vector<2048x64xf32>
    %mul3A_383 = vector.broadcast %slice3A_375 : vector<2048x1xf32> to vector<2048x64xf32>
    %mul3A_384 = arith.mulf %mul3A_383, %dot_general3A_382 : vector<2048x64xf32>
    %add3A_385 = arith.addf %add3A_344, %mul3A_384 : vector<2048x64xf32>
    %get3A_386 = arith.constant 7 : index
    %get3A_387 = arith.constant 0 : index
    %get3A_388 = arith.constant 0 : index
    %get3A_389 = vector.load %arg6[%get3A_386, %get3A_387, %get3A_388] : memref<10x64x64xf32, #tpu.memory_space<vmem>>, vector<1x64x64xf32>
    %get3A_390 = vector.shape_cast %get3A_389 : vector<1x64x64xf32> to vector<64x64xf32>
    %dot_general3A_391 = arith.constant dense<0.000000e+00> : vector<2048x64xf32>
    %dot_general3A_392 = tpu.matmul %mul3A_31, %get3A_390, %dot_general3A_391 {dimension_numbers = #tpu.dot_dimension_numbers<[1], [0], [0], [1], [0, 0, 1, 1], [], []>, transpose_lhs_hint = false} : vector<2048x64xf32>, vector<64x64xf32>, vector<2048x64xf32> -> vector<2048x64xf32>
    %mul3A_393 = vector.broadcast %slice3A_375 : vector<2048x1xf32> to vector<2048x64xf32>
    %mul3A_394 = arith.mulf %mul3A_393, %dot_general3A_392 : vector<2048x64xf32>
    %add3A_395 = arith.addf %add3A_354, %mul3A_394 : vector<2048x64xf32>
    %get3A_396 = arith.constant 7 : index
    %get3A_397 = arith.constant 0 : index
    %get3A_398 = arith.constant 0 : index
    %get3A_399 = vector.load %arg6[%get3A_396, %get3A_397, %get3A_398] : memref<10x64x64xf32, #tpu.memory_space<vmem>>, vector<1x64x64xf32>
    %get3A_400 = vector.shape_cast %get3A_399 : vector<1x64x64xf32> to vector<64x64xf32>
    %dot_general3A_401 = arith.constant dense<0.000000e+00> : vector<2048x64xf32>
    %dot_general3A_402 = tpu.matmul %mul3A_40, %get3A_400, %dot_general3A_401 {dimension_numbers = #tpu.dot_dimension_numbers<[1], [0], [0], [1], [0, 0, 1, 1], [], []>, transpose_lhs_hint = false} : vector<2048x64xf32>, vector<64x64xf32>, vector<2048x64xf32> -> vector<2048x64xf32>
    %mul3A_403 = vector.broadcast %slice3A_375 : vector<2048x1xf32> to vector<2048x64xf32>
    %mul3A_404 = arith.mulf %mul3A_403, %dot_general3A_402 : vector<2048x64xf32>
    %add3A_405 = arith.addf %add3A_364, %mul3A_404 : vector<2048x64xf32>
    %get3A_406 = arith.constant 7 : index
    %get3A_407 = arith.constant 0 : index
    %get3A_408 = arith.constant 0 : index
    %get3A_409 = vector.load %arg6[%get3A_406, %get3A_407, %get3A_408] : memref<10x64x64xf32, #tpu.memory_space<vmem>>, vector<1x64x64xf32>
    %get3A_410 = vector.shape_cast %get3A_409 : vector<1x64x64xf32> to vector<64x64xf32>
    %dot_general3A_411 = arith.constant dense<0.000000e+00> : vector<2048x64xf32>
    %dot_general3A_412 = tpu.matmul %mul3A_49, %get3A_410, %dot_general3A_411 {dimension_numbers = #tpu.dot_dimension_numbers<[1], [0], [0], [1], [0, 0, 1, 1], [], []>, transpose_lhs_hint = false} : vector<2048x64xf32>, vector<64x64xf32>, vector<2048x64xf32> -> vector<2048x64xf32>
    %mul3A_413 = vector.broadcast %slice3A_375 : vector<2048x1xf32> to vector<2048x64xf32>
    %mul3A_414 = arith.mulf %mul3A_413, %dot_general3A_412 : vector<2048x64xf32>
    %add3A_415 = arith.addf %add3A_374, %mul3A_414 : vector<2048x64xf32>
    %slice3A_416 = vector.extract_strided_slice %get3A_4 {offsets = [0, 8], sizes = [2048, 1], strides = [1, 1]} : vector<2048x16xf32> to vector<2048x1xf32>
    %get3A_417 = arith.constant 8 : index
    %get3A_418 = arith.constant 0 : index
    %get3A_419 = arith.constant 0 : index
    %get3A_420 = vector.load %arg6[%get3A_417, %get3A_418, %get3A_419] : memref<10x64x64xf32, #tpu.memory_space<vmem>>, vector<1x64x64xf32>
    %get3A_421 = vector.shape_cast %get3A_420 : vector<1x64x64xf32> to vector<64x64xf32>
    %dot_general3A_422 = arith.constant dense<0.000000e+00> : vector<2048x64xf32>
    %dot_general3A_423 = tpu.matmul %mul3A_22, %get3A_421, %dot_general3A_422 {dimension_numbers = #tpu.dot_dimension_numbers<[1], [0], [0], [1], [0, 0, 1, 1], [], []>, transpose_lhs_hint = false} : vector<2048x64xf32>, vector<64x64xf32>, vector<2048x64xf32> -> vector<2048x64xf32>
    %mul3A_424 = vector.broadcast %slice3A_416 : vector<2048x1xf32> to vector<2048x64xf32>
    %mul3A_425 = arith.mulf %mul3A_424, %dot_general3A_423 : vector<2048x64xf32>
    %add3A_426 = arith.addf %add3A_385, %mul3A_425 : vector<2048x64xf32>
    %get3A_427 = arith.constant 8 : index
    %get3A_428 = arith.constant 0 : index
    %get3A_429 = arith.constant 0 : index
    %get3A_430 = vector.load %arg6[%get3A_427, %get3A_428, %get3A_429] : memref<10x64x64xf32, #tpu.memory_space<vmem>>, vector<1x64x64xf32>
    %get3A_431 = vector.shape_cast %get3A_430 : vector<1x64x64xf32> to vector<64x64xf32>
    %dot_general3A_432 = arith.constant dense<0.000000e+00> : vector<2048x64xf32>
    %dot_general3A_433 = tpu.matmul %mul3A_31, %get3A_431, %dot_general3A_432 {dimension_numbers = #tpu.dot_dimension_numbers<[1], [0], [0], [1], [0, 0, 1, 1], [], []>, transpose_lhs_hint = false} : vector<2048x64xf32>, vector<64x64xf32>, vector<2048x64xf32> -> vector<2048x64xf32>
    %mul3A_434 = vector.broadcast %slice3A_416 : vector<2048x1xf32> to vector<2048x64xf32>
    %mul3A_435 = arith.mulf %mul3A_434, %dot_general3A_433 : vector<2048x64xf32>
    %add3A_436 = arith.addf %add3A_395, %mul3A_435 : vector<2048x64xf32>
    %get3A_437 = arith.constant 8 : index
    %get3A_438 = arith.constant 0 : index
    %get3A_439 = arith.constant 0 : index
    %get3A_440 = vector.load %arg6[%get3A_437, %get3A_438, %get3A_439] : memref<10x64x64xf32, #tpu.memory_space<vmem>>, vector<1x64x64xf32>
    %get3A_441 = vector.shape_cast %get3A_440 : vector<1x64x64xf32> to vector<64x64xf32>
    %dot_general3A_442 = arith.constant dense<0.000000e+00> : vector<2048x64xf32>
    %dot_general3A_443 = tpu.matmul %mul3A_40, %get3A_441, %dot_general3A_442 {dimension_numbers = #tpu.dot_dimension_numbers<[1], [0], [0], [1], [0, 0, 1, 1], [], []>, transpose_lhs_hint = false} : vector<2048x64xf32>, vector<64x64xf32>, vector<2048x64xf32> -> vector<2048x64xf32>
    %mul3A_444 = vector.broadcast %slice3A_416 : vector<2048x1xf32> to vector<2048x64xf32>
    %mul3A_445 = arith.mulf %mul3A_444, %dot_general3A_443 : vector<2048x64xf32>
    %add3A_446 = arith.addf %add3A_405, %mul3A_445 : vector<2048x64xf32>
    %get3A_447 = arith.constant 8 : index
    %get3A_448 = arith.constant 0 : index
    %get3A_449 = arith.constant 0 : index
    %get3A_450 = vector.load %arg6[%get3A_447, %get3A_448, %get3A_449] : memref<10x64x64xf32, #tpu.memory_space<vmem>>, vector<1x64x64xf32>
    %get3A_451 = vector.shape_cast %get3A_450 : vector<1x64x64xf32> to vector<64x64xf32>
    %dot_general3A_452 = arith.constant dense<0.000000e+00> : vector<2048x64xf32>
    %dot_general3A_453 = tpu.matmul %mul3A_49, %get3A_451, %dot_general3A_452 {dimension_numbers = #tpu.dot_dimension_numbers<[1], [0], [0], [1], [0, 0, 1, 1], [], []>, transpose_lhs_hint = false} : vector<2048x64xf32>, vector<64x64xf32>, vector<2048x64xf32> -> vector<2048x64xf32>
    %mul3A_454 = vector.broadcast %slice3A_416 : vector<2048x1xf32> to vector<2048x64xf32>
    %mul3A_455 = arith.mulf %mul3A_454, %dot_general3A_453 : vector<2048x64xf32>
    %add3A_456 = arith.addf %add3A_415, %mul3A_455 : vector<2048x64xf32>
    %slice3A_457 = vector.extract_strided_slice %get3A_4 {offsets = [0, 9], sizes = [2048, 1], strides = [1, 1]} : vector<2048x16xf32> to vector<2048x1xf32>
    %get3A_458 = arith.constant 9 : index
    %get3A_459 = arith.constant 0 : index
    %get3A_460 = arith.constant 0 : index
    %get3A_461 = vector.load %arg6[%get3A_458, %get3A_459, %get3A_460] : memref<10x64x64xf32, #tpu.memory_space<vmem>>, vector<1x64x64xf32>
    %get3A_462 = vector.shape_cast %get3A_461 : vector<1x64x64xf32> to vector<64x64xf32>
    %dot_general3A_463 = arith.constant dense<0.000000e+00> : vector<2048x64xf32>
    %dot_general3A_464 = tpu.matmul %mul3A_22, %get3A_462, %dot_general3A_463 {dimension_numbers = #tpu.dot_dimension_numbers<[1], [0], [0], [1], [0, 0, 1, 1], [], []>, transpose_lhs_hint = false} : vector<2048x64xf32>, vector<64x64xf32>, vector<2048x64xf32> -> vector<2048x64xf32>
    %mul3A_465 = vector.broadcast %slice3A_457 : vector<2048x1xf32> to vector<2048x64xf32>
    %mul3A_466 = arith.mulf %mul3A_465, %dot_general3A_464 : vector<2048x64xf32>
    %add3A_467 = arith.addf %add3A_426, %mul3A_466 : vector<2048x64xf32>
    %get3A_468 = arith.constant 9 : index
    %get3A_469 = arith.constant 0 : index
    %get3A_470 = arith.constant 0 : index
    %get3A_471 = vector.load %arg6[%get3A_468, %get3A_469, %get3A_470] : memref<10x64x64xf32, #tpu.memory_space<vmem>>, vector<1x64x64xf32>
    %get3A_472 = vector.shape_cast %get3A_471 : vector<1x64x64xf32> to vector<64x64xf32>
    %dot_general3A_473 = arith.constant dense<0.000000e+00> : vector<2048x64xf32>
    %dot_general3A_474 = tpu.matmul %mul3A_31, %get3A_472, %dot_general3A_473 {dimension_numbers = #tpu.dot_dimension_numbers<[1], [0], [0], [1], [0, 0, 1, 1], [], []>, transpose_lhs_hint = false} : vector<2048x64xf32>, vector<64x64xf32>, vector<2048x64xf32> -> vector<2048x64xf32>
    %mul3A_475 = vector.broadcast %slice3A_457 : vector<2048x1xf32> to vector<2048x64xf32>
    %mul3A_476 = arith.mulf %mul3A_475, %dot_general3A_474 : vector<2048x64xf32>
    %add3A_477 = arith.addf %add3A_436, %mul3A_476 : vector<2048x64xf32>
    %get3A_478 = arith.constant 9 : index
    %get3A_479 = arith.constant 0 : index
    %get3A_480 = arith.constant 0 : index
    %get3A_481 = vector.load %arg6[%get3A_478, %get3A_479, %get3A_480] : memref<10x64x64xf32, #tpu.memory_space<vmem>>, vector<1x64x64xf32>
    %get3A_482 = vector.shape_cast %get3A_481 : vector<1x64x64xf32> to vector<64x64xf32>
    %dot_general3A_483 = arith.constant dense<0.000000e+00> : vector<2048x64xf32>
    %dot_general3A_484 = tpu.matmul %mul3A_40, %get3A_482, %dot_general3A_483 {dimension_numbers = #tpu.dot_dimension_numbers<[1], [0], [0], [1], [0, 0, 1, 1], [], []>, transpose_lhs_hint = false} : vector<2048x64xf32>, vector<64x64xf32>, vector<2048x64xf32> -> vector<2048x64xf32>
    %mul3A_485 = vector.broadcast %slice3A_457 : vector<2048x1xf32> to vector<2048x64xf32>
    %mul3A_486 = arith.mulf %mul3A_485, %dot_general3A_484 : vector<2048x64xf32>
    %add3A_487 = arith.addf %add3A_446, %mul3A_486 : vector<2048x64xf32>
    %get3A_488 = arith.constant 9 : index
    %get3A_489 = arith.constant 0 : index
    %get3A_490 = arith.constant 0 : index
    %get3A_491 = vector.load %arg6[%get3A_488, %get3A_489, %get3A_490] : memref<10x64x64xf32, #tpu.memory_space<vmem>>, vector<1x64x64xf32>
    %get3A_492 = vector.shape_cast %get3A_491 : vector<1x64x64xf32> to vector<64x64xf32>
    %dot_general3A_493 = arith.constant dense<0.000000e+00> : vector<2048x64xf32>
    %dot_general3A_494 = tpu.matmul %mul3A_49, %get3A_492, %dot_general3A_493 {dimension_numbers = #tpu.dot_dimension_numbers<[1], [0], [0], [1], [0, 0, 1, 1], [], []>, transpose_lhs_hint = false} : vector<2048x64xf32>, vector<64x64xf32>, vector<2048x64xf32> -> vector<2048x64xf32>
    %mul3A_495 = vector.broadcast %slice3A_457 : vector<2048x1xf32> to vector<2048x64xf32>
    %mul3A_496 = arith.mulf %mul3A_495, %dot_general3A_494 : vector<2048x64xf32>
    %add3A_497 = arith.addf %add3A_456, %mul3A_496 : vector<2048x64xf32>
    %concatenate3A_498 = tpu.concatenate %add3A_467, %add3A_477 in 1 : vector<2048x64xf32>, vector<2048x64xf32> -> vector<2048x128xf32>
    %swap3A_499 = arith.constant 0 : index
    %swap3A_500 = arith.constant 0 : index
    %swap3A_501 = vector.load %arg11[%swap3A_499, %swap3A_500] : memref<2048x128xf32, #tpu.memory_space<vmem>>, vector<2048x128xf32>
    tpu.vector_store %arg11[%swap3A_499, %swap3A_500], %concatenate3A_498 {strides = array<i32>} : memref<2048x128xf32, #tpu.memory_space<vmem>>, vector<2048x128xf32>,
    %concatenate3A_502 = tpu.concatenate %add3A_487, %add3A_497 in 1 : vector<2048x64xf32>, vector<2048x64xf32> -> vector<2048x128xf32>
    %swap3A_503 = arith.constant 0 : index
    %swap3A_504 = arith.constant 0 : index
    %swap3A_505 = vector.load %arg12[%swap3A_503, %swap3A_504] : memref<2048x128xf32, #tpu.memory_space<vmem>>, vector<2048x128xf32>
    tpu.vector_store %arg12[%swap3A_503, %swap3A_504], %concatenate3A_502 {strides = array<i32>} : memref<2048x128xf32, #tpu.memory_space<vmem>>, vector<2048x128xf32>,
    return
  }
  func.func @transform_0(%arg0: i32) -> (i32, i32) {
    %c0_i32 = arith.constant 0 : i32
    %c0_i32_0 = arith.constant 0 : i32
    return %arg0, %c0_i32 : i32, i32
  }
  func.func @transform_1(%arg0: i32) -> (i32, i32) {
    %c0_i32 = arith.constant 0 : i32
    %c0_i32_0 = arith.constant 0 : i32
    return %arg0, %c0_i32 : i32, i32
  }
  func.func @transform_2(%arg0: i32) -> (i32, i32) {
    %c0_i32 = arith.constant 0 : i32
    %c0_i32_0 = arith.constant 0 : i32
    return %arg0, %c0_i32 : i32, i32
  }
  func.func @transform_3(%arg0: i32) -> (i32, i32) {
    %c0_i32 = arith.constant 0 : i32
    %c0_i32_0 = arith.constant 0 : i32
    return %arg0, %c0_i32 : i32, i32
  }
  func.func @transform_4(%arg0: i32) -> (i32, i32, i32) {
    %c0_i32 = arith.constant 0 : i32
    %c0_i32_0 = arith.constant 0 : i32
    %c0_i32_1 = arith.constant 0 : i32
    %c0_i32_2 = arith.constant 0 : i32
    return %c0_i32, %c0_i32_0, %c0_i32_1 : i32, i32, i32
  }
  func.func @transform_5(%arg0: i32) -> (i32, i32, i32) {
    %c0_i32 = arith.constant 0 : i32
    %c0_i32_0 = arith.constant 0 : i32
    %c0_i32_1 = arith.constant 0 : i32
    %c0_i32_2 = arith.constant 0 : i32
    return %c0_i32, %c0_i32_0, %c0_i32_1 : i32, i32, i32
  }
  func.func @transform_6(%arg0: i32) -> (i32, i32) {
    %c0_i32 = arith.constant 0 : i32
    %c0_i32_0 = arith.constant 0 : i32
    %c0_i32_1 = arith.constant 0 : i32
    return %c0_i32, %c0_i32_0 : i32, i32
  }
  func.func @transform_7(%arg0: i32) -> (i32, i32) {
    %c0_i32 = arith.constant 0 : i32
    %c0_i32_0 = arith.constant 0 : i32
    %c0_i32_1 = arith.constant 0 : i32
    return %c0_i32, %c0_i32_0 : i32, i32
  }
  func.func @transform_8(%arg0: i32) -> (i32, i32) {
    %c0_i32 = arith.constant 0 : i32
    %c0_i32_0 = arith.constant 0 : i32
    %c0_i32_1 = arith.constant 0 : i32
    return %c0_i32, %c0_i32_0 : i32, i32
  }
  func.func @transform_9(%arg0: i32) -> (i32, i32) {
    %c0_i32 = arith.constant 0 : i32
    %c0_i32_0 = arith.constant 0 : i32
    return %arg0, %c0_i32 : i32, i32
  }
  func.func @transform_10(%arg0: i32) -> (i32, i32) {
    %c0_i32 = arith.constant 0 : i32
    %c0_i32_0 = arith.constant 0 : i32
    return %arg0, %c0_i32 : i32, i32
  }
  func.func @transform_11(%arg0: i32) -> (i32, i32) {
    %c0_i32 = arith.constant 0 : i32
    %c0_i32_0 = arith.constant 0 : i32
    return %arg0, %c0_i32 : i32, i32
  }
  func.func @transform_12(%arg0: i32) -> (i32, i32) {
    %c0_i32 = arith.constant 0 : i32
    %c0_i32_0 = arith.constant 0 : i32
    return %arg0, %c0_i32 : i32, i32
  }
  func.func @transform_13(%arg0: i32) -> (i32, i32) {
    %c0_i32 = arith.constant 0 : i32
    %c0_i32_0 = arith.constant 0 : i32
    return %arg0, %c0_i32 : i32, i32
  }
}

module attributes {stable_mosaic.version = 14 : i64} {
  func.func @_tc_edge2(%arg0: i32, %arg1: memref<2000x16xf32, #tpu.memory_space<vmem>>, %arg2: memref<2000x128xf32, #tpu.memory_space<vmem>>, %arg3: memref<8x64xf32, #tpu.memory_space<vmem>>, %arg4: memref<64x64xf32, #tpu.memory_space<vmem>>, %arg5: memref<64x64xf32, #tpu.memory_space<vmem>>, %arg6: memref<64x256xf32, #tpu.memory_space<vmem>>, %arg7: memref<2000x128xf32, #tpu.memory_space<vmem>>, %arg8: memref<2000x128xf32, #tpu.memory_space<vmem>>) attributes {dimension_semantics = [#tpu.dimension_semantics<arbitrary>], iteration_bounds = array<i64: 80>, scalar_prefetch = 0 : i64, scratch_operands = 0 : i64, tpu.core_type = #tpu.core_type<tc>, window_params = [{transform_indices = @transform_0, window_bounds = array<i64: 2000, 16>}, {transform_indices = @transform_1, window_bounds = array<i64: 2000, 128>}, {pipeline_mode = #tpu.pipeline_mode<synchronous>, transform_indices = @transform_2, window_bounds = array<i64: 8, 64>}, {pipeline_mode = #tpu.pipeline_mode<synchronous>, transform_indices = @transform_3, window_bounds = array<i64: 64, 64>}, {pipeline_mode = #tpu.pipeline_mode<synchronous>, transform_indices = @transform_4, window_bounds = array<i64: 64, 64>}, {pipeline_mode = #tpu.pipeline_mode<synchronous>, transform_indices = @transform_5, window_bounds = array<i64: 64, 256>}, {transform_indices = @transform_6, window_bounds = array<i64: 2000, 128>}, {transform_indices = @transform_7, window_bounds = array<i64: 2000, 128>}]} {
    %get3A = arith.constant 0 : index
    %get3A_0 = arith.constant 0 : index
    %get3A_1 = vector.load %arg1[%get3A, %get3A_0] : memref<2000x16xf32, #tpu.memory_space<vmem>>, vector<2000x16xf32>
    %slice3A = vector.extract_strided_slice %get3A_1 {offsets = [0, 4], sizes = [2000, 8], strides = [1, 1]} : vector<2000x16xf32> to vector<2000x8xf32>
    %get3A_2 = arith.constant 0 : index
    %get3A_3 = arith.constant 0 : index
    %get3A_4 = vector.load %arg3[%get3A_2, %get3A_3] : memref<8x64xf32, #tpu.memory_space<vmem>>, vector<8x64xf32>
    %get3A_5 = arith.constant 0 : index
    %get3A_6 = arith.constant 0 : index
    %get3A_7 = vector.load %arg4[%get3A_5, %get3A_6] : memref<64x64xf32, #tpu.memory_space<vmem>>, vector<64x64xf32>
    %get3A_8 = arith.constant 0 : index
    %get3A_9 = arith.constant 0 : index
    %get3A_10 = vector.load %arg5[%get3A_8, %get3A_9] : memref<64x64xf32, #tpu.memory_space<vmem>>, vector<64x64xf32>
    %dot_general3A = arith.constant dense<0.000000e+00> : vector<2000x64xf32>
    %dot_general3A_11 = tpu.matmul %slice3A, %get3A_4, %dot_general3A {dimension_numbers = #tpu.dot_dimension_numbers<[1], [0], [0], [1], [0, 0, 1, 1], [], []>, transpose_lhs_hint = false} : vector<2000x8xf32>, vector<8x64xf32>, vector<2000x64xf32> -> vector<2000x64xf32>
    %neg3A = arith.constant 0.000000e+00 : f32
    %neg3A_12 = vector.broadcast %neg3A : f32 to vector<2000x64xf32>
    %neg3A_13 = arith.subf %neg3A_12, %dot_general3A_11 : vector<2000x64xf32>
    %exp3A = math.exp %neg3A_13 : vector<2000x64xf32>
    %add3A = arith.constant 1.000000e+00 : f32
    %add3A_14 = vector.broadcast %add3A : f32 to vector<2000x64xf32>
    %add3A_15 = arith.addf %add3A_14, %exp3A : vector<2000x64xf32>
    %div3A = arith.divf %dot_general3A_11, %add3A_15 : vector<2000x64xf32>
    %dot_general3A_16 = arith.constant dense<0.000000e+00> : vector<2000x64xf32>
    %dot_general3A_17 = tpu.matmul %div3A, %get3A_7, %dot_general3A_16 {dimension_numbers = #tpu.dot_dimension_numbers<[1], [0], [0], [1], [0, 0, 1, 1], [], []>, transpose_lhs_hint = false} : vector<2000x64xf32>, vector<64x64xf32>, vector<2000x64xf32> -> vector<2000x64xf32>
    %neg3A_18 = arith.constant 0.000000e+00 : f32
    %neg3A_19 = vector.broadcast %neg3A_18 : f32 to vector<2000x64xf32>
    %neg3A_20 = arith.subf %neg3A_19, %dot_general3A_17 : vector<2000x64xf32>
    %exp3A_21 = math.exp %neg3A_20 : vector<2000x64xf32>
    %add3A_22 = arith.constant 1.000000e+00 : f32
    %add3A_23 = vector.broadcast %add3A_22 : f32 to vector<2000x64xf32>
    %add3A_24 = arith.addf %add3A_23, %exp3A_21 : vector<2000x64xf32>
    %div3A_25 = arith.divf %dot_general3A_17, %add3A_24 : vector<2000x64xf32>
    %dot_general3A_26 = arith.constant dense<0.000000e+00> : vector<2000x64xf32>
    %dot_general3A_27 = tpu.matmul %div3A_25, %get3A_10, %dot_general3A_26 {dimension_numbers = #tpu.dot_dimension_numbers<[1], [0], [0], [1], [0, 0, 1, 1], [], []>, transpose_lhs_hint = false} : vector<2000x64xf32>, vector<64x64xf32>, vector<2000x64xf32> -> vector<2000x64xf32>
    %neg3A_28 = arith.constant 0.000000e+00 : f32
    %neg3A_29 = vector.broadcast %neg3A_28 : f32 to vector<2000x64xf32>
    %neg3A_30 = arith.subf %neg3A_29, %dot_general3A_27 : vector<2000x64xf32>
    %exp3A_31 = math.exp %neg3A_30 : vector<2000x64xf32>
    %add3A_32 = arith.constant 1.000000e+00 : f32
    %add3A_33 = vector.broadcast %add3A_32 : f32 to vector<2000x64xf32>
    %add3A_34 = arith.addf %add3A_33, %exp3A_31 : vector<2000x64xf32>
    %div3A_35 = arith.divf %dot_general3A_27, %add3A_34 : vector<2000x64xf32>
    %get3A_36 = arith.constant 0 : index
    %get3A_37 = arith.constant 0 : index
    %get3A_38 = vector.load %arg6[%get3A_36, %get3A_37] : memref<64x256xf32, #tpu.memory_space<vmem>>, vector<64x256xf32>
    %dot_general3A_39 = arith.constant dense<0.000000e+00> : vector<2000x256xf32>
    %dot_general3A_40 = tpu.matmul %div3A_35, %get3A_38, %dot_general3A_39 {dimension_numbers = #tpu.dot_dimension_numbers<[1], [0], [0], [1], [0, 0, 1, 1], [], []>, transpose_lhs_hint = false} : vector<2000x64xf32>, vector<64x256xf32>, vector<2000x256xf32> -> vector<2000x256xf32>
    %get3A_41 = arith.constant 0 : index
    %get3A_42 = arith.constant 0 : index
    %get3A_43 = vector.load %arg2[%get3A_41, %get3A_42] : memref<2000x128xf32, #tpu.memory_space<vmem>>, vector<2000x128xf32>
    %slice3A_44 = vector.extract_strided_slice %get3A_43 {offsets = [0, 0], sizes = [2000, 64], strides = [1, 1]} : vector<2000x128xf32> to vector<2000x64xf32>
    %slice3A_45 = vector.extract_strided_slice %get3A_1 {offsets = [0, 1], sizes = [2000, 1], strides = [1, 1]} : vector<2000x16xf32> to vector<2000x1xf32>
    %mul3A = arith.constant 1.73205078 : f32
    %mul3A_46 = vector.broadcast %mul3A : f32 to vector<2000x1xf32>
    %mul3A_47 = arith.mulf %mul3A_46, %slice3A_45 : vector<2000x1xf32>
    %slice3A_48 = vector.extract_strided_slice %get3A_1 {offsets = [0, 2], sizes = [2000, 1], strides = [1, 1]} : vector<2000x16xf32> to vector<2000x1xf32>
    %mul3A_49 = arith.constant 1.73205078 : f32
    %mul3A_50 = vector.broadcast %mul3A_49 : f32 to vector<2000x1xf32>
    %mul3A_51 = arith.mulf %mul3A_50, %slice3A_48 : vector<2000x1xf32>
    %slice3A_52 = vector.extract_strided_slice %get3A_1 {offsets = [0, 3], sizes = [2000, 1], strides = [1, 1]} : vector<2000x16xf32> to vector<2000x1xf32>
    %mul3A_53 = arith.constant 1.73205078 : f32
    %mul3A_54 = vector.broadcast %mul3A_53 : f32 to vector<2000x1xf32>
    %mul3A_55 = arith.mulf %mul3A_54, %slice3A_52 : vector<2000x1xf32>
    %slice3A_56 = vector.extract_strided_slice %dot_general3A_40 {offsets = [0, 0], sizes = [2000, 64], strides = [1, 1]} : vector<2000x256xf32> to vector<2000x64xf32>
    %mul3A_57 = arith.mulf %slice3A_56, %slice3A_44 : vector<2000x64xf32>
    %slice3A_58 = vector.extract_strided_slice %dot_general3A_40 {offsets = [0, 64], sizes = [2000, 64], strides = [1, 1]} : vector<2000x256xf32> to vector<2000x64xf32>
    %mul3A_59 = arith.mulf %slice3A_58, %slice3A_44 : vector<2000x64xf32>
    %mul3A_60 = vector.broadcast %mul3A_47 : vector<2000x1xf32> to vector<2000x64xf32>
    %mul3A_61 = arith.mulf %mul3A_59, %mul3A_60 : vector<2000x64xf32>
    %concatenate3A = tpu.concatenate %mul3A_57, %mul3A_61 in 1 : vector<2000x64xf32>, vector<2000x64xf32> -> vector<2000x128xf32>
    %swap3A = arith.constant 0 : index
    %swap3A_62 = arith.constant 0 : index
    %swap3A_63 = vector.load %arg7[%swap3A, %swap3A_62] : memref<2000x128xf32, #tpu.memory_space<vmem>>, vector<2000x128xf32>
    tpu.vector_store %arg7[%swap3A, %swap3A_62], %concatenate3A {strides = array<i32>} : memref<2000x128xf32, #tpu.memory_space<vmem>>, vector<2000x128xf32>,
    %slice3A_64 = vector.extract_strided_slice %dot_general3A_40 {offsets = [0, 128], sizes = [2000, 64], strides = [1, 1]} : vector<2000x256xf32> to vector<2000x64xf32>
    %mul3A_65 = arith.mulf %slice3A_64, %slice3A_44 : vector<2000x64xf32>
    %mul3A_66 = vector.broadcast %mul3A_51 : vector<2000x1xf32> to vector<2000x64xf32>
    %mul3A_67 = arith.mulf %mul3A_65, %mul3A_66 : vector<2000x64xf32>
    %slice3A_68 = vector.extract_strided_slice %dot_general3A_40 {offsets = [0, 192], sizes = [2000, 64], strides = [1, 1]} : vector<2000x256xf32> to vector<2000x64xf32>
    %mul3A_69 = arith.mulf %slice3A_68, %slice3A_44 : vector<2000x64xf32>
    %mul3A_70 = vector.broadcast %mul3A_55 : vector<2000x1xf32> to vector<2000x64xf32>
    %mul3A_71 = arith.mulf %mul3A_69, %mul3A_70 : vector<2000x64xf32>
    %concatenate3A_72 = tpu.concatenate %mul3A_67, %mul3A_71 in 1 : vector<2000x64xf32>, vector<2000x64xf32> -> vector<2000x128xf32>
    %swap3A_73 = arith.constant 0 : index
    %swap3A_74 = arith.constant 0 : index
    %swap3A_75 = vector.load %arg8[%swap3A_73, %swap3A_74] : memref<2000x128xf32, #tpu.memory_space<vmem>>, vector<2000x128xf32>
    tpu.vector_store %arg8[%swap3A_73, %swap3A_74], %concatenate3A_72 {strides = array<i32>} : memref<2000x128xf32, #tpu.memory_space<vmem>>, vector<2000x128xf32>,
    return
  }
  func.func @transform_0(%arg0: i32) -> (i32, i32) {
    %c0_i32 = arith.constant 0 : i32
    %c0_i32_0 = arith.constant 0 : i32
    return %arg0, %c0_i32 : i32, i32
  }
  func.func @transform_1(%arg0: i32) -> (i32, i32) {
    %c0_i32 = arith.constant 0 : i32
    %c0_i32_0 = arith.constant 0 : i32
    return %arg0, %c0_i32 : i32, i32
  }
  func.func @transform_2(%arg0: i32) -> (i32, i32) {
    %c0_i32 = arith.constant 0 : i32
    %c0_i32_0 = arith.constant 0 : i32
    %c0_i32_1 = arith.constant 0 : i32
    return %c0_i32, %c0_i32_0 : i32, i32
  }
  func.func @transform_3(%arg0: i32) -> (i32, i32) {
    %c0_i32 = arith.constant 0 : i32
    %c0_i32_0 = arith.constant 0 : i32
    %c0_i32_1 = arith.constant 0 : i32
    return %c0_i32, %c0_i32_0 : i32, i32
  }
  func.func @transform_4(%arg0: i32) -> (i32, i32) {
    %c0_i32 = arith.constant 0 : i32
    %c0_i32_0 = arith.constant 0 : i32
    %c0_i32_1 = arith.constant 0 : i32
    return %c0_i32, %c0_i32_0 : i32, i32
  }
  func.func @transform_5(%arg0: i32) -> (i32, i32) {
    %c0_i32 = arith.constant 0 : i32
    %c0_i32_0 = arith.constant 0 : i32
    %c0_i32_1 = arith.constant 0 : i32
    return %c0_i32, %c0_i32_0 : i32, i32
  }
  func.func @transform_6(%arg0: i32) -> (i32, i32) {
    %c0_i32 = arith.constant 0 : i32
    %c0_i32_0 = arith.constant 0 : i32
    return %arg0, %c0_i32 : i32, i32
  }
  func.func @transform_7(%arg0: i32) -> (i32, i32) {
    %c0_i32 = arith.constant 0 : i32
    %c0_i32_0 = arith.constant 0 : i32
    return %arg0, %c0_i32 : i32, i32
  }
}

module attributes {stable_mosaic.version = 14 : i64} {
  func.func @_tc_node_c(%arg0: i32, %arg1: memref<2048x128xf32, #tpu.memory_space<vmem>>, %arg2: memref<2048x128xf32, #tpu.memory_space<vmem>>, %arg3: memref<2048x128xf32, #tpu.memory_space<vmem>>, %arg4: memref<2048x128xf32, #tpu.memory_space<vmem>>, %arg5: memref<2048x64xf32, #tpu.memory_space<vmem>>, %arg6: memref<2048x16xf32, #tpu.memory_space<vmem>>, %arg7: memref<2048x8xf32, #tpu.memory_space<vmem>>, %arg8: memref<4x64x64xf32, #tpu.memory_space<vmem>>, %arg9: memref<64x16xf32, #tpu.memory_space<vmem>>, %arg10: memref<16x64xf32, #tpu.memory_space<vmem>>, %arg11: memref<16x1xf32, #tpu.memory_space<vmem>>, %arg12: memref<1x16xf32, #tpu.memory_space<vmem>>, %arg13: memref<64x64xf32, #tpu.memory_space<vmem>>, %arg14: memref<64x1xf32, #tpu.memory_space<vmem>>, %arg15: memref<1x64xf32, #tpu.memory_space<vmem>>, %arg16: memref<10x64x64xf32, #tpu.memory_space<vmem>>, %arg17: memref<64x64xf32, #tpu.memory_space<vmem>>, %arg18: memref<2048x1xf32, #tpu.memory_space<vmem>>, %arg19: memref<2048x8xf32, #tpu.memory_space<vmem>>, %arg20: memref<2048x128xf32, #tpu.memory_space<vmem>>, %arg21: memref<2048x64xf32, #tpu.memory_space<vmem>>) attributes {dimension_semantics = [#tpu.dimension_semantics<arbitrary>], iteration_bounds = array<i64: 5>, scalar_prefetch = 0 : i64, scratch_operands = 0 : i64, tpu.core_type = #tpu.core_type<tc>, window_params = [{transform_indices = @transform_0, window_bounds = array<i64: 2048, 128>}, {transform_indices = @transform_1, window_bounds = array<i64: 2048, 128>}, {transform_indices = @transform_2, window_bounds = array<i64: 2048, 128>}, {transform_indices = @transform_3, window_bounds = array<i64: 2048, 128>}, {transform_indices = @transform_4, window_bounds = array<i64: 2048, 64>}, {transform_indices = @transform_5, window_bounds = array<i64: 2048, 16>}, {transform_indices = @transform_6, window_bounds = array<i64: 2048, 8>}, {pipeline_mode = #tpu.pipeline_mode<synchronous>, transform_indices = @transform_7, window_bounds = array<i64: 4, 64, 64>}, {pipeline_mode = #tpu.pipeline_mode<synchronous>, transform_indices = @transform_8, window_bounds = array<i64: 64, 16>}, {pipeline_mode = #tpu.pipeline_mode<synchronous>, transform_indices = @transform_9, window_bounds = array<i64: 16, 64>}, {pipeline_mode = #tpu.pipeline_mode<synchronous>, transform_indices = @transform_10, window_bounds = array<i64: 16, 1>}, {pipeline_mode = #tpu.pipeline_mode<synchronous>, transform_indices = @transform_11, window_bounds = array<i64: 1, 16>}, {pipeline_mode = #tpu.pipeline_mode<synchronous>, transform_indices = @transform_12, window_bounds = array<i64: 64, 64>}, {pipeline_mode = #tpu.pipeline_mode<synchronous>, transform_indices = @transform_13, window_bounds = array<i64: 64, 1>}, {pipeline_mode = #tpu.pipeline_mode<synchronous>, transform_indices = @transform_14, window_bounds = array<i64: 1, 64>}, {pipeline_mode = #tpu.pipeline_mode<synchronous>, transform_indices = @transform_15, window_bounds = array<i64: 10, 64, 64>}, {pipeline_mode = #tpu.pipeline_mode<synchronous>, transform_indices = @transform_16, window_bounds = array<i64: 64, 64>}, {transform_indices = @transform_17, window_bounds = array<i64: 2048, 1>}, {transform_indices = @transform_18, window_bounds = array<i64: 2048, 8>}, {transform_indices = @transform_19, window_bounds = array<i64: 2048, 128>}, {transform_indices = @transform_20, window_bounds = array<i64: 2048, 64>}]} {
    %get3A = arith.constant 0 : index
    %get3A_0 = arith.constant 0 : index
    %get3A_1 = vector.load %arg5[%get3A, %get3A_0] : memref<2048x64xf32, #tpu.memory_space<vmem>>, vector<2048x64xf32>
    %get3A_2 = arith.constant 0 : index
    %get3A_3 = arith.constant 0 : index
    %get3A_4 = vector.load %arg6[%get3A_2, %get3A_3] : memref<2048x16xf32, #tpu.memory_space<vmem>>, vector<2048x16xf32>
    %get3A_5 = arith.constant 0 : index
    %get3A_6 = arith.constant 0 : index
    %get3A_7 = vector.load %arg1[%get3A_5, %get3A_6] : memref<2048x128xf32, #tpu.memory_space<vmem>>, vector<2048x128xf32>
    %mul3A = arith.constant 6.250000e-02 : f32
    %mul3A_8 = vector.broadcast %mul3A : f32 to vector<2048x128xf32>
    %mul3A_9 = arith.mulf %get3A_7, %mul3A_8 : vector<2048x128xf32>
    %get3A_10 = arith.constant 0 : index
    %get3A_11 = arith.constant 0 : index
    %get3A_12 = vector.load %arg2[%get3A_10, %get3A_11] : memref<2048x128xf32, #tpu.memory_space<vmem>>, vector<2048x128xf32>
    %mul3A_13 = arith.constant 6.250000e-02 : f32
    %mul3A_14 = vector.broadcast %mul3A_13 : f32 to vector<2048x128xf32>
    %mul3A_15 = arith.mulf %get3A_12, %mul3A_14 : vector<2048x128xf32>
    %get3A_16 = arith.constant 0 : index
    %get3A_17 = arith.constant 0 : index
    %get3A_18 = vector.load %arg3[%get3A_16, %get3A_17] : memref<2048x128xf32, #tpu.memory_space<vmem>>, vector<2048x128xf32>
    %get3A_19 = arith.constant 0 : index
    %get3A_20 = arith.constant 0 : index
    %get3A_21 = vector.load %arg4[%get3A_19, %get3A_20] : memref<2048x128xf32, #tpu.memory_space<vmem>>, vector<2048x128xf32>
    %slice3A = vector.extract_strided_slice %mul3A_9 {offsets = [0, 0], sizes = [2048, 64], strides = [1, 1]} : vector<2048x128xf32> to vector<2048x64xf32>
    %get3A_22 = arith.constant 0 : index
    %get3A_23 = arith.constant 0 : index
    %get3A_24 = arith.constant 0 : index
    %get3A_25 = vector.load %arg8[%get3A_22, %get3A_23, %get3A_24] : memref<4x64x64xf32, #tpu.memory_space<vmem>>, vector<1x64x64xf32>
    %get3A_26 = vector.shape_cast %get3A_25 : vector<1x64x64xf32> to vector<64x64xf32>
    %dot_general3A = arith.constant dense<0.000000e+00> : vector<2048x64xf32>
    %dot_general3A_27 = tpu.matmul %slice3A, %get3A_26, %dot_general3A {dimension_numbers = #tpu.dot_dimension_numbers<[1], [0], [0], [1], [0, 0, 1, 1], [], []>, transpose_lhs_hint = false} : vector<2048x64xf32>, vector<64x64xf32>, vector<2048x64xf32> -> vector<2048x64xf32>
    %mul3A_28 = arith.mulf %dot_general3A_27, %get3A_1 : vector<2048x64xf32>
    %slice3A_29 = vector.extract_strided_slice %get3A_18 {offsets = [0, 0], sizes = [2048, 64], strides = [1, 1]} : vector<2048x128xf32> to vector<2048x64xf32>
    %add3A = arith.addf %mul3A_28, %slice3A_29 : vector<2048x64xf32>
    %slice3A_30 = vector.extract_strided_slice %mul3A_9 {offsets = [0, 64], sizes = [2048, 64], strides = [1, 1]} : vector<2048x128xf32> to vector<2048x64xf32>
    %get3A_31 = arith.constant 1 : index
    %get3A_32 = arith.constant 0 : index
    %get3A_33 = arith.constant 0 : index
    %get3A_34 = vector.load %arg8[%get3A_31, %get3A_32, %get3A_33] : memref<4x64x64xf32, #tpu.memory_space<vmem>>, vector<1x64x64xf32>
    %get3A_35 = vector.shape_cast %get3A_34 : vector<1x64x64xf32> to vector<64x64xf32>
    %dot_general3A_36 = arith.constant dense<0.000000e+00> : vector<2048x64xf32>
    %dot_general3A_37 = tpu.matmul %slice3A_30, %get3A_35, %dot_general3A_36 {dimension_numbers = #tpu.dot_dimension_numbers<[1], [0], [0], [1], [0, 0, 1, 1], [], []>, transpose_lhs_hint = false} : vector<2048x64xf32>, vector<64x64xf32>, vector<2048x64xf32> -> vector<2048x64xf32>
    %mul3A_38 = arith.mulf %dot_general3A_37, %get3A_1 : vector<2048x64xf32>
    %slice3A_39 = vector.extract_strided_slice %get3A_18 {offsets = [0, 64], sizes = [2048, 64], strides = [1, 1]} : vector<2048x128xf32> to vector<2048x64xf32>
    %add3A_40 = arith.addf %mul3A_38, %slice3A_39 : vector<2048x64xf32>
    %slice3A_41 = vector.extract_strided_slice %mul3A_15 {offsets = [0, 0], sizes = [2048, 64], strides = [1, 1]} : vector<2048x128xf32> to vector<2048x64xf32>
    %get3A_42 = arith.constant 2 : index
    %get3A_43 = arith.constant 0 : index
    %get3A_44 = arith.constant 0 : index
    %get3A_45 = vector.load %arg8[%get3A_42, %get3A_43, %get3A_44] : memref<4x64x64xf32, #tpu.memory_space<vmem>>, vector<1x64x64xf32>
    %get3A_46 = vector.shape_cast %get3A_45 : vector<1x64x64xf32> to vector<64x64xf32>
    %dot_general3A_47 = arith.constant dense<0.000000e+00> : vector<2048x64xf32>
    %dot_general3A_48 = tpu.matmul %slice3A_41, %get3A_46, %dot_general3A_47 {dimension_numbers = #tpu.dot_dimension_numbers<[1], [0], [0], [1], [0, 0, 1, 1], [], []>, transpose_lhs_hint = false} : vector<2048x64xf32>, vector<64x64xf32>, vector<2048x64xf32> -> vector<2048x64xf32>
    %mul3A_49 = arith.mulf %dot_general3A_48, %get3A_1 : vector<2048x64xf32>
    %slice3A_50 = vector.extract_strided_slice %get3A_21 {offsets = [0, 0], sizes = [2048, 64], strides = [1, 1]} : vector<2048x128xf32> to vector<2048x64xf32>
    %add3A_51 = arith.addf %mul3A_49, %slice3A_50 : vector<2048x64xf32>
    %slice3A_52 = vector.extract_strided_slice %mul3A_15 {offsets = [0, 64], sizes = [2048, 64], strides = [1, 1]} : vector<2048x128xf32> to vector<2048x64xf32>
    %get3A_53 = arith.constant 3 : index
    %get3A_54 = arith.constant 0 : index
    %get3A_55 = arith.constant 0 : index
    %get3A_56 = vector.load %arg8[%get3A_53, %get3A_54, %get3A_55] : memref<4x64x64xf32, #tpu.memory_space<vmem>>, vector<1x64x64xf32>
    %get3A_57 = vector.shape_cast %get3A_56 : vector<1x64x64xf32> to vector<64x64xf32>
    %dot_general3A_58 = arith.constant dense<0.000000e+00> : vector<2048x64xf32>
    %dot_general3A_59 = tpu.matmul %slice3A_52, %get3A_57, %dot_general3A_58 {dimension_numbers = #tpu.dot_dimension_numbers<[1], [0], [0], [1], [0, 0, 1, 1], [], []>, transpose_lhs_hint = false} : vector<2048x64xf32>, vector<64x64xf32>, vector<2048x64xf32> -> vector<2048x64xf32>
    %mul3A_60 = arith.mulf %dot_general3A_59, %get3A_1 : vector<2048x64xf32>
    %slice3A_61 = vector.extract_strided_slice %get3A_21 {offsets = [0, 64], sizes = [2048, 64], strides = [1, 1]} : vector<2048x128xf32> to vector<2048x64xf32>
    %add3A_62 = arith.addf %mul3A_60, %slice3A_61 : vector<2048x64xf32>
    %get3A_63 = arith.constant 0 : index
    %get3A_64 = arith.constant 0 : index
    %get3A_65 = vector.load %arg9[%get3A_63, %get3A_64] : memref<64x16xf32, #tpu.memory_space<vmem>>, vector<64x16xf32>
    %dot_general3A_66 = arith.constant dense<0.000000e+00> : vector<2048x16xf32>
    %dot_general3A_67 = tpu.matmul %add3A, %get3A_65, %dot_general3A_66 {dimension_numbers = #tpu.dot_dimension_numbers<[1], [0], [0], [1], [0, 0, 1, 1], [], []>, transpose_lhs_hint = false} : vector<2048x64xf32>, vector<64x16xf32>, vector<2048x16xf32> -> vector<2048x16xf32>
    %neg3A = arith.constant 0.000000e+00 : f32
    %neg3A_68 = vector.broadcast %neg3A : f32 to vector<2048x16xf32>
    %neg3A_69 = arith.subf %neg3A_68, %dot_general3A_67 : vector<2048x16xf32>
    %exp3A = math.exp %neg3A_69 : vector<2048x16xf32>
    %add3A_70 = arith.constant 1.000000e+00 : f32
    %add3A_71 = vector.broadcast %add3A_70 : f32 to vector<2048x16xf32>
    %add3A_72 = arith.addf %add3A_71, %exp3A : vector<2048x16xf32>
    %div3A = arith.divf %dot_general3A_67, %add3A_72 : vector<2048x16xf32>
    %get3A_73 = arith.constant 0 : index
    %get3A_74 = arith.constant 0 : index
    %get3A_75 = vector.load %arg11[%get3A_73, %get3A_74] : memref<16x1xf32, #tpu.memory_space<vmem>>, vector<16x1xf32>
    %dot_general3A_76 = arith.constant dense<0.000000e+00> : vector<2048x1xf32>
    %dot_general3A_77 = tpu.matmul %div3A, %get3A_75, %dot_general3A_76 {dimension_numbers = #tpu.dot_dimension_numbers<[1], [0], [0], [1], [0, 0, 1, 1], [], []>, transpose_lhs_hint = false} : vector<2048x16xf32>, vector<16x1xf32>, vector<2048x1xf32> -> vector<2048x1xf32>
    %swap3A = arith.constant 0 : index
    %swap3A_78 = arith.constant 0 : index
    %swap3A_79 = vector.load %arg18[%swap3A, %swap3A_78] : memref<2048x1xf32, #tpu.memory_space<vmem>>, vector<2048x1xf32>
    tpu.vector_store %arg18[%swap3A, %swap3A_78], %dot_general3A_77 {strides = array<i32>} : memref<2048x1xf32, #tpu.memory_space<vmem>>, vector<2048x1xf32>,
    %get3A_80 = arith.constant 0 : index
    %get3A_81 = arith.constant 0 : index
    %get3A_82 = vector.load %arg13[%get3A_80, %get3A_81] : memref<64x64xf32, #tpu.memory_space<vmem>>, vector<64x64xf32>
    %dot_general3A_83 = arith.constant dense<0.000000e+00> : vector<2048x64xf32>
    %dot_general3A_84 = tpu.matmul %add3A, %get3A_82, %dot_general3A_83 {dimension_numbers = #tpu.dot_dimension_numbers<[1], [0], [0], [1], [0, 0, 1, 1], [], []>, transpose_lhs_hint = false} : vector<2048x64xf32>, vector<64x64xf32>, vector<2048x64xf32> -> vector<2048x64xf32>
    %neg3A_85 = arith.constant 0.000000e+00 : f32
    %neg3A_86 = vector.broadcast %neg3A_85 : f32 to vector<2048x64xf32>
    %neg3A_87 = arith.subf %neg3A_86, %dot_general3A_84 : vector<2048x64xf32>
    %exp3A_88 = math.exp %neg3A_87 : vector<2048x64xf32>
    %add3A_89 = arith.constant 1.000000e+00 : f32
    %add3A_90 = vector.broadcast %add3A_89 : f32 to vector<2048x64xf32>
    %add3A_91 = arith.addf %add3A_90, %exp3A_88 : vector<2048x64xf32>
    %div3A_92 = arith.divf %dot_general3A_84, %add3A_91 : vector<2048x64xf32>
    %get3A_93 = arith.constant 0 : index
    %get3A_94 = arith.constant 0 : index
    %get3A_95 = vector.load %arg14[%get3A_93, %get3A_94] : memref<64x1xf32, #tpu.memory_space<vmem>>, vector<64x1xf32>
    %get3A_96 = arith.constant 0 : index
    %get3A_97 = arith.constant 0 : index
    %get3A_98 = vector.load %arg7[%get3A_96, %get3A_97] : memref<2048x8xf32, #tpu.memory_space<vmem>>, vector<2048x8xf32>
    %mul3A_99 = arith.mulf %add3A_40, %div3A_92 : vector<2048x64xf32>
    %dot_general3A_100 = arith.constant dense<0.000000e+00> : vector<2048x1xf32>
    %dot_general3A_101 = tpu.matmul %mul3A_99, %get3A_95, %dot_general3A_100 {dimension_numbers = #tpu.dot_dimension_numbers<[1], [0], [0], [1], [0, 0, 1, 1], [], []>, transpose_lhs_hint = false} : vector<2048x64xf32>, vector<64x1xf32>, vector<2048x1xf32> -> vector<2048x1xf32>
    %mul3A_102 = arith.mulf %add3A_51, %div3A_92 : vector<2048x64xf32>
    %dot_general3A_103 = arith.constant dense<0.000000e+00> : vector<2048x1xf32>
    %dot_general3A_104 = tpu.matmul %mul3A_102, %get3A_95, %dot_general3A_103 {dimension_numbers = #tpu.dot_dimension_numbers<[1], [0], [0], [1], [0, 0, 1, 1], [], []>, transpose_lhs_hint = false} : vector<2048x64xf32>, vector<64x1xf32>, vector<2048x1xf32> -> vector<2048x1xf32>
    %mul3A_105 = arith.mulf %add3A_62, %div3A_92 : vector<2048x64xf32>
    %dot_general3A_106 = arith.constant dense<0.000000e+00> : vector<2048x1xf32>
    %dot_general3A_107 = tpu.matmul %mul3A_105, %get3A_95, %dot_general3A_106 {dimension_numbers = #tpu.dot_dimension_numbers<[1], [0], [0], [1], [0, 0, 1, 1], [], []>, transpose_lhs_hint = false} : vector<2048x64xf32>, vector<64x1xf32>, vector<2048x1xf32> -> vector<2048x1xf32>
    %broadcast_in_dim3A = arith.constant 0.000000e+00 : f32
    %broadcast_in_dim3A_108 = vector.broadcast %broadcast_in_dim3A : f32 to vector<2048x1xf32>
    %slice3A_109 = vector.extract_strided_slice %get3A_98 {offsets = [0, 0], sizes = [2048, 1], strides = [1, 1]} : vector<2048x8xf32> to vector<2048x1xf32>
    %add3A_110 = arith.addf %slice3A_109, %dot_general3A_101 : vector<2048x1xf32>
    %slice3A_111 = vector.extract_strided_slice %get3A_98 {offsets = [0, 1], sizes = [2048, 1], strides = [1, 1]} : vector<2048x8xf32> to vector<2048x1xf32>
    %add3A_112 = arith.addf %slice3A_111, %dot_general3A_104 : vector<2048x1xf32>
    %slice3A_113 = vector.extract_strided_slice %get3A_98 {offsets = [0, 2], sizes = [2048, 1], strides = [1, 1]} : vector<2048x8xf32> to vector<2048x1xf32>
    %add3A_114 = arith.addf %slice3A_113, %dot_general3A_107 : vector<2048x1xf32>
    %concatenate3A = tpu.concatenate %add3A_110, %add3A_112, %add3A_114, %broadcast_in_dim3A_108, %broadcast_in_dim3A_108, %broadcast_in_dim3A_108, %broadcast_in_dim3A_108, %broadcast_in_dim3A_108 in 1 : vector<2048x1xf32>, vector<2048x1xf32>, vector<2048x1xf32>, vector<2048x1xf32>, vector<2048x1xf32>, vector<2048x1xf32>, vector<2048x1xf32>, vector<2048x1xf32> -> vector<2048x8xf32>
    %swap3A_115 = arith.constant 0 : index
    %swap3A_116 = arith.constant 0 : index
    %swap3A_117 = vector.load %arg19[%swap3A_115, %swap3A_116] : memref<2048x8xf32, #tpu.memory_space<vmem>>, vector<2048x8xf32>
    tpu.vector_store %arg19[%swap3A_115, %swap3A_116], %concatenate3A {strides = array<i32>} : memref<2048x8xf32, #tpu.memory_space<vmem>>, vector<2048x8xf32>,
    %neg3A_118 = arith.constant 0.000000e+00 : f32
    %neg3A_119 = vector.broadcast %neg3A_118 : f32 to vector<2048x16xf32>
    %neg3A_120 = arith.subf %neg3A_119, %dot_general3A_67 : vector<2048x16xf32>
    %exp3A_121 = math.exp %neg3A_120 : vector<2048x16xf32>
    %add3A_122 = arith.constant 1.000000e+00 : f32
    %add3A_123 = vector.broadcast %add3A_122 : f32 to vector<2048x16xf32>
    %add3A_124 = arith.addf %add3A_123, %exp3A_121 : vector<2048x16xf32>
    %div3A_125 = arith.constant 1.000000e+00 : f32
    %div3A_126 = vector.broadcast %div3A_125 : f32 to vector<2048x16xf32>
    %div3A_127 = arith.divf %div3A_126, %add3A_124 : vector<2048x16xf32>
    %sub3A = arith.constant 1.000000e+00 : f32
    %sub3A_128 = vector.broadcast %sub3A : f32 to vector<2048x16xf32>
    %sub3A_129 = arith.subf %sub3A_128, %div3A_127 : vector<2048x16xf32>
    %mul3A_130 = arith.mulf %dot_general3A_67, %sub3A_129 : vector<2048x16xf32>
    %add3A_131 = arith.constant 1.000000e+00 : f32
    %add3A_132 = vector.broadcast %add3A_131 : f32 to vector<2048x16xf32>
    %add3A_133 = arith.addf %add3A_132, %mul3A_130 : vector<2048x16xf32>
    %mul3A_134 = arith.mulf %div3A_127, %add3A_133 : vector<2048x16xf32>
    %get3A_135 = arith.constant 0 : index
    %get3A_136 = arith.constant 0 : index
    %get3A_137 = vector.load %arg12[%get3A_135, %get3A_136] : memref<1x16xf32, #tpu.memory_space<vmem>>, vector<1x16xf32>
    %mul3A_138 = vector.broadcast %get3A_137 : vector<1x16xf32> to vector<2048x16xf32>
    %mul3A_139 = arith.mulf %mul3A_134, %mul3A_138 : vector<2048x16xf32>
    %get3A_140 = arith.constant 0 : index
    %get3A_141 = arith.constant 0 : index
    %get3A_142 = vector.load %arg10[%get3A_140, %get3A_141] : memref<16x64xf32, #tpu.memory_space<vmem>>, vector<16x64xf32>
    %dot_general3A_143 = arith.constant dense<0.000000e+00> : vector<2048x64xf32>
    %dot_general3A_144 = tpu.matmul %mul3A_139, %get3A_142, %dot_general3A_143 {dimension_numbers = #tpu.dot_dimension_numbers<[1], [0], [0], [1], [0, 0, 1, 1], [], []>, transpose_lhs_hint = false} : vector<2048x16xf32>, vector<16x64xf32>, vector<2048x64xf32> -> vector<2048x64xf32>
    %mul3A_145 = arith.mulf %dot_general3A_144, %get3A_1 : vector<2048x64xf32>
    %get3A_146 = arith.constant 0 : index
    %get3A_147 = arith.constant 0 : index
    %get3A_148 = vector.load %arg17[%get3A_146, %get3A_147] : memref<64x64xf32, #tpu.memory_space<vmem>>, vector<64x64xf32>
    %dot_general3A_149 = arith.constant dense<0.000000e+00> : vector<2048x64xf32>
    %dot_general3A_150 = tpu.matmul %mul3A_145, %get3A_148, %dot_general3A_149 {dimension_numbers = #tpu.dot_dimension_numbers<[1], [0], [0], [1], [0, 0, 1, 1], [], []>, transpose_lhs_hint = false} : vector<2048x64xf32>, vector<64x64xf32>, vector<2048x64xf32> -> vector<2048x64xf32>
    %broadcast_in_dim3A_151 = arith.constant 0.000000e+00 : f32
    %broadcast_in_dim3A_152 = vector.broadcast %broadcast_in_dim3A_151 : f32 to vector<2048x64xf32>
    %concatenate3A_153 = tpu.concatenate %dot_general3A_150, %broadcast_in_dim3A_152 in 1 : vector<2048x64xf32>, vector<2048x64xf32> -> vector<2048x128xf32>
    %swap3A_154 = arith.constant 0 : index
    %swap3A_155 = arith.constant 0 : index
    %swap3A_156 = vector.load %arg20[%swap3A_154, %swap3A_155] : memref<2048x128xf32, #tpu.memory_space<vmem>>, vector<2048x128xf32>
    tpu.vector_store %arg20[%swap3A_154, %swap3A_155], %concatenate3A_153 {strides = array<i32>} : memref<2048x128xf32, #tpu.memory_space<vmem>>, vector<2048x128xf32>,
    %get3A_157 = arith.constant 0 : index
    %get3A_158 = arith.constant 0 : index
    %get3A_159 = vector.load %arg15[%get3A_157, %get3A_158] : memref<1x64xf32, #tpu.memory_space<vmem>>, vector<1x64xf32>
    %broadcast_in_dim3A_160 = arith.constant 0.000000e+00 : f32
    %broadcast_in_dim3A_161 = vector.broadcast %broadcast_in_dim3A_160 : f32 to vector<2048x64xf32>
    %add3A_162 = vector.broadcast %get3A_159 : vector<1x64xf32> to vector<2048x64xf32>
    %add3A_163 = arith.addf %add3A_162, %broadcast_in_dim3A_161 : vector<2048x64xf32>
    %slice3A_164 = vector.extract_strided_slice %get3A_4 {offsets = [0, 0], sizes = [2048, 1], strides = [1, 1]} : vector<2048x16xf32> to vector<2048x1xf32>
    %get3A_165 = arith.constant 0 : index
    %get3A_166 = arith.constant 0 : index
    %get3A_167 = arith.constant 0 : index
    %get3A_168 = vector.load %arg16[%get3A_165, %get3A_166, %get3A_167] : memref<10x64x64xf32, #tpu.memory_space<vmem>>, vector<1x64x64xf32>
    %get3A_169 = vector.shape_cast %get3A_168 : vector<1x64x64xf32> to vector<64x64xf32>
    %dot_general3A_170 = arith.constant dense<0.000000e+00> : vector<2048x64xf32>
    %dot_general3A_171 = tpu.matmul %dot_general3A_144, %get3A_169, %dot_general3A_170 {dimension_numbers = #tpu.dot_dimension_numbers<[1], [0], [0], [1], [0, 0, 1, 1], [], []>, transpose_lhs_hint = false} : vector<2048x64xf32>, vector<64x64xf32>, vector<2048x64xf32> -> vector<2048x64xf32>
    %mul3A_172 = vector.broadcast %slice3A_164 : vector<2048x1xf32> to vector<2048x64xf32>
    %mul3A_173 = arith.mulf %mul3A_172, %dot_general3A_171 : vector<2048x64xf32>
    %add3A_174 = arith.addf %add3A_163, %mul3A_173 : vector<2048x64xf32>
    %slice3A_175 = vector.extract_strided_slice %get3A_4 {offsets = [0, 1], sizes = [2048, 1], strides = [1, 1]} : vector<2048x16xf32> to vector<2048x1xf32>
    %get3A_176 = arith.constant 1 : index
    %get3A_177 = arith.constant 0 : index
    %get3A_178 = arith.constant 0 : index
    %get3A_179 = vector.load %arg16[%get3A_176, %get3A_177, %get3A_178] : memref<10x64x64xf32, #tpu.memory_space<vmem>>, vector<1x64x64xf32>
    %get3A_180 = vector.shape_cast %get3A_179 : vector<1x64x64xf32> to vector<64x64xf32>
    %dot_general3A_181 = arith.constant dense<0.000000e+00> : vector<2048x64xf32>
    %dot_general3A_182 = tpu.matmul %dot_general3A_144, %get3A_180, %dot_general3A_181 {dimension_numbers = #tpu.dot_dimension_numbers<[1], [0], [0], [1], [0, 0, 1, 1], [], []>, transpose_lhs_hint = false} : vector<2048x64xf32>, vector<64x64xf32>, vector<2048x64xf32> -> vector<2048x64xf32>
    %mul3A_183 = vector.broadcast %slice3A_175 : vector<2048x1xf32> to vector<2048x64xf32>
    %mul3A_184 = arith.mulf %mul3A_183, %dot_general3A_182 : vector<2048x64xf32>
    %add3A_185 = arith.addf %add3A_174, %mul3A_184 : vector<2048x64xf32>
    %slice3A_186 = vector.extract_strided_slice %get3A_4 {offsets = [0, 2], sizes = [2048, 1], strides = [1, 1]} : vector<2048x16xf32> to vector<2048x1xf32>
    %get3A_187 = arith.constant 2 : index
    %get3A_188 = arith.constant 0 : index
    %get3A_189 = arith.constant 0 : index
    %get3A_190 = vector.load %arg16[%get3A_187, %get3A_188, %get3A_189] : memref<10x64x64xf32, #tpu.memory_space<vmem>>, vector<1x64x64xf32>
    %get3A_191 = vector.shape_cast %get3A_190 : vector<1x64x64xf32> to vector<64x64xf32>
    %dot_general3A_192 = arith.constant dense<0.000000e+00> : vector<2048x64xf32>
    %dot_general3A_193 = tpu.matmul %dot_general3A_144, %get3A_191, %dot_general3A_192 {dimension_numbers = #tpu.dot_dimension_numbers<[1], [0], [0], [1], [0, 0, 1, 1], [], []>, transpose_lhs_hint = false} : vector<2048x64xf32>, vector<64x64xf32>, vector<2048x64xf32> -> vector<2048x64xf32>
    %mul3A_194 = vector.broadcast %slice3A_186 : vector<2048x1xf32> to vector<2048x64xf32>
    %mul3A_195 = arith.mulf %mul3A_194, %dot_general3A_193 : vector<2048x64xf32>
    %add3A_196 = arith.addf %add3A_185, %mul3A_195 : vector<2048x64xf32>
    %slice3A_197 = vector.extract_strided_slice %get3A_4 {offsets = [0, 3], sizes = [2048, 1], strides = [1, 1]} : vector<2048x16xf32> to vector<2048x1xf32>
    %get3A_198 = arith.constant 3 : index
    %get3A_199 = arith.constant 0 : index
    %get3A_200 = arith.constant 0 : index
    %get3A_201 = vector.load %arg16[%get3A_198, %get3A_199, %get3A_200] : memref<10x64x64xf32, #tpu.memory_space<vmem>>, vector<1x64x64xf32>
    %get3A_202 = vector.shape_cast %get3A_201 : vector<1x64x64xf32> to vector<64x64xf32>
    %dot_general3A_203 = arith.constant dense<0.000000e+00> : vector<2048x64xf32>
    %dot_general3A_204 = tpu.matmul %dot_general3A_144, %get3A_202, %dot_general3A_203 {dimension_numbers = #tpu.dot_dimension_numbers<[1], [0], [0], [1], [0, 0, 1, 1], [], []>, transpose_lhs_hint = false} : vector<2048x64xf32>, vector<64x64xf32>, vector<2048x64xf32> -> vector<2048x64xf32>
    %mul3A_205 = vector.broadcast %slice3A_197 : vector<2048x1xf32> to vector<2048x64xf32>
    %mul3A_206 = arith.mulf %mul3A_205, %dot_general3A_204 : vector<2048x64xf32>
    %add3A_207 = arith.addf %add3A_196, %mul3A_206 : vector<2048x64xf32>
    %slice3A_208 = vector.extract_strided_slice %get3A_4 {offsets = [0, 4], sizes = [2048, 1], strides = [1, 1]} : vector<2048x16xf32> to vector<2048x1xf32>
    %get3A_209 = arith.constant 4 : index
    %get3A_210 = arith.constant 0 : index
    %get3A_211 = arith.constant 0 : index
    %get3A_212 = vector.load %arg16[%get3A_209, %get3A_210, %get3A_211] : memref<10x64x64xf32, #tpu.memory_space<vmem>>, vector<1x64x64xf32>
    %get3A_213 = vector.shape_cast %get3A_212 : vector<1x64x64xf32> to vector<64x64xf32>
    %dot_general3A_214 = arith.constant dense<0.000000e+00> : vector<2048x64xf32>
    %dot_general3A_215 = tpu.matmul %dot_general3A_144, %get3A_213, %dot_general3A_214 {dimension_numbers = #tpu.dot_dimension_numbers<[1], [0], [0], [1], [0, 0, 1, 1], [], []>, transpose_lhs_hint = false} : vector<2048x64xf32>, vector<64x64xf32>, vector<2048x64xf32> -> vector<2048x64xf32>
    %mul3A_216 = vector.broadcast %slice3A_208 : vector<2048x1xf32> to vector<2048x64xf32>
    %mul3A_217 = arith.mulf %mul3A_216, %dot_general3A_215 : vector<2048x64xf32>
    %add3A_218 = arith.addf %add3A_207, %mul3A_217 : vector<2048x64xf32>
    %slice3A_219 = vector.extract_strided_slice %get3A_4 {offsets = [0, 5], sizes = [2048, 1], strides = [1, 1]} : vector<2048x16xf32> to vector<2048x1xf32>
    %get3A_220 = arith.constant 5 : index
    %get3A_221 = arith.constant 0 : index
    %get3A_222 = arith.constant 0 : index
    %get3A_223 = vector.load %arg16[%get3A_220, %get3A_221, %get3A_222] : memref<10x64x64xf32, #tpu.memory_space<vmem>>, vector<1x64x64xf32>
    %get3A_224 = vector.shape_cast %get3A_223 : vector<1x64x64xf32> to vector<64x64xf32>
    %dot_general3A_225 = arith.constant dense<0.000000e+00> : vector<2048x64xf32>
    %dot_general3A_226 = tpu.matmul %dot_general3A_144, %get3A_224, %dot_general3A_225 {dimension_numbers = #tpu.dot_dimension_numbers<[1], [0], [0], [1], [0, 0, 1, 1], [], []>, transpose_lhs_hint = false} : vector<2048x64xf32>, vector<64x64xf32>, vector<2048x64xf32> -> vector<2048x64xf32>
    %mul3A_227 = vector.broadcast %slice3A_219 : vector<2048x1xf32> to vector<2048x64xf32>
    %mul3A_228 = arith.mulf %mul3A_227, %dot_general3A_226 : vector<2048x64xf32>
    %add3A_229 = arith.addf %add3A_218, %mul3A_228 : vector<2048x64xf32>
    %slice3A_230 = vector.extract_strided_slice %get3A_4 {offsets = [0, 6], sizes = [2048, 1], strides = [1, 1]} : vector<2048x16xf32> to vector<2048x1xf32>
    %get3A_231 = arith.constant 6 : index
    %get3A_232 = arith.constant 0 : index
    %get3A_233 = arith.constant 0 : index
    %get3A_234 = vector.load %arg16[%get3A_231, %get3A_232, %get3A_233] : memref<10x64x64xf32, #tpu.memory_space<vmem>>, vector<1x64x64xf32>
    %get3A_235 = vector.shape_cast %get3A_234 : vector<1x64x64xf32> to vector<64x64xf32>
    %dot_general3A_236 = arith.constant dense<0.000000e+00> : vector<2048x64xf32>
    %dot_general3A_237 = tpu.matmul %dot_general3A_144, %get3A_235, %dot_general3A_236 {dimension_numbers = #tpu.dot_dimension_numbers<[1], [0], [0], [1], [0, 0, 1, 1], [], []>, transpose_lhs_hint = false} : vector<2048x64xf32>, vector<64x64xf32>, vector<2048x64xf32> -> vector<2048x64xf32>
    %mul3A_238 = vector.broadcast %slice3A_230 : vector<2048x1xf32> to vector<2048x64xf32>
    %mul3A_239 = arith.mulf %mul3A_238, %dot_general3A_237 : vector<2048x64xf32>
    %add3A_240 = arith.addf %add3A_229, %mul3A_239 : vector<2048x64xf32>
    %slice3A_241 = vector.extract_strided_slice %get3A_4 {offsets = [0, 7], sizes = [2048, 1], strides = [1, 1]} : vector<2048x16xf32> to vector<2048x1xf32>
    %get3A_242 = arith.constant 7 : index
    %get3A_243 = arith.constant 0 : index
    %get3A_244 = arith.constant 0 : index
    %get3A_245 = vector.load %arg16[%get3A_242, %get3A_243, %get3A_244] : memref<10x64x64xf32, #tpu.memory_space<vmem>>, vector<1x64x64xf32>
    %get3A_246 = vector.shape_cast %get3A_245 : vector<1x64x64xf32> to vector<64x64xf32>
    %dot_general3A_247 = arith.constant dense<0.000000e+00> : vector<2048x64xf32>
    %dot_general3A_248 = tpu.matmul %dot_general3A_144, %get3A_246, %dot_general3A_247 {dimension_numbers = #tpu.dot_dimension_numbers<[1], [0], [0], [1], [0, 0, 1, 1], [], []>, transpose_lhs_hint = false} : vector<2048x64xf32>, vector<64x64xf32>, vector<2048x64xf32> -> vector<2048x64xf32>
    %mul3A_249 = vector.broadcast %slice3A_241 : vector<2048x1xf32> to vector<2048x64xf32>
    %mul3A_250 = arith.mulf %mul3A_249, %dot_general3A_248 : vector<2048x64xf32>
    %add3A_251 = arith.addf %add3A_240, %mul3A_250 : vector<2048x64xf32>
    %slice3A_252 = vector.extract_strided_slice %get3A_4 {offsets = [0, 8], sizes = [2048, 1], strides = [1, 1]} : vector<2048x16xf32> to vector<2048x1xf32>
    %get3A_253 = arith.constant 8 : index
    %get3A_254 = arith.constant 0 : index
    %get3A_255 = arith.constant 0 : index
    %get3A_256 = vector.load %arg16[%get3A_253, %get3A_254, %get3A_255] : memref<10x64x64xf32, #tpu.memory_space<vmem>>, vector<1x64x64xf32>
    %get3A_257 = vector.shape_cast %get3A_256 : vector<1x64x64xf32> to vector<64x64xf32>
    %dot_general3A_258 = arith.constant dense<0.000000e+00> : vector<2048x64xf32>
    %dot_general3A_259 = tpu.matmul %dot_general3A_144, %get3A_257, %dot_general3A_258 {dimension_numbers = #tpu.dot_dimension_numbers<[1], [0], [0], [1], [0, 0, 1, 1], [], []>, transpose_lhs_hint = false} : vector<2048x64xf32>, vector<64x64xf32>, vector<2048x64xf32> -> vector<2048x64xf32>
    %mul3A_260 = vector.broadcast %slice3A_252 : vector<2048x1xf32> to vector<2048x64xf32>
    %mul3A_261 = arith.mulf %mul3A_260, %dot_general3A_259 : vector<2048x64xf32>
    %add3A_262 = arith.addf %add3A_251, %mul3A_261 : vector<2048x64xf32>
    %slice3A_263 = vector.extract_strided_slice %get3A_4 {offsets = [0, 9], sizes = [2048, 1], strides = [1, 1]} : vector<2048x16xf32> to vector<2048x1xf32>
    %get3A_264 = arith.constant 9 : index
    %get3A_265 = arith.constant 0 : index
    %get3A_266 = arith.constant 0 : index
    %get3A_267 = vector.load %arg16[%get3A_264, %get3A_265, %get3A_266] : memref<10x64x64xf32, #tpu.memory_space<vmem>>, vector<1x64x64xf32>
    %get3A_268 = vector.shape_cast %get3A_267 : vector<1x64x64xf32> to vector<64x64xf32>
    %dot_general3A_269 = arith.constant dense<0.000000e+00> : vector<2048x64xf32>
    %dot_general3A_270 = tpu.matmul %dot_general3A_144, %get3A_268, %dot_general3A_269 {dimension_numbers = #tpu.dot_dimension_numbers<[1], [0], [0], [1], [0, 0, 1, 1], [], []>, transpose_lhs_hint = false} : vector<2048x64xf32>, vector<64x64xf32>, vector<2048x64xf32> -> vector<2048x64xf32>
    %mul3A_271 = vector.broadcast %slice3A_263 : vector<2048x1xf32> to vector<2048x64xf32>
    %mul3A_272 = arith.mulf %mul3A_271, %dot_general3A_270 : vector<2048x64xf32>
    %add3A_273 = arith.addf %add3A_262, %mul3A_272 : vector<2048x64xf32>
    %swap3A_274 = arith.constant 0 : index
    %swap3A_275 = arith.constant 0 : index
    %swap3A_276 = vector.load %arg21[%swap3A_274, %swap3A_275] : memref<2048x64xf32, #tpu.memory_space<vmem>>, vector<2048x64xf32>
    tpu.vector_store %arg21[%swap3A_274, %swap3A_275], %add3A_273 {strides = array<i32>} : memref<2048x64xf32, #tpu.memory_space<vmem>>, vector<2048x64xf32>,
    return
  }
  func.func @transform_0(%arg0: i32) -> (i32, i32) {
    %c0_i32 = arith.constant 0 : i32
    %c0_i32_0 = arith.constant 0 : i32
    return %arg0, %c0_i32 : i32, i32
  }
  func.func @transform_1(%arg0: i32) -> (i32, i32) {
    %c0_i32 = arith.constant 0 : i32
    %c0_i32_0 = arith.constant 0 : i32
    return %arg0, %c0_i32 : i32, i32
  }
  func.func @transform_2(%arg0: i32) -> (i32, i32) {
    %c0_i32 = arith.constant 0 : i32
    %c0_i32_0 = arith.constant 0 : i32
    return %arg0, %c0_i32 : i32, i32
  }
  func.func @transform_3(%arg0: i32) -> (i32, i32) {
    %c0_i32 = arith.constant 0 : i32
    %c0_i32_0 = arith.constant 0 : i32
    return %arg0, %c0_i32 : i32, i32
  }
  func.func @transform_4(%arg0: i32) -> (i32, i32) {
    %c0_i32 = arith.constant 0 : i32
    %c0_i32_0 = arith.constant 0 : i32
    return %arg0, %c0_i32 : i32, i32
  }
  func.func @transform_5(%arg0: i32) -> (i32, i32) {
    %c0_i32 = arith.constant 0 : i32
    %c0_i32_0 = arith.constant 0 : i32
    return %arg0, %c0_i32 : i32, i32
  }
  func.func @transform_6(%arg0: i32) -> (i32, i32) {
    %c0_i32 = arith.constant 0 : i32
    %c0_i32_0 = arith.constant 0 : i32
    return %arg0, %c0_i32 : i32, i32
  }
  func.func @transform_7(%arg0: i32) -> (i32, i32, i32) {
    %c0_i32 = arith.constant 0 : i32
    %c0_i32_0 = arith.constant 0 : i32
    %c0_i32_1 = arith.constant 0 : i32
    %c0_i32_2 = arith.constant 0 : i32
    return %c0_i32, %c0_i32_0, %c0_i32_1 : i32, i32, i32
  }
  func.func @transform_8(%arg0: i32) -> (i32, i32) {
    %c0_i32 = arith.constant 0 : i32
    %c0_i32_0 = arith.constant 0 : i32
    %c0_i32_1 = arith.constant 0 : i32
    return %c0_i32, %c0_i32_0 : i32, i32
  }
  func.func @transform_9(%arg0: i32) -> (i32, i32) {
    %c0_i32 = arith.constant 0 : i32
    %c0_i32_0 = arith.constant 0 : i32
    %c0_i32_1 = arith.constant 0 : i32
    return %c0_i32, %c0_i32_0 : i32, i32
  }
  func.func @transform_10(%arg0: i32) -> (i32, i32) {
    %c0_i32 = arith.constant 0 : i32
    %c0_i32_0 = arith.constant 0 : i32
    %c0_i32_1 = arith.constant 0 : i32
    return %c0_i32, %c0_i32_0 : i32, i32
  }
  func.func @transform_11(%arg0: i32) -> (i32, i32) {
    %c0_i32 = arith.constant 0 : i32
    %c0_i32_0 = arith.constant 0 : i32
    %c0_i32_1 = arith.constant 0 : i32
    return %c0_i32, %c0_i32_0 : i32, i32
  }
  func.func @transform_12(%arg0: i32) -> (i32, i32) {
    %c0_i32 = arith.constant 0 : i32
    %c0_i32_0 = arith.constant 0 : i32
    %c0_i32_1 = arith.constant 0 : i32
    return %c0_i32, %c0_i32_0 : i32, i32
  }
  func.func @transform_13(%arg0: i32) -> (i32, i32) {
    %c0_i32 = arith.constant 0 : i32
    %c0_i32_0 = arith.constant 0 : i32
    %c0_i32_1 = arith.constant 0 : i32
    return %c0_i32, %c0_i32_0 : i32, i32
  }
  func.func @transform_14(%arg0: i32) -> (i32, i32) {
    %c0_i32 = arith.constant 0 : i32
    %c0_i32_0 = arith.constant 0 : i32
    %c0_i32_1 = arith.constant 0 : i32
    return %c0_i32, %c0_i32_0 : i32, i32
  }
  func.func @transform_15(%arg0: i32) -> (i32, i32, i32) {
    %c0_i32 = arith.constant 0 : i32
    %c0_i32_0 = arith.constant 0 : i32
    %c0_i32_1 = arith.constant 0 : i32
    %c0_i32_2 = arith.constant 0 : i32
    return %c0_i32, %c0_i32_0, %c0_i32_1 : i32, i32, i32
  }
  func.func @transform_16(%arg0: i32) -> (i32, i32) {
    %c0_i32 = arith.constant 0 : i32
    %c0_i32_0 = arith.constant 0 : i32
    %c0_i32_1 = arith.constant 0 : i32
    return %c0_i32, %c0_i32_0 : i32, i32
  }
  func.func @transform_17(%arg0: i32) -> (i32, i32) {
    %c0_i32 = arith.constant 0 : i32
    %c0_i32_0 = arith.constant 0 : i32
    return %arg0, %c0_i32 : i32, i32
  }
  func.func @transform_18(%arg0: i32) -> (i32, i32) {
    %c0_i32 = arith.constant 0 : i32
    %c0_i32_0 = arith.constant 0 : i32
    return %arg0, %c0_i32 : i32, i32
  }
  func.func @transform_19(%arg0: i32) -> (i32, i32) {
    %c0_i32 = arith.constant 0 : i32
    %c0_i32_0 = arith.constant 0 : i32
    return %arg0, %c0_i32 : i32, i32
  }
  func.func @transform_20(%arg0: i32) -> (i32, i32) {
    %c0_i32 = arith.constant 0 : i32
    %c0_i32_0 = arith.constant 0 : i32
    return %arg0, %c0_i32 : i32, i32
  }
}

module attributes {stable_mosaic.version = 14 : i64} {
  func.func @_tc_edge3(%arg0: i32, %arg1: memref<2000x16xf32, #tpu.memory_space<vmem>>, %arg2: memref<2000x128xf32, #tpu.memory_space<vmem>>, %arg3: memref<2000x128xf32, #tpu.memory_space<vmem>>, %arg4: memref<8x64xf32, #tpu.memory_space<vmem>>, %arg5: memref<64x64xf32, #tpu.memory_space<vmem>>, %arg6: memref<64x64xf32, #tpu.memory_space<vmem>>, %arg7: memref<64x64xf32, #tpu.memory_space<vmem>>, %arg8: memref<2000x128xf32, #tpu.memory_space<vmem>>) attributes {dimension_semantics = [#tpu.dimension_semantics<arbitrary>], iteration_bounds = array<i64: 80>, scalar_prefetch = 0 : i64, scratch_operands = 0 : i64, tpu.core_type = #tpu.core_type<tc>, window_params = [{transform_indices = @transform_0, window_bounds = array<i64: 2000, 16>}, {transform_indices = @transform_1, window_bounds = array<i64: 2000, 128>}, {transform_indices = @transform_2, window_bounds = array<i64: 2000, 128>}, {pipeline_mode = #tpu.pipeline_mode<synchronous>, transform_indices = @transform_3, window_bounds = array<i64: 8, 64>}, {pipeline_mode = #tpu.pipeline_mode<synchronous>, transform_indices = @transform_4, window_bounds = array<i64: 64, 64>}, {pipeline_mode = #tpu.pipeline_mode<synchronous>, transform_indices = @transform_5, window_bounds = array<i64: 64, 64>}, {pipeline_mode = #tpu.pipeline_mode<synchronous>, transform_indices = @transform_6, window_bounds = array<i64: 64, 64>}, {transform_indices = @transform_7, window_bounds = array<i64: 2000, 128>}]} {
    %get3A = arith.constant 0 : index
    %get3A_0 = arith.constant 0 : index
    %get3A_1 = vector.load %arg1[%get3A, %get3A_0] : memref<2000x16xf32, #tpu.memory_space<vmem>>, vector<2000x16xf32>
    %slice3A = vector.extract_strided_slice %get3A_1 {offsets = [0, 0], sizes = [2000, 1], strides = [1, 1]} : vector<2000x16xf32> to vector<2000x1xf32>
    %max3A = arith.constant 9.99999997E-7 : f32
    %max3A_2 = vector.broadcast %max3A : f32 to vector<2000x1xf32>
    %max3A_3 = arith.maximumf %slice3A, %max3A_2 : vector<2000x1xf32>
    %iota3A = tpu.iota {dimensions = array<i32: 1>} : vector<1x8xi32>
    %convert_element_type3A = arith.sitofp %iota3A : vector<1x8xi32> to vector<1x8xf32>
    %add3A = arith.constant 1.000000e+00 : f32
    %add3A_4 = vector.broadcast %add3A : f32 to vector<1x8xf32>
    %add3A_5 = arith.addf %convert_element_type3A, %add3A_4 : vector<1x8xf32>
    %mul3A = arith.constant 0.628318548 : f32
    %mul3A_6 = vector.broadcast %mul3A : f32 to vector<1x8xf32>
    %mul3A_7 = arith.mulf %add3A_5, %mul3A_6 : vector<1x8xf32>
    %mul3A_8 = vector.broadcast %mul3A_7 : vector<1x8xf32> to vector<2000x8xf32>
    %mul3A_9 = vector.broadcast %max3A_3 : vector<2000x1xf32> to vector<2000x8xf32>
    %mul3A_10 = arith.mulf %mul3A_8, %mul3A_9 : vector<2000x8xf32>
    %mul3A_11 = arith.constant 0.318309873 : f32
    %mul3A_12 = vector.broadcast %mul3A_11 : f32 to vector<2000x8xf32>
    %mul3A_13 = arith.mulf %mul3A_10, %mul3A_12 : vector<2000x8xf32>
    %add3A_14 = arith.constant 5.000000e-01 : f32
    %add3A_15 = vector.broadcast %add3A_14 : f32 to vector<2000x8xf32>
    %add3A_16 = arith.addf %mul3A_13, %add3A_15 : vector<2000x8xf32>
    %floor3A = math.floor %add3A_16 : vector<2000x8xf32>
    %mul3A_17 = arith.constant 3.14159274 : f32
    %mul3A_18 = vector.broadcast %mul3A_17 : f32 to vector<2000x8xf32>
    %mul3A_19 = arith.mulf %floor3A, %mul3A_18 : vector<2000x8xf32>
    %sub3A = arith.subf %mul3A_10, %mul3A_19 : vector<2000x8xf32>
    %mul3A_20 = arith.constant 5.000000e-01 : f32
    %mul3A_21 = vector.broadcast %mul3A_20 : f32 to vector<2000x8xf32>
    %mul3A_22 = arith.mulf %floor3A, %mul3A_21 : vector<2000x8xf32>
    %floor3A_23 = math.floor %mul3A_22 : vector<2000x8xf32>
    %mul3A_24 = arith.constant 2.000000e+00 : f32
    %mul3A_25 = vector.broadcast %mul3A_24 : f32 to vector<2000x8xf32>
    %mul3A_26 = arith.mulf %mul3A_25, %floor3A_23 : vector<2000x8xf32>
    %sub3A_27 = arith.subf %floor3A, %mul3A_26 : vector<2000x8xf32>
    %mul3A_28 = arith.constant 2.000000e+00 : f32
    %mul3A_29 = vector.broadcast %mul3A_28 : f32 to vector<2000x8xf32>
    %mul3A_30 = arith.mulf %mul3A_29, %sub3A_27 : vector<2000x8xf32>
    %sub3A_31 = arith.constant 1.000000e+00 : f32
    %sub3A_32 = vector.broadcast %sub3A_31 : f32 to vector<2000x8xf32>
    %sub3A_33 = arith.subf %sub3A_32, %mul3A_30 : vector<2000x8xf32>
    %mul3A_34 = arith.mulf %sub3A, %sub3A : vector<2000x8xf32>
    %mul3A_35 = arith.constant 2.50521079E-8 : f32
    %mul3A_36 = vector.broadcast %mul3A_35 : f32 to vector<2000x8xf32>
    %mul3A_37 = arith.mulf %mul3A_36, %mul3A_34 : vector<2000x8xf32>
    %sub3A_38 = arith.constant 2.75573188E-6 : f32
    %sub3A_39 = vector.broadcast %sub3A_38 : f32 to vector<2000x8xf32>
    %sub3A_40 = arith.subf %mul3A_37, %sub3A_39 : vector<2000x8xf32>
    %mul3A_41 = arith.mulf %sub3A_40, %mul3A_34 : vector<2000x8xf32>
    %add3A_42 = arith.constant 1.98412701E-4 : f32
    %add3A_43 = vector.broadcast %add3A_42 : f32 to vector<2000x8xf32>
    %add3A_44 = arith.addf %mul3A_41, %add3A_43 : vector<2000x8xf32>
    %mul3A_45 = arith.mulf %add3A_44, %mul3A_34 : vector<2000x8xf32>
    %sub3A_46 = arith.constant 0.00833333377 : f32
    %sub3A_47 = vector.broadcast %sub3A_46 : f32 to vector<2000x8xf32>
    %sub3A_48 = arith.subf %mul3A_45, %sub3A_47 : vector<2000x8xf32>
    %mul3A_49 = arith.mulf %sub3A_48, %mul3A_34 : vector<2000x8xf32>
    %add3A_50 = arith.constant 0.166666672 : f32
    %add3A_51 = vector.broadcast %add3A_50 : f32 to vector<2000x8xf32>
    %add3A_52 = arith.addf %mul3A_49, %add3A_51 : vector<2000x8xf32>
    %mul3A_53 = arith.mulf %sub3A, %mul3A_34 : vector<2000x8xf32>
    %mul3A_54 = arith.mulf %mul3A_53, %add3A_52 : vector<2000x8xf32>
    %sub3A_55 = arith.subf %sub3A, %mul3A_54 : vector<2000x8xf32>
    %mul3A_56 = arith.mulf %sub3A_33, %sub3A_55 : vector<2000x8xf32>
    %add3A_57 = arith.constant 1.57079637 : f32
    %add3A_58 = vector.broadcast %add3A_57 : f32 to vector<2000x8xf32>
    %add3A_59 = arith.addf %mul3A_10, %add3A_58 : vector<2000x8xf32>
    %mul3A_60 = arith.constant 0.318309873 : f32
    %mul3A_61 = vector.broadcast %mul3A_60 : f32 to vector<2000x8xf32>
    %mul3A_62 = arith.mulf %add3A_59, %mul3A_61 : vector<2000x8xf32>
    %add3A_63 = arith.constant 5.000000e-01 : f32
    %add3A_64 = vector.broadcast %add3A_63 : f32 to vector<2000x8xf32>
    %add3A_65 = arith.addf %mul3A_62, %add3A_64 : vector<2000x8xf32>
    %floor3A_66 = math.floor %add3A_65 : vector<2000x8xf32>
    %mul3A_67 = arith.constant 3.14159274 : f32
    %mul3A_68 = vector.broadcast %mul3A_67 : f32 to vector<2000x8xf32>
    %mul3A_69 = arith.mulf %floor3A_66, %mul3A_68 : vector<2000x8xf32>
    %sub3A_70 = arith.subf %add3A_59, %mul3A_69 : vector<2000x8xf32>
    %mul3A_71 = arith.constant 5.000000e-01 : f32
    %mul3A_72 = vector.broadcast %mul3A_71 : f32 to vector<2000x8xf32>
    %mul3A_73 = arith.mulf %floor3A_66, %mul3A_72 : vector<2000x8xf32>
    %floor3A_74 = math.floor %mul3A_73 : vector<2000x8xf32>
    %mul3A_75 = arith.constant 2.000000e+00 : f32
    %mul3A_76 = vector.broadcast %mul3A_75 : f32 to vector<2000x8xf32>
    %mul3A_77 = arith.mulf %mul3A_76, %floor3A_74 : vector<2000x8xf32>
    %sub3A_78 = arith.subf %floor3A_66, %mul3A_77 : vector<2000x8xf32>
    %mul3A_79 = arith.constant 2.000000e+00 : f32
    %mul3A_80 = vector.broadcast %mul3A_79 : f32 to vector<2000x8xf32>
    %mul3A_81 = arith.mulf %mul3A_80, %sub3A_78 : vector<2000x8xf32>
    %sub3A_82 = arith.constant 1.000000e+00 : f32
    %sub3A_83 = vector.broadcast %sub3A_82 : f32 to vector<2000x8xf32>
    %sub3A_84 = arith.subf %sub3A_83, %mul3A_81 : vector<2000x8xf32>
    %mul3A_85 = arith.mulf %sub3A_70, %sub3A_70 : vector<2000x8xf32>
    %mul3A_86 = arith.constant 2.50521079E-8 : f32
    %mul3A_87 = vector.broadcast %mul3A_86 : f32 to vector<2000x8xf32>
    %mul3A_88 = arith.mulf %mul3A_87, %mul3A_85 : vector<2000x8xf32>
    %sub3A_89 = arith.constant 2.75573188E-6 : f32
    %sub3A_90 = vector.broadcast %sub3A_89 : f32 to vector<2000x8xf32>
    %sub3A_91 = arith.subf %mul3A_88, %sub3A_90 : vector<2000x8xf32>
    %mul3A_92 = arith.mulf %sub3A_91, %mul3A_85 : vector<2000x8xf32>
    %add3A_93 = arith.constant 1.98412701E-4 : f32
    %add3A_94 = vector.broadcast %add3A_93 : f32 to vector<2000x8xf32>
    %add3A_95 = arith.addf %mul3A_92, %add3A_94 : vector<2000x8xf32>
    %mul3A_96 = arith.mulf %add3A_95, %mul3A_85 : vector<2000x8xf32>
    %sub3A_97 = arith.constant 0.00833333377 : f32
    %sub3A_98 = vector.broadcast %sub3A_97 : f32 to vector<2000x8xf32>
    %sub3A_99 = arith.subf %mul3A_96, %sub3A_98 : vector<2000x8xf32>
    %mul3A_100 = arith.mulf %sub3A_99, %mul3A_85 : vector<2000x8xf32>
    %add3A_101 = arith.constant 0.166666672 : f32
    %add3A_102 = vector.broadcast %add3A_101 : f32 to vector<2000x8xf32>
    %add3A_103 = arith.addf %mul3A_100, %add3A_102 : vector<2000x8xf32>
    %mul3A_104 = arith.mulf %sub3A_70, %mul3A_85 : vector<2000x8xf32>
    %mul3A_105 = arith.mulf %mul3A_104, %add3A_103 : vector<2000x8xf32>
    %sub3A_106 = arith.subf %sub3A_70, %mul3A_105 : vector<2000x8xf32>
    %mul3A_107 = arith.mulf %sub3A_84, %sub3A_106 : vector<2000x8xf32>
    %sqrt3A = arith.constant 4.000000e-01 : f32
    %sqrt3A_108 = math.sqrt %sqrt3A : f32
    %mul3A_109 = vector.broadcast %sqrt3A_108 : f32 to vector<2000x8xf32>
    %mul3A_110 = arith.mulf %mul3A_109, %mul3A_56 : vector<2000x8xf32>
    %div3A = vector.broadcast %max3A_3 : vector<2000x1xf32> to vector<2000x8xf32>
    %div3A_111 = arith.divf %mul3A_110, %div3A : vector<2000x8xf32>
    %mul3A_112 = vector.broadcast %mul3A_7 : vector<1x8xf32> to vector<2000x8xf32>
    %mul3A_113 = arith.mulf %mul3A_112, %mul3A_107 : vector<2000x8xf32>
    %mul3A_114 = vector.broadcast %max3A_3 : vector<2000x1xf32> to vector<2000x8xf32>
    %mul3A_115 = arith.mulf %mul3A_113, %mul3A_114 : vector<2000x8xf32>
    %sub3A_116 = arith.subf %mul3A_115, %mul3A_56 : vector<2000x8xf32>
    %mul3A_117 = vector.broadcast %sqrt3A_108 : f32 to vector<2000x8xf32>
    %mul3A_118 = arith.mulf %mul3A_117, %sub3A_116 : vector<2000x8xf32>
    %mul3A_119 = arith.mulf %max3A_3, %max3A_3 : vector<2000x1xf32>
    %div3A_120 = vector.broadcast %mul3A_119 : vector<2000x1xf32> to vector<2000x8xf32>
    %div3A_121 = arith.divf %mul3A_118, %div3A_120 : vector<2000x8xf32>
    %gt3A = arith.constant 9.99999997E-7 : f32
    %gt3A_122 = vector.broadcast %gt3A : f32 to vector<2000x1xf32>
    %gt3A_123 = arith.cmpf ogt, %slice3A, %gt3A_122 : vector<2000x1xf32>
    %jit3A = arith.constant 0.000000e+00 : f32
    %broadcast_in_dim3A = vector.shape_cast %gt3A_123 : vector<2000x1xi1> to vector<2000x1xi1>
    %broadcast_in_dim3A_124 = vector.broadcast %broadcast_in_dim3A : vector<2000x1xi1> to vector<2000x8xi1>
    %broadcast_in_dim3A_125 = vector.broadcast %jit3A : f32 to vector<2000x8xf32>
    %select_n3A = arith.select %broadcast_in_dim3A_124, %div3A_121, %broadcast_in_dim3A_125 : vector<2000x8xi1>, vector<2000x8xf32>
    %div3A_126 = arith.constant 5.000000e+00 : f32
    %div3A_127 = vector.broadcast %div3A_126 : f32 to vector<2000x1xf32>
    %div3A_128 = arith.divf %slice3A, %div3A_127 : vector<2000x1xf32>
    %mul3A_129 = arith.mulf %div3A_128, %div3A_128 : vector<2000x1xf32>
    %mul3A_130 = arith.mulf %mul3A_129, %mul3A_129 : vector<2000x1xf32>
    %mul3A_131 = arith.mulf %mul3A_130, %div3A_128 : vector<2000x1xf32>
    %lt3A = arith.constant 1.000000e+00 : f32
    %lt3A_132 = vector.broadcast %lt3A : f32 to vector<2000x1xf32>
    %lt3A_133 = arith.cmpf olt, %div3A_128, %lt3A_132 : vector<2000x1xf32>
    %mul3A_134 = arith.constant 2.100000e+01 : f32
    %mul3A_135 = vector.broadcast %mul3A_134 : f32 to vector<2000x1xf32>
    %mul3A_136 = arith.mulf %mul3A_135, %mul3A_131 : vector<2000x1xf32>
    %sub3A_137 = arith.constant 1.000000e+00 : f32
    %sub3A_138 = vector.broadcast %sub3A_137 : f32 to vector<2000x1xf32>
    %sub3A_139 = arith.subf %sub3A_138, %mul3A_136 : vector<2000x1xf32>
    %mul3A_140 = arith.constant 3.500000e+01 : f32
    %mul3A_141 = vector.broadcast %mul3A_140 : f32 to vector<2000x1xf32>
    %mul3A_142 = arith.mulf %mul3A_141, %mul3A_131 : vector<2000x1xf32>
    %mul3A_143 = arith.mulf %mul3A_142, %div3A_128 : vector<2000x1xf32>
    %add3A_144 = arith.addf %sub3A_139, %mul3A_143 : vector<2000x1xf32>
    %mul3A_145 = arith.constant 1.500000e+01 : f32
    %mul3A_146 = vector.broadcast %mul3A_145 : f32 to vector<2000x1xf32>
    %mul3A_147 = arith.mulf %mul3A_146, %mul3A_131 : vector<2000x1xf32>
    %mul3A_148 = arith.mulf %mul3A_147, %mul3A_129 : vector<2000x1xf32>
    %sub3A_149 = arith.subf %add3A_144, %mul3A_148 : vector<2000x1xf32>
    %jit3A_150 = arith.constant 0.000000e+00 : f32
    %broadcast_in_dim3A_151 = vector.broadcast %jit3A_150 : f32 to vector<2000x1xf32>
    %select_n3A_152 = arith.select %lt3A_133, %sub3A_149, %broadcast_in_dim3A_151 : vector<2000x1xi1>, vector<2000x1xf32>
    %mul3A_153 = arith.constant -2.100000e+01 : f32
    %mul3A_154 = vector.broadcast %mul3A_153 : f32 to vector<2000x1xf32>
    %mul3A_155 = arith.mulf %mul3A_154, %mul3A_130 : vector<2000x1xf32>
    %sub3A_156 = arith.constant 1.000000e+00 : f32
    %sub3A_157 = vector.broadcast %sub3A_156 : f32 to vector<2000x1xf32>
    %sub3A_158 = arith.subf %sub3A_157, %div3A_128 : vector<2000x1xf32>
    %mul3A_159 = arith.mulf %mul3A_155, %sub3A_158 : vector<2000x1xf32>
    %sub3A_160 = arith.constant 1.000000e+00 : f32
    %sub3A_161 = vector.broadcast %sub3A_160 : f32 to vector<2000x1xf32>
    %sub3A_162 = arith.subf %sub3A_161, %div3A_128 : vector<2000x1xf32>
    %mul3A_163 = arith.mulf %mul3A_159, %sub3A_162 : vector<2000x1xf32>
    %jit3A_164 = arith.constant 0.000000e+00 : f32
    %broadcast_in_dim3A_165 = vector.broadcast %jit3A_164 : f32 to vector<2000x1xf32>
    %select_n3A_166 = arith.select %lt3A_133, %mul3A_163, %broadcast_in_dim3A_165 : vector<2000x1xi1>, vector<2000x1xf32>
    %mul3A_167 = vector.broadcast %select_n3A_152 : vector<2000x1xf32> to vector<2000x8xf32>
    %mul3A_168 = arith.mulf %div3A_111, %mul3A_167 : vector<2000x8xf32>
    %mul3A_169 = vector.broadcast %select_n3A_152 : vector<2000x1xf32> to vector<2000x8xf32>
    %mul3A_170 = arith.mulf %select_n3A, %mul3A_169 : vector<2000x8xf32>
    %mul3A_171 = vector.broadcast %select_n3A_166 : vector<2000x1xf32> to vector<2000x8xf32>
    %mul3A_172 = arith.mulf %div3A_111, %mul3A_171 : vector<2000x8xf32>
    %add3A_173 = arith.addf %mul3A_170, %mul3A_172 : vector<2000x8xf32>
    %get3A_174 = arith.constant 0 : index
    %get3A_175 = arith.constant 0 : index
    %get3A_176 = vector.load %arg4[%get3A_174, %get3A_175] : memref<8x64xf32, #tpu.memory_space<vmem>>, vector<8x64xf32>
    %get3A_177 = arith.constant 0 : index
    %get3A_178 = arith.constant 0 : index
    %get3A_179 = vector.load %arg5[%get3A_177, %get3A_178] : memref<64x64xf32, #tpu.memory_space<vmem>>, vector<64x64xf32>
    %get3A_180 = arith.constant 0 : index
    %get3A_181 = arith.constant 0 : index
    %get3A_182 = vector.load %arg6[%get3A_180, %get3A_181] : memref<64x64xf32, #tpu.memory_space<vmem>>, vector<64x64xf32>
    %dot_general3A = arith.constant dense<0.000000e+00> : vector<2000x64xf32>
    %dot_general3A_183 = tpu.matmul %mul3A_168, %get3A_176, %dot_general3A {dimension_numbers = #tpu.dot_dimension_numbers<[1], [0], [0], [1], [0, 0, 1, 1], [], []>, transpose_lhs_hint = false} : vector<2000x8xf32>, vector<8x64xf32>, vector<2000x64xf32> -> vector<2000x64xf32>
    %neg3A = arith.constant 0.000000e+00 : f32
    %neg3A_184 = vector.broadcast %neg3A : f32 to vector<2000x64xf32>
    %neg3A_185 = arith.subf %neg3A_184, %dot_general3A_183 : vector<2000x64xf32>
    %exp3A = math.exp %neg3A_185 : vector<2000x64xf32>
    %add3A_186 = arith.constant 1.000000e+00 : f32
    %add3A_187 = vector.broadcast %add3A_186 : f32 to vector<2000x64xf32>
    %add3A_188 = arith.addf %add3A_187, %exp3A : vector<2000x64xf32>
    %div3A_189 = arith.divf %dot_general3A_183, %add3A_188 : vector<2000x64xf32>
    %dot_general3A_190 = arith.constant dense<0.000000e+00> : vector<2000x64xf32>
    %dot_general3A_191 = tpu.matmul %div3A_189, %get3A_179, %dot_general3A_190 {dimension_numbers = #tpu.dot_dimension_numbers<[1], [0], [0], [1], [0, 0, 1, 1], [], []>, transpose_lhs_hint = false} : vector<2000x64xf32>, vector<64x64xf32>, vector<2000x64xf32> -> vector<2000x64xf32>
    %neg3A_192 = arith.constant 0.000000e+00 : f32
    %neg3A_193 = vector.broadcast %neg3A_192 : f32 to vector<2000x64xf32>
    %neg3A_194 = arith.subf %neg3A_193, %dot_general3A_191 : vector<2000x64xf32>
    %exp3A_195 = math.exp %neg3A_194 : vector<2000x64xf32>
    %add3A_196 = arith.constant 1.000000e+00 : f32
    %add3A_197 = vector.broadcast %add3A_196 : f32 to vector<2000x64xf32>
    %add3A_198 = arith.addf %add3A_197, %exp3A_195 : vector<2000x64xf32>
    %div3A_199 = arith.divf %dot_general3A_191, %add3A_198 : vector<2000x64xf32>
    %dot_general3A_200 = arith.constant dense<0.000000e+00> : vector<2000x64xf32>
    %dot_general3A_201 = tpu.matmul %div3A_199, %get3A_182, %dot_general3A_200 {dimension_numbers = #tpu.dot_dimension_numbers<[1], [0], [0], [1], [0, 0, 1, 1], [], []>, transpose_lhs_hint = false} : vector<2000x64xf32>, vector<64x64xf32>, vector<2000x64xf32> -> vector<2000x64xf32>
    %neg3A_202 = arith.constant 0.000000e+00 : f32
    %neg3A_203 = vector.broadcast %neg3A_202 : f32 to vector<2000x64xf32>
    %neg3A_204 = arith.subf %neg3A_203, %dot_general3A_201 : vector<2000x64xf32>
    %exp3A_205 = math.exp %neg3A_204 : vector<2000x64xf32>
    %add3A_206 = arith.constant 1.000000e+00 : f32
    %add3A_207 = vector.broadcast %add3A_206 : f32 to vector<2000x64xf32>
    %add3A_208 = arith.addf %add3A_207, %exp3A_205 : vector<2000x64xf32>
    %div3A_209 = arith.divf %dot_general3A_201, %add3A_208 : vector<2000x64xf32>
    %dot_general3A_210 = arith.constant dense<0.000000e+00> : vector<2000x64xf32>
    %dot_general3A_211 = tpu.matmul %add3A_173, %get3A_176, %dot_general3A_210 {dimension_numbers = #tpu.dot_dimension_numbers<[1], [0], [0], [1], [0, 0, 1, 1], [], []>, transpose_lhs_hint = false} : vector<2000x8xf32>, vector<8x64xf32>, vector<2000x64xf32> -> vector<2000x64xf32>
    %neg3A_212 = arith.constant 0.000000e+00 : f32
    %neg3A_213 = vector.broadcast %neg3A_212 : f32 to vector<2000x64xf32>
    %neg3A_214 = arith.subf %neg3A_213, %dot_general3A_183 : vector<2000x64xf32>
    %exp3A_215 = math.exp %neg3A_214 : vector<2000x64xf32>
    %add3A_216 = arith.constant 1.000000e+00 : f32
    %add3A_217 = vector.broadcast %add3A_216 : f32 to vector<2000x64xf32>
    %add3A_218 = arith.addf %add3A_217, %exp3A_215 : vector<2000x64xf32>
    %div3A_219 = arith.constant 1.000000e+00 : f32
    %div3A_220 = vector.broadcast %div3A_219 : f32 to vector<2000x64xf32>
    %div3A_221 = arith.divf %div3A_220, %add3A_218 : vector<2000x64xf32>
    %sub3A_222 = arith.constant 1.000000e+00 : f32
    %sub3A_223 = vector.broadcast %sub3A_222 : f32 to vector<2000x64xf32>
    %sub3A_224 = arith.subf %sub3A_223, %div3A_221 : vector<2000x64xf32>
    %mul3A_225 = arith.mulf %dot_general3A_183, %sub3A_224 : vector<2000x64xf32>
    %add3A_226 = arith.constant 1.000000e+00 : f32
    %add3A_227 = vector.broadcast %add3A_226 : f32 to vector<2000x64xf32>
    %add3A_228 = arith.addf %add3A_227, %mul3A_225 : vector<2000x64xf32>
    %mul3A_229 = arith.mulf %div3A_221, %add3A_228 : vector<2000x64xf32>
    %mul3A_230 = arith.mulf %mul3A_229, %dot_general3A_211 : vector<2000x64xf32>
    %dot_general3A_231 = arith.constant dense<0.000000e+00> : vector<2000x64xf32>
    %dot_general3A_232 = tpu.matmul %mul3A_230, %get3A_179, %dot_general3A_231 {dimension_numbers = #tpu.dot_dimension_numbers<[1], [0], [0], [1], [0, 0, 1, 1], [], []>, transpose_lhs_hint = false} : vector<2000x64xf32>, vector<64x64xf32>, vector<2000x64xf32> -> vector<2000x64xf32>
    %neg3A_233 = arith.constant 0.000000e+00 : f32
    %neg3A_234 = vector.broadcast %neg3A_233 : f32 to vector<2000x64xf32>
    %neg3A_235 = arith.subf %neg3A_234, %dot_general3A_191 : vector<2000x64xf32>
    %exp3A_236 = math.exp %neg3A_235 : vector<2000x64xf32>
    %add3A_237 = arith.constant 1.000000e+00 : f32
    %add3A_238 = vector.broadcast %add3A_237 : f32 to vector<2000x64xf32>
    %add3A_239 = arith.addf %add3A_238, %exp3A_236 : vector<2000x64xf32>
    %div3A_240 = arith.constant 1.000000e+00 : f32
    %div3A_241 = vector.broadcast %div3A_240 : f32 to vector<2000x64xf32>
    %div3A_242 = arith.divf %div3A_241, %add3A_239 : vector<2000x64xf32>
    %sub3A_243 = arith.constant 1.000000e+00 : f32
    %sub3A_244 = vector.broadcast %sub3A_243 : f32 to vector<2000x64xf32>
    %sub3A_245 = arith.subf %sub3A_244, %div3A_242 : vector<2000x64xf32>
    %mul3A_246 = arith.mulf %dot_general3A_191, %sub3A_245 : vector<2000x64xf32>
    %add3A_247 = arith.constant 1.000000e+00 : f32
    %add3A_248 = vector.broadcast %add3A_247 : f32 to vector<2000x64xf32>
    %add3A_249 = arith.addf %add3A_248, %mul3A_246 : vector<2000x64xf32>
    %mul3A_250 = arith.mulf %div3A_242, %add3A_249 : vector<2000x64xf32>
    %mul3A_251 = arith.mulf %mul3A_250, %dot_general3A_232 : vector<2000x64xf32>
    %dot_general3A_252 = arith.constant dense<0.000000e+00> : vector<2000x64xf32>
    %dot_general3A_253 = tpu.matmul %mul3A_251, %get3A_182, %dot_general3A_252 {dimension_numbers = #tpu.dot_dimension_numbers<[1], [0], [0], [1], [0, 0, 1, 1], [], []>, transpose_lhs_hint = false} : vector<2000x64xf32>, vector<64x64xf32>, vector<2000x64xf32> -> vector<2000x64xf32>
    %neg3A_254 = arith.constant 0.000000e+00 : f32
    %neg3A_255 = vector.broadcast %neg3A_254 : f32 to vector<2000x64xf32>
    %neg3A_256 = arith.subf %neg3A_255, %dot_general3A_201 : vector<2000x64xf32>
    %exp3A_257 = math.exp %neg3A_256 : vector<2000x64xf32>
    %add3A_258 = arith.constant 1.000000e+00 : f32
    %add3A_259 = vector.broadcast %add3A_258 : f32 to vector<2000x64xf32>
    %add3A_260 = arith.addf %add3A_259, %exp3A_257 : vector<2000x64xf32>
    %div3A_261 = arith.constant 1.000000e+00 : f32
    %div3A_262 = vector.broadcast %div3A_261 : f32 to vector<2000x64xf32>
    %div3A_263 = arith.divf %div3A_262, %add3A_260 : vector<2000x64xf32>
    %sub3A_264 = arith.constant 1.000000e+00 : f32
    %sub3A_265 = vector.broadcast %sub3A_264 : f32 to vector<2000x64xf32>
    %sub3A_266 = arith.subf %sub3A_265, %div3A_263 : vector<2000x64xf32>
    %mul3A_267 = arith.mulf %dot_general3A_201, %sub3A_266 : vector<2000x64xf32>
    %add3A_268 = arith.constant 1.000000e+00 : f32
    %add3A_269 = vector.broadcast %add3A_268 : f32 to vector<2000x64xf32>
    %add3A_270 = arith.addf %add3A_269, %mul3A_267 : vector<2000x64xf32>
    %mul3A_271 = arith.mulf %div3A_263, %add3A_270 : vector<2000x64xf32>
    %mul3A_272 = arith.mulf %mul3A_271, %dot_general3A_253 : vector<2000x64xf32>
    %get3A_273 = arith.constant 0 : index
    %get3A_274 = arith.constant 0 : index
    %get3A_275 = vector.load %arg7[%get3A_273, %get3A_274] : memref<64x64xf32, #tpu.memory_space<vmem>>, vector<64x64xf32>
    %dot_general3A_276 = arith.constant dense<0.000000e+00> : vector<2000x64xf32>
    %dot_general3A_277 = tpu.matmul %div3A_209, %get3A_275, %dot_general3A_276 {dimension_numbers = #tpu.dot_dimension_numbers<[1], [0], [0], [1], [0, 0, 1, 1], [], []>, transpose_lhs_hint = false} : vector<2000x64xf32>, vector<64x64xf32>, vector<2000x64xf32> -> vector<2000x64xf32>
    %dot_general3A_278 = arith.constant dense<0.000000e+00> : vector<2000x64xf32>
    %dot_general3A_279 = tpu.matmul %mul3A_272, %get3A_275, %dot_general3A_278 {dimension_numbers = #tpu.dot_dimension_numbers<[1], [0], [0], [1], [0, 0, 1, 1], [], []>, transpose_lhs_hint = false} : vector<2000x64xf32>, vector<64x64xf32>, vector<2000x64xf32> -> vector<2000x64xf32>
    %get3A_280 = arith.constant 0 : index
    %get3A_281 = arith.constant 0 : index
    %get3A_282 = vector.load %arg2[%get3A_280, %get3A_281] : memref<2000x128xf32, #tpu.memory_space<vmem>>, vector<2000x128xf32>
    %slice3A_283 = vector.extract_strided_slice %get3A_282 {offsets = [0, 0], sizes = [2000, 64], strides = [1, 1]} : vector<2000x128xf32> to vector<2000x64xf32>
    %mul3A_284 = arith.mulf %slice3A_283, %dot_general3A_277 : vector<2000x64xf32>
    %mul3A_285 = arith.constant 6.250000e-02 : f32
    %mul3A_286 = vector.broadcast %mul3A_285 : f32 to vector<2000x64xf32>
    %mul3A_287 = arith.mulf %mul3A_284, %mul3A_286 : vector<2000x64xf32>
    %get3A_288 = arith.constant 0 : index
    %get3A_289 = arith.constant 0 : index
    %get3A_290 = vector.load %arg3[%get3A_288, %get3A_289] : memref<2000x128xf32, #tpu.memory_space<vmem>>, vector<2000x128xf32>
    %slice3A_291 = vector.extract_strided_slice %get3A_290 {offsets = [0, 0], sizes = [2000, 64], strides = [1, 1]} : vector<2000x128xf32> to vector<2000x64xf32>
    %mul3A_292 = arith.mulf %slice3A_283, %slice3A_291 : vector<2000x64xf32>
    %mul3A_293 = arith.mulf %mul3A_292, %dot_general3A_279 : vector<2000x64xf32>
    %reduce_sum3A = arith.constant dense<0.000000e+00> : vector<2000xf32>
    %reduce_sum3A_294 = vector.multi_reduction <add>, %mul3A_293, %reduce_sum3A [1] : vector<2000x64xf32> to vector<2000xf32>
    %broadcast_in_dim3A_295 = vector.shape_cast %reduce_sum3A_294 : vector<2000xf32> to vector<2000x1xf32>
    %mul3A_296 = arith.constant 6.250000e-02 : f32
    %mul3A_297 = vector.broadcast %mul3A_296 : f32 to vector<2000x1xf32>
    %mul3A_298 = arith.mulf %broadcast_in_dim3A_295, %mul3A_297 : vector<2000x1xf32>
    %broadcast_in_dim3A_299 = arith.constant 0.000000e+00 : f32
    %broadcast_in_dim3A_300 = vector.broadcast %broadcast_in_dim3A_299 : f32 to vector<2000x63xf32>
    %concatenate3A = tpu.concatenate %mul3A_287, %mul3A_298, %broadcast_in_dim3A_300 in 1 : vector<2000x64xf32>, vector<2000x1xf32>, vector<2000x63xf32> -> vector<2000x128xf32>
    %swap3A = arith.constant 0 : index
    %swap3A_301 = arith.constant 0 : index
    %swap3A_302 = vector.load %arg8[%swap3A, %swap3A_301] : memref<2000x128xf32, #tpu.memory_space<vmem>>, vector<2000x128xf32>
    tpu.vector_store %arg8[%swap3A, %swap3A_301], %concatenate3A {strides = array<i32>} : memref<2000x128xf32, #tpu.memory_space<vmem>>, vector<2000x128xf32>,
    return
  }
  func.func @transform_0(%arg0: i32) -> (i32, i32) {
    %c0_i32 = arith.constant 0 : i32
    %c0_i32_0 = arith.constant 0 : i32
    return %arg0, %c0_i32 : i32, i32
  }
  func.func @transform_1(%arg0: i32) -> (i32, i32) {
    %c0_i32 = arith.constant 0 : i32
    %c0_i32_0 = arith.constant 0 : i32
    return %arg0, %c0_i32 : i32, i32
  }
  func.func @transform_2(%arg0: i32) -> (i32, i32) {
    %c0_i32 = arith.constant 0 : i32
    %c0_i32_0 = arith.constant 0 : i32
    return %arg0, %c0_i32 : i32, i32
  }
  func.func @transform_3(%arg0: i32) -> (i32, i32) {
    %c0_i32 = arith.constant 0 : i32
    %c0_i32_0 = arith.constant 0 : i32
    %c0_i32_1 = arith.constant 0 : i32
    return %c0_i32, %c0_i32_0 : i32, i32
  }
  func.func @transform_4(%arg0: i32) -> (i32, i32) {
    %c0_i32 = arith.constant 0 : i32
    %c0_i32_0 = arith.constant 0 : i32
    %c0_i32_1 = arith.constant 0 : i32
    return %c0_i32, %c0_i32_0 : i32, i32
  }
  func.func @transform_5(%arg0: i32) -> (i32, i32) {
    %c0_i32 = arith.constant 0 : i32
    %c0_i32_0 = arith.constant 0 : i32
    %c0_i32_1 = arith.constant 0 : i32
    return %c0_i32, %c0_i32_0 : i32, i32
  }
  func.func @transform_6(%arg0: i32) -> (i32, i32) {
    %c0_i32 = arith.constant 0 : i32
    %c0_i32_0 = arith.constant 0 : i32
    %c0_i32_1 = arith.constant 0 : i32
    return %c0_i32, %c0_i32_0 : i32, i32
  }
  func.func @transform_7(%arg0: i32) -> (i32, i32) {
    %c0_i32 = arith.constant 0 : i32
    %c0_i32_0 = arith.constant 0 : i32
    return %arg0, %c0_i32 : i32, i32
  }
}

module attributes {stable_mosaic.version = 14 : i64} {
  func.func @_tc_node_d(%arg0: i32, %arg1: memref<2048x128xf32, #tpu.memory_space<vmem>>, %arg2: memref<2048x128xf32, #tpu.memory_space<vmem>>, %arg3: memref<2048x64xf32, #tpu.memory_space<vmem>>, %arg4: memref<2048x64xf32, #tpu.memory_space<vmem>>, %arg5: memref<64x64xf32, #tpu.memory_space<vmem>>, %arg6: memref<64x64xf32, #tpu.memory_space<vmem>>, %arg7: memref<2048x128xf32, #tpu.memory_space<vmem>>) attributes {dimension_semantics = [#tpu.dimension_semantics<arbitrary>], iteration_bounds = array<i64: 5>, scalar_prefetch = 0 : i64, scratch_operands = 0 : i64, tpu.core_type = #tpu.core_type<tc>, window_params = [{transform_indices = @transform_0, window_bounds = array<i64: 2048, 128>}, {transform_indices = @transform_1, window_bounds = array<i64: 2048, 128>}, {transform_indices = @transform_2, window_bounds = array<i64: 2048, 64>}, {transform_indices = @transform_3, window_bounds = array<i64: 2048, 64>}, {pipeline_mode = #tpu.pipeline_mode<synchronous>, transform_indices = @transform_4, window_bounds = array<i64: 64, 64>}, {pipeline_mode = #tpu.pipeline_mode<synchronous>, transform_indices = @transform_5, window_bounds = array<i64: 64, 64>}, {transform_indices = @transform_6, window_bounds = array<i64: 2048, 128>}]} {
    %get3A = arith.constant 0 : index
    %get3A_0 = arith.constant 0 : index
    %get3A_1 = vector.load %arg1[%get3A, %get3A_0] : memref<2048x128xf32, #tpu.memory_space<vmem>>, vector<2048x128xf32>
    %slice3A = vector.extract_strided_slice %get3A_1 {offsets = [0, 0], sizes = [2048, 64], strides = [1, 1]} : vector<2048x128xf32> to vector<2048x64xf32>
    %get3A_2 = arith.constant 0 : index
    %get3A_3 = arith.constant 0 : index
    %get3A_4 = vector.load %arg2[%get3A_2, %get3A_3] : memref<2048x128xf32, #tpu.memory_space<vmem>>, vector<2048x128xf32>
    %slice3A_5 = vector.extract_strided_slice %get3A_4 {offsets = [0, 0], sizes = [2048, 64], strides = [1, 1]} : vector<2048x128xf32> to vector<2048x64xf32>
    %add3A = arith.addf %slice3A, %slice3A_5 : vector<2048x64xf32>
    %get3A_6 = arith.constant 0 : index
    %get3A_7 = arith.constant 0 : index
    %get3A_8 = vector.load %arg3[%get3A_6, %get3A_7] : memref<2048x64xf32, #tpu.memory_space<vmem>>, vector<2048x64xf32>
    %get3A_9 = arith.constant 0 : index
    %get3A_10 = arith.constant 0 : index
    %get3A_11 = vector.load %arg5[%get3A_9, %get3A_10] : memref<64x64xf32, #tpu.memory_space<vmem>>, vector<64x64xf32>
    %dot_general3A = arith.constant dense<0.000000e+00> : vector<2048x64xf32>
    %dot_general3A_12 = tpu.matmul %add3A, %get3A_11, %dot_general3A {dimension_numbers = #tpu.dot_dimension_numbers<[1], [0], [0], [1], [0, 0, 1, 1], [], []>, transpose_lhs_hint = false} : vector<2048x64xf32>, vector<64x64xf32>, vector<2048x64xf32> -> vector<2048x64xf32>
    %add3A_13 = arith.addf %get3A_8, %dot_general3A_12 : vector<2048x64xf32>
    %get3A_14 = arith.constant 0 : index
    %get3A_15 = arith.constant 0 : index
    %get3A_16 = vector.load %arg4[%get3A_14, %get3A_15] : memref<2048x64xf32, #tpu.memory_space<vmem>>, vector<2048x64xf32>
    %mul3A = arith.mulf %add3A_13, %get3A_16 : vector<2048x64xf32>
    %get3A_17 = arith.constant 0 : index
    %get3A_18 = arith.constant 0 : index
    %get3A_19 = vector.load %arg6[%get3A_17, %get3A_18] : memref<64x64xf32, #tpu.memory_space<vmem>>, vector<64x64xf32>
    %dot_general3A_20 = arith.constant dense<0.000000e+00> : vector<2048x64xf32>
    %dot_general3A_21 = tpu.matmul %mul3A, %get3A_19, %dot_general3A_20 {dimension_numbers = #tpu.dot_dimension_numbers<[1], [0], [0], [1], [0, 0, 1, 1], [], []>, transpose_lhs_hint = false} : vector<2048x64xf32>, vector<64x64xf32>, vector<2048x64xf32> -> vector<2048x64xf32>
    %broadcast_in_dim3A = arith.constant 0.000000e+00 : f32
    %broadcast_in_dim3A_22 = vector.broadcast %broadcast_in_dim3A : f32 to vector<2048x64xf32>
    %concatenate3A = tpu.concatenate %dot_general3A_21, %broadcast_in_dim3A_22 in 1 : vector<2048x64xf32>, vector<2048x64xf32> -> vector<2048x128xf32>
    %swap3A = arith.constant 0 : index
    %swap3A_23 = arith.constant 0 : index
    %swap3A_24 = vector.load %arg7[%swap3A, %swap3A_23] : memref<2048x128xf32, #tpu.memory_space<vmem>>, vector<2048x128xf32>
    tpu.vector_store %arg7[%swap3A, %swap3A_23], %concatenate3A {strides = array<i32>} : memref<2048x128xf32, #tpu.memory_space<vmem>>, vector<2048x128xf32>,
    return
  }
  func.func @transform_0(%arg0: i32) -> (i32, i32) {
    %c0_i32 = arith.constant 0 : i32
    %c0_i32_0 = arith.constant 0 : i32
    return %arg0, %c0_i32 : i32, i32
  }
  func.func @transform_1(%arg0: i32) -> (i32, i32) {
    %c0_i32 = arith.constant 0 : i32
    %c0_i32_0 = arith.constant 0 : i32
    return %arg0, %c0_i32 : i32, i32
  }
  func.func @transform_2(%arg0: i32) -> (i32, i32) {
    %c0_i32 = arith.constant 0 : i32
    %c0_i32_0 = arith.constant 0 : i32
    return %arg0, %c0_i32 : i32, i32
  }
  func.func @transform_3(%arg0: i32) -> (i32, i32) {
    %c0_i32 = arith.constant 0 : i32
    %c0_i32_0 = arith.constant 0 : i32
    return %arg0, %c0_i32 : i32, i32
  }
  func.func @transform_4(%arg0: i32) -> (i32, i32) {
    %c0_i32 = arith.constant 0 : i32
    %c0_i32_0 = arith.constant 0 : i32
    %c0_i32_1 = arith.constant 0 : i32
    return %c0_i32, %c0_i32_0 : i32, i32
  }
  func.func @transform_5(%arg0: i32) -> (i32, i32) {
    %c0_i32 = arith.constant 0 : i32
    %c0_i32_0 = arith.constant 0 : i32
    %c0_i32_1 = arith.constant 0 : i32
    return %c0_i32, %c0_i32_0 : i32, i32
  }
  func.func @transform_6(%arg0: i32) -> (i32, i32) {
    %c0_i32 = arith.constant 0 : i32
    %c0_i32_0 = arith.constant 0 : i32
    return %arg0, %c0_i32 : i32, i32
  }
}

module attributes {stable_mosaic.version = 14 : i64} {
  func.func @_tc_edge4(%arg0: i32, %arg1: memref<2000x16xf32, #tpu.memory_space<vmem>>, %arg2: memref<2000x128xf32, #tpu.memory_space<vmem>>, %arg3: memref<2000x128xf32, #tpu.memory_space<vmem>>, %arg4: memref<2000x128xf32, #tpu.memory_space<vmem>>, %arg5: memref<8x64xf32, #tpu.memory_space<vmem>>, %arg6: memref<64x64xf32, #tpu.memory_space<vmem>>, %arg7: memref<64x64xf32, #tpu.memory_space<vmem>>, %arg8: memref<64x64xf32, #tpu.memory_space<vmem>>, %arg9: memref<2000x128xf32, #tpu.memory_space<vmem>>) attributes {dimension_semantics = [#tpu.dimension_semantics<arbitrary>], iteration_bounds = array<i64: 80>, scalar_prefetch = 0 : i64, scratch_operands = 0 : i64, tpu.core_type = #tpu.core_type<tc>, window_params = [{transform_indices = @transform_0, window_bounds = array<i64: 2000, 16>}, {transform_indices = @transform_1, window_bounds = array<i64: 2000, 128>}, {transform_indices = @transform_2, window_bounds = array<i64: 2000, 128>}, {transform_indices = @transform_3, window_bounds = array<i64: 2000, 128>}, {pipeline_mode = #tpu.pipeline_mode<synchronous>, transform_indices = @transform_4, window_bounds = array<i64: 8, 64>}, {pipeline_mode = #tpu.pipeline_mode<synchronous>, transform_indices = @transform_5, window_bounds = array<i64: 64, 64>}, {pipeline_mode = #tpu.pipeline_mode<synchronous>, transform_indices = @transform_6, window_bounds = array<i64: 64, 64>}, {pipeline_mode = #tpu.pipeline_mode<synchronous>, transform_indices = @transform_7, window_bounds = array<i64: 64, 64>}, {transform_indices = @transform_8, window_bounds = array<i64: 2000, 128>}]} {
    %get3A = arith.constant 0 : index
    %get3A_0 = arith.constant 0 : index
    %get3A_1 = vector.load %arg1[%get3A, %get3A_0] : memref<2000x16xf32, #tpu.memory_space<vmem>>, vector<2000x16xf32>
    %slice3A = vector.extract_strided_slice %get3A_1 {offsets = [0, 0], sizes = [2000, 1], strides = [1, 1]} : vector<2000x16xf32> to vector<2000x1xf32>
    %max3A = arith.constant 9.99999997E-7 : f32
    %max3A_2 = vector.broadcast %max3A : f32 to vector<2000x1xf32>
    %max3A_3 = arith.maximumf %slice3A, %max3A_2 : vector<2000x1xf32>
    %iota3A = tpu.iota {dimensions = array<i32: 1>} : vector<1x8xi32>
    %convert_element_type3A = arith.sitofp %iota3A : vector<1x8xi32> to vector<1x8xf32>
    %add3A = arith.constant 1.000000e+00 : f32
    %add3A_4 = vector.broadcast %add3A : f32 to vector<1x8xf32>
    %add3A_5 = arith.addf %convert_element_type3A, %add3A_4 : vector<1x8xf32>
    %mul3A = arith.constant 0.628318548 : f32
    %mul3A_6 = vector.broadcast %mul3A : f32 to vector<1x8xf32>
    %mul3A_7 = arith.mulf %add3A_5, %mul3A_6 : vector<1x8xf32>
    %mul3A_8 = vector.broadcast %mul3A_7 : vector<1x8xf32> to vector<2000x8xf32>
    %mul3A_9 = vector.broadcast %max3A_3 : vector<2000x1xf32> to vector<2000x8xf32>
    %mul3A_10 = arith.mulf %mul3A_8, %mul3A_9 : vector<2000x8xf32>
    %mul3A_11 = arith.constant 0.318309873 : f32
    %mul3A_12 = vector.broadcast %mul3A_11 : f32 to vector<2000x8xf32>
    %mul3A_13 = arith.mulf %mul3A_10, %mul3A_12 : vector<2000x8xf32>
    %add3A_14 = arith.constant 5.000000e-01 : f32
    %add3A_15 = vector.broadcast %add3A_14 : f32 to vector<2000x8xf32>
    %add3A_16 = arith.addf %mul3A_13, %add3A_15 : vector<2000x8xf32>
    %floor3A = math.floor %add3A_16 : vector<2000x8xf32>
    %mul3A_17 = arith.constant 3.14159274 : f32
    %mul3A_18 = vector.broadcast %mul3A_17 : f32 to vector<2000x8xf32>
    %mul3A_19 = arith.mulf %floor3A, %mul3A_18 : vector<2000x8xf32>
    %sub3A = arith.subf %mul3A_10, %mul3A_19 : vector<2000x8xf32>
    %mul3A_20 = arith.constant 5.000000e-01 : f32
    %mul3A_21 = vector.broadcast %mul3A_20 : f32 to vector<2000x8xf32>
    %mul3A_22 = arith.mulf %floor3A, %mul3A_21 : vector<2000x8xf32>
    %floor3A_23 = math.floor %mul3A_22 : vector<2000x8xf32>
    %mul3A_24 = arith.constant 2.000000e+00 : f32
    %mul3A_25 = vector.broadcast %mul3A_24 : f32 to vector<2000x8xf32>
    %mul3A_26 = arith.mulf %mul3A_25, %floor3A_23 : vector<2000x8xf32>
    %sub3A_27 = arith.subf %floor3A, %mul3A_26 : vector<2000x8xf32>
    %mul3A_28 = arith.constant 2.000000e+00 : f32
    %mul3A_29 = vector.broadcast %mul3A_28 : f32 to vector<2000x8xf32>
    %mul3A_30 = arith.mulf %mul3A_29, %sub3A_27 : vector<2000x8xf32>
    %sub3A_31 = arith.constant 1.000000e+00 : f32
    %sub3A_32 = vector.broadcast %sub3A_31 : f32 to vector<2000x8xf32>
    %sub3A_33 = arith.subf %sub3A_32, %mul3A_30 : vector<2000x8xf32>
    %mul3A_34 = arith.mulf %sub3A, %sub3A : vector<2000x8xf32>
    %mul3A_35 = arith.constant 2.50521079E-8 : f32
    %mul3A_36 = vector.broadcast %mul3A_35 : f32 to vector<2000x8xf32>
    %mul3A_37 = arith.mulf %mul3A_36, %mul3A_34 : vector<2000x8xf32>
    %sub3A_38 = arith.constant 2.75573188E-6 : f32
    %sub3A_39 = vector.broadcast %sub3A_38 : f32 to vector<2000x8xf32>
    %sub3A_40 = arith.subf %mul3A_37, %sub3A_39 : vector<2000x8xf32>
    %mul3A_41 = arith.mulf %sub3A_40, %mul3A_34 : vector<2000x8xf32>
    %add3A_42 = arith.constant 1.98412701E-4 : f32
    %add3A_43 = vector.broadcast %add3A_42 : f32 to vector<2000x8xf32>
    %add3A_44 = arith.addf %mul3A_41, %add3A_43 : vector<2000x8xf32>
    %mul3A_45 = arith.mulf %add3A_44, %mul3A_34 : vector<2000x8xf32>
    %sub3A_46 = arith.constant 0.00833333377 : f32
    %sub3A_47 = vector.broadcast %sub3A_46 : f32 to vector<2000x8xf32>
    %sub3A_48 = arith.subf %mul3A_45, %sub3A_47 : vector<2000x8xf32>
    %mul3A_49 = arith.mulf %sub3A_48, %mul3A_34 : vector<2000x8xf32>
    %add3A_50 = arith.constant 0.166666672 : f32
    %add3A_51 = vector.broadcast %add3A_50 : f32 to vector<2000x8xf32>
    %add3A_52 = arith.addf %mul3A_49, %add3A_51 : vector<2000x8xf32>
    %mul3A_53 = arith.mulf %sub3A, %mul3A_34 : vector<2000x8xf32>
    %mul3A_54 = arith.mulf %mul3A_53, %add3A_52 : vector<2000x8xf32>
    %sub3A_55 = arith.subf %sub3A, %mul3A_54 : vector<2000x8xf32>
    %mul3A_56 = arith.mulf %sub3A_33, %sub3A_55 : vector<2000x8xf32>
    %add3A_57 = arith.constant 1.57079637 : f32
    %add3A_58 = vector.broadcast %add3A_57 : f32 to vector<2000x8xf32>
    %add3A_59 = arith.addf %mul3A_10, %add3A_58 : vector<2000x8xf32>
    %mul3A_60 = arith.constant 0.318309873 : f32
    %mul3A_61 = vector.broadcast %mul3A_60 : f32 to vector<2000x8xf32>
    %mul3A_62 = arith.mulf %add3A_59, %mul3A_61 : vector<2000x8xf32>
    %add3A_63 = arith.constant 5.000000e-01 : f32
    %add3A_64 = vector.broadcast %add3A_63 : f32 to vector<2000x8xf32>
    %add3A_65 = arith.addf %mul3A_62, %add3A_64 : vector<2000x8xf32>
    %floor3A_66 = math.floor %add3A_65 : vector<2000x8xf32>
    %mul3A_67 = arith.constant 3.14159274 : f32
    %mul3A_68 = vector.broadcast %mul3A_67 : f32 to vector<2000x8xf32>
    %mul3A_69 = arith.mulf %floor3A_66, %mul3A_68 : vector<2000x8xf32>
    %sub3A_70 = arith.subf %add3A_59, %mul3A_69 : vector<2000x8xf32>
    %mul3A_71 = arith.constant 5.000000e-01 : f32
    %mul3A_72 = vector.broadcast %mul3A_71 : f32 to vector<2000x8xf32>
    %mul3A_73 = arith.mulf %floor3A_66, %mul3A_72 : vector<2000x8xf32>
    %floor3A_74 = math.floor %mul3A_73 : vector<2000x8xf32>
    %mul3A_75 = arith.constant 2.000000e+00 : f32
    %mul3A_76 = vector.broadcast %mul3A_75 : f32 to vector<2000x8xf32>
    %mul3A_77 = arith.mulf %mul3A_76, %floor3A_74 : vector<2000x8xf32>
    %sub3A_78 = arith.subf %floor3A_66, %mul3A_77 : vector<2000x8xf32>
    %mul3A_79 = arith.constant 2.000000e+00 : f32
    %mul3A_80 = vector.broadcast %mul3A_79 : f32 to vector<2000x8xf32>
    %mul3A_81 = arith.mulf %mul3A_80, %sub3A_78 : vector<2000x8xf32>
    %sub3A_82 = arith.constant 1.000000e+00 : f32
    %sub3A_83 = vector.broadcast %sub3A_82 : f32 to vector<2000x8xf32>
    %sub3A_84 = arith.subf %sub3A_83, %mul3A_81 : vector<2000x8xf32>
    %mul3A_85 = arith.mulf %sub3A_70, %sub3A_70 : vector<2000x8xf32>
    %mul3A_86 = arith.constant 2.50521079E-8 : f32
    %mul3A_87 = vector.broadcast %mul3A_86 : f32 to vector<2000x8xf32>
    %mul3A_88 = arith.mulf %mul3A_87, %mul3A_85 : vector<2000x8xf32>
    %sub3A_89 = arith.constant 2.75573188E-6 : f32
    %sub3A_90 = vector.broadcast %sub3A_89 : f32 to vector<2000x8xf32>
    %sub3A_91 = arith.subf %mul3A_88, %sub3A_90 : vector<2000x8xf32>
    %mul3A_92 = arith.mulf %sub3A_91, %mul3A_85 : vector<2000x8xf32>
    %add3A_93 = arith.constant 1.98412701E-4 : f32
    %add3A_94 = vector.broadcast %add3A_93 : f32 to vector<2000x8xf32>
    %add3A_95 = arith.addf %mul3A_92, %add3A_94 : vector<2000x8xf32>
    %mul3A_96 = arith.mulf %add3A_95, %mul3A_85 : vector<2000x8xf32>
    %sub3A_97 = arith.constant 0.00833333377 : f32
    %sub3A_98 = vector.broadcast %sub3A_97 : f32 to vector<2000x8xf32>
    %sub3A_99 = arith.subf %mul3A_96, %sub3A_98 : vector<2000x8xf32>
    %mul3A_100 = arith.mulf %sub3A_99, %mul3A_85 : vector<2000x8xf32>
    %add3A_101 = arith.constant 0.166666672 : f32
    %add3A_102 = vector.broadcast %add3A_101 : f32 to vector<2000x8xf32>
    %add3A_103 = arith.addf %mul3A_100, %add3A_102 : vector<2000x8xf32>
    %mul3A_104 = arith.mulf %sub3A_70, %mul3A_85 : vector<2000x8xf32>
    %mul3A_105 = arith.mulf %mul3A_104, %add3A_103 : vector<2000x8xf32>
    %sub3A_106 = arith.subf %sub3A_70, %mul3A_105 : vector<2000x8xf32>
    %mul3A_107 = arith.mulf %sub3A_84, %sub3A_106 : vector<2000x8xf32>
    %sqrt3A = arith.constant 4.000000e-01 : f32
    %sqrt3A_108 = math.sqrt %sqrt3A : f32
    %mul3A_109 = vector.broadcast %sqrt3A_108 : f32 to vector<2000x8xf32>
    %mul3A_110 = arith.mulf %mul3A_109, %mul3A_56 : vector<2000x8xf32>
    %div3A = vector.broadcast %max3A_3 : vector<2000x1xf32> to vector<2000x8xf32>
    %div3A_111 = arith.divf %mul3A_110, %div3A : vector<2000x8xf32>
    %mul3A_112 = vector.broadcast %mul3A_7 : vector<1x8xf32> to vector<2000x8xf32>
    %mul3A_113 = arith.mulf %mul3A_112, %mul3A_107 : vector<2000x8xf32>
    %mul3A_114 = vector.broadcast %max3A_3 : vector<2000x1xf32> to vector<2000x8xf32>
    %mul3A_115 = arith.mulf %mul3A_113, %mul3A_114 : vector<2000x8xf32>
    %sub3A_116 = arith.subf %mul3A_115, %mul3A_56 : vector<2000x8xf32>
    %mul3A_117 = vector.broadcast %sqrt3A_108 : f32 to vector<2000x8xf32>
    %mul3A_118 = arith.mulf %mul3A_117, %sub3A_116 : vector<2000x8xf32>
    %mul3A_119 = arith.mulf %max3A_3, %max3A_3 : vector<2000x1xf32>
    %div3A_120 = vector.broadcast %mul3A_119 : vector<2000x1xf32> to vector<2000x8xf32>
    %div3A_121 = arith.divf %mul3A_118, %div3A_120 : vector<2000x8xf32>
    %gt3A = arith.constant 9.99999997E-7 : f32
    %gt3A_122 = vector.broadcast %gt3A : f32 to vector<2000x1xf32>
    %gt3A_123 = arith.cmpf ogt, %slice3A, %gt3A_122 : vector<2000x1xf32>
    %jit3A = arith.constant 0.000000e+00 : f32
    %broadcast_in_dim3A = vector.shape_cast %gt3A_123 : vector<2000x1xi1> to vector<2000x1xi1>
    %broadcast_in_dim3A_124 = vector.broadcast %broadcast_in_dim3A : vector<2000x1xi1> to vector<2000x8xi1>
    %broadcast_in_dim3A_125 = vector.broadcast %jit3A : f32 to vector<2000x8xf32>
    %select_n3A = arith.select %broadcast_in_dim3A_124, %div3A_121, %broadcast_in_dim3A_125 : vector<2000x8xi1>, vector<2000x8xf32>
    %div3A_126 = arith.constant 5.000000e+00 : f32
    %div3A_127 = vector.broadcast %div3A_126 : f32 to vector<2000x1xf32>
    %div3A_128 = arith.divf %slice3A, %div3A_127 : vector<2000x1xf32>
    %mul3A_129 = arith.mulf %div3A_128, %div3A_128 : vector<2000x1xf32>
    %mul3A_130 = arith.mulf %mul3A_129, %mul3A_129 : vector<2000x1xf32>
    %mul3A_131 = arith.mulf %mul3A_130, %div3A_128 : vector<2000x1xf32>
    %lt3A = arith.constant 1.000000e+00 : f32
    %lt3A_132 = vector.broadcast %lt3A : f32 to vector<2000x1xf32>
    %lt3A_133 = arith.cmpf olt, %div3A_128, %lt3A_132 : vector<2000x1xf32>
    %mul3A_134 = arith.constant 2.100000e+01 : f32
    %mul3A_135 = vector.broadcast %mul3A_134 : f32 to vector<2000x1xf32>
    %mul3A_136 = arith.mulf %mul3A_135, %mul3A_131 : vector<2000x1xf32>
    %sub3A_137 = arith.constant 1.000000e+00 : f32
    %sub3A_138 = vector.broadcast %sub3A_137 : f32 to vector<2000x1xf32>
    %sub3A_139 = arith.subf %sub3A_138, %mul3A_136 : vector<2000x1xf32>
    %mul3A_140 = arith.constant 3.500000e+01 : f32
    %mul3A_141 = vector.broadcast %mul3A_140 : f32 to vector<2000x1xf32>
    %mul3A_142 = arith.mulf %mul3A_141, %mul3A_131 : vector<2000x1xf32>
    %mul3A_143 = arith.mulf %mul3A_142, %div3A_128 : vector<2000x1xf32>
    %add3A_144 = arith.addf %sub3A_139, %mul3A_143 : vector<2000x1xf32>
    %mul3A_145 = arith.constant 1.500000e+01 : f32
    %mul3A_146 = vector.broadcast %mul3A_145 : f32 to vector<2000x1xf32>
    %mul3A_147 = arith.mulf %mul3A_146, %mul3A_131 : vector<2000x1xf32>
    %mul3A_148 = arith.mulf %mul3A_147, %mul3A_129 : vector<2000x1xf32>
    %sub3A_149 = arith.subf %add3A_144, %mul3A_148 : vector<2000x1xf32>
    %jit3A_150 = arith.constant 0.000000e+00 : f32
    %broadcast_in_dim3A_151 = vector.broadcast %jit3A_150 : f32 to vector<2000x1xf32>
    %select_n3A_152 = arith.select %lt3A_133, %sub3A_149, %broadcast_in_dim3A_151 : vector<2000x1xi1>, vector<2000x1xf32>
    %mul3A_153 = arith.constant -2.100000e+01 : f32
    %mul3A_154 = vector.broadcast %mul3A_153 : f32 to vector<2000x1xf32>
    %mul3A_155 = arith.mulf %mul3A_154, %mul3A_130 : vector<2000x1xf32>
    %sub3A_156 = arith.constant 1.000000e+00 : f32
    %sub3A_157 = vector.broadcast %sub3A_156 : f32 to vector<2000x1xf32>
    %sub3A_158 = arith.subf %sub3A_157, %div3A_128 : vector<2000x1xf32>
    %mul3A_159 = arith.mulf %mul3A_155, %sub3A_158 : vector<2000x1xf32>
    %sub3A_160 = arith.constant 1.000000e+00 : f32
    %sub3A_161 = vector.broadcast %sub3A_160 : f32 to vector<2000x1xf32>
    %sub3A_162 = arith.subf %sub3A_161, %div3A_128 : vector<2000x1xf32>
    %mul3A_163 = arith.mulf %mul3A_159, %sub3A_162 : vector<2000x1xf32>
    %jit3A_164 = arith.constant 0.000000e+00 : f32
    %broadcast_in_dim3A_165 = vector.broadcast %jit3A_164 : f32 to vector<2000x1xf32>
    %select_n3A_166 = arith.select %lt3A_133, %mul3A_163, %broadcast_in_dim3A_165 : vector<2000x1xi1>, vector<2000x1xf32>
    %mul3A_167 = vector.broadcast %select_n3A_152 : vector<2000x1xf32> to vector<2000x8xf32>
    %mul3A_168 = arith.mulf %div3A_111, %mul3A_167 : vector<2000x8xf32>
    %mul3A_169 = vector.broadcast %select_n3A_152 : vector<2000x1xf32> to vector<2000x8xf32>
    %mul3A_170 = arith.mulf %select_n3A, %mul3A_169 : vector<2000x8xf32>
    %mul3A_171 = vector.broadcast %select_n3A_166 : vector<2000x1xf32> to vector<2000x8xf32>
    %mul3A_172 = arith.mulf %div3A_111, %mul3A_171 : vector<2000x8xf32>
    %add3A_173 = arith.addf %mul3A_170, %mul3A_172 : vector<2000x8xf32>
    %get3A_174 = arith.constant 0 : index
    %get3A_175 = arith.constant 0 : index
    %get3A_176 = vector.load %arg5[%get3A_174, %get3A_175] : memref<8x64xf32, #tpu.memory_space<vmem>>, vector<8x64xf32>
    %get3A_177 = arith.constant 0 : index
    %get3A_178 = arith.constant 0 : index
    %get3A_179 = vector.load %arg6[%get3A_177, %get3A_178] : memref<64x64xf32, #tpu.memory_space<vmem>>, vector<64x64xf32>
    %get3A_180 = arith.constant 0 : index
    %get3A_181 = arith.constant 0 : index
    %get3A_182 = vector.load %arg7[%get3A_180, %get3A_181] : memref<64x64xf32, #tpu.memory_space<vmem>>, vector<64x64xf32>
    %dot_general3A = arith.constant dense<0.000000e+00> : vector<2000x64xf32>
    %dot_general3A_183 = tpu.matmul %mul3A_168, %get3A_176, %dot_general3A {dimension_numbers = #tpu.dot_dimension_numbers<[1], [0], [0], [1], [0, 0, 1, 1], [], []>, transpose_lhs_hint = false} : vector<2000x8xf32>, vector<8x64xf32>, vector<2000x64xf32> -> vector<2000x64xf32>
    %neg3A = arith.constant 0.000000e+00 : f32
    %neg3A_184 = vector.broadcast %neg3A : f32 to vector<2000x64xf32>
    %neg3A_185 = arith.subf %neg3A_184, %dot_general3A_183 : vector<2000x64xf32>
    %exp3A = math.exp %neg3A_185 : vector<2000x64xf32>
    %add3A_186 = arith.constant 1.000000e+00 : f32
    %add3A_187 = vector.broadcast %add3A_186 : f32 to vector<2000x64xf32>
    %add3A_188 = arith.addf %add3A_187, %exp3A : vector<2000x64xf32>
    %div3A_189 = arith.divf %dot_general3A_183, %add3A_188 : vector<2000x64xf32>
    %dot_general3A_190 = arith.constant dense<0.000000e+00> : vector<2000x64xf32>
    %dot_general3A_191 = tpu.matmul %div3A_189, %get3A_179, %dot_general3A_190 {dimension_numbers = #tpu.dot_dimension_numbers<[1], [0], [0], [1], [0, 0, 1, 1], [], []>, transpose_lhs_hint = false} : vector<2000x64xf32>, vector<64x64xf32>, vector<2000x64xf32> -> vector<2000x64xf32>
    %neg3A_192 = arith.constant 0.000000e+00 : f32
    %neg3A_193 = vector.broadcast %neg3A_192 : f32 to vector<2000x64xf32>
    %neg3A_194 = arith.subf %neg3A_193, %dot_general3A_191 : vector<2000x64xf32>
    %exp3A_195 = math.exp %neg3A_194 : vector<2000x64xf32>
    %add3A_196 = arith.constant 1.000000e+00 : f32
    %add3A_197 = vector.broadcast %add3A_196 : f32 to vector<2000x64xf32>
    %add3A_198 = arith.addf %add3A_197, %exp3A_195 : vector<2000x64xf32>
    %div3A_199 = arith.divf %dot_general3A_191, %add3A_198 : vector<2000x64xf32>
    %dot_general3A_200 = arith.constant dense<0.000000e+00> : vector<2000x64xf32>
    %dot_general3A_201 = tpu.matmul %div3A_199, %get3A_182, %dot_general3A_200 {dimension_numbers = #tpu.dot_dimension_numbers<[1], [0], [0], [1], [0, 0, 1, 1], [], []>, transpose_lhs_hint = false} : vector<2000x64xf32>, vector<64x64xf32>, vector<2000x64xf32> -> vector<2000x64xf32>
    %dot_general3A_202 = arith.constant dense<0.000000e+00> : vector<2000x64xf32>
    %dot_general3A_203 = tpu.matmul %add3A_173, %get3A_176, %dot_general3A_202 {dimension_numbers = #tpu.dot_dimension_numbers<[1], [0], [0], [1], [0, 0, 1, 1], [], []>, transpose_lhs_hint = false} : vector<2000x8xf32>, vector<8x64xf32>, vector<2000x64xf32> -> vector<2000x64xf32>
    %neg3A_204 = arith.constant 0.000000e+00 : f32
    %neg3A_205 = vector.broadcast %neg3A_204 : f32 to vector<2000x64xf32>
    %neg3A_206 = arith.subf %neg3A_205, %dot_general3A_183 : vector<2000x64xf32>
    %exp3A_207 = math.exp %neg3A_206 : vector<2000x64xf32>
    %add3A_208 = arith.constant 1.000000e+00 : f32
    %add3A_209 = vector.broadcast %add3A_208 : f32 to vector<2000x64xf32>
    %add3A_210 = arith.addf %add3A_209, %exp3A_207 : vector<2000x64xf32>
    %div3A_211 = arith.constant 1.000000e+00 : f32
    %div3A_212 = vector.broadcast %div3A_211 : f32 to vector<2000x64xf32>
    %div3A_213 = arith.divf %div3A_212, %add3A_210 : vector<2000x64xf32>
    %sub3A_214 = arith.constant 1.000000e+00 : f32
    %sub3A_215 = vector.broadcast %sub3A_214 : f32 to vector<2000x64xf32>
    %sub3A_216 = arith.subf %sub3A_215, %div3A_213 : vector<2000x64xf32>
    %mul3A_217 = arith.mulf %dot_general3A_183, %sub3A_216 : vector<2000x64xf32>
    %add3A_218 = arith.constant 1.000000e+00 : f32
    %add3A_219 = vector.broadcast %add3A_218 : f32 to vector<2000x64xf32>
    %add3A_220 = arith.addf %add3A_219, %mul3A_217 : vector<2000x64xf32>
    %mul3A_221 = arith.mulf %div3A_213, %add3A_220 : vector<2000x64xf32>
    %mul3A_222 = arith.mulf %mul3A_221, %dot_general3A_203 : vector<2000x64xf32>
    %dot_general3A_223 = arith.constant dense<0.000000e+00> : vector<2000x64xf32>
    %dot_general3A_224 = tpu.matmul %mul3A_222, %get3A_179, %dot_general3A_223 {dimension_numbers = #tpu.dot_dimension_numbers<[1], [0], [0], [1], [0, 0, 1, 1], [], []>, transpose_lhs_hint = false} : vector<2000x64xf32>, vector<64x64xf32>, vector<2000x64xf32> -> vector<2000x64xf32>
    %neg3A_225 = arith.constant 0.000000e+00 : f32
    %neg3A_226 = vector.broadcast %neg3A_225 : f32 to vector<2000x64xf32>
    %neg3A_227 = arith.subf %neg3A_226, %dot_general3A_191 : vector<2000x64xf32>
    %exp3A_228 = math.exp %neg3A_227 : vector<2000x64xf32>
    %add3A_229 = arith.constant 1.000000e+00 : f32
    %add3A_230 = vector.broadcast %add3A_229 : f32 to vector<2000x64xf32>
    %add3A_231 = arith.addf %add3A_230, %exp3A_228 : vector<2000x64xf32>
    %div3A_232 = arith.constant 1.000000e+00 : f32
    %div3A_233 = vector.broadcast %div3A_232 : f32 to vector<2000x64xf32>
    %div3A_234 = arith.divf %div3A_233, %add3A_231 : vector<2000x64xf32>
    %sub3A_235 = arith.constant 1.000000e+00 : f32
    %sub3A_236 = vector.broadcast %sub3A_235 : f32 to vector<2000x64xf32>
    %sub3A_237 = arith.subf %sub3A_236, %div3A_234 : vector<2000x64xf32>
    %mul3A_238 = arith.mulf %dot_general3A_191, %sub3A_237 : vector<2000x64xf32>
    %add3A_239 = arith.constant 1.000000e+00 : f32
    %add3A_240 = vector.broadcast %add3A_239 : f32 to vector<2000x64xf32>
    %add3A_241 = arith.addf %add3A_240, %mul3A_238 : vector<2000x64xf32>
    %mul3A_242 = arith.mulf %div3A_234, %add3A_241 : vector<2000x64xf32>
    %mul3A_243 = arith.mulf %mul3A_242, %dot_general3A_224 : vector<2000x64xf32>
    %dot_general3A_244 = arith.constant dense<0.000000e+00> : vector<2000x64xf32>
    %dot_general3A_245 = tpu.matmul %mul3A_243, %get3A_182, %dot_general3A_244 {dimension_numbers = #tpu.dot_dimension_numbers<[1], [0], [0], [1], [0, 0, 1, 1], [], []>, transpose_lhs_hint = false} : vector<2000x64xf32>, vector<64x64xf32>, vector<2000x64xf32> -> vector<2000x64xf32>
    %neg3A_246 = arith.constant 0.000000e+00 : f32
    %neg3A_247 = vector.broadcast %neg3A_246 : f32 to vector<2000x64xf32>
    %neg3A_248 = arith.subf %neg3A_247, %dot_general3A_201 : vector<2000x64xf32>
    %exp3A_249 = math.exp %neg3A_248 : vector<2000x64xf32>
    %add3A_250 = arith.constant 1.000000e+00 : f32
    %add3A_251 = vector.broadcast %add3A_250 : f32 to vector<2000x64xf32>
    %add3A_252 = arith.addf %add3A_251, %exp3A_249 : vector<2000x64xf32>
    %div3A_253 = arith.constant 1.000000e+00 : f32
    %div3A_254 = vector.broadcast %div3A_253 : f32 to vector<2000x64xf32>
    %div3A_255 = arith.divf %div3A_254, %add3A_252 : vector<2000x64xf32>
    %sub3A_256 = arith.constant 1.000000e+00 : f32
    %sub3A_257 = vector.broadcast %sub3A_256 : f32 to vector<2000x64xf32>
    %sub3A_258 = arith.subf %sub3A_257, %div3A_255 : vector<2000x64xf32>
    %mul3A_259 = arith.mulf %dot_general3A_201, %sub3A_258 : vector<2000x64xf32>
    %add3A_260 = arith.constant 1.000000e+00 : f32
    %add3A_261 = vector.broadcast %add3A_260 : f32 to vector<2000x64xf32>
    %add3A_262 = arith.addf %add3A_261, %mul3A_259 : vector<2000x64xf32>
    %mul3A_263 = arith.mulf %div3A_255, %add3A_262 : vector<2000x64xf32>
    %mul3A_264 = arith.mulf %mul3A_263, %dot_general3A_245 : vector<2000x64xf32>
    %get3A_265 = arith.constant 0 : index
    %get3A_266 = arith.constant 0 : index
    %get3A_267 = vector.load %arg8[%get3A_265, %get3A_266] : memref<64x64xf32, #tpu.memory_space<vmem>>, vector<64x64xf32>
    %dot_general3A_268 = arith.constant dense<0.000000e+00> : vector<2000x64xf32>
    %dot_general3A_269 = tpu.matmul %mul3A_264, %get3A_267, %dot_general3A_268 {dimension_numbers = #tpu.dot_dimension_numbers<[1], [0], [0], [1], [0, 0, 1, 1], [], []>, transpose_lhs_hint = false} : vector<2000x64xf32>, vector<64x64xf32>, vector<2000x64xf32> -> vector<2000x64xf32>
    %get3A_270 = arith.constant 0 : index
    %get3A_271 = arith.constant 0 : index
    %get3A_272 = vector.load %arg3[%get3A_270, %get3A_271] : memref<2000x128xf32, #tpu.memory_space<vmem>>, vector<2000x128xf32>
    %slice3A_273 = vector.extract_strided_slice %get3A_272 {offsets = [0, 0], sizes = [2000, 64], strides = [1, 1]} : vector<2000x128xf32> to vector<2000x64xf32>
    %get3A_274 = arith.constant 0 : index
    %get3A_275 = arith.constant 0 : index
    %get3A_276 = vector.load %arg2[%get3A_274, %get3A_275] : memref<2000x128xf32, #tpu.memory_space<vmem>>, vector<2000x128xf32>
    %slice3A_277 = vector.extract_strided_slice %get3A_276 {offsets = [0, 0], sizes = [2000, 64], strides = [1, 1]} : vector<2000x128xf32> to vector<2000x64xf32>
    %mul3A_278 = arith.mulf %slice3A_277, %slice3A_273 : vector<2000x64xf32>
    %mul3A_279 = arith.mulf %mul3A_278, %dot_general3A_269 : vector<2000x64xf32>
    %reduce_sum3A = arith.constant dense<0.000000e+00> : vector<2000xf32>
    %reduce_sum3A_280 = vector.multi_reduction <add>, %mul3A_279, %reduce_sum3A [1] : vector<2000x64xf32> to vector<2000xf32>
    %broadcast_in_dim3A_281 = vector.shape_cast %reduce_sum3A_280 : vector<2000xf32> to vector<2000x1xf32>
    %mul3A_282 = arith.constant 6.250000e-02 : f32
    %mul3A_283 = vector.broadcast %mul3A_282 : f32 to vector<2000x1xf32>
    %mul3A_284 = arith.mulf %broadcast_in_dim3A_281, %mul3A_283 : vector<2000x1xf32>
    %get3A_285 = arith.constant 0 : index
    %get3A_286 = arith.constant 0 : index
    %get3A_287 = vector.load %arg4[%get3A_285, %get3A_286] : memref<2000x128xf32, #tpu.memory_space<vmem>>, vector<2000x128xf32>
    %slice3A_288 = vector.extract_strided_slice %get3A_287 {offsets = [0, 64], sizes = [2000, 1], strides = [1, 1]} : vector<2000x128xf32> to vector<2000x1xf32>
    %add3A_289 = arith.addf %mul3A_284, %slice3A_288 : vector<2000x1xf32>
    %slice3A_290 = vector.extract_strided_slice %get3A_1 {offsets = [0, 1], sizes = [2000, 3], strides = [1, 1]} : vector<2000x16xf32> to vector<2000x3xf32>
    %mul3A_291 = vector.broadcast %add3A_289 : vector<2000x1xf32> to vector<2000x3xf32>
    %mul3A_292 = arith.mulf %mul3A_291, %slice3A_290 : vector<2000x3xf32>
    %broadcast_in_dim3A_293 = arith.constant 0.000000e+00 : f32
    %broadcast_in_dim3A_294 = vector.broadcast %broadcast_in_dim3A_293 : f32 to vector<2000x1xf32>
    %broadcast_in_dim3A_295 = arith.constant 0.000000e+00 : f32
    %broadcast_in_dim3A_296 = vector.broadcast %broadcast_in_dim3A_295 : f32 to vector<1x125xf32>
    %mul3A_297 = vector.broadcast %broadcast_in_dim3A_294 : vector<2000x1xf32> to vector<2000x125xf32>
    %mul3A_298 = vector.broadcast %broadcast_in_dim3A_296 : vector<1x125xf32> to vector<2000x125xf32>
    %mul3A_299 = arith.mulf %mul3A_297, %mul3A_298 : vector<2000x125xf32>
    %concatenate3A = tpu.concatenate %mul3A_292, %mul3A_299 in 1 : vector<2000x3xf32>, vector<2000x125xf32> -> vector<2000x128xf32>
    %swap3A = arith.constant 0 : index
    %swap3A_300 = arith.constant 0 : index
    %swap3A_301 = vector.load %arg9[%swap3A, %swap3A_300] : memref<2000x128xf32, #tpu.memory_space<vmem>>, vector<2000x128xf32>
    tpu.vector_store %arg9[%swap3A, %swap3A_300], %concatenate3A {strides = array<i32>} : memref<2000x128xf32, #tpu.memory_space<vmem>>, vector<2000x128xf32>,
    return
  }
  func.func @transform_0(%arg0: i32) -> (i32, i32) {
    %c0_i32 = arith.constant 0 : i32
    %c0_i32_0 = arith.constant 0 : i32
    return %arg0, %c0_i32 : i32, i32
  }
  func.func @transform_1(%arg0: i32) -> (i32, i32) {
    %c0_i32 = arith.constant 0 : i32
    %c0_i32_0 = arith.constant 0 : i32
    return %arg0, %c0_i32 : i32, i32
  }
  func.func @transform_2(%arg0: i32) -> (i32, i32) {
    %c0_i32 = arith.constant 0 : i32
    %c0_i32_0 = arith.constant 0 : i32
    return %arg0, %c0_i32 : i32, i32
  }
  func.func @transform_3(%arg0: i32) -> (i32, i32) {
    %c0_i32 = arith.constant 0 : i32
    %c0_i32_0 = arith.constant 0 : i32
    return %arg0, %c0_i32 : i32, i32
  }
  func.func @transform_4(%arg0: i32) -> (i32, i32) {
    %c0_i32 = arith.constant 0 : i32
    %c0_i32_0 = arith.constant 0 : i32
    %c0_i32_1 = arith.constant 0 : i32
    return %c0_i32, %c0_i32_0 : i32, i32
  }
  func.func @transform_5(%arg0: i32) -> (i32, i32) {
    %c0_i32 = arith.constant 0 : i32
    %c0_i32_0 = arith.constant 0 : i32
    %c0_i32_1 = arith.constant 0 : i32
    return %c0_i32, %c0_i32_0 : i32, i32
  }
  func.func @transform_6(%arg0: i32) -> (i32, i32) {
    %c0_i32 = arith.constant 0 : i32
    %c0_i32_0 = arith.constant 0 : i32
    %c0_i32_1 = arith.constant 0 : i32
    return %c0_i32, %c0_i32_0 : i32, i32
  }
  func.func @transform_7(%arg0: i32) -> (i32, i32) {
    %c0_i32 = arith.constant 0 : i32
    %c0_i32_0 = arith.constant 0 : i32
    %c0_i32_1 = arith.constant 0 : i32
    return %c0_i32, %c0_i32_0 : i32, i32
  }
  func.func @transform_8(%arg0: i32) -> (i32, i32) {
    %c0_i32 = arith.constant 0 : i32
    %c0_i32_0 = arith.constant 0 : i32
    return %arg0, %c0_i32 : i32, i32
  }
}

module attributes {stable_mosaic.version = 14 : i64} {
  func.func @_tc_final(%arg0: i32, %arg1: memref<10240x1xf32, #tpu.memory_space<vmem>>, %arg2: memref<10240x1xf32, #tpu.memory_space<vmem>>, %arg3: memref<10240x1xf32, #tpu.memory_space<vmem>>, %arg4: memref<10240x8xf32, #tpu.memory_space<vmem>>, %arg5: memref<10240x16xf32, #tpu.memory_space<vmem>>, %arg6: memref<1x8xf32, #tpu.memory_space<vmem>>) attributes {dimension_semantics = [#tpu.dimension_semantics<arbitrary>], iteration_bounds = array<i64: 1>, scalar_prefetch = 0 : i64, scratch_operands = 0 : i64, tpu.core_type = #tpu.core_type<tc>, window_params = [{pipeline_mode = #tpu.pipeline_mode<synchronous>, transform_indices = @transform_0, window_bounds = array<i64: 10240, 1>}, {pipeline_mode = #tpu.pipeline_mode<synchronous>, transform_indices = @transform_1, window_bounds = array<i64: 10240, 1>}, {pipeline_mode = #tpu.pipeline_mode<synchronous>, transform_indices = @transform_2, window_bounds = array<i64: 10240, 1>}, {pipeline_mode = #tpu.pipeline_mode<synchronous>, transform_indices = @transform_3, window_bounds = array<i64: 10240, 8>}, {pipeline_mode = #tpu.pipeline_mode<synchronous>, transform_indices = @transform_4, window_bounds = array<i64: 10240, 16>}, {pipeline_mode = #tpu.pipeline_mode<synchronous>, transform_indices = @transform_5, window_bounds = array<i64: 1, 8>}]} {
    %get3A = arith.constant 0 : index
    %get3A_0 = arith.constant 0 : index
    %get3A_1 = vector.load %arg1[%get3A, %get3A_0] : memref<10240x1xf32, #tpu.memory_space<vmem>>, vector<10240x1xf32>
    %reduce_sum3A = vector.shape_cast %get3A_1 : vector<10240x1xf32> to vector<1x10240x1xf32>
    %reduce_sum3A_2 = arith.constant dense<0.000000e+00> : vector<1xf32>
    %reduce_sum3A_3 = vector.multi_reduction <add>, %reduce_sum3A, %reduce_sum3A_2 [1, 2] : vector<1x10240x1xf32> to vector<1xf32>
    %reduce_sum3A_4 = vector.shape_cast %reduce_sum3A_3 : vector<1xf32> to vector<1x1x1xf32>
    %reduce_sum3A_5 = vector.extract %reduce_sum3A_4[0, 0, 0] : f32 from vector<1x1x1xf32>
    %get3A_6 = arith.constant 0 : index
    %get3A_7 = arith.constant 0 : index
    %get3A_8 = vector.load %arg2[%get3A_6, %get3A_7] : memref<10240x1xf32, #tpu.memory_space<vmem>>, vector<10240x1xf32>
    %reduce_sum3A_9 = vector.shape_cast %get3A_8 : vector<10240x1xf32> to vector<1x10240x1xf32>
    %reduce_sum3A_10 = arith.constant dense<0.000000e+00> : vector<1xf32>
    %reduce_sum3A_11 = vector.multi_reduction <add>, %reduce_sum3A_9, %reduce_sum3A_10 [1, 2] : vector<1x10240x1xf32> to vector<1xf32>
    %reduce_sum3A_12 = vector.shape_cast %reduce_sum3A_11 : vector<1xf32> to vector<1x1x1xf32>
    %reduce_sum3A_13 = vector.extract %reduce_sum3A_12[0, 0, 0] : f32 from vector<1x1x1xf32>
    %get3A_14 = arith.constant 0 : index
    %get3A_15 = arith.constant 0 : index
    %get3A_16 = vector.load %arg3[%get3A_14, %get3A_15] : memref<10240x1xf32, #tpu.memory_space<vmem>>, vector<10240x1xf32>
    %reduce_sum3A_17 = vector.shape_cast %get3A_16 : vector<10240x1xf32> to vector<1x10240x1xf32>
    %reduce_sum3A_18 = arith.constant dense<0.000000e+00> : vector<1xf32>
    %reduce_sum3A_19 = vector.multi_reduction <add>, %reduce_sum3A_17, %reduce_sum3A_18 [1, 2] : vector<1x10240x1xf32> to vector<1xf32>
    %reduce_sum3A_20 = vector.shape_cast %reduce_sum3A_19 : vector<1xf32> to vector<1x1x1xf32>
    %reduce_sum3A_21 = vector.extract %reduce_sum3A_20[0, 0, 0] : f32 from vector<1x1x1xf32>
    %get3A_22 = arith.constant 0 : index
    %get3A_23 = arith.constant 0 : index
    %get3A_24 = vector.load %arg4[%get3A_22, %get3A_23] : memref<10240x8xf32, #tpu.memory_space<vmem>>, vector<10240x8xf32>
    %get3A_25 = arith.constant 0 : index
    %get3A_26 = arith.constant 0 : index
    %get3A_27 = vector.load %arg5[%get3A_25, %get3A_26] : memref<10240x16xf32, #tpu.memory_space<vmem>>, vector<10240x16xf32>
    %slice3A = vector.extract_strided_slice %get3A_24 {offsets = [0, 0], sizes = [10240, 3], strides = [1, 1]} : vector<10240x8xf32> to vector<10240x3xf32>
    %slice3A_28 = vector.extract_strided_slice %get3A_27 {offsets = [0, 0], sizes = [10240, 3], strides = [1, 1]} : vector<10240x16xf32> to vector<10240x3xf32>
    %add3A = arith.addf %slice3A, %slice3A_28 : vector<10240x3xf32>
    %reduce_sum3A_29 = arith.constant dense<0.000000e+00> : vector<3xf32>
    %reduce_sum3A_30 = vector.multi_reduction <add>, %add3A, %reduce_sum3A_29 [0] : vector<10240x3xf32> to vector<3xf32>
    %add3A_31 = arith.addf %reduce_sum3A_5, %reduce_sum3A_13 : f32
    %add3A_32 = arith.addf %add3A_31, %reduce_sum3A_21 : f32
    %stack3A = vector.broadcast %reduce_sum3A_5 : f32 to vector<1xf32>
    %stack3A_33 = vector.broadcast %reduce_sum3A_13 : f32 to vector<1xf32>
    %stack3A_34 = vector.broadcast %reduce_sum3A_21 : f32 to vector<1xf32>
    %stack3A_35 = vector.broadcast %add3A_32 : f32 to vector<1xf32>
    %stack3A_36 = tpu.concatenate %stack3A, %stack3A_33, %stack3A_34, %stack3A_35 in 0 : vector<1xf32>, vector<1xf32>, vector<1xf32>, vector<1xf32> -> vector<4xf32>
    %broadcast_in_dim3A = arith.constant 0.000000e+00 : f32
    %broadcast_in_dim3A_37 = vector.broadcast %broadcast_in_dim3A : f32 to vector<1xf32>
    %concatenate3A = tpu.concatenate %stack3A_36, %reduce_sum3A_30, %broadcast_in_dim3A_37 in 0 : vector<4xf32>, vector<3xf32>, vector<1xf32> -> vector<8xf32>
    %broadcast_in_dim3A_38 = vector.shape_cast %concatenate3A : vector<8xf32> to vector<1x8xf32>
    %swap3A = arith.constant 0 : index
    %swap3A_39 = arith.constant 0 : index
    %swap3A_40 = vector.load %arg6[%swap3A, %swap3A_39] : memref<1x8xf32, #tpu.memory_space<vmem>>, vector<1x8xf32>
    tpu.vector_store %arg6[%swap3A, %swap3A_39], %broadcast_in_dim3A_38 {strides = array<i32>} : memref<1x8xf32, #tpu.memory_space<vmem>>, vector<1x8xf32>,
    return
  }
  func.func @transform_0(%arg0: i32) -> (i32, i32) {
    %c0_i32 = arith.constant 0 : i32
    %c0_i32_0 = arith.constant 0 : i32
    %c0_i32_1 = arith.constant 0 : i32
    return %c0_i32, %c0_i32_0 : i32, i32
  }
  func.func @transform_1(%arg0: i32) -> (i32, i32) {
    %c0_i32 = arith.constant 0 : i32
    %c0_i32_0 = arith.constant 0 : i32
    %c0_i32_1 = arith.constant 0 : i32
    return %c0_i32, %c0_i32_0 : i32, i32
  }
  func.func @transform_2(%arg0: i32) -> (i32, i32) {
    %c0_i32 = arith.constant 0 : i32
    %c0_i32_0 = arith.constant 0 : i32
    %c0_i32_1 = arith.constant 0 : i32
    return %c0_i32, %c0_i32_0 : i32, i32
  }
  func.func @transform_3(%arg0: i32) -> (i32, i32) {
    %c0_i32 = arith.constant 0 : i32
    %c0_i32_0 = arith.constant 0 : i32
    %c0_i32_1 = arith.constant 0 : i32
    return %c0_i32, %c0_i32_0 : i32, i32
  }
  func.func @transform_4(%arg0: i32) -> (i32, i32) {
    %c0_i32 = arith.constant 0 : i32
    %c0_i32_0 = arith.constant 0 : i32
    %c0_i32_1 = arith.constant 0 : i32
    return %c0_i32, %c0_i32_0 : i32, i32
  }
  func.func @transform_5(%arg0: i32) -> (i32, i32) {
    %c0_i32 = arith.constant 0 : i32
    %c0_i32_0 = arith.constant 0 : i32
    %c0_i32_1 = arith.constant 0 : i32
    return %c0_i32, %c0_i32_0 : i32, i32
  }
}

module attributes {stable_mosaic.version = 14 : i64} {
  func.func @_tc_forces(%arg0: i32, %arg1: memref<2048x128xf32, #tpu.memory_space<vmem>>, %arg2: memref<2048x128xf32, #tpu.memory_space<vmem>>, %arg3: memref<2048x8xf32, #tpu.memory_space<vmem>>) attributes {dimension_semantics = [#tpu.dimension_semantics<arbitrary>], iteration_bounds = array<i64: 5>, scalar_prefetch = 0 : i64, scratch_operands = 0 : i64, tpu.core_type = #tpu.core_type<tc>, window_params = [{transform_indices = @transform_0, window_bounds = array<i64: 2048, 128>}, {transform_indices = @transform_1, window_bounds = array<i64: 2048, 128>}, {transform_indices = @transform_2, window_bounds = array<i64: 2048, 8>}]} {
    %get3A = arith.constant 0 : index
    %get3A_0 = arith.constant 0 : index
    %get3A_1 = vector.load %arg1[%get3A, %get3A_0] : memref<2048x128xf32, #tpu.memory_space<vmem>>, vector<2048x128xf32>
    %slice3A = vector.extract_strided_slice %get3A_1 {offsets = [0, 0], sizes = [2048, 8], strides = [1, 1]} : vector<2048x128xf32> to vector<2048x8xf32>
    %get3A_2 = arith.constant 0 : index
    %get3A_3 = arith.constant 0 : index
    %get3A_4 = vector.load %arg2[%get3A_2, %get3A_3] : memref<2048x128xf32, #tpu.memory_space<vmem>>, vector<2048x128xf32>
    %slice3A_5 = vector.extract_strided_slice %get3A_4 {offsets = [0, 0], sizes = [2048, 8], strides = [1, 1]} : vector<2048x128xf32> to vector<2048x8xf32>
    %sub3A = arith.subf %slice3A, %slice3A_5 : vector<2048x8xf32>
    %swap3A = arith.constant 0 : index
    %swap3A_6 = arith.constant 0 : index
    %swap3A_7 = vector.load %arg3[%swap3A, %swap3A_6] : memref<2048x8xf32, #tpu.memory_space<vmem>>, vector<2048x8xf32>
    tpu.vector_store %arg3[%swap3A, %swap3A_6], %sub3A {strides = array<i32>} : memref<2048x8xf32, #tpu.memory_space<vmem>>, vector<2048x8xf32>,
    return
  }
  func.func @transform_0(%arg0: i32) -> (i32, i32) {
    %c0_i32 = arith.constant 0 : i32
    %c0_i32_0 = arith.constant 0 : i32
    return %arg0, %c0_i32 : i32, i32
  }
  func.func @transform_1(%arg0: i32) -> (i32, i32) {
    %c0_i32 = arith.constant 0 : i32
    %c0_i32_0 = arith.constant 0 : i32
    return %arg0, %c0_i32 : i32, i32
  }
  func.func @transform_2(%arg0: i32) -> (i32, i32) {
    %c0_i32 = arith.constant 0 : i32
    %c0_i32_0 = arith.constant 0 : i32
    return %arg0, %c0_i32 : i32, i32
  }
}

</mosaic_0001>

<sc_bundles>
// kernel: kernel.20.cloned.1.call-start
scs
__scs_entry_jumppad:
0x0: {  	(pc) =	sbr.rel $0x88, $3  }
0x1: {  	(tag) =	ssettag $0x0;
	lr =	simm.s32 $0x1  }
0x2: {  	[smem:$0x3F86] =	sst lr;
	_ =	strace $0xD0000000  }
0x3: {  	_ = 	snop  }
0x4: {  	_ = 	snop  }
0x5: {  	_ = 	snop  }
0x6: {  	_ = 	snop  }
0x7: {  	_ = 	snop  }
__scs_overlays_trampoline_lowered:
0x8: {  	[smem:$0x3F95] =	sst s0  }
0x9: {  	[smem:$0x3F96] =	sst s1  }
0xa: {  	[smem:$0x3F97] =	sst s2  }
0xb: {  	[smem:$0x3F98] =	sst s3  }
0xc: {  	[smem:$0x3F99] =	sst s4  }
0xd: {  	[smem:$0x3F9A] =	sst s5  }
0xe: {  	[smem:$0x3F9B] =	sst s6  }
0xf: {  	[smem:$0x3F9C] =	sst s7  }
0x10: {  	[smem:$0x3F9D] =	sst s8  }
0x11: {  	[smem:$0x3F9E] =	sst s9;
	s0 =	simm.s32 @!p0 $0x0  }
0x12: {  	s1 =	sld [smem:$0x3F84];
	s0 =	simm.s32 @p0 $0x1  }
0x13: {  	[smem:$0x3F9F] =	sst s0;
	s0 =	simm.s32 @!p1 $0x0  }
0x14: {  	s2 =	sld [smem:$0x3F83];
	s0 =	simm.s32 @p1 $0x1  }
0x15: {  	[smem:$0x3FA0] =	sst s0;
	s0 =	simm.s32 @!p2 $0x0  }
0x16: {  	s3 =	sld [smem:$0x3FDB];
	s0 =	simm.s32 @p2 $0x1  }
0x17: {  	s4 =	simm.s32 $0x1BF5;
	[smem:$0x3FA2] =	sst s0  }
0x18: {  	s0 =	sld [smem:$0x3F85];
	_ =	swait.ge [sflag:s4], $0x0  }
0x19: {  	s7 =	sld [smem:$0x3F86]  }
0x1a: {  	s8 =	sadd.s32 $0xFFFFE003, lr  }
0x1b: {  	s9 =	sadd.s32 $0xFFFFFEF7, lr;
	s5 =	simm.s32 $0xFFFFFFFF;
	p2 =	slt.u32 s8, $0xFFFFF086  }
0x1c: {  	p1 =	slt.u32 s9, $0xF7A;
	s5 =	simm.s32 @!p2 $0x0  }
0x1d: {  	s5 =	simm.s32 @p1 $0x1;
	p0 =	seq.s32 s7, s2  }
0x1e: {  	s7 =	smul.u32 @!p0 $0xF7A, s2;
	p2 =	seq.s32 @!p0 s5, $0x0  }
0x1f: {  	s9 =	smul.u32 $0xF7A, s1;
	s8 =	simm.s32 @!p0 $0x1BF5;
	p2 =	por !p2, p0  }
0x20: {  	[sflag:s8] =	ssyncset.s32 @!p0 $0xFFFFF086;
	s6 =	sadd.s32 @!p0 s3, s7;
	s7 =	simm.s32 @!p0 $0x108  }
0x21: {  	s3 =	sadd.s32 s3, s9;
	s6 =	sadd.s32 @!p0 $0x88, s6;
	s7 =	simm.s32 @p2 $0x1082  }
0x22: {  	[simem:s7], [sflag:s8] =	dma.local @!p0 [hbm:s6], $0xF7A  }
0x23: {  	s9 =	sor.u32 $0xD0000000, s2;
	s6 =	simm.s32 $0x108;
	_ =	swait.ge @!p0 [sflag:s8], $0x0  }
0x24: {  	s3 =	sadd.s32 $0x88, s3;
	s6 =	simm.s32 @!p1 $0x1082;
	[sflag:s4] =	ssyncset.s32 $0xFFFFF086  }
0x25: {  	[simem:s6], [sflag:s4] =	dma.local [hbm:s3], $0xF7A  }
0x26: {  	[smem:$0x3F86] =	sst s1;
	(tag) =	ssettag s2;
	_ =	strace s9  }
0x27: {  	s1 =	sld [smem:$0x3F96]  }
0x28: {  	s2 =	sld [smem:$0x3F97]  }
0x29: {  	s4 =	sld [smem:$0x3F99]  }
0x2a: {  	p0 =	seq.s32 s5, $0x0;
	s5 =	sld [smem:$0x3F9A]  }
0x2b: {  	s6 =	sld [smem:$0x3F9B]  }
0x2c: {  	s7 =	sld [smem:$0x3F9C]  }
0x2d: {  	s3 =	simm.s32 $0x108;
	s8 =	sld [smem:$0x3F9D]  }
0x2e: {  	s3 =	simm.s32 @!p0 $0x1082;
	s9 =	sld [smem:$0x3F9E]  }
0x2f: {  	lr =	sadd.s32 s0, s3;
	s0 =	sld [smem:$0x3F95]  }
0x30: {  	s3 =	sld [smem:$0x3F98]  }
0x31: {  	[smem:$0x3FA1] =	sst s10  }
0x32: {  	s10 =	sld [smem:$0x3F9F];
	_ =	sdelay $0x3  }
0x33: {  	p0 =	seq.s32 s10, $0x1;
	s10 =	sld [smem:$0x3FA1];
	_ =	sdelay $0x3  }
0x34: {  	[smem:$0x3FA1] =	sst s10  }
0x35: {  	s10 =	sld [smem:$0x3FA0];
	_ =	sdelay $0x3  }
0x36: {  	p1 =	seq.s32 s10, $0x1;
	s10 =	sld [smem:$0x3FA1];
	_ =	sdelay $0x3  }
0x37: {  	[smem:$0x3FA1] =	sst s10  }
0x38: {  	s10 =	sld [smem:$0x3FA2]  }
0x39: {  	_ = 	snop;
	(pc) =	sbr.ind lr, $3  }
0x3a: {  	_ = 	snop  }
0x3b: {  	_ = 	snop  }
0x3c: {  	p2 =	seq.s32 s10, $0x1;
	s10 =	sld [smem:$0x3FA1]  }
0x3d: {  	_ =	shalt  }
0x3e: {  	_ =	shalt  }
0x3f: {  	_ =	shalt  }
0x40: {  	_ =	shalt  }
0x41: {  	_ =	shalt  }
0x42: {  	_ =	shalt  }
0x43: {  	_ =	shalt  }
0x44: {  	_ =	shalt  }
0x45: {  	_ =	shalt  }
0x46: {  	_ =	shalt  }
0x47: {  	_ =	shalt  }
0x48: {  	_ =	shalt  }
0x49: {  	_ =	shalt  }
0x4a: {  	_ =	shalt  }
0x4b: {  	_ =	shalt  }
0x4c: {  	_ =	shalt  }
0x4d: {  	_ =	shalt  }
0x4e: {  	_ =	shalt  }
0x4f: {  	_ =	shalt  }
0x50: {  	_ =	shalt  }
0x51: {  	_ =	shalt  }
0x52: {  	_ =	shalt  }
0x53: {  	_ =	shalt  }
0x54: {  	_ =	shalt  }
0x55: {  	_ =	shalt  }
0x56: {  	_ =	shalt  }
0x57: {  	_ =	shalt  }
0x58: {  	_ =	shalt  }
0x59: {  	_ =	shalt  }
0x5a: {  	_ =	shalt  }
0x5b: {  	_ =	shalt  }
0x5c: {  	_ =	shalt  }
0x5d: {  	_ =	shalt  }
0x5e: {  	_ =	shalt  }
0x5f: {  	_ =	shalt  }
0x60: {  	_ =	shalt  }
0x61: {  	_ =	shalt  }
0x62: {  	_ =	shalt  }
0x63: {  	_ =	shalt  }
0x64: {  	_ =	shalt  }
0x65: {  	_ =	shalt  }
0x66: {  	_ =	shalt  }
0x67: {  	_ =	shalt  }
0x68: {  	_ =	shalt  }
0x69: {  	_ =	shalt  }
0x6a: {  	_ =	shalt  }
0x6b: {  	_ =	shalt  }
0x6c: {  	_ =	shalt  }
0x6d: {  	_ =	shalt  }
0x6e: {  	_ =	shalt  }
0x6f: {  	_ =	shalt  }
0x70: {  	_ =	shalt  }
0x71: {  	_ =	shalt  }
0x72: {  	_ =	shalt  }
0x73: {  	_ =	shalt  }
0x74: {  	_ =	shalt  }
0x75: {  	_ =	shalt  }
0x76: {  	_ =	shalt  }
0x77: {  	_ =	shalt  }
0x78: {  	_ =	shalt  }
0x79: {  	_ =	shalt  }
0x7a: {  	_ =	shalt  }
0x7b: {  	_ =	shalt  }
0x7c: {  	_ =	shalt  }
0x7d: {  	_ =	shalt  }
0x7e: {  	_ =	shalt  }
0x7f: {  	_ =	shalt  }
0x80: {  	_ =	shalt  }
0x81: {  	_ =	shalt  }
0x82: {  	_ =	shalt  }
0x83: {  	_ =	shalt  }
0x84: {  	_ =	shalt  }
0x85: {  	_ =	shalt  }
0x86: {  	_ =	shalt  }
0x87: {  	_ =	shalt  }
.Lfunc_end0:
.L_simem_size_0:
called_computation_lowered:
.L_overlay_start_0:
0x88: {  	s2 =	sld [smem:$0x3FD9]  }
0x89: {  	s3 =	sld [smem:$0x3FFE];
	_ =	sdelay $0x1  }
0x8a: {  	s1 =	srdreg.scid  }
0x8b: {  	s0 =	sand.u32 $0x1, s1  }
0x8c: {  	s16 =	sshll.u32 s0, $0xA;
	s2 =	sadd.s32 s3, s2  }
0x8d: {  	s2 =	sadd.s32 s2, s16  }
0x8e: {  	[smem:$0x3FAD] =	sst s2  }
0x8f: {  	_ = 	snop  }
0x90: {  	(tm) =	ssettm $0x1  }
0x91: {  	s17 =	sld [smem:$0x3FFB];
	_ =	sdelay $0x3  }
0x92: {  	_ =	strace s17  }
0x93: {  	s2 =	sld [smem:$0x3FFC];
	_ =	sdelay $0x3  }
0x94: {  	_ =	strace s2  }
0x95: {  	s2 =	sld [smem:$0x3FFD];
	_ =	sdelay $0x3  }
0x96: {  	_ =	strace s2  }
0x97: {  	_ =	strace $0x8FFFFFFF  }
0x98: {  	s18 =	sld [smem:$0x3FDB];
	_ =	sdelay $0x1  }
0x99: {  	s19 =	simm.s32 $_scs_section_size  }
0x9a: {  	s4 =	simm.s32 $_size__tile_overlayer_lowered;
	s5 =	simm.s32 $_tile_overlayer_lowered  }
0x9b: {  	s22 =	simm.s32 $0x1BFF;
	s21 =	sshll.u32 s5, $0x1;
	s2 =	sadd.s32 s19, s18  }
0x9c: {  	s6 =	simm.s32 $0x0;
	s20 =	sshll.u32 s4, $0x1;
	s4 =	sadd.s32 s21, s2  }
0x9d: {  	[timem:s6], [sflag:s22] =	dma.local [hbm:s4], s20  }
0x9e: {  	_ =	swait.ge [sflag:s22], s20  }
0x9f: {  	s3 =	ssub.s32 $0x0, s20;
	[sflag:s22] =	ssyncset.done $0x0  }
0xa0: {  	[sflag:s22] =	ssyncadd.s32 s3;
	_ =	sdelay $0x1  }
0xa1: {  	s23 =	simm.s32 $0x1B8B  }
0xa2: {  	_ =	swait.ge [sflag:s23], $0x1  }
0xa3: {  	[sflag:s23] =	ssyncset.done $0x0  }
0xa4: {  	s25 =	simm.s32 $0x1B8E;
	s24 =	sld [smem:$0x3FFE];
	[sflag:s23] =	ssyncadd.s32 $0xFFFFFFFF  }
0xa5: {  	s26 =	simm.s32 $execute0_lowered;
	[smem:$0x3FD2] =	sst s25  }
0xa6: {  	s4 =	sshll.u32 s26, $0x1;
	_ =	strace $0x80000046;
	[dreg:$0x1] =	wrdreg $0xFFFFFFFF  }
0xa7: {  	s28 =	simm.s32 $_size_execute0_lowered;
	s2 =	sadd.s32 s2, s4;
	[dreg:$0x0] =	wrdreg $0x0  }
0xa8: {  	s4 =	sshll.u32 s28, $0x1;
	[dreg:$0x2] =	wrdreg s2  }
0xa9: {  	[dreg:$0x3] =	wrdreg s4  }
0xaa: {  	[dreg:$0x4] =	wrdreg $0xC0  }
0xab: {  	_ =	task [dreg:s6], $0x5FFFF  }
0xac: {  	[dreg:$0x1] =	wrdreg $0xFFFFFFFF  }
0xad: {  	[dreg:$0x0] =	wrdreg $0x60  }
0xae: {  	[dreg:$0x2] =	wrdreg s24  }
0xaf: {  	[dreg:$0x3] =	wrdreg $0x9  }
0xb0: {  	_ =	task.clear_ibuf [dreg:s6], $0x4FFFF;
	_ =	strace $0x90000046  }
0xb1: {  	s29 =	simm.s32 $0x9;
	_ =	strace $0x80000048  }
0xb2: {  	_ =	swait.ge [sflag:s29], $0x1  }
0xb3: {  	[sflag:s29] =	ssyncadd.s32 $0xFFFFFFFF  }
0xb4: {  	_ =	strace $0x90000048  }
0xb5: {  	_ =	sfence  }
0xb6: {  	s30 =	sld [smem:$0x0];
	_ =	sdelay $0x2  }
0xb7: {  	s31 =	sshll.u32 s1, $0xD;
	s1 =	sshrl.u32 s1, $0x2  }
0xb8: {  	s3 =	sand.u32 $0x4000, s31;
	s1 =	sadd.s32 s1, s30  }
0xb9: {  	s0 =	sor.u32 s3, s0;
	s1 =	sshll.u32 s1, $0x11  }
0xba: {  	s0 =	sor.u32 s1, s0  }
0xbb: {  	s0 =	sadd.s32 $0x8F2B, s0  }
0xbc: {  	[sflag:s0] =	ssyncadd.remote.s32 $0x1  }
0xbd: {  	_ =	sfence.sel $0xFFFF  }
0xbe: {  	[dreg:$0x0] =	wrdreg $0xFFFFFFFF;
	(pc) =	sbr.abs _section_cstart, $3  }
0xbf: {  	[dreg:$0x1] =	wrdreg $0xFFFFFFFF  }
0xc0: {  	_ =	task.clear_ibuf [dreg:s6], $0x2FFFF;
	_ =	strace $0x9FFFFFFF  }
0xc1: {  	(tm) =	ssettm $0x7FFFFFFF  }
tec
execute0_lowered:
.L_overlay_start_1:
0x0: {  	(tag) =	ssettag $0x1  }
0x1: {  	s4 =	rddreg [dreg:$0x0]  }
0x2: {  	s0 =	rddreg [dreg:$0x1];
	s1 =	simm.s32 $0x0;
	s5 =	srdreg.scid  }
0x3: {  	s2 =	stileid.u32;
	[smem:$0x7FF] =	sst s1  }
0x4: {  	s3 =	sadd.s32 $0x3DE00, s4;
	s5 =	sand.u32 $0x1, s5;
	s6 =	sshll.u32 s2, $0x5  }
0x5: {  	s7 =	sshll.u32 s2, $0xC;
	_ =	strace $0x80000047;
	s8 =	ssub.s32 $0x2, s5  }
0x6: {  	s6 =	sadd.s32 s6, s4;
	s7 =	sadd.s32 s7, s4;
	s9 =	sshll.u32 s5, $0xB  }
0x7: {  	s5 =	sshll.u32 s5, $0x4;
	s4 =	sshll.u32 s2, $0x1;
	s30 =	sshrl.u32 s8, $0x1  }
0x8: {  	s7 =	sadd.s32 s9, s7;
	s31 =	sadd.s32 s5, s6;
	s8 =	ssub.s32 s8, s30  }
0x9: {  	s6 =	sadd.s32 $0x10FC00, s7;
	s7 =	sadd.s32 $0x8DE00, s31;
	s5 =	smax.u32 s8, $0x1  }
.LBB2_1:
0xa: {  	s8 =	sadd.s32 $0x0, s4  }
0xb: {  	p0 =	sgt.u32 s8, $0x9C3  }
0xc: {  	s8 =	simm.s32 @!p0 $0x0;
	s9 =	simm.s32 @!p0 $0x3  }
0xd: {  	[tilespmem:s8], [sflag:$0x3] =	stream.linear.gather @!p0 [hbm4b:s7+s8], $0x80, $0x38;
	[tilespmem:$0x4080] =	vst v63  }
0xe: {  	_ =	swait.ge @!p0 [sflag:s9], $0x80  }
0xf: {  	[sflag:s9] =	ssyncset.done @!p0 $0x0;
	p0 =	por p0, p0  }
0x10: {  	[sflag:s9] =	ssyncadd.s32 @!p0 $0xFFFFFF80;
	s10 =	simm.s32 @!p0 $0x80;
	s11 =	simm.s32 @!p0 $0x1  }
0x11: {  	[tilespmem:s10], [sflag:$0x1] =	stream.indirect.gather @!p0 [hbm4b:s3+s10], $0x80, s8, s10, $0xb8;
	[tilespmem:$0x4080] =	vst v63  }
0x12: {  	_ =	swait.ge @!p0 [sflag:s11], $0x4000  }
0x13: {  	[sflag:s11] =	ssyncset.done @!p0 $0x0  }
0x14: {  	s31 =	sadd.s32 $0x20, s4;
	[sflag:s11] =	ssyncadd.s32 @!p0 $0xFFFFC000;
	s11 =	simm.s32 @!p0 $0x2  }
0x15: {  	[hbm4b:s6+s8] =	stream.linear.scatter @!p0 [tilespmem:s10], [sflag:$0x2], $0x4000, $0x38;
	[tilespmem:$0x4080] =	vst v63  }
0x16: {  	p1 =	sgt.u32 s31, $0x9C3;
	s9 =	simm.s32 $0x40;
	_ =	swait.ge @!p0 [sflag:s11], $0x4000  }
0x17: {  	s10 =	sadd.s32 $0x200, s7;
	s8 =	sadd.s32 $0x10000, s6;
	[sflag:s11] =	ssyncset.done @!p0 $0x0  }
.LBB2_2:
0x18: {  	s12 =	simm.s32 @!p1 $0x0;
	s13 =	simm.s32 @!p1 $0x3;
	[sflag:s11] =	ssyncadd.s32 @!p0 $0xFFFFC000  }
0x19: {  	[tilespmem:s12], [sflag:$0x3] =	stream.linear.gather @!p1 [hbm4b:s10+s12], $0x80, $0x38;
	[tilespmem:$0x4080] =	vst v63  }
0x1a: {  	s14 =	smov.u32 s9;
	s9 =	sadd.s32 $0x20, s9;
	_ =	swait.ge @!p1 [sflag:s13], $0x80  }
0x1b: {  	p0 =	por p1, p1;
	p2 =	sne.s32 s9, $0x9E0;
	[sflag:s13] =	ssyncset.done @!p1 $0x0  }
0x1c: {  	s11 =	simm.s32 @!p0 $0x1;
	[sflag:s13] =	ssyncadd.s32 @!p0 $0xFFFFFF80;
	s13 =	simm.s32 @!p0 $0x80  }
0x1d: {  	[tilespmem:s13], [sflag:$0x1] =	stream.indirect.gather @!p0 [hbm4b:s3+s13], $0x80, s12, s13, $0xb8;
	[tilespmem:$0x4080] =	vst v63  }
0x1e: {  	_ =	swait.ge @!p0 [sflag:s11], $0x4000  }
.Ltmp0:
0x1f: {  	[sflag:s11] =	ssyncset.done @!p0 $0x0;
	(pc) =	sbr.rel @p2 .LBB2_2-.Ltmp0, $4  }
0x20: {  	[sflag:s11] =	ssyncadd.s32 @!p0 $0xFFFFC000;
	s11 =	simm.s32 @!p0 $0x2  }
0x21: {  	[hbm4b:s8+s12] =	stream.linear.scatter @!p0 [tilespmem:s13], [sflag:$0x2], $0x4000, $0x38;
	[tilespmem:$0x4080] =	vst v63  }
0x22: {  	s10 =	sadd.s32 $0x200, s10;
	s12 =	sadd.s32 s14, s4;
	_ =	swait.ge @!p0 [sflag:s11], $0x4000  }
0x23: {  	s8 =	sadd.s32 $0x10000, s8;
	p1 =	sgt.u32 s12, $0x9C3;
	[sflag:s11] =	ssyncset.done @!p0 $0x0  }
0x24: {  	s9 =	simm.s32 @!p1 $0x0;
	s12 =	simm.s32 @!p1 $0x3;
	[sflag:s11] =	ssyncadd.s32 @!p0 $0xFFFFC000  }
0x25: {  	[tilespmem:s9], [sflag:$0x3] =	stream.linear.gather @!p1 [hbm4b:s10+s9], $0x80, $0x38;
	[tilespmem:$0x4080] =	vst v63  }
0x26: {  	_ =	swait.ge @!p1 [sflag:s12], $0x80  }
0x27: {  	p0 =	por p1, p1;
	[sflag:s12] =	ssyncset.done @!p1 $0x0  }
0x28: {  	s10 =	simm.s32 @!p0 $0x80;
	s11 =	simm.s32 @!p0 $0x1;
	[sflag:s12] =	ssyncadd.s32 @!p0 $0xFFFFFF80  }
0x29: {  	[tilespmem:s10], [sflag:$0x1] =	stream.indirect.gather @!p0 [hbm4b:s3+s10], $0x80, s9, s10, $0xb8;
	[tilespmem:$0x4080] =	vst v63  }
0x2a: {  	s1 =	sadd.s32 $0x1, s1;
	_ =	swait.ge @!p0 [sflag:s11], $0x4000  }
0x2b: {  	p1 =	sne.s32 s1, s5;
	[sflag:s11] =	ssyncset.done @!p0 $0x0  }
.Ltmp1:
0x2c: {  	[sflag:s11] =	ssyncadd.s32 @!p0 $0xFFFFC000;
	s11 =	simm.s32 @!p0 $0x2;
	(pc) =	sbr.rel @p1 .LBB2_1-.Ltmp1, $4  }
0x2d: {  	[hbm4b:s8+s9] =	stream.linear.scatter @!p0 [tilespmem:s10], [sflag:$0x2], $0x4000, $0x38;
	[tilespmem:$0x4080] =	vst v63  }
0x2e: {  	_ =	swait.ge @!p0 [sflag:s11], $0x4000  }
0x2f: {  	[sflag:s11] =	ssyncset.done @!p0 $0x0  }
0x30: {  	[sflag:s11] =	ssyncadd.s32 @!p0 $0xFFFFC000  }
0x31: {  	_ =	sfence.sel $0x180000  }
0x32: {  	[bflag:$0x0] =	sbarrier.arrive $0xFFFF  }
0x33: {  	p0 =	sne.s32 s2, $0x0;
	_ =	strace $0x90000047  }
0x34: {  	s0 =	sadd.s32 @!p0 $0x100000, s0;
	[bflag:$0x2] =	sbarrier.arrive $0xFFFF  }
0x35: {  	[sflag:s0] =	ssyncadd.tile.s32 @!p0 $0x1;
	_ =	shalt  }
.Lfunc_end2:
_tile_overlayer_lowered:
.L_overlay_start_2:
0x36: {  	(tag) =	ssettag $0x2  }
0x37: {  	s0 =	rddreg [dreg:$0x0];
	s2 =	stileid.u32  }
0x38: {  	s1 =	rddreg [dreg:$0x1];
	p0 =	sne.s32 s2, $0x0  }
0x39: {  	s3 =	rddreg [dreg:$0x2];
	[bflag:$0x3] =	sbarrier.arrive $0xFFFF;
	s2 =	simm.s32 @!p0 $0x1C02  }
0x3a: {  	[timem:s3], [sflag:s2] =	dma.local @!p0 [hbm:s0], s1  }
0x3b: {  	s0 =	simm.s32 @!p0 $0x2  }
0x3c: {  	_ =	swait.ge @!p0 [sflag:s0], s1  }
0x3d: {  	s1 =	ssub.s32 @!p0 $0x0, s1;
	[sflag:s0] =	ssyncset.done @!p0 $0x0  }
0x3e: {  	[sflag:s0] =	ssyncadd.s32 @!p0 s1  }
0x3f: {  	[bflag:$0x3] =	sbarrier.arrive $0xFFFF  }
0x40: {  	_ =	shalt  }

// kernel: kernel.23.cloned.1.call-start
scs
__scs_entry_jumppad:
0x0: {  	(pc) =	sbr.rel $0x88, $3  }
0x1: {  	(tag) =	ssettag $0x0;
	lr =	simm.s32 $0x1  }
0x2: {  	[smem:$0x3F86] =	sst lr;
	_ =	strace $0xD0000000  }
0x3: {  	_ = 	snop  }
0x4: {  	_ = 	snop  }
0x5: {  	_ = 	snop  }
0x6: {  	_ = 	snop  }
0x7: {  	_ = 	snop  }
__scs_overlays_trampoline_lowered:
0x8: {  	[smem:$0x3F95] =	sst s0  }
0x9: {  	[smem:$0x3F96] =	sst s1  }
0xa: {  	[smem:$0x3F97] =	sst s2  }
0xb: {  	[smem:$0x3F98] =	sst s3  }
0xc: {  	[smem:$0x3F99] =	sst s4  }
0xd: {  	[smem:$0x3F9A] =	sst s5  }
0xe: {  	[smem:$0x3F9B] =	sst s6  }
0xf: {  	[smem:$0x3F9C] =	sst s7  }
0x10: {  	[smem:$0x3F9D] =	sst s8  }
0x11: {  	[smem:$0x3F9E] =	sst s9;
	s0 =	simm.s32 @!p0 $0x0  }
0x12: {  	s1 =	sld [smem:$0x3F84];
	s0 =	simm.s32 @p0 $0x1  }
0x13: {  	[smem:$0x3F9F] =	sst s0;
	s0 =	simm.s32 @!p1 $0x0  }
0x14: {  	s2 =	sld [smem:$0x3F83];
	s0 =	simm.s32 @p1 $0x1  }
0x15: {  	[smem:$0x3FA0] =	sst s0;
	s0 =	simm.s32 @!p2 $0x0  }
0x16: {  	s3 =	sld [smem:$0x3FDB];
	s0 =	simm.s32 @p2 $0x1  }
0x17: {  	s4 =	simm.s32 $0x1BF5;
	[smem:$0x3FA2] =	sst s0  }
0x18: {  	s0 =	sld [smem:$0x3F85];
	_ =	swait.ge [sflag:s4], $0x0  }
0x19: {  	s7 =	sld [smem:$0x3F86]  }
0x1a: {  	s8 =	sadd.s32 $0xFFFFE003, lr  }
0x1b: {  	s9 =	sadd.s32 $0xFFFFFEF7, lr;
	s5 =	simm.s32 $0xFFFFFFFF;
	p2 =	slt.u32 s8, $0xFFFFF086  }
0x1c: {  	p1 =	slt.u32 s9, $0xF7A;
	s5 =	simm.s32 @!p2 $0x0  }
0x1d: {  	s5 =	simm.s32 @p1 $0x1;
	p0 =	seq.s32 s7, s2  }
0x1e: {  	s7 =	smul.u32 @!p0 $0xF7A, s2;
	p2 =	seq.s32 @!p0 s5, $0x0  }
0x1f: {  	s9 =	smul.u32 $0xF7A, s1;
	s8 =	simm.s32 @!p0 $0x1BF5;
	p2 =	por !p2, p0  }
0x20: {  	[sflag:s8] =	ssyncset.s32 @!p0 $0xFFFFF086;
	s6 =	sadd.s32 @!p0 s3, s7;
	s7 =	simm.s32 @!p0 $0x108  }
0x21: {  	s3 =	sadd.s32 s3, s9;
	s6 =	sadd.s32 @!p0 $0x88, s6;
	s7 =	simm.s32 @p2 $0x1082  }
0x22: {  	[simem:s7], [sflag:s8] =	dma.local @!p0 [hbm:s6], $0xF7A  }
0x23: {  	s9 =	sor.u32 $0xD0000000, s2;
	s6 =	simm.s32 $0x108;
	_ =	swait.ge @!p0 [sflag:s8], $0x0  }
0x24: {  	s3 =	sadd.s32 $0x88, s3;
	s6 =	simm.s32 @!p1 $0x1082;
	[sflag:s4] =	ssyncset.s32 $0xFFFFF086  }
0x25: {  	[simem:s6], [sflag:s4] =	dma.local [hbm:s3], $0xF7A  }
0x26: {  	[smem:$0x3F86] =	sst s1;
	(tag) =	ssettag s2;
	_ =	strace s9  }
0x27: {  	s1 =	sld [smem:$0x3F96]  }
0x28: {  	s2 =	sld [smem:$0x3F97]  }
0x29: {  	s4 =	sld [smem:$0x3F99]  }
0x2a: {  	p0 =	seq.s32 s5, $0x0;
	s5 =	sld [smem:$0x3F9A]  }
0x2b: {  	s6 =	sld [smem:$0x3F9B]  }
0x2c: {  	s7 =	sld [smem:$0x3F9C]  }
0x2d: {  	s3 =	simm.s32 $0x108;
	s8 =	sld [smem:$0x3F9D]  }
0x2e: {  	s3 =	simm.s32 @!p0 $0x1082;
	s9 =	sld [smem:$0x3F9E]  }
0x2f: {  	lr =	sadd.s32 s0, s3;
	s0 =	sld [smem:$0x3F95]  }
0x30: {  	s3 =	sld [smem:$0x3F98]  }
0x31: {  	[smem:$0x3FA1] =	sst s10  }
0x32: {  	s10 =	sld [smem:$0x3F9F];
	_ =	sdelay $0x3  }
0x33: {  	p0 =	seq.s32 s10, $0x1;
	s10 =	sld [smem:$0x3FA1];
	_ =	sdelay $0x3  }
0x34: {  	[smem:$0x3FA1] =	sst s10  }
0x35: {  	s10 =	sld [smem:$0x3FA0];
	_ =	sdelay $0x3  }
0x36: {  	p1 =	seq.s32 s10, $0x1;
	s10 =	sld [smem:$0x3FA1];
	_ =	sdelay $0x3  }
0x37: {  	[smem:$0x3FA1] =	sst s10  }
0x38: {  	s10 =	sld [smem:$0x3FA2]  }
0x39: {  	_ = 	snop;
	(pc) =	sbr.ind lr, $3  }
0x3a: {  	_ = 	snop  }
0x3b: {  	_ = 	snop  }
0x3c: {  	p2 =	seq.s32 s10, $0x1;
	s10 =	sld [smem:$0x3FA1]  }
0x3d: {  	_ =	shalt  }
0x3e: {  	_ =	shalt  }
0x3f: {  	_ =	shalt  }
0x40: {  	_ =	shalt  }
0x41: {  	_ =	shalt  }
0x42: {  	_ =	shalt  }
0x43: {  	_ =	shalt  }
0x44: {  	_ =	shalt  }
0x45: {  	_ =	shalt  }
0x46: {  	_ =	shalt  }
0x47: {  	_ =	shalt  }
0x48: {  	_ =	shalt  }
0x49: {  	_ =	shalt  }
0x4a: {  	_ =	shalt  }
0x4b: {  	_ =	shalt  }
0x4c: {  	_ =	shalt  }
0x4d: {  	_ =	shalt  }
0x4e: {  	_ =	shalt  }
0x4f: {  	_ =	shalt  }
0x50: {  	_ =	shalt  }
0x51: {  	_ =	shalt  }
0x52: {  	_ =	shalt  }
0x53: {  	_ =	shalt  }
0x54: {  	_ =	shalt  }
0x55: {  	_ =	shalt  }
0x56: {  	_ =	shalt  }
0x57: {  	_ =	shalt  }
0x58: {  	_ =	shalt  }
0x59: {  	_ =	shalt  }
0x5a: {  	_ =	shalt  }
0x5b: {  	_ =	shalt  }
0x5c: {  	_ =	shalt  }
0x5d: {  	_ =	shalt  }
0x5e: {  	_ =	shalt  }
0x5f: {  	_ =	shalt  }
0x60: {  	_ =	shalt  }
0x61: {  	_ =	shalt  }
0x62: {  	_ =	shalt  }
0x63: {  	_ =	shalt  }
0x64: {  	_ =	shalt  }
0x65: {  	_ =	shalt  }
0x66: {  	_ =	shalt  }
0x67: {  	_ =	shalt  }
0x68: {  	_ =	shalt  }
0x69: {  	_ =	shalt  }
0x6a: {  	_ =	shalt  }
0x6b: {  	_ =	shalt  }
0x6c: {  	_ =	shalt  }
0x6d: {  	_ =	shalt  }
0x6e: {  	_ =	shalt  }
0x6f: {  	_ =	shalt  }
0x70: {  	_ =	shalt  }
0x71: {  	_ =	shalt  }
0x72: {  	_ =	shalt  }
0x73: {  	_ =	shalt  }
0x74: {  	_ =	shalt  }
0x75: {  	_ =	shalt  }
0x76: {  	_ =	shalt  }
0x77: {  	_ =	shalt  }
0x78: {  	_ =	shalt  }
0x79: {  	_ =	shalt  }
0x7a: {  	_ =	shalt  }
0x7b: {  	_ =	shalt  }
0x7c: {  	_ =	shalt  }
0x7d: {  	_ =	shalt  }
0x7e: {  	_ =	shalt  }
0x7f: {  	_ =	shalt  }
0x80: {  	_ =	shalt  }
0x81: {  	_ =	shalt  }
0x82: {  	_ =	shalt  }
0x83: {  	_ =	shalt  }
0x84: {  	_ =	shalt  }
0x85: {  	_ =	shalt  }
0x86: {  	_ =	shalt  }
0x87: {  	_ =	shalt  }
.Lfunc_end0:
.L_simem_size_0:
called_computation.1_lowered:
.L_overlay_start_0:
0x88: {  	s2 =	sld [smem:$0x3FD9]  }
0x89: {  	s3 =	sld [smem:$0x3FFE];
	_ =	sdelay $0x1  }
0x8a: {  	s1 =	srdreg.scid  }
0x8b: {  	s0 =	sand.u32 $0x1, s1  }
0x8c: {  	s16 =	sshll.u32 s0, $0xA;
	s2 =	sadd.s32 s3, s2  }
0x8d: {  	s2 =	sadd.s32 s2, s16  }
0x8e: {  	[smem:$0x3FAD] =	sst s2  }
0x8f: {  	_ = 	snop  }
0x90: {  	(tm) =	ssettm $0x1  }
0x91: {  	s17 =	sld [smem:$0x3FFB];
	_ =	sdelay $0x3  }
0x92: {  	_ =	strace s17  }
0x93: {  	s2 =	sld [smem:$0x3FFC];
	_ =	sdelay $0x3  }
0x94: {  	_ =	strace s2  }
0x95: {  	s2 =	sld [smem:$0x3FFD];
	_ =	sdelay $0x3  }
0x96: {  	_ =	strace s2  }
0x97: {  	_ =	strace $0x8FFFFFFF  }
0x98: {  	s18 =	sld [smem:$0x3FDB];
	_ =	sdelay $0x1  }
0x99: {  	s19 =	simm.s32 $_scs_section_size  }
0x9a: {  	s4 =	simm.s32 $_size__tile_overlayer_lowered;
	s5 =	simm.s32 $_tile_overlayer_lowered  }
0x9b: {  	s22 =	simm.s32 $0x1BFF;
	s21 =	sshll.u32 s5, $0x1;
	s2 =	sadd.s32 s19, s18  }
0x9c: {  	s6 =	simm.s32 $0x0;
	s20 =	sshll.u32 s4, $0x1;
	s4 =	sadd.s32 s21, s2  }
0x9d: {  	[timem:s6], [sflag:s22] =	dma.local [hbm:s4], s20  }
0x9e: {  	_ =	swait.ge [sflag:s22], s20  }
0x9f: {  	s3 =	ssub.s32 $0x0, s20;
	[sflag:s22] =	ssyncset.done $0x0  }
0xa0: {  	[sflag:s22] =	ssyncadd.s32 s3;
	_ =	sdelay $0x1  }
0xa1: {  	s23 =	simm.s32 $0x1B8B  }
0xa2: {  	_ =	swait.ge [sflag:s23], $0x1  }
0xa3: {  	[sflag:s23] =	ssyncset.done $0x0  }
0xa4: {  	s25 =	simm.s32 $0x1B8E;
	s24 =	sld [smem:$0x3FFE];
	[sflag:s23] =	ssyncadd.s32 $0xFFFFFFFF  }
0xa5: {  	s26 =	simm.s32 $execute0_lowered;
	[smem:$0x3FD2] =	sst s25  }
0xa6: {  	s4 =	sshll.u32 s26, $0x1;
	_ =	strace $0x80000049;
	[dreg:$0x1] =	wrdreg $0xFFFFFFFF  }
0xa7: {  	s28 =	simm.s32 $_size_execute0_lowered;
	s2 =	sadd.s32 s2, s4;
	[dreg:$0x0] =	wrdreg $0x0  }
0xa8: {  	s4 =	sshll.u32 s28, $0x1;
	[dreg:$0x2] =	wrdreg s2  }
0xa9: {  	[dreg:$0x3] =	wrdreg s4  }
0xaa: {  	[dreg:$0x4] =	wrdreg $0xC0  }
0xab: {  	_ =	task [dreg:s6], $0x5FFFF  }
0xac: {  	[dreg:$0x1] =	wrdreg $0xFFFFFFFF  }
0xad: {  	[dreg:$0x0] =	wrdreg $0x60  }
0xae: {  	[dreg:$0x2] =	wrdreg s24  }
0xaf: {  	[dreg:$0x3] =	wrdreg $0x0  }
0xb0: {  	[dreg:$0x4] =	wrdreg $0x9  }
0xb1: {  	_ =	task.clear_ibuf [dreg:s6], $0x5FFFF;
	_ =	strace $0x90000049  }
0xb2: {  	s29 =	simm.s32 $0x9;
	_ =	strace $0x8000004B  }
0xb3: {  	_ =	swait.ge [sflag:s29], $0x1  }
0xb4: {  	[sflag:s29] =	ssyncadd.s32 $0xFFFFFFFF  }
0xb5: {  	_ =	strace $0x9000004B  }
0xb6: {  	_ =	sfence  }
0xb7: {  	s30 =	sld [smem:$0x0];
	_ =	sdelay $0x2  }
0xb8: {  	s31 =	sshll.u32 s1, $0xD;
	s1 =	sshrl.u32 s1, $0x2  }
0xb9: {  	s3 =	sand.u32 $0x4000, s31;
	s1 =	sadd.s32 s1, s30  }
0xba: {  	s0 =	sor.u32 s3, s0;
	s1 =	sshll.u32 s1, $0x11  }
0xbb: {  	s0 =	sor.u32 s1, s0  }
0xbc: {  	s0 =	sadd.s32 $0x8F2B, s0  }
0xbd: {  	[sflag:s0] =	ssyncadd.remote.s32 $0x1  }
0xbe: {  	_ =	sfence.sel $0xFFFF  }
0xbf: {  	[dreg:$0x0] =	wrdreg $0xFFFFFFFF;
	(pc) =	sbr.abs _section_cstart, $3  }
0xc0: {  	[dreg:$0x1] =	wrdreg $0xFFFFFFFF  }
0xc1: {  	_ =	task.clear_ibuf [dreg:s6], $0x2FFFF;
	_ =	strace $0x9FFFFFFF  }
0xc2: {  	(tm) =	ssettm $0x7FFFFFFF  }
0xc3: {  	_ =	shalt  }
tec
execute0_lowered:
.L_overlay_start_1:
0x0: {  	(tag) =	ssettag $0x1  }
0x1: {  	s5 =	rddreg [dreg:$0x0]  }
0x2: {  	s1 =	rddreg [dreg:$0x1]  }
0x3: {  	s0 =	rddreg [dreg:$0x2];
	s3 =	simm.s32 $0x0;
	s2 =	stileid.u32  }
0x4: {  	s6 =	srdreg.scid;
	[smem:$0x7FF] =	sst s3;
	s9 =	sadd.s32 $0x5F1C00, s5  }
0x5: {  	s7 =	sadd.s32 $0x862C00, s5;
	s4 =	sshll.u32 s2, $0x4;
	s10 =	smul.u32 $0x50000, s2  }
0x6: {  	s6 =	sand.u32 $0x1, s6;
	s11 =	sadd.s32 $0xD44C00, s5;
	s13 =	sadd.s32 $0xD6CC00, s5  }
0x7: {  	s30 =	sshll.u32 s2, $0x6;
	s14 =	smul.u32 $0x2800, s2;
	s31 =	sshll.u32 s2, $0xB  }
0x8: {  	_ =	strace $0x8000004A;
	s8 =	sadd.s32 s4, s5;
	s4 =	sadd.s32 $0x3DE00, s5  }
0x9: {  	s12 =	ssub.s32 $0x2, s6;
	s5 =	sor.u32 $0x1C01, s30;
	p0 =	seq.s32 s6, $0x1  }
0xa: {  	s29 =	sshrl.u32 s12, $0x1;
	s10 =	sshrl.u32 s10, $0x2;
	s9 =	smov.u32 @p0 s7  }
0xb: {  	s11 =	smov.u32 @p0 s13;
	s8 =	sadd.s32 $0xBE00, s8;
	s12 =	ssub.s32 s12, s29  }
0xc: {  	s10 =	sadd.s32 s10, s1;
	s7 =	sadd.s32 s11, s14;
	s9 =	sadd.s32 s31, s9  }
0xd: {  	s11 =	simm.s32 $0x1;
	s6 =	smax.u32 s12, $0x1;
	s10 =	sshrl.u32 s10, $0x3  }
.LBB2_1:
0xe: {  	[spmem:s10], [sflag:s5] =	dma.local [hbm:s4], $0x2800  }
0xf: {  	s12 =	sadd.s32 $0x0, s2;
	_ =	swait.ge [sflag:s11], $0x2800  }
0x10: {  	p0 =	sgt.u32 s12, $0x4E1;
	[sflag:s11] =	ssyncset.done $0x0  }
0x11: {  	s12 =	simm.s32 @!p0 $0x0;
	[sflag:s11] =	ssyncadd.s32 $0xFFFFD800  }
0x12: {  	s14 =	simm.s32 @!p0 $0x14000;
	s15 =	simm.s32 @!p0 $0x2;
	[bflag:$0x0] =	sbarrier.arrive $0xFFFF  }
0x13: {  	[tilespmem:s14], [sflag:$0x2] =	stream.linear.gather @!p0 [hbm4b:s8+s12], $0x80, $0x38;
	[tilespmem:$0x18080] =	vst v63  }
0x14: {  	_ =	swait.ge @!p0 [sflag:s15], $0x80;
	p0 =	por p0, p0  }
0x15: {  	[sflag:s15] =	ssyncset.done @!p0 $0x0  }
0x16: {  	s16 =	simm.s32 @!p0 $0x14080;
	[sflag:s15] =	ssyncadd.s32 @!p0 $0xFFFFFF80  }
0x17: {  	[tilespmem:s16], [sflag:$0x2] =	stream.linear.gather @!p0 [hbm4b:s9+s12], $0x4000, $0x38;
	[tilespmem:$0x18080] =	vst v63  }
0x18: {  	s31 =	sadd.s32 $0x10, s2;
	_ =	swait.ge @!p0 [sflag:s15], $0x4000  }
0x19: {  	s13 =	simm.s32 $0x20;
	p1 =	sgt.u32 s31, $0x4E1;
	[sflag:s15] =	ssyncset.done @!p0 $0x0  }
0x1a: {  	s12 =	simm.s32 @!p0 $0x80;
	[sflag:s15] =	ssyncadd.s32 @!p0 $0xFFFFC000;
	s15 =	simm.s32 @!p0 $0x1  }
0x1b: {  	[spmem:s1] =	stream.indirect.scatter.add.f32 @!p0 [tilespmem:s16], [sflag:$0x1], $0x80, s14, s12, $0xb8;
	[tilespmem:$0x18080] =	vst v63  }
0x1c: {  	s12 =	sadd.s32 $0x8000, s9;
	s14 =	sadd.s32 $0x100, s8;
	_ =	swait.ge @!p0 [sflag:s15], $0x4000  }
.LBB2_2:
0x1d: {  	s16 =	simm.s32 @!p1 $0x0  }
0x1e: {  	s17 =	simm.s32 @!p1 $0x14000;
	[sflag:s15] =	ssyncset.done @!p0 $0x0;
	s18 =	smov.u32 s13  }
0x1f: {  	s13 =	sadd.s32 $0x10, s13;
	s19 =	simm.s32 @!p1 $0x2;
	[sflag:s15] =	ssyncadd.s32 @!p0 $0xFFFFC000  }
0x20: {  	[tilespmem:s17], [sflag:$0x2] =	stream.linear.gather @!p1 [hbm4b:s14+s16], $0x80, $0x38;
	[tilespmem:$0x18080] =	vst v63  }
0x21: {  	p2 =	sne.s32 s13, $0x4F0;
	p0 =	por p1, p1;
	_ =	swait.ge @!p1 [sflag:s19], $0x80  }
0x22: {  	[sflag:s19] =	ssyncset.done @!p0 $0x0  }
0x23: {  	s20 =	simm.s32 @!p0 $0x14080;
	[sflag:s19] =	ssyncadd.s32 @!p0 $0xFFFFFF80  }
0x24: {  	[tilespmem:s20], [sflag:$0x2] =	stream.linear.gather @!p0 [hbm4b:s12+s16], $0x4000, $0x38;
	[tilespmem:$0x18080] =	vst v63  }
.Ltmp0:
0x25: {  	_ =	swait.ge @!p0 [sflag:s19], $0x4000;
	(pc) =	sbr.rel @p2 .LBB2_2-.Ltmp0, $4  }
0x26: {  	s15 =	simm.s32 @!p0 $0x1;
	s12 =	sadd.s32 $0x8000, s12;
	[sflag:s19] =	ssyncset.done @!p0 $0x0  }
0x27: {  	s16 =	sadd.s32 s18, s2;
	s18 =	simm.s32 @!p0 $0x80;
	[sflag:s19] =	ssyncadd.s32 @!p0 $0xFFFFC000  }
0x28: {  	[spmem:s1] =	stream.indirect.scatter.add.f32 @!p0 [tilespmem:s20], [sflag:$0x1], $0x80, s17, s18, $0xb8;
	[tilespmem:$0x18080] =	vst v63  }
0x29: {  	s14 =	sadd.s32 $0x100, s14;
	p1 =	sgt.u32 s16, $0x4E1;
	_ =	swait.ge @!p0 [sflag:s15], $0x4000  }
0x2a: {  	s13 =	simm.s32 @!p1 $0x0;
	[sflag:s15] =	ssyncset.done @!p0 $0x0  }
0x2b: {  	s16 =	simm.s32 @!p1 $0x14000;
	s17 =	simm.s32 @!p1 $0x2;
	[sflag:s15] =	ssyncadd.s32 @!p0 $0xFFFFC000  }
0x2c: {  	[tilespmem:s16], [sflag:$0x2] =	stream.linear.gather @!p1 [hbm4b:s14+s13], $0x80, $0x38;
	[tilespmem:$0x18080] =	vst v63  }
0x2d: {  	p0 =	por p1, p1;
	_ =	swait.ge @!p1 [sflag:s17], $0x80  }
0x2e: {  	[sflag:s17] =	ssyncset.done @!p0 $0x0  }
0x2f: {  	s14 =	simm.s32 @!p0 $0x14080;
	[sflag:s17] =	ssyncadd.s32 @!p0 $0xFFFFFF80  }
0x30: {  	[tilespmem:s14], [sflag:$0x2] =	stream.linear.gather @!p0 [hbm4b:s12+s13], $0x4000, $0x38;
	[tilespmem:$0x18080] =	vst v63  }
0x31: {  	_ =	swait.ge @!p0 [sflag:s17], $0x4000  }
0x32: {  	[sflag:s17] =	ssyncset.done @!p0 $0x0  }
0x33: {  	s12 =	simm.s32 @!p0 $0x1;
	s13 =	simm.s32 @!p0 $0x80;
	[sflag:s17] =	ssyncadd.s32 @!p0 $0xFFFFC000  }
0x34: {  	[spmem:s1] =	stream.indirect.scatter.add.f32 @!p0 [tilespmem:s14], [sflag:$0x1], $0x80, s16, s13, $0xb8;
	[tilespmem:$0x18080] =	vst v63  }
0x35: {  	_ =	swait.ge @!p0 [sflag:s12], $0x4000  }
0x36: {  	s3 =	sadd.s32 $0x1, s3;
	[sflag:s12] =	ssyncset.done @!p0 $0x0  }
0x37: {  	[sflag:s12] =	ssyncadd.s32 @!p0 $0xFFFFC000;
	p0 =	sne.s32 s3, s6  }
.Ltmp1:
0x38: {  	[bflag:$0x0] =	sbarrier.arrive $0xFFFF;
	(pc) =	sbr.rel @p0 .LBB2_1-.Ltmp1, $4  }
0x39: {  	[hbm:s7], [sflag:s5] =	dma.local [spmem:s10], $0x2800  }
0x3a: {  	_ =	swait.ge [sflag:s11], $0x2800  }
0x3b: {  	[sflag:s11] =	ssyncset.done $0x0  }
0x3c: {  	[sflag:s11] =	ssyncadd.s32 $0xFFFFD800  }
0x3d: {  	_ =	sfence.sel $0x180000  }
0x3e: {  	[bflag:$0x0] =	sbarrier.arrive $0xFFFF  }
0x3f: {  	p0 =	sne.s32 s2, $0x0;
	_ =	strace $0x9000004A  }
0x40: {  	s0 =	sadd.s32 @!p0 $0x100000, s0;
	[bflag:$0x2] =	sbarrier.arrive $0xFFFF  }
0x41: {  	[sflag:s0] =	ssyncadd.tile.s32 @!p0 $0x1;
	_ =	shalt  }
.Lfunc_end2:
_tile_overlayer_lowered:
.L_overlay_start_2:
0x42: {  	(tag) =	ssettag $0x2  }
0x43: {  	s0 =	rddreg [dreg:$0x0];
	s2 =	stileid.u32  }
0x44: {  	s1 =	rddreg [dreg:$0x1];
	p0 =	sne.s32 s2, $0x0  }
0x45: {  	s3 =	rddreg [dreg:$0x2];
	[bflag:$0x3] =	sbarrier.arrive $0xFFFF;
	s2 =	simm.s32 @!p0 $0x1C01  }
0x46: {  	[timem:s3], [sflag:s2] =	dma.local @!p0 [hbm:s0], s1  }
0x47: {  	s0 =	simm.s32 @!p0 $0x1  }
0x48: {  	_ =	swait.ge @!p0 [sflag:s0], s1  }
0x49: {  	s1 =	ssub.s32 @!p0 $0x0, s1;
	[sflag:s0] =	ssyncset.done @!p0 $0x0  }
0x4a: {  	[sflag:s0] =	ssyncadd.s32 @!p0 s1  }
0x4b: {  	[bflag:$0x3] =	sbarrier.arrive $0xFFFF  }
0x4c: {  	_ =	shalt  }

// kernel: kernel.26.cloned.1.call-start
scs
__scs_entry_jumppad:
0x0: {  	(pc) =	sbr.rel $0x88, $3  }
0x1: {  	(tag) =	ssettag $0x0;
	lr =	simm.s32 $0x1  }
0x2: {  	[smem:$0x3F86] =	sst lr;
	_ =	strace $0xD0000000  }
0x3: {  	_ = 	snop  }
0x4: {  	_ = 	snop  }
0x5: {  	_ = 	snop  }
0x6: {  	_ = 	snop  }
0x7: {  	_ = 	snop  }
__scs_overlays_trampoline_lowered:
0x8: {  	[smem:$0x3F95] =	sst s0  }
0x9: {  	[smem:$0x3F96] =	sst s1  }
0xa: {  	[smem:$0x3F97] =	sst s2  }
0xb: {  	[smem:$0x3F98] =	sst s3  }
0xc: {  	[smem:$0x3F99] =	sst s4  }
0xd: {  	[smem:$0x3F9A] =	sst s5  }
0xe: {  	[smem:$0x3F9B] =	sst s6  }
0xf: {  	[smem:$0x3F9C] =	sst s7  }
0x10: {  	[smem:$0x3F9D] =	sst s8  }
0x11: {  	[smem:$0x3F9E] =	sst s9;
	s0 =	simm.s32 @!p0 $0x0  }
0x12: {  	s1 =	sld [smem:$0x3F84];
	s0 =	simm.s32 @p0 $0x1  }
0x13: {  	[smem:$0x3F9F] =	sst s0;
	s0 =	simm.s32 @!p1 $0x0  }
0x14: {  	s2 =	sld [smem:$0x3F83];
	s0 =	simm.s32 @p1 $0x1  }
0x15: {  	[smem:$0x3FA0] =	sst s0;
	s0 =	simm.s32 @!p2 $0x0  }
0x16: {  	s3 =	sld [smem:$0x3FDB];
	s0 =	simm.s32 @p2 $0x1  }
0x17: {  	s4 =	simm.s32 $0x1BF5;
	[smem:$0x3FA2] =	sst s0  }
0x18: {  	s0 =	sld [smem:$0x3F85];
	_ =	swait.ge [sflag:s4], $0x0  }
0x19: {  	s7 =	sld [smem:$0x3F86]  }
0x1a: {  	s8 =	sadd.s32 $0xFFFFE003, lr  }
0x1b: {  	s9 =	sadd.s32 $0xFFFFFEF7, lr;
	s5 =	simm.s32 $0xFFFFFFFF;
	p2 =	slt.u32 s8, $0xFFFFF086  }
0x1c: {  	p1 =	slt.u32 s9, $0xF7A;
	s5 =	simm.s32 @!p2 $0x0  }
0x1d: {  	s5 =	simm.s32 @p1 $0x1;
	p0 =	seq.s32 s7, s2  }
0x1e: {  	s7 =	smul.u32 @!p0 $0xF7A, s2;
	p2 =	seq.s32 @!p0 s5, $0x0  }
0x1f: {  	s9 =	smul.u32 $0xF7A, s1;
	s8 =	simm.s32 @!p0 $0x1BF5;
	p2 =	por !p2, p0  }
0x20: {  	[sflag:s8] =	ssyncset.s32 @!p0 $0xFFFFF086;
	s6 =	sadd.s32 @!p0 s3, s7;
	s7 =	simm.s32 @!p0 $0x108  }
0x21: {  	s3 =	sadd.s32 s3, s9;
	s6 =	sadd.s32 @!p0 $0x88, s6;
	s7 =	simm.s32 @p2 $0x1082  }
0x22: {  	[simem:s7], [sflag:s8] =	dma.local @!p0 [hbm:s6], $0xF7A  }
0x23: {  	s9 =	sor.u32 $0xD0000000, s2;
	s6 =	simm.s32 $0x108;
	_ =	swait.ge @!p0 [sflag:s8], $0x0  }
0x24: {  	s3 =	sadd.s32 $0x88, s3;
	s6 =	simm.s32 @!p1 $0x1082;
	[sflag:s4] =	ssyncset.s32 $0xFFFFF086  }
0x25: {  	[simem:s6], [sflag:s4] =	dma.local [hbm:s3], $0xF7A  }
0x26: {  	[smem:$0x3F86] =	sst s1;
	(tag) =	ssettag s2;
	_ =	strace s9  }
0x27: {  	s1 =	sld [smem:$0x3F96]  }
0x28: {  	s2 =	sld [smem:$0x3F97]  }
0x29: {  	s4 =	sld [smem:$0x3F99]  }
0x2a: {  	p0 =	seq.s32 s5, $0x0;
	s5 =	sld [smem:$0x3F9A]  }
0x2b: {  	s6 =	sld [smem:$0x3F9B]  }
0x2c: {  	s7 =	sld [smem:$0x3F9C]  }
0x2d: {  	s3 =	simm.s32 $0x108;
	s8 =	sld [smem:$0x3F9D]  }
0x2e: {  	s3 =	simm.s32 @!p0 $0x1082;
	s9 =	sld [smem:$0x3F9E]  }
0x2f: {  	lr =	sadd.s32 s0, s3;
	s0 =	sld [smem:$0x3F95]  }
0x30: {  	s3 =	sld [smem:$0x3F98]  }
0x31: {  	[smem:$0x3FA1] =	sst s10  }
0x32: {  	s10 =	sld [smem:$0x3F9F];
	_ =	sdelay $0x3  }
0x33: {  	p0 =	seq.s32 s10, $0x1;
	s10 =	sld [smem:$0x3FA1];
	_ =	sdelay $0x3  }
0x34: {  	[smem:$0x3FA1] =	sst s10  }
0x35: {  	s10 =	sld [smem:$0x3FA0];
	_ =	sdelay $0x3  }
0x36: {  	p1 =	seq.s32 s10, $0x1;
	s10 =	sld [smem:$0x3FA1];
	_ =	sdelay $0x3  }
0x37: {  	[smem:$0x3FA1] =	sst s10  }
0x38: {  	s10 =	sld [smem:$0x3FA2]  }
0x39: {  	_ = 	snop;
	(pc) =	sbr.ind lr, $3  }
0x3a: {  	_ = 	snop  }
0x3b: {  	_ = 	snop  }
0x3c: {  	p2 =	seq.s32 s10, $0x1;
	s10 =	sld [smem:$0x3FA1]  }
0x3d: {  	_ =	shalt  }
0x3e: {  	_ =	shalt  }
0x3f: {  	_ =	shalt  }
0x40: {  	_ =	shalt  }
0x41: {  	_ =	shalt  }
0x42: {  	_ =	shalt  }
0x43: {  	_ =	shalt  }
0x44: {  	_ =	shalt  }
0x45: {  	_ =	shalt  }
0x46: {  	_ =	shalt  }
0x47: {  	_ =	shalt  }
0x48: {  	_ =	shalt  }
0x49: {  	_ =	shalt  }
0x4a: {  	_ =	shalt  }
0x4b: {  	_ =	shalt  }
0x4c: {  	_ =	shalt  }
0x4d: {  	_ =	shalt  }
0x4e: {  	_ =	shalt  }
0x4f: {  	_ =	shalt  }
0x50: {  	_ =	shalt  }
0x51: {  	_ =	shalt  }
0x52: {  	_ =	shalt  }
0x53: {  	_ =	shalt  }
0x54: {  	_ =	shalt  }
0x55: {  	_ =	shalt  }
0x56: {  	_ =	shalt  }
0x57: {  	_ =	shalt  }
0x58: {  	_ =	shalt  }
0x59: {  	_ =	shalt  }
0x5a: {  	_ =	shalt  }
0x5b: {  	_ =	shalt  }
0x5c: {  	_ =	shalt  }
0x5d: {  	_ =	shalt  }
0x5e: {  	_ =	shalt  }
0x5f: {  	_ =	shalt  }
0x60: {  	_ =	shalt  }
0x61: {  	_ =	shalt  }
0x62: {  	_ =	shalt  }
0x63: {  	_ =	shalt  }
0x64: {  	_ =	shalt  }
0x65: {  	_ =	shalt  }
0x66: {  	_ =	shalt  }
0x67: {  	_ =	shalt  }
0x68: {  	_ =	shalt  }
0x69: {  	_ =	shalt  }
0x6a: {  	_ =	shalt  }
0x6b: {  	_ =	shalt  }
0x6c: {  	_ =	shalt  }
0x6d: {  	_ =	shalt  }
0x6e: {  	_ =	shalt  }
0x6f: {  	_ =	shalt  }
0x70: {  	_ =	shalt  }
0x71: {  	_ =	shalt  }
0x72: {  	_ =	shalt  }
0x73: {  	_ =	shalt  }
0x74: {  	_ =	shalt  }
0x75: {  	_ =	shalt  }
0x76: {  	_ =	shalt  }
0x77: {  	_ =	shalt  }
0x78: {  	_ =	shalt  }
0x79: {  	_ =	shalt  }
0x7a: {  	_ =	shalt  }
0x7b: {  	_ =	shalt  }
0x7c: {  	_ =	shalt  }
0x7d: {  	_ =	shalt  }
0x7e: {  	_ =	shalt  }
0x7f: {  	_ =	shalt  }
0x80: {  	_ =	shalt  }
0x81: {  	_ =	shalt  }
0x82: {  	_ =	shalt  }
0x83: {  	_ =	shalt  }
0x84: {  	_ =	shalt  }
0x85: {  	_ =	shalt  }
0x86: {  	_ =	shalt  }
0x87: {  	_ =	shalt  }
.Lfunc_end0:
.L_simem_size_0:
called_computation.2_lowered:
.L_overlay_start_0:
0x88: {  	s2 =	sld [smem:$0x3FD9]  }
0x89: {  	s3 =	sld [smem:$0x3FFE];
	_ =	sdelay $0x1  }
0x8a: {  	s1 =	srdreg.scid  }
0x8b: {  	s0 =	sand.u32 $0x1, s1  }
0x8c: {  	s16 =	sshll.u32 s0, $0xA;
	s2 =	sadd.s32 s3, s2  }
0x8d: {  	s2 =	sadd.s32 s2, s16  }
0x8e: {  	[smem:$0x3FAD] =	sst s2  }
0x8f: {  	_ = 	snop  }
0x90: {  	(tm) =	ssettm $0x1  }
0x91: {  	s17 =	sld [smem:$0x3FFB];
	_ =	sdelay $0x3  }
0x92: {  	_ =	strace s17  }
0x93: {  	s2 =	sld [smem:$0x3FFC];
	_ =	sdelay $0x3  }
0x94: {  	_ =	strace s2  }
0x95: {  	s2 =	sld [smem:$0x3FFD];
	_ =	sdelay $0x3  }
0x96: {  	_ =	strace s2  }
0x97: {  	_ =	strace $0x8FFFFFFF  }
0x98: {  	s18 =	sld [smem:$0x3FDB];
	_ =	sdelay $0x1  }
0x99: {  	s19 =	simm.s32 $_scs_section_size  }
0x9a: {  	s4 =	simm.s32 $_size__tile_overlayer_lowered;
	s5 =	simm.s32 $_tile_overlayer_lowered  }
0x9b: {  	s22 =	simm.s32 $0x1BFF;
	s21 =	sshll.u32 s5, $0x1;
	s2 =	sadd.s32 s19, s18  }
0x9c: {  	s6 =	simm.s32 $0x0;
	s20 =	sshll.u32 s4, $0x1;
	s4 =	sadd.s32 s21, s2  }
0x9d: {  	[timem:s6], [sflag:s22] =	dma.local [hbm:s4], s20  }
0x9e: {  	_ =	swait.ge [sflag:s22], s20  }
0x9f: {  	s3 =	ssub.s32 $0x0, s20;
	[sflag:s22] =	ssyncset.done $0x0  }
0xa0: {  	[sflag:s22] =	ssyncadd.s32 s3;
	_ =	sdelay $0x1  }
0xa1: {  	s23 =	simm.s32 $0x1B8B  }
0xa2: {  	_ =	swait.ge [sflag:s23], $0x1  }
0xa3: {  	[sflag:s23] =	ssyncset.done $0x0  }
0xa4: {  	s25 =	simm.s32 $0x1B8E;
	s24 =	sld [smem:$0x3FFE];
	[sflag:s23] =	ssyncadd.s32 $0xFFFFFFFF  }
0xa5: {  	s26 =	simm.s32 $execute0_lowered;
	[smem:$0x3FD2] =	sst s25  }
0xa6: {  	s4 =	sshll.u32 s26, $0x1;
	_ =	strace $0x8000004C;
	[dreg:$0x1] =	wrdreg $0xFFFFFFFF  }
0xa7: {  	s28 =	simm.s32 $_size_execute0_lowered;
	s2 =	sadd.s32 s2, s4;
	[dreg:$0x0] =	wrdreg $0x0  }
0xa8: {  	s4 =	sshll.u32 s28, $0x1;
	[dreg:$0x2] =	wrdreg s2  }
0xa9: {  	[dreg:$0x3] =	wrdreg s4  }
0xaa: {  	[dreg:$0x4] =	wrdreg $0xC0  }
0xab: {  	_ =	task [dreg:s6], $0x5FFFF  }
0xac: {  	[dreg:$0x1] =	wrdreg $0xFFFFFFFF  }
0xad: {  	[dreg:$0x0] =	wrdreg $0x60  }
0xae: {  	[dreg:$0x2] =	wrdreg s24  }
0xaf: {  	[dreg:$0x3] =	wrdreg $0x9  }
0xb0: {  	_ =	task.clear_ibuf [dreg:s6], $0x4FFFF;
	_ =	strace $0x9000004C  }
0xb1: {  	s29 =	simm.s32 $0x9;
	_ =	strace $0x8000004E  }
0xb2: {  	_ =	swait.ge [sflag:s29], $0x1  }
0xb3: {  	[sflag:s29] =	ssyncadd.s32 $0xFFFFFFFF  }
0xb4: {  	_ =	strace $0x9000004E  }
0xb5: {  	_ =	sfence  }
0xb6: {  	s30 =	sld [smem:$0x0];
	_ =	sdelay $0x2  }
0xb7: {  	s31 =	sshll.u32 s1, $0xD;
	s1 =	sshrl.u32 s1, $0x2  }
0xb8: {  	s3 =	sand.u32 $0x4000, s31;
	s1 =	sadd.s32 s1, s30  }
0xb9: {  	s0 =	sor.u32 s3, s0;
	s1 =	sshll.u32 s1, $0x11  }
0xba: {  	s0 =	sor.u32 s1, s0  }
0xbb: {  	s0 =	sadd.s32 $0x8F2B, s0  }
0xbc: {  	[sflag:s0] =	ssyncadd.remote.s32 $0x1  }
0xbd: {  	_ =	sfence.sel $0xFFFF  }
0xbe: {  	[dreg:$0x0] =	wrdreg $0xFFFFFFFF;
	(pc) =	sbr.abs _section_cstart, $3  }
0xbf: {  	[dreg:$0x1] =	wrdreg $0xFFFFFFFF  }
0xc0: {  	_ =	task.clear_ibuf [dreg:s6], $0x2FFFF;
	_ =	strace $0x9FFFFFFF  }
0xc1: {  	(tm) =	ssettm $0x7FFFFFFF  }
tec
execute0_lowered:
.L_overlay_start_1:
0x0: {  	(tag) =	ssettag $0x1  }
0x1: {  	s4 =	rddreg [dreg:$0x0]  }
0x2: {  	s0 =	rddreg [dreg:$0x1];
	s1 =	simm.s32 $0x0;
	s5 =	srdreg.scid  }
0x3: {  	s2 =	stileid.u32;
	[smem:$0x7FF] =	sst s1  }
0x4: {  	s3 =	sadd.s32 $0x619C00, s4;
	s5 =	sand.u32 $0x1, s5;
	s6 =	sshll.u32 s2, $0x5  }
0x5: {  	s7 =	sshll.u32 s2, $0xC;
	_ =	strace $0x8000004D;
	s8 =	ssub.s32 $0x2, s5  }
0x6: {  	s6 =	sadd.s32 s6, s4;
	s7 =	sadd.s32 s7, s4;
	s9 =	sshll.u32 s5, $0xB  }
0x7: {  	s5 =	sshll.u32 s5, $0x4;
	s4 =	sshll.u32 s2, $0x1;
	s30 =	sshrl.u32 s8, $0x1  }
0x8: {  	s7 =	sadd.s32 s9, s7;
	s31 =	sadd.s32 s5, s6;
	s8 =	ssub.s32 s8, s30  }
0x9: {  	s6 =	sadd.s32 $0x6B9C00, s7;
	s7 =	sadd.s32 $0x10E00, s31;
	s5 =	smax.u32 s8, $0x1  }
.LBB2_1:
0xa: {  	s8 =	sadd.s32 $0x0, s4  }
0xb: {  	p0 =	sgt.u32 s8, $0x4E1  }
0xc: {  	s8 =	simm.s32 @!p0 $0x0;
	s9 =	simm.s32 @!p0 $0x3  }
0xd: {  	[tilespmem:s8], [sflag:$0x3] =	stream.linear.gather @!p0 [hbm4b:s7+s8], $0x80, $0x38;
	[tilespmem:$0x4080] =	vst v63  }
0xe: {  	_ =	swait.ge @!p0 [sflag:s9], $0x80  }
0xf: {  	[sflag:s9] =	ssyncset.done @!p0 $0x0;
	p0 =	por p0, p0  }
0x10: {  	[sflag:s9] =	ssyncadd.s32 @!p0 $0xFFFFFF80;
	s10 =	simm.s32 @!p0 $0x80;
	s11 =	simm.s32 @!p0 $0x1  }
0x11: {  	[tilespmem:s10], [sflag:$0x1] =	stream.indirect.gather @!p0 [hbm4b:s3+s10], $0x80, s8, s10, $0xb8;
	[tilespmem:$0x4080] =	vst v63  }
0x12: {  	_ =	swait.ge @!p0 [sflag:s11], $0x4000  }
0x13: {  	[sflag:s11] =	ssyncset.done @!p0 $0x0  }
0x14: {  	s31 =	sadd.s32 $0x20, s4;
	[sflag:s11] =	ssyncadd.s32 @!p0 $0xFFFFC000;
	s11 =	simm.s32 @!p0 $0x2  }
0x15: {  	[hbm4b:s6+s8] =	stream.linear.scatter @!p0 [tilespmem:s10], [sflag:$0x2], $0x4000, $0x38;
	[tilespmem:$0x4080] =	vst v63  }
0x16: {  	p1 =	sgt.u32 s31, $0x4E1;
	s9 =	simm.s32 $0x40;
	_ =	swait.ge @!p0 [sflag:s11], $0x4000  }
0x17: {  	s10 =	sadd.s32 $0x200, s7;
	s8 =	sadd.s32 $0x10000, s6;
	[sflag:s11] =	ssyncset.done @!p0 $0x0  }
.LBB2_2:
0x18: {  	s12 =	simm.s32 @!p1 $0x0;
	s13 =	simm.s32 @!p1 $0x3;
	[sflag:s11] =	ssyncadd.s32 @!p0 $0xFFFFC000  }
0x19: {  	[tilespmem:s12], [sflag:$0x3] =	stream.linear.gather @!p1 [hbm4b:s10+s12], $0x80, $0x38;
	[tilespmem:$0x4080] =	vst v63  }
0x1a: {  	s14 =	smov.u32 s9;
	s9 =	sadd.s32 $0x20, s9;
	_ =	swait.ge @!p1 [sflag:s13], $0x80  }
0x1b: {  	p0 =	por p1, p1;
	p2 =	sne.s32 s9, $0x500;
	[sflag:s13] =	ssyncset.done @!p1 $0x0  }
0x1c: {  	s11 =	simm.s32 @!p0 $0x1;
	[sflag:s13] =	ssyncadd.s32 @!p0 $0xFFFFFF80;
	s13 =	simm.s32 @!p0 $0x80  }
0x1d: {  	[tilespmem:s13], [sflag:$0x1] =	stream.indirect.gather @!p0 [hbm4b:s3+s13], $0x80, s12, s13, $0xb8;
	[tilespmem:$0x4080] =	vst v63  }
0x1e: {  	_ =	swait.ge @!p0 [sflag:s11], $0x4000  }
.Ltmp0:
0x1f: {  	[sflag:s11] =	ssyncset.done @!p0 $0x0;
	(pc) =	sbr.rel @p2 .LBB2_2-.Ltmp0, $4  }
0x20: {  	[sflag:s11] =	ssyncadd.s32 @!p0 $0xFFFFC000;
	s11 =	simm.s32 @!p0 $0x2  }
0x21: {  	[hbm4b:s8+s12] =	stream.linear.scatter @!p0 [tilespmem:s13], [sflag:$0x2], $0x4000, $0x38;
	[tilespmem:$0x4080] =	vst v63  }
0x22: {  	s10 =	sadd.s32 $0x200, s10;
	s12 =	sadd.s32 s14, s4;
	_ =	swait.ge @!p0 [sflag:s11], $0x4000  }
0x23: {  	s8 =	sadd.s32 $0x10000, s8;
	p1 =	sgt.u32 s12, $0x4E1;
	[sflag:s11] =	ssyncset.done @!p0 $0x0  }
0x24: {  	s9 =	simm.s32 @!p1 $0x0;
	s12 =	simm.s32 @!p1 $0x3;
	[sflag:s11] =	ssyncadd.s32 @!p0 $0xFFFFC000  }
0x25: {  	[tilespmem:s9], [sflag:$0x3] =	stream.linear.gather @!p1 [hbm4b:s10+s9], $0x80, $0x38;
	[tilespmem:$0x4080] =	vst v63  }
0x26: {  	_ =	swait.ge @!p1 [sflag:s12], $0x80  }
0x27: {  	p0 =	por p1, p1;
	[sflag:s12] =	ssyncset.done @!p1 $0x0  }
0x28: {  	s10 =	simm.s32 @!p0 $0x80;
	s11 =	simm.s32 @!p0 $0x1;
	[sflag:s12] =	ssyncadd.s32 @!p0 $0xFFFFFF80  }
0x29: {  	[tilespmem:s10], [sflag:$0x1] =	stream.indirect.gather @!p0 [hbm4b:s3+s10], $0x80, s9, s10, $0xb8;
	[tilespmem:$0x4080] =	vst v63  }
0x2a: {  	s1 =	sadd.s32 $0x1, s1;
	_ =	swait.ge @!p0 [sflag:s11], $0x4000  }
0x2b: {  	p1 =	sne.s32 s1, s5;
	[sflag:s11] =	ssyncset.done @!p0 $0x0  }
.Ltmp1:
0x2c: {  	[sflag:s11] =	ssyncadd.s32 @!p0 $0xFFFFC000;
	s11 =	simm.s32 @!p0 $0x2;
	(pc) =	sbr.rel @p1 .LBB2_1-.Ltmp1, $4  }
0x2d: {  	[hbm4b:s8+s9] =	stream.linear.scatter @!p0 [tilespmem:s10], [sflag:$0x2], $0x4000, $0x38;
	[tilespmem:$0x4080] =	vst v63  }
0x2e: {  	_ =	swait.ge @!p0 [sflag:s11], $0x4000  }
0x2f: {  	[sflag:s11] =	ssyncset.done @!p0 $0x0  }
0x30: {  	[sflag:s11] =	ssyncadd.s32 @!p0 $0xFFFFC000  }
0x31: {  	_ =	sfence.sel $0x180000  }
0x32: {  	[bflag:$0x0] =	sbarrier.arrive $0xFFFF  }
0x33: {  	p0 =	sne.s32 s2, $0x0;
	_ =	strace $0x9000004D  }
0x34: {  	s0 =	sadd.s32 @!p0 $0x100000, s0;
	[bflag:$0x2] =	sbarrier.arrive $0xFFFF  }
0x35: {  	[sflag:s0] =	ssyncadd.tile.s32 @!p0 $0x1;
	_ =	shalt  }
.Lfunc_end2:
_tile_overlayer_lowered:
.L_overlay_start_2:
0x36: {  	(tag) =	ssettag $0x2  }
0x37: {  	s0 =	rddreg [dreg:$0x0];
	s2 =	stileid.u32  }
0x38: {  	s1 =	rddreg [dreg:$0x1];
	p0 =	sne.s32 s2, $0x0  }
0x39: {  	s3 =	rddreg [dreg:$0x2];
	[bflag:$0x3] =	sbarrier.arrive $0xFFFF;
	s2 =	simm.s32 @!p0 $0x1C02  }
0x3a: {  	[timem:s3], [sflag:s2] =	dma.local @!p0 [hbm:s0], s1  }
0x3b: {  	s0 =	simm.s32 @!p0 $0x2  }
0x3c: {  	_ =	swait.ge @!p0 [sflag:s0], s1  }
0x3d: {  	s1 =	ssub.s32 @!p0 $0x0, s1;
	[sflag:s0] =	ssyncset.done @!p0 $0x0  }
0x3e: {  	[sflag:s0] =	ssyncadd.s32 @!p0 s1  }
0x3f: {  	[bflag:$0x3] =	sbarrier.arrive $0xFFFF  }
0x40: {  	_ =	shalt  }

// kernel: kernel.29.cloned.1.call-start
scs
__scs_entry_jumppad:
0x0: {  	(pc) =	sbr.rel $0x88, $3  }
0x1: {  	(tag) =	ssettag $0x0;
	lr =	simm.s32 $0x1  }
0x2: {  	[smem:$0x3F86] =	sst lr;
	_ =	strace $0xD0000000  }
0x3: {  	_ = 	snop  }
0x4: {  	_ = 	snop  }
0x5: {  	_ = 	snop  }
0x6: {  	_ = 	snop  }
0x7: {  	_ = 	snop  }
__scs_overlays_trampoline_lowered:
0x8: {  	[smem:$0x3F95] =	sst s0  }
0x9: {  	[smem:$0x3F96] =	sst s1  }
0xa: {  	[smem:$0x3F97] =	sst s2  }
0xb: {  	[smem:$0x3F98] =	sst s3  }
0xc: {  	[smem:$0x3F99] =	sst s4  }
0xd: {  	[smem:$0x3F9A] =	sst s5  }
0xe: {  	[smem:$0x3F9B] =	sst s6  }
0xf: {  	[smem:$0x3F9C] =	sst s7  }
0x10: {  	[smem:$0x3F9D] =	sst s8  }
0x11: {  	[smem:$0x3F9E] =	sst s9;
	s0 =	simm.s32 @!p0 $0x0  }
0x12: {  	s1 =	sld [smem:$0x3F84];
	s0 =	simm.s32 @p0 $0x1  }
0x13: {  	[smem:$0x3F9F] =	sst s0;
	s0 =	simm.s32 @!p1 $0x0  }
0x14: {  	s2 =	sld [smem:$0x3F83];
	s0 =	simm.s32 @p1 $0x1  }
0x15: {  	[smem:$0x3FA0] =	sst s0;
	s0 =	simm.s32 @!p2 $0x0  }
0x16: {  	s3 =	sld [smem:$0x3FDB];
	s0 =	simm.s32 @p2 $0x1  }
0x17: {  	s4 =	simm.s32 $0x1BF5;
	[smem:$0x3FA2] =	sst s0  }
0x18: {  	s0 =	sld [smem:$0x3F85];
	_ =	swait.ge [sflag:s4], $0x0  }
0x19: {  	s7 =	sld [smem:$0x3F86]  }
0x1a: {  	s8 =	sadd.s32 $0xFFFFE003, lr  }
0x1b: {  	s9 =	sadd.s32 $0xFFFFFEF7, lr;
	s5 =	simm.s32 $0xFFFFFFFF;
	p2 =	slt.u32 s8, $0xFFFFF086  }
0x1c: {  	p1 =	slt.u32 s9, $0xF7A;
	s5 =	simm.s32 @!p2 $0x0  }
0x1d: {  	s5 =	simm.s32 @p1 $0x1;
	p0 =	seq.s32 s7, s2  }
0x1e: {  	s7 =	smul.u32 @!p0 $0xF7A, s2;
	p2 =	seq.s32 @!p0 s5, $0x0  }
0x1f: {  	s9 =	smul.u32 $0xF7A, s1;
	s8 =	simm.s32 @!p0 $0x1BF5;
	p2 =	por !p2, p0  }
0x20: {  	[sflag:s8] =	ssyncset.s32 @!p0 $0xFFFFF086;
	s6 =	sadd.s32 @!p0 s3, s7;
	s7 =	simm.s32 @!p0 $0x108  }
0x21: {  	s3 =	sadd.s32 s3, s9;
	s6 =	sadd.s32 @!p0 $0x88, s6;
	s7 =	simm.s32 @p2 $0x1082  }
0x22: {  	[simem:s7], [sflag:s8] =	dma.local @!p0 [hbm:s6], $0xF7A  }
0x23: {  	s9 =	sor.u32 $0xD0000000, s2;
	s6 =	simm.s32 $0x108;
	_ =	swait.ge @!p0 [sflag:s8], $0x0  }
0x24: {  	s3 =	sadd.s32 $0x88, s3;
	s6 =	simm.s32 @!p1 $0x1082;
	[sflag:s4] =	ssyncset.s32 $0xFFFFF086  }
0x25: {  	[simem:s6], [sflag:s4] =	dma.local [hbm:s3], $0xF7A  }
0x26: {  	[smem:$0x3F86] =	sst s1;
	(tag) =	ssettag s2;
	_ =	strace s9  }
0x27: {  	s1 =	sld [smem:$0x3F96]  }
0x28: {  	s2 =	sld [smem:$0x3F97]  }
0x29: {  	s4 =	sld [smem:$0x3F99]  }
0x2a: {  	p0 =	seq.s32 s5, $0x0;
	s5 =	sld [smem:$0x3F9A]  }
0x2b: {  	s6 =	sld [smem:$0x3F9B]  }
0x2c: {  	s7 =	sld [smem:$0x3F9C]  }
0x2d: {  	s3 =	simm.s32 $0x108;
	s8 =	sld [smem:$0x3F9D]  }
0x2e: {  	s3 =	simm.s32 @!p0 $0x1082;
	s9 =	sld [smem:$0x3F9E]  }
0x2f: {  	lr =	sadd.s32 s0, s3;
	s0 =	sld [smem:$0x3F95]  }
0x30: {  	s3 =	sld [smem:$0x3F98]  }
0x31: {  	[smem:$0x3FA1] =	sst s10  }
0x32: {  	s10 =	sld [smem:$0x3F9F];
	_ =	sdelay $0x3  }
0x33: {  	p0 =	seq.s32 s10, $0x1;
	s10 =	sld [smem:$0x3FA1];
	_ =	sdelay $0x3  }
0x34: {  	[smem:$0x3FA1] =	sst s10  }
0x35: {  	s10 =	sld [smem:$0x3FA0];
	_ =	sdelay $0x3  }
0x36: {  	p1 =	seq.s32 s10, $0x1;
	s10 =	sld [smem:$0x3FA1];
	_ =	sdelay $0x3  }
0x37: {  	[smem:$0x3FA1] =	sst s10  }
0x38: {  	s10 =	sld [smem:$0x3FA2]  }
0x39: {  	_ = 	snop;
	(pc) =	sbr.ind lr, $3  }
0x3a: {  	_ = 	snop  }
0x3b: {  	_ = 	snop  }
0x3c: {  	p2 =	seq.s32 s10, $0x1;
	s10 =	sld [smem:$0x3FA1]  }
0x3d: {  	_ =	shalt  }
0x3e: {  	_ =	shalt  }
0x3f: {  	_ =	shalt  }
0x40: {  	_ =	shalt  }
0x41: {  	_ =	shalt  }
0x42: {  	_ =	shalt  }
0x43: {  	_ =	shalt  }
0x44: {  	_ =	shalt  }
0x45: {  	_ =	shalt  }
0x46: {  	_ =	shalt  }
0x47: {  	_ =	shalt  }
0x48: {  	_ =	shalt  }
0x49: {  	_ =	shalt  }
0x4a: {  	_ =	shalt  }
0x4b: {  	_ =	shalt  }
0x4c: {  	_ =	shalt  }
0x4d: {  	_ =	shalt  }
0x4e: {  	_ =	shalt  }
0x4f: {  	_ =	shalt  }
0x50: {  	_ =	shalt  }
0x51: {  	_ =	shalt  }
0x52: {  	_ =	shalt  }
0x53: {  	_ =	shalt  }
0x54: {  	_ =	shalt  }
0x55: {  	_ =	shalt  }
0x56: {  	_ =	shalt  }
0x57: {  	_ =	shalt  }
0x58: {  	_ =	shalt  }
0x59: {  	_ =	shalt  }
0x5a: {  	_ =	shalt  }
0x5b: {  	_ =	shalt  }
0x5c: {  	_ =	shalt  }
0x5d: {  	_ =	shalt  }
0x5e: {  	_ =	shalt  }
0x5f: {  	_ =	shalt  }
0x60: {  	_ =	shalt  }
0x61: {  	_ =	shalt  }
0x62: {  	_ =	shalt  }
0x63: {  	_ =	shalt  }
0x64: {  	_ =	shalt  }
0x65: {  	_ =	shalt  }
0x66: {  	_ =	shalt  }
0x67: {  	_ =	shalt  }
0x68: {  	_ =	shalt  }
0x69: {  	_ =	shalt  }
0x6a: {  	_ =	shalt  }
0x6b: {  	_ =	shalt  }
0x6c: {  	_ =	shalt  }
0x6d: {  	_ =	shalt  }
0x6e: {  	_ =	shalt  }
0x6f: {  	_ =	shalt  }
0x70: {  	_ =	shalt  }
0x71: {  	_ =	shalt  }
0x72: {  	_ =	shalt  }
0x73: {  	_ =	shalt  }
0x74: {  	_ =	shalt  }
0x75: {  	_ =	shalt  }
0x76: {  	_ =	shalt  }
0x77: {  	_ =	shalt  }
0x78: {  	_ =	shalt  }
0x79: {  	_ =	shalt  }
0x7a: {  	_ =	shalt  }
0x7b: {  	_ =	shalt  }
0x7c: {  	_ =	shalt  }
0x7d: {  	_ =	shalt  }
0x7e: {  	_ =	shalt  }
0x7f: {  	_ =	shalt  }
0x80: {  	_ =	shalt  }
0x81: {  	_ =	shalt  }
0x82: {  	_ =	shalt  }
0x83: {  	_ =	shalt  }
0x84: {  	_ =	shalt  }
0x85: {  	_ =	shalt  }
0x86: {  	_ =	shalt  }
0x87: {  	_ =	shalt  }
.Lfunc_end0:
.L_simem_size_0:
called_computation.3_lowered:
.L_overlay_start_0:
0x88: {  	s2 =	sld [smem:$0x3FD9]  }
0x89: {  	s3 =	sld [smem:$0x3FFE];
	_ =	sdelay $0x1  }
0x8a: {  	s1 =	srdreg.scid  }
0x8b: {  	s0 =	sand.u32 $0x1, s1  }
0x8c: {  	s16 =	sshll.u32 s0, $0xA;
	s2 =	sadd.s32 s3, s2  }
0x8d: {  	s2 =	sadd.s32 s2, s16  }
0x8e: {  	[smem:$0x3FAD] =	sst s2  }
0x8f: {  	_ = 	snop  }
0x90: {  	(tm) =	ssettm $0x1  }
0x91: {  	s17 =	sld [smem:$0x3FFB];
	_ =	sdelay $0x3  }
0x92: {  	_ =	strace s17  }
0x93: {  	s2 =	sld [smem:$0x3FFC];
	_ =	sdelay $0x3  }
0x94: {  	_ =	strace s2  }
0x95: {  	s2 =	sld [smem:$0x3FFD];
	_ =	sdelay $0x3  }
0x96: {  	_ =	strace s2  }
0x97: {  	_ =	strace $0x8FFFFFFF  }
0x98: {  	s18 =	sld [smem:$0x3FDB];
	_ =	sdelay $0x1  }
0x99: {  	s19 =	simm.s32 $_scs_section_size  }
0x9a: {  	s4 =	simm.s32 $_size__tile_overlayer_lowered;
	s5 =	simm.s32 $_tile_overlayer_lowered  }
0x9b: {  	s22 =	simm.s32 $0x1BFF;
	s21 =	sshll.u32 s5, $0x1;
	s2 =	sadd.s32 s19, s18  }
0x9c: {  	s6 =	simm.s32 $0x0;
	s20 =	sshll.u32 s4, $0x1;
	s4 =	sadd.s32 s21, s2  }
0x9d: {  	[timem:s6], [sflag:s22] =	dma.local [hbm:s4], s20  }
0x9e: {  	_ =	swait.ge [sflag:s22], s20  }
0x9f: {  	s3 =	ssub.s32 $0x0, s20;
	[sflag:s22] =	ssyncset.done $0x0  }
0xa0: {  	[sflag:s22] =	ssyncadd.s32 s3;
	_ =	sdelay $0x1  }
0xa1: {  	s23 =	simm.s32 $0x1B8B  }
0xa2: {  	_ =	swait.ge [sflag:s23], $0x1  }
0xa3: {  	[sflag:s23] =	ssyncset.done $0x0  }
0xa4: {  	s25 =	simm.s32 $0x1B8E;
	s24 =	sld [smem:$0x3FFE];
	[sflag:s23] =	ssyncadd.s32 $0xFFFFFFFF  }
0xa5: {  	s26 =	simm.s32 $execute0_lowered;
	[smem:$0x3FD2] =	sst s25  }
0xa6: {  	s4 =	sshll.u32 s26, $0x1;
	_ =	strace $0x8000004F;
	[dreg:$0x1] =	wrdreg $0xFFFFFFFF  }
0xa7: {  	s28 =	simm.s32 $_size_execute0_lowered;
	s2 =	sadd.s32 s2, s4;
	[dreg:$0x0] =	wrdreg $0x0  }
0xa8: {  	s4 =	sshll.u32 s28, $0x1;
	[dreg:$0x2] =	wrdreg s2  }
0xa9: {  	[dreg:$0x3] =	wrdreg s4  }
0xaa: {  	[dreg:$0x4] =	wrdreg $0xC0  }
0xab: {  	_ =	task [dreg:s6], $0x5FFFF  }
0xac: {  	[dreg:$0x1] =	wrdreg $0xFFFFFFFF  }
0xad: {  	[dreg:$0x0] =	wrdreg $0x60  }
0xae: {  	[dreg:$0x2] =	wrdreg s24  }
0xaf: {  	[dreg:$0x3] =	wrdreg $0x0  }
0xb0: {  	[dreg:$0x4] =	wrdreg $0x9  }
0xb1: {  	_ =	task.clear_ibuf [dreg:s6], $0x5FFFF;
	_ =	strace $0x9000004F  }
0xb2: {  	s29 =	simm.s32 $0x9;
	_ =	strace $0x80000051  }
0xb3: {  	_ =	swait.ge [sflag:s29], $0x1  }
0xb4: {  	[sflag:s29] =	ssyncadd.s32 $0xFFFFFFFF  }
0xb5: {  	_ =	strace $0x90000051  }
0xb6: {  	_ =	sfence  }
0xb7: {  	s30 =	sld [smem:$0x0];
	_ =	sdelay $0x2  }
0xb8: {  	s31 =	sshll.u32 s1, $0xD;
	s1 =	sshrl.u32 s1, $0x2  }
0xb9: {  	s3 =	sand.u32 $0x4000, s31;
	s1 =	sadd.s32 s1, s30  }
0xba: {  	s0 =	sor.u32 s3, s0;
	s1 =	sshll.u32 s1, $0x11  }
0xbb: {  	s0 =	sor.u32 s1, s0  }
0xbc: {  	s0 =	sadd.s32 $0x8F2B, s0  }
0xbd: {  	[sflag:s0] =	ssyncadd.remote.s32 $0x1  }
0xbe: {  	_ =	sfence.sel $0xFFFF  }
0xbf: {  	[dreg:$0x0] =	wrdreg $0xFFFFFFFF;
	(pc) =	sbr.abs _section_cstart, $3  }
0xc0: {  	[dreg:$0x1] =	wrdreg $0xFFFFFFFF  }
0xc1: {  	_ =	task.clear_ibuf [dreg:s6], $0x2FFFF;
	_ =	strace $0x9FFFFFFF  }
0xc2: {  	(tm) =	ssettm $0x7FFFFFFF  }
0xc3: {  	_ =	shalt  }
tec
execute0_lowered:
.L_overlay_start_1:
0x0: {  	(tag) =	ssettag $0x1  }
0x1: {  	s5 =	rddreg [dreg:$0x0]  }
0x2: {  	s1 =	rddreg [dreg:$0x1]  }
0x3: {  	s0 =	rddreg [dreg:$0x2];
	s3 =	simm.s32 $0x0;
	s2 =	stileid.u32  }
0x4: {  	s6 =	srdreg.scid;
	[smem:$0x7FF] =	sst s3;
	s9 =	sadd.s32 $0xD44C00, s5  }
0x5: {  	s7 =	sadd.s32 $0xFB5C00, s5;
	s4 =	sshll.u32 s2, $0x4;
	s10 =	smul.u32 $0x50000, s2  }
0x6: {  	s6 =	sand.u32 $0x1, s6;
	s11 =	sadd.s32 $0x619C00, s5;
	s13 =	sadd.s32 $0x92AC00, s5  }
0x7: {  	s30 =	sshll.u32 s2, $0x6;
	s14 =	smul.u32 $0x2800, s2;
	s31 =	sshll.u32 s2, $0xB  }
0x8: {  	_ =	strace $0x80000050;
	s8 =	sadd.s32 s4, s5;
	s4 =	sadd.s32 $0x3DE00, s5  }
0x9: {  	s12 =	ssub.s32 $0x2, s6;
	s5 =	sor.u32 $0x1C01, s30;
	p0 =	seq.s32 s6, $0x1  }
0xa: {  	s29 =	sshrl.u32 s12, $0x1;
	s10 =	sshrl.u32 s10, $0x2;
	s9 =	smov.u32 @p0 s7  }
0xb: {  	s11 =	smov.u32 @p0 s13;
	s8 =	sadd.s32 $0xBE00, s8;
	s12 =	ssub.s32 s12, s29  }
0xc: {  	s10 =	sadd.s32 s10, s1;
	s7 =	sadd.s32 s11, s14;
	s9 =	sadd.s32 s31, s9  }
0xd: {  	s11 =	simm.s32 $0x1;
	s6 =	smax.u32 s12, $0x1;
	s10 =	sshrl.u32 s10, $0x3  }
.LBB2_1:
0xe: {  	[spmem:s10], [sflag:s5] =	dma.local [hbm:s4], $0x2800  }
0xf: {  	s12 =	sadd.s32 $0x0, s2;
	_ =	swait.ge [sflag:s11], $0x2800  }
0x10: {  	p0 =	sgt.u32 s12, $0x4E1;
	[sflag:s11] =	ssyncset.done $0x0  }
0x11: {  	s12 =	simm.s32 @!p0 $0x0;
	[sflag:s11] =	ssyncadd.s32 $0xFFFFD800  }
0x12: {  	s14 =	simm.s32 @!p0 $0x14000;
	s15 =	simm.s32 @!p0 $0x2;
	[bflag:$0x0] =	sbarrier.arrive $0xFFFF  }
0x13: {  	[tilespmem:s14], [sflag:$0x2] =	stream.linear.gather @!p0 [hbm4b:s8+s12], $0x80, $0x38;
	[tilespmem:$0x18080] =	vst v63  }
0x14: {  	_ =	swait.ge @!p0 [sflag:s15], $0x80;
	p0 =	por p0, p0  }
0x15: {  	[sflag:s15] =	ssyncset.done @!p0 $0x0  }
0x16: {  	s16 =	simm.s32 @!p0 $0x14080;
	[sflag:s15] =	ssyncadd.s32 @!p0 $0xFFFFFF80  }
0x17: {  	[tilespmem:s16], [sflag:$0x2] =	stream.linear.gather @!p0 [hbm4b:s9+s12], $0x4000, $0x38;
	[tilespmem:$0x18080] =	vst v63  }
0x18: {  	s31 =	sadd.s32 $0x10, s2;
	_ =	swait.ge @!p0 [sflag:s15], $0x4000  }
0x19: {  	s13 =	simm.s32 $0x20;
	p1 =	sgt.u32 s31, $0x4E1;
	[sflag:s15] =	ssyncset.done @!p0 $0x0  }
0x1a: {  	s12 =	simm.s32 @!p0 $0x80;
	[sflag:s15] =	ssyncadd.s32 @!p0 $0xFFFFC000;
	s15 =	simm.s32 @!p0 $0x1  }
0x1b: {  	[spmem:s1] =	stream.indirect.scatter.add.f32 @!p0 [tilespmem:s16], [sflag:$0x1], $0x80, s14, s12, $0xb8;
	[tilespmem:$0x18080] =	vst v63  }
0x1c: {  	s12 =	sadd.s32 $0x8000, s9;
	s14 =	sadd.s32 $0x100, s8;
	_ =	swait.ge @!p0 [sflag:s15], $0x4000  }
.LBB2_2:
0x1d: {  	s16 =	simm.s32 @!p1 $0x0  }
0x1e: {  	s17 =	simm.s32 @!p1 $0x14000;
	[sflag:s15] =	ssyncset.done @!p0 $0x0;
	s18 =	smov.u32 s13  }
0x1f: {  	s13 =	sadd.s32 $0x10, s13;
	s19 =	simm.s32 @!p1 $0x2;
	[sflag:s15] =	ssyncadd.s32 @!p0 $0xFFFFC000  }
0x20: {  	[tilespmem:s17], [sflag:$0x2] =	stream.linear.gather @!p1 [hbm4b:s14+s16], $0x80, $0x38;
	[tilespmem:$0x18080] =	vst v63  }
0x21: {  	p2 =	sne.s32 s13, $0x4F0;
	p0 =	por p1, p1;
	_ =	swait.ge @!p1 [sflag:s19], $0x80  }
0x22: {  	[sflag:s19] =	ssyncset.done @!p0 $0x0  }
0x23: {  	s20 =	simm.s32 @!p0 $0x14080;
	[sflag:s19] =	ssyncadd.s32 @!p0 $0xFFFFFF80  }
0x24: {  	[tilespmem:s20], [sflag:$0x2] =	stream.linear.gather @!p0 [hbm4b:s12+s16], $0x4000, $0x38;
	[tilespmem:$0x18080] =	vst v63  }
.Ltmp0:
0x25: {  	_ =	swait.ge @!p0 [sflag:s19], $0x4000;
	(pc) =	sbr.rel @p2 .LBB2_2-.Ltmp0, $4  }
0x26: {  	s15 =	simm.s32 @!p0 $0x1;
	s12 =	sadd.s32 $0x8000, s12;
	[sflag:s19] =	ssyncset.done @!p0 $0x0  }
0x27: {  	s16 =	sadd.s32 s18, s2;
	s18 =	simm.s32 @!p0 $0x80;
	[sflag:s19] =	ssyncadd.s32 @!p0 $0xFFFFC000  }
0x28: {  	[spmem:s1] =	stream.indirect.scatter.add.f32 @!p0 [tilespmem:s20], [sflag:$0x1], $0x80, s17, s18, $0xb8;
	[tilespmem:$0x18080] =	vst v63  }
0x29: {  	s14 =	sadd.s32 $0x100, s14;
	p1 =	sgt.u32 s16, $0x4E1;
	_ =	swait.ge @!p0 [sflag:s15], $0x4000  }
0x2a: {  	s13 =	simm.s32 @!p1 $0x0;
	[sflag:s15] =	ssyncset.done @!p0 $0x0  }
0x2b: {  	s16 =	simm.s32 @!p1 $0x14000;
	s17 =	simm.s32 @!p1 $0x2;
	[sflag:s15] =	ssyncadd.s32 @!p0 $0xFFFFC000  }
0x2c: {  	[tilespmem:s16], [sflag:$0x2] =	stream.linear.gather @!p1 [hbm4b:s14+s13], $0x80, $0x38;
	[tilespmem:$0x18080] =	vst v63  }
0x2d: {  	p0 =	por p1, p1;
	_ =	swait.ge @!p1 [sflag:s17], $0x80  }
0x2e: {  	[sflag:s17] =	ssyncset.done @!p0 $0x0  }
0x2f: {  	s14 =	simm.s32 @!p0 $0x14080;
	[sflag:s17] =	ssyncadd.s32 @!p0 $0xFFFFFF80  }
0x30: {  	[tilespmem:s14], [sflag:$0x2] =	stream.linear.gather @!p0 [hbm4b:s12+s13], $0x4000, $0x38;
	[tilespmem:$0x18080] =	vst v63  }
0x31: {  	_ =	swait.ge @!p0 [sflag:s17], $0x4000  }
0x32: {  	[sflag:s17] =	ssyncset.done @!p0 $0x0  }
0x33: {  	s12 =	simm.s32 @!p0 $0x1;
	s13 =	simm.s32 @!p0 $0x80;
	[sflag:s17] =	ssyncadd.s32 @!p0 $0xFFFFC000  }
0x34: {  	[spmem:s1] =	stream.indirect.scatter.add.f32 @!p0 [tilespmem:s14], [sflag:$0x1], $0x80, s16, s13, $0xb8;
	[tilespmem:$0x18080] =	vst v63  }
0x35: {  	_ =	swait.ge @!p0 [sflag:s12], $0x4000  }
0x36: {  	s3 =	sadd.s32 $0x1, s3;
	[sflag:s12] =	ssyncset.done @!p0 $0x0  }
0x37: {  	[sflag:s12] =	ssyncadd.s32 @!p0 $0xFFFFC000;
	p0 =	sne.s32 s3, s6  }
.Ltmp1:
0x38: {  	[bflag:$0x0] =	sbarrier.arrive $0xFFFF;
	(pc) =	sbr.rel @p0 .LBB2_1-.Ltmp1, $4  }
0x39: {  	[hbm:s7], [sflag:s5] =	dma.local [spmem:s10], $0x2800  }
0x3a: {  	_ =	swait.ge [sflag:s11], $0x2800  }
0x3b: {  	[sflag:s11] =	ssyncset.done $0x0  }
0x3c: {  	[sflag:s11] =	ssyncadd.s32 $0xFFFFD800  }
0x3d: {  	_ =	sfence.sel $0x180000  }
0x3e: {  	[bflag:$0x0] =	sbarrier.arrive $0xFFFF  }
0x3f: {  	p0 =	sne.s32 s2, $0x0;
	_ =	strace $0x90000050  }
0x40: {  	s0 =	sadd.s32 @!p0 $0x100000, s0;
	[bflag:$0x2] =	sbarrier.arrive $0xFFFF  }
0x41: {  	[sflag:s0] =	ssyncadd.tile.s32 @!p0 $0x1;
	_ =	shalt  }
.Lfunc_end2:
_tile_overlayer_lowered:
.L_overlay_start_2:
0x42: {  	(tag) =	ssettag $0x2  }
0x43: {  	s0 =	rddreg [dreg:$0x0];
	s2 =	stileid.u32  }
0x44: {  	s1 =	rddreg [dreg:$0x1];
	p0 =	sne.s32 s2, $0x0  }
0x45: {  	s3 =	rddreg [dreg:$0x2];
	[bflag:$0x3] =	sbarrier.arrive $0xFFFF;
	s2 =	simm.s32 @!p0 $0x1C01  }
0x46: {  	[timem:s3], [sflag:s2] =	dma.local @!p0 [hbm:s0], s1  }
0x47: {  	s0 =	simm.s32 @!p0 $0x1  }
0x48: {  	_ =	swait.ge @!p0 [sflag:s0], s1  }
0x49: {  	s1 =	ssub.s32 @!p0 $0x0, s1;
	[sflag:s0] =	ssyncset.done @!p0 $0x0  }
0x4a: {  	[sflag:s0] =	ssyncadd.s32 @!p0 s1  }
0x4b: {  	[bflag:$0x3] =	sbarrier.arrive $0xFFFF  }
0x4c: {  	_ =	shalt  }

// kernel: kernel.32.cloned.1.call-start
scs
__scs_entry_jumppad:
0x0: {  	(pc) =	sbr.rel $0x88, $3  }
0x1: {  	(tag) =	ssettag $0x0;
	lr =	simm.s32 $0x1  }
0x2: {  	[smem:$0x3F86] =	sst lr;
	_ =	strace $0xD0000000  }
0x3: {  	_ = 	snop  }
0x4: {  	_ = 	snop  }
0x5: {  	_ = 	snop  }
0x6: {  	_ = 	snop  }
0x7: {  	_ = 	snop  }
__scs_overlays_trampoline_lowered:
0x8: {  	[smem:$0x3F95] =	sst s0  }
0x9: {  	[smem:$0x3F96] =	sst s1  }
0xa: {  	[smem:$0x3F97] =	sst s2  }
0xb: {  	[smem:$0x3F98] =	sst s3  }
0xc: {  	[smem:$0x3F99] =	sst s4  }
0xd: {  	[smem:$0x3F9A] =	sst s5  }
0xe: {  	[smem:$0x3F9B] =	sst s6  }
0xf: {  	[smem:$0x3F9C] =	sst s7  }
0x10: {  	[smem:$0x3F9D] =	sst s8  }
0x11: {  	[smem:$0x3F9E] =	sst s9;
	s0 =	simm.s32 @!p0 $0x0  }
0x12: {  	s1 =	sld [smem:$0x3F84];
	s0 =	simm.s32 @p0 $0x1  }
0x13: {  	[smem:$0x3F9F] =	sst s0;
	s0 =	simm.s32 @!p1 $0x0  }
0x14: {  	s2 =	sld [smem:$0x3F83];
	s0 =	simm.s32 @p1 $0x1  }
0x15: {  	[smem:$0x3FA0] =	sst s0;
	s0 =	simm.s32 @!p2 $0x0  }
0x16: {  	s3 =	sld [smem:$0x3FDB];
	s0 =	simm.s32 @p2 $0x1  }
0x17: {  	s4 =	simm.s32 $0x1BF5;
	[smem:$0x3FA2] =	sst s0  }
0x18: {  	s0 =	sld [smem:$0x3F85];
	_ =	swait.ge [sflag:s4], $0x0  }
0x19: {  	s7 =	sld [smem:$0x3F86]  }
0x1a: {  	s8 =	sadd.s32 $0xFFFFE003, lr  }
0x1b: {  	s9 =	sadd.s32 $0xFFFFFEF7, lr;
	s5 =	simm.s32 $0xFFFFFFFF;
	p2 =	slt.u32 s8, $0xFFFFF086  }
0x1c: {  	p1 =	slt.u32 s9, $0xF7A;
	s5 =	simm.s32 @!p2 $0x0  }
0x1d: {  	s5 =	simm.s32 @p1 $0x1;
	p0 =	seq.s32 s7, s2  }
0x1e: {  	s7 =	smul.u32 @!p0 $0xF7A, s2;
	p2 =	seq.s32 @!p0 s5, $0x0  }
0x1f: {  	s9 =	smul.u32 $0xF7A, s1;
	s8 =	simm.s32 @!p0 $0x1BF5;
	p2 =	por !p2, p0  }
0x20: {  	[sflag:s8] =	ssyncset.s32 @!p0 $0xFFFFF086;
	s6 =	sadd.s32 @!p0 s3, s7;
	s7 =	simm.s32 @!p0 $0x108  }
0x21: {  	s3 =	sadd.s32 s3, s9;
	s6 =	sadd.s32 @!p0 $0x88, s6;
	s7 =	simm.s32 @p2 $0x1082  }
0x22: {  	[simem:s7], [sflag:s8] =	dma.local @!p0 [hbm:s6], $0xF7A  }
0x23: {  	s9 =	sor.u32 $0xD0000000, s2;
	s6 =	simm.s32 $0x108;
	_ =	swait.ge @!p0 [sflag:s8], $0x0  }
0x24: {  	s3 =	sadd.s32 $0x88, s3;
	s6 =	simm.s32 @!p1 $0x1082;
	[sflag:s4] =	ssyncset.s32 $0xFFFFF086  }
0x25: {  	[simem:s6], [sflag:s4] =	dma.local [hbm:s3], $0xF7A  }
0x26: {  	[smem:$0x3F86] =	sst s1;
	(tag) =	ssettag s2;
	_ =	strace s9  }
0x27: {  	s1 =	sld [smem:$0x3F96]  }
0x28: {  	s2 =	sld [smem:$0x3F97]  }
0x29: {  	s4 =	sld [smem:$0x3F99]  }
0x2a: {  	p0 =	seq.s32 s5, $0x0;
	s5 =	sld [smem:$0x3F9A]  }
0x2b: {  	s6 =	sld [smem:$0x3F9B]  }
0x2c: {  	s7 =	sld [smem:$0x3F9C]  }
0x2d: {  	s3 =	simm.s32 $0x108;
	s8 =	sld [smem:$0x3F9D]  }
0x2e: {  	s3 =	simm.s32 @!p0 $0x1082;
	s9 =	sld [smem:$0x3F9E]  }
0x2f: {  	lr =	sadd.s32 s0, s3;
	s0 =	sld [smem:$0x3F95]  }
0x30: {  	s3 =	sld [smem:$0x3F98]  }
0x31: {  	[smem:$0x3FA1] =	sst s10  }
0x32: {  	s10 =	sld [smem:$0x3F9F];
	_ =	sdelay $0x3  }
0x33: {  	p0 =	seq.s32 s10, $0x1;
	s10 =	sld [smem:$0x3FA1];
	_ =	sdelay $0x3  }
0x34: {  	[smem:$0x3FA1] =	sst s10  }
0x35: {  	s10 =	sld [smem:$0x3FA0];
	_ =	sdelay $0x3  }
0x36: {  	p1 =	seq.s32 s10, $0x1;
	s10 =	sld [smem:$0x3FA1];
	_ =	sdelay $0x3  }
0x37: {  	[smem:$0x3FA1] =	sst s10  }
0x38: {  	s10 =	sld [smem:$0x3FA2]  }
0x39: {  	_ = 	snop;
	(pc) =	sbr.ind lr, $3  }
0x3a: {  	_ = 	snop  }
0x3b: {  	_ = 	snop  }
0x3c: {  	p2 =	seq.s32 s10, $0x1;
	s10 =	sld [smem:$0x3FA1]  }
0x3d: {  	_ =	shalt  }
0x3e: {  	_ =	shalt  }
0x3f: {  	_ =	shalt  }
0x40: {  	_ =	shalt  }
0x41: {  	_ =	shalt  }
0x42: {  	_ =	shalt  }
0x43: {  	_ =	shalt  }
0x44: {  	_ =	shalt  }
0x45: {  	_ =	shalt  }
0x46: {  	_ =	shalt  }
0x47: {  	_ =	shalt  }
0x48: {  	_ =	shalt  }
0x49: {  	_ =	shalt  }
0x4a: {  	_ =	shalt  }
0x4b: {  	_ =	shalt  }
0x4c: {  	_ =	shalt  }
0x4d: {  	_ =	shalt  }
0x4e: {  	_ =	shalt  }
0x4f: {  	_ =	shalt  }
0x50: {  	_ =	shalt  }
0x51: {  	_ =	shalt  }
0x52: {  	_ =	shalt  }
0x53: {  	_ =	shalt  }
0x54: {  	_ =	shalt  }
0x55: {  	_ =	shalt  }
0x56: {  	_ =	shalt  }
0x57: {  	_ =	shalt  }
0x58: {  	_ =	shalt  }
0x59: {  	_ =	shalt  }
0x5a: {  	_ =	shalt  }
0x5b: {  	_ =	shalt  }
0x5c: {  	_ =	shalt  }
0x5d: {  	_ =	shalt  }
0x5e: {  	_ =	shalt  }
0x5f: {  	_ =	shalt  }
0x60: {  	_ =	shalt  }
0x61: {  	_ =	shalt  }
0x62: {  	_ =	shalt  }
0x63: {  	_ =	shalt  }
0x64: {  	_ =	shalt  }
0x65: {  	_ =	shalt  }
0x66: {  	_ =	shalt  }
0x67: {  	_ =	shalt  }
0x68: {  	_ =	shalt  }
0x69: {  	_ =	shalt  }
0x6a: {  	_ =	shalt  }
0x6b: {  	_ =	shalt  }
0x6c: {  	_ =	shalt  }
0x6d: {  	_ =	shalt  }
0x6e: {  	_ =	shalt  }
0x6f: {  	_ =	shalt  }
0x70: {  	_ =	shalt  }
0x71: {  	_ =	shalt  }
0x72: {  	_ =	shalt  }
0x73: {  	_ =	shalt  }
0x74: {  	_ =	shalt  }
0x75: {  	_ =	shalt  }
0x76: {  	_ =	shalt  }
0x77: {  	_ =	shalt  }
0x78: {  	_ =	shalt  }
0x79: {  	_ =	shalt  }
0x7a: {  	_ =	shalt  }
0x7b: {  	_ =	shalt  }
0x7c: {  	_ =	shalt  }
0x7d: {  	_ =	shalt  }
0x7e: {  	_ =	shalt  }
0x7f: {  	_ =	shalt  }
0x80: {  	_ =	shalt  }
0x81: {  	_ =	shalt  }
0x82: {  	_ =	shalt  }
0x83: {  	_ =	shalt  }
0x84: {  	_ =	shalt  }
0x85: {  	_ =	shalt  }
0x86: {  	_ =	shalt  }
0x87: {  	_ =	shalt  }
.Lfunc_end0:
.L_simem_size_0:
called_computation.4_lowered:
.L_overlay_start_0:
0x88: {  	s2 =	sld [smem:$0x3FD9]  }
0x89: {  	s3 =	sld [smem:$0x3FFE];
	_ =	sdelay $0x1  }
0x8a: {  	s1 =	srdreg.scid  }
0x8b: {  	s0 =	sand.u32 $0x1, s1  }
0x8c: {  	s16 =	sshll.u32 s0, $0xA;
	s2 =	sadd.s32 s3, s2  }
0x8d: {  	s2 =	sadd.s32 s2, s16  }
0x8e: {  	[smem:$0x3FAD] =	sst s2  }
0x8f: {  	_ = 	snop  }
0x90: {  	(tm) =	ssettm $0x1  }
0x91: {  	s17 =	sld [smem:$0x3FFB];
	_ =	sdelay $0x3  }
0x92: {  	_ =	strace s17  }
0x93: {  	s2 =	sld [smem:$0x3FFC];
	_ =	sdelay $0x3  }
0x94: {  	_ =	strace s2  }
0x95: {  	s2 =	sld [smem:$0x3FFD];
	_ =	sdelay $0x3  }
0x96: {  	_ =	strace s2  }
0x97: {  	_ =	strace $0x8FFFFFFF  }
0x98: {  	s18 =	sld [smem:$0x3FDB];
	_ =	sdelay $0x1  }
0x99: {  	s19 =	simm.s32 $_scs_section_size  }
0x9a: {  	s4 =	simm.s32 $_size__tile_overlayer_lowered;
	s5 =	simm.s32 $_tile_overlayer_lowered  }
0x9b: {  	s22 =	simm.s32 $0x1BFF;
	s21 =	sshll.u32 s5, $0x1;
	s2 =	sadd.s32 s19, s18  }
0x9c: {  	s6 =	simm.s32 $0x0;
	s20 =	sshll.u32 s4, $0x1;
	s4 =	sadd.s32 s21, s2  }
0x9d: {  	[timem:s6], [sflag:s22] =	dma.local [hbm:s4], s20  }
0x9e: {  	_ =	swait.ge [sflag:s22], s20  }
0x9f: {  	s3 =	ssub.s32 $0x0, s20;
	[sflag:s22] =	ssyncset.done $0x0  }
0xa0: {  	[sflag:s22] =	ssyncadd.s32 s3;
	_ =	sdelay $0x1  }
0xa1: {  	s23 =	simm.s32 $0x1B8B  }
0xa2: {  	_ =	swait.ge [sflag:s23], $0x1  }
0xa3: {  	[sflag:s23] =	ssyncset.done $0x0  }
0xa4: {  	s25 =	simm.s32 $0x1B8E;
	s24 =	sld [smem:$0x3FFE];
	[sflag:s23] =	ssyncadd.s32 $0xFFFFFFFF  }
0xa5: {  	s26 =	simm.s32 $execute0_lowered;
	[smem:$0x3FD2] =	sst s25  }
0xa6: {  	s4 =	sshll.u32 s26, $0x1;
	_ =	strace $0x80000052;
	[dreg:$0x1] =	wrdreg $0xFFFFFFFF  }
0xa7: {  	s28 =	simm.s32 $_size_execute0_lowered;
	s2 =	sadd.s32 s2, s4;
	[dreg:$0x0] =	wrdreg $0x0  }
0xa8: {  	s4 =	sshll.u32 s28, $0x1;
	[dreg:$0x2] =	wrdreg s2  }
0xa9: {  	[dreg:$0x3] =	wrdreg s4  }
0xaa: {  	[dreg:$0x4] =	wrdreg $0xC0  }
0xab: {  	_ =	task [dreg:s6], $0x5FFFF  }
0xac: {  	[dreg:$0x1] =	wrdreg $0xFFFFFFFF  }
0xad: {  	[dreg:$0x0] =	wrdreg $0x60  }
0xae: {  	[dreg:$0x2] =	wrdreg s24  }
0xaf: {  	[dreg:$0x3] =	wrdreg $0x9  }
0xb0: {  	_ =	task.clear_ibuf [dreg:s6], $0x4FFFF;
	_ =	strace $0x90000052  }
0xb1: {  	s29 =	simm.s32 $0x9;
	_ =	strace $0x80000054  }
0xb2: {  	_ =	swait.ge [sflag:s29], $0x1  }
0xb3: {  	[sflag:s29] =	ssyncadd.s32 $0xFFFFFFFF  }
0xb4: {  	_ =	strace $0x90000054  }
0xb5: {  	_ =	sfence  }
0xb6: {  	s30 =	sld [smem:$0x0];
	_ =	sdelay $0x2  }
0xb7: {  	s31 =	sshll.u32 s1, $0xD;
	s1 =	sshrl.u32 s1, $0x2  }
0xb8: {  	s3 =	sand.u32 $0x4000, s31;
	s1 =	sadd.s32 s1, s30  }
0xb9: {  	s0 =	sor.u32 s3, s0;
	s1 =	sshll.u32 s1, $0x11  }
0xba: {  	s0 =	sor.u32 s1, s0  }
0xbb: {  	s0 =	sadd.s32 $0x8F2B, s0  }
0xbc: {  	[sflag:s0] =	ssyncadd.remote.s32 $0x1  }
0xbd: {  	_ =	sfence.sel $0xFFFF  }
0xbe: {  	[dreg:$0x0] =	wrdreg $0xFFFFFFFF;
	(pc) =	sbr.abs _section_cstart, $3  }
0xbf: {  	[dreg:$0x1] =	wrdreg $0xFFFFFFFF  }
0xc0: {  	_ =	task.clear_ibuf [dreg:s6], $0x2FFFF;
	_ =	strace $0x9FFFFFFF  }
0xc1: {  	(tm) =	ssettm $0x7FFFFFFF  }
tec
execute0_lowered:
.L_overlay_start_1:
0x0: {  	(tag) =	ssettag $0x1  }
0x1: {  	s4 =	rddreg [dreg:$0x0]  }
0x2: {  	s0 =	rddreg [dreg:$0x1];
	s1 =	simm.s32 $0x0;
	s5 =	srdreg.scid  }
0x3: {  	s2 =	stileid.u32;
	[smem:$0x7FF] =	sst s1  }
0x4: {  	s3 =	sadd.s32 $0x15E00, s4;
	s5 =	sand.u32 $0x1, s5;
	s6 =	sshll.u32 s2, $0x5  }
0x5: {  	s7 =	sshll.u32 s2, $0xC;
	_ =	strace $0x80000053;
	s8 =	ssub.s32 $0x2, s5  }
0x6: {  	s6 =	sadd.s32 s6, s4;
	s7 =	sadd.s32 s7, s4;
	s9 =	sshll.u32 s5, $0xB  }
0x7: {  	s5 =	sshll.u32 s5, $0x4;
	s4 =	sshll.u32 s2, $0x1;
	s30 =	sshrl.u32 s8, $0x1  }
0x8: {  	s7 =	sadd.s32 s9, s7;
	s31 =	sadd.s32 s5, s6;
	s8 =	ssub.s32 s8, s30  }
0x9: {  	s6 =	sadd.s32 $0xD44C00, s7;
	s7 =	sadd.s32 $0xBE00, s31;
	s5 =	smax.u32 s8, $0x1  }
.LBB2_1:
0xa: {  	s8 =	sadd.s32 $0x0, s4  }
0xb: {  	p0 =	sgt.u32 s8, $0x4E1  }
0xc: {  	s8 =	simm.s32 @!p0 $0x0;
	s9 =	simm.s32 @!p0 $0x3  }
0xd: {  	[tilespmem:s8], [sflag:$0x3] =	stream.linear.gather @!p0 [hbm4b:s7+s8], $0x80, $0x38;
	[tilespmem:$0x4080] =	vst v63  }
0xe: {  	_ =	swait.ge @!p0 [sflag:s9], $0x80  }
0xf: {  	[sflag:s9] =	ssyncset.done @!p0 $0x0;
	p0 =	por p0, p0  }
0x10: {  	[sflag:s9] =	ssyncadd.s32 @!p0 $0xFFFFFF80;
	s10 =	simm.s32 @!p0 $0x80;
	s11 =	simm.s32 @!p0 $0x1  }
0x11: {  	[tilespmem:s10], [sflag:$0x1] =	stream.indirect.gather @!p0 [hbm4b:s3+s10], $0x80, s8, s10, $0xb8;
	[tilespmem:$0x4080] =	vst v63  }
0x12: {  	_ =	swait.ge @!p0 [sflag:s11], $0x4000  }
0x13: {  	[sflag:s11] =	ssyncset.done @!p0 $0x0  }
0x14: {  	s31 =	sadd.s32 $0x20, s4;
	[sflag:s11] =	ssyncadd.s32 @!p0 $0xFFFFC000;
	s11 =	simm.s32 @!p0 $0x2  }
0x15: {  	[hbm4b:s6+s8] =	stream.linear.scatter @!p0 [tilespmem:s10], [sflag:$0x2], $0x4000, $0x38;
	[tilespmem:$0x4080] =	vst v63  }
0x16: {  	p1 =	sgt.u32 s31, $0x4E1;
	s9 =	simm.s32 $0x40;
	_ =	swait.ge @!p0 [sflag:s11], $0x4000  }
0x17: {  	s10 =	sadd.s32 $0x200, s7;
	s8 =	sadd.s32 $0x10000, s6;
	[sflag:s11] =	ssyncset.done @!p0 $0x0  }
.LBB2_2:
0x18: {  	s12 =	simm.s32 @!p1 $0x0;
	s13 =	simm.s32 @!p1 $0x3;
	[sflag:s11] =	ssyncadd.s32 @!p0 $0xFFFFC000  }
0x19: {  	[tilespmem:s12], [sflag:$0x3] =	stream.linear.gather @!p1 [hbm4b:s10+s12], $0x80, $0x38;
	[tilespmem:$0x4080] =	vst v63  }
0x1a: {  	s14 =	smov.u32 s9;
	s9 =	sadd.s32 $0x20, s9;
	_ =	swait.ge @!p1 [sflag:s13], $0x80  }
0x1b: {  	p0 =	por p1, p1;
	p2 =	sne.s32 s9, $0x500;
	[sflag:s13] =	ssyncset.done @!p1 $0x0  }
0x1c: {  	s11 =	simm.s32 @!p0 $0x1;
	[sflag:s13] =	ssyncadd.s32 @!p0 $0xFFFFFF80;
	s13 =	simm.s32 @!p0 $0x80  }
0x1d: {  	[tilespmem:s13], [sflag:$0x1] =	stream.indirect.gather @!p0 [hbm4b:s3+s13], $0x80, s12, s13, $0xb8;
	[tilespmem:$0x4080] =	vst v63  }
0x1e: {  	_ =	swait.ge @!p0 [sflag:s11], $0x4000  }
.Ltmp0:
0x1f: {  	[sflag:s11] =	ssyncset.done @!p0 $0x0;
	(pc) =	sbr.rel @p2 .LBB2_2-.Ltmp0, $4  }
0x20: {  	[sflag:s11] =	ssyncadd.s32 @!p0 $0xFFFFC000;
	s11 =	simm.s32 @!p0 $0x2  }
0x21: {  	[hbm4b:s8+s12] =	stream.linear.scatter @!p0 [tilespmem:s13], [sflag:$0x2], $0x4000, $0x38;
	[tilespmem:$0x4080] =	vst v63  }
0x22: {  	s10 =	sadd.s32 $0x200, s10;
	s12 =	sadd.s32 s14, s4;
	_ =	swait.ge @!p0 [sflag:s11], $0x4000  }
0x23: {  	s8 =	sadd.s32 $0x10000, s8;
	p1 =	sgt.u32 s12, $0x4E1;
	[sflag:s11] =	ssyncset.done @!p0 $0x0  }
0x24: {  	s9 =	simm.s32 @!p1 $0x0;
	s12 =	simm.s32 @!p1 $0x3;
	[sflag:s11] =	ssyncadd.s32 @!p0 $0xFFFFC000  }
0x25: {  	[tilespmem:s9], [sflag:$0x3] =	stream.linear.gather @!p1 [hbm4b:s10+s9], $0x80, $0x38;
	[tilespmem:$0x4080] =	vst v63  }
0x26: {  	_ =	swait.ge @!p1 [sflag:s12], $0x80  }
0x27: {  	p0 =	por p1, p1;
	[sflag:s12] =	ssyncset.done @!p1 $0x0  }
0x28: {  	s10 =	simm.s32 @!p0 $0x80;
	s11 =	simm.s32 @!p0 $0x1;
	[sflag:s12] =	ssyncadd.s32 @!p0 $0xFFFFFF80  }
0x29: {  	[tilespmem:s10], [sflag:$0x1] =	stream.indirect.gather @!p0 [hbm4b:s3+s10], $0x80, s9, s10, $0xb8;
	[tilespmem:$0x4080] =	vst v63  }
0x2a: {  	s1 =	sadd.s32 $0x1, s1;
	_ =	swait.ge @!p0 [sflag:s11], $0x4000  }
0x2b: {  	p1 =	sne.s32 s1, s5;
	[sflag:s11] =	ssyncset.done @!p0 $0x0  }
.Ltmp1:
0x2c: {  	[sflag:s11] =	ssyncadd.s32 @!p0 $0xFFFFC000;
	s11 =	simm.s32 @!p0 $0x2;
	(pc) =	sbr.rel @p1 .LBB2_1-.Ltmp1, $4  }
0x2d: {  	[hbm4b:s8+s9] =	stream.linear.scatter @!p0 [tilespmem:s10], [sflag:$0x2], $0x4000, $0x38;
	[tilespmem:$0x4080] =	vst v63  }
0x2e: {  	_ =	swait.ge @!p0 [sflag:s11], $0x4000  }
0x2f: {  	[sflag:s11] =	ssyncset.done @!p0 $0x0  }
0x30: {  	[sflag:s11] =	ssyncadd.s32 @!p0 $0xFFFFC000  }
0x31: {  	_ =	sfence.sel $0x180000  }
0x32: {  	[bflag:$0x0] =	sbarrier.arrive $0xFFFF  }
0x33: {  	p0 =	sne.s32 s2, $0x0;
	_ =	strace $0x90000053  }
0x34: {  	s0 =	sadd.s32 @!p0 $0x100000, s0;
	[bflag:$0x2] =	sbarrier.arrive $0xFFFF  }
0x35: {  	[sflag:s0] =	ssyncadd.tile.s32 @!p0 $0x1;
	_ =	shalt  }
.Lfunc_end2:
_tile_overlayer_lowered:
.L_overlay_start_2:
0x36: {  	(tag) =	ssettag $0x2  }
0x37: {  	s0 =	rddreg [dreg:$0x0];
	s2 =	stileid.u32  }
0x38: {  	s1 =	rddreg [dreg:$0x1];
	p0 =	sne.s32 s2, $0x0  }
0x39: {  	s3 =	rddreg [dreg:$0x2];
	[bflag:$0x3] =	sbarrier.arrive $0xFFFF;
	s2 =	simm.s32 @!p0 $0x1C02  }
0x3a: {  	[timem:s3], [sflag:s2] =	dma.local @!p0 [hbm:s0], s1  }
0x3b: {  	s0 =	simm.s32 @!p0 $0x2  }
0x3c: {  	_ =	swait.ge @!p0 [sflag:s0], s1  }
0x3d: {  	s1 =	ssub.s32 @!p0 $0x0, s1;
	[sflag:s0] =	ssyncset.done @!p0 $0x0  }
0x3e: {  	[sflag:s0] =	ssyncadd.s32 @!p0 s1  }
0x3f: {  	[bflag:$0x3] =	sbarrier.arrive $0xFFFF  }
0x40: {  	_ =	shalt  }

// kernel: kernel.35.cloned.1.call-start
scs
__scs_entry_jumppad:
0x0: {  	(pc) =	sbr.rel $0x88, $3  }
0x1: {  	(tag) =	ssettag $0x0;
	lr =	simm.s32 $0x1  }
0x2: {  	[smem:$0x3F86] =	sst lr;
	_ =	strace $0xD0000000  }
0x3: {  	_ = 	snop  }
0x4: {  	_ = 	snop  }
0x5: {  	_ = 	snop  }
0x6: {  	_ = 	snop  }
0x7: {  	_ = 	snop  }
__scs_overlays_trampoline_lowered:
0x8: {  	[smem:$0x3F95] =	sst s0  }
0x9: {  	[smem:$0x3F96] =	sst s1  }
0xa: {  	[smem:$0x3F97] =	sst s2  }
0xb: {  	[smem:$0x3F98] =	sst s3  }
0xc: {  	[smem:$0x3F99] =	sst s4  }
0xd: {  	[smem:$0x3F9A] =	sst s5  }
0xe: {  	[smem:$0x3F9B] =	sst s6  }
0xf: {  	[smem:$0x3F9C] =	sst s7  }
0x10: {  	[smem:$0x3F9D] =	sst s8  }
0x11: {  	[smem:$0x3F9E] =	sst s9;
	s0 =	simm.s32 @!p0 $0x0  }
0x12: {  	s1 =	sld [smem:$0x3F84];
	s0 =	simm.s32 @p0 $0x1  }
0x13: {  	[smem:$0x3F9F] =	sst s0;
	s0 =	simm.s32 @!p1 $0x0  }
0x14: {  	s2 =	sld [smem:$0x3F83];
	s0 =	simm.s32 @p1 $0x1  }
0x15: {  	[smem:$0x3FA0] =	sst s0;
	s0 =	simm.s32 @!p2 $0x0  }
0x16: {  	s3 =	sld [smem:$0x3FDB];
	s0 =	simm.s32 @p2 $0x1  }
0x17: {  	s4 =	simm.s32 $0x1BF5;
	[smem:$0x3FA2] =	sst s0  }
0x18: {  	s0 =	sld [smem:$0x3F85];
	_ =	swait.ge [sflag:s4], $0x0  }
0x19: {  	s7 =	sld [smem:$0x3F86]  }
0x1a: {  	s8 =	sadd.s32 $0xFFFFE003, lr  }
0x1b: {  	s9 =	sadd.s32 $0xFFFFFEF7, lr;
	s5 =	simm.s32 $0xFFFFFFFF;
	p2 =	slt.u32 s8, $0xFFFFF086  }
0x1c: {  	p1 =	slt.u32 s9, $0xF7A;
	s5 =	simm.s32 @!p2 $0x0  }
0x1d: {  	s5 =	simm.s32 @p1 $0x1;
	p0 =	seq.s32 s7, s2  }
0x1e: {  	s7 =	smul.u32 @!p0 $0xF7A, s2;
	p2 =	seq.s32 @!p0 s5, $0x0  }
0x1f: {  	s9 =	smul.u32 $0xF7A, s1;
	s8 =	simm.s32 @!p0 $0x1BF5;
	p2 =	por !p2, p0  }
0x20: {  	[sflag:s8] =	ssyncset.s32 @!p0 $0xFFFFF086;
	s6 =	sadd.s32 @!p0 s3, s7;
	s7 =	simm.s32 @!p0 $0x108  }
0x21: {  	s3 =	sadd.s32 s3, s9;
	s6 =	sadd.s32 @!p0 $0x88, s6;
	s7 =	simm.s32 @p2 $0x1082  }
0x22: {  	[simem:s7], [sflag:s8] =	dma.local @!p0 [hbm:s6], $0xF7A  }
0x23: {  	s9 =	sor.u32 $0xD0000000, s2;
	s6 =	simm.s32 $0x108;
	_ =	swait.ge @!p0 [sflag:s8], $0x0  }
0x24: {  	s3 =	sadd.s32 $0x88, s3;
	s6 =	simm.s32 @!p1 $0x1082;
	[sflag:s4] =	ssyncset.s32 $0xFFFFF086  }
0x25: {  	[simem:s6], [sflag:s4] =	dma.local [hbm:s3], $0xF7A  }
0x26: {  	[smem:$0x3F86] =	sst s1;
	(tag) =	ssettag s2;
	_ =	strace s9  }
0x27: {  	s1 =	sld [smem:$0x3F96]  }
0x28: {  	s2 =	sld [smem:$0x3F97]  }
0x29: {  	s4 =	sld [smem:$0x3F99]  }
0x2a: {  	p0 =	seq.s32 s5, $0x0;
	s5 =	sld [smem:$0x3F9A]  }
0x2b: {  	s6 =	sld [smem:$0x3F9B]  }
0x2c: {  	s7 =	sld [smem:$0x3F9C]  }
0x2d: {  	s3 =	simm.s32 $0x108;
	s8 =	sld [smem:$0x3F9D]  }
0x2e: {  	s3 =	simm.s32 @!p0 $0x1082;
	s9 =	sld [smem:$0x3F9E]  }
0x2f: {  	lr =	sadd.s32 s0, s3;
	s0 =	sld [smem:$0x3F95]  }
0x30: {  	s3 =	sld [smem:$0x3F98]  }
0x31: {  	[smem:$0x3FA1] =	sst s10  }
0x32: {  	s10 =	sld [smem:$0x3F9F];
	_ =	sdelay $0x3  }
0x33: {  	p0 =	seq.s32 s10, $0x1;
	s10 =	sld [smem:$0x3FA1];
	_ =	sdelay $0x3  }
0x34: {  	[smem:$0x3FA1] =	sst s10  }
0x35: {  	s10 =	sld [smem:$0x3FA0];
	_ =	sdelay $0x3  }
0x36: {  	p1 =	seq.s32 s10, $0x1;
	s10 =	sld [smem:$0x3FA1];
	_ =	sdelay $0x3  }
0x37: {  	[smem:$0x3FA1] =	sst s10  }
0x38: {  	s10 =	sld [smem:$0x3FA2]  }
0x39: {  	_ = 	snop;
	(pc) =	sbr.ind lr, $3  }
0x3a: {  	_ = 	snop  }
0x3b: {  	_ = 	snop  }
0x3c: {  	p2 =	seq.s32 s10, $0x1;
	s10 =	sld [smem:$0x3FA1]  }
0x3d: {  	_ =	shalt  }
0x3e: {  	_ =	shalt  }
0x3f: {  	_ =	shalt  }
0x40: {  	_ =	shalt  }
0x41: {  	_ =	shalt  }
0x42: {  	_ =	shalt  }
0x43: {  	_ =	shalt  }
0x44: {  	_ =	shalt  }
0x45: {  	_ =	shalt  }
0x46: {  	_ =	shalt  }
0x47: {  	_ =	shalt  }
0x48: {  	_ =	shalt  }
0x49: {  	_ =	shalt  }
0x4a: {  	_ =	shalt  }
0x4b: {  	_ =	shalt  }
0x4c: {  	_ =	shalt  }
0x4d: {  	_ =	shalt  }
0x4e: {  	_ =	shalt  }
0x4f: {  	_ =	shalt  }
0x50: {  	_ =	shalt  }
0x51: {  	_ =	shalt  }
0x52: {  	_ =	shalt  }
0x53: {  	_ =	shalt  }
0x54: {  	_ =	shalt  }
0x55: {  	_ =	shalt  }
0x56: {  	_ =	shalt  }
0x57: {  	_ =	shalt  }
0x58: {  	_ =	shalt  }
0x59: {  	_ =	shalt  }
0x5a: {  	_ =	shalt  }
0x5b: {  	_ =	shalt  }
0x5c: {  	_ =	shalt  }
0x5d: {  	_ =	shalt  }
0x5e: {  	_ =	shalt  }
0x5f: {  	_ =	shalt  }
0x60: {  	_ =	shalt  }
0x61: {  	_ =	shalt  }
0x62: {  	_ =	shalt  }
0x63: {  	_ =	shalt  }
0x64: {  	_ =	shalt  }
0x65: {  	_ =	shalt  }
0x66: {  	_ =	shalt  }
0x67: {  	_ =	shalt  }
0x68: {  	_ =	shalt  }
0x69: {  	_ =	shalt  }
0x6a: {  	_ =	shalt  }
0x6b: {  	_ =	shalt  }
0x6c: {  	_ =	shalt  }
0x6d: {  	_ =	shalt  }
0x6e: {  	_ =	shalt  }
0x6f: {  	_ =	shalt  }
0x70: {  	_ =	shalt  }
0x71: {  	_ =	shalt  }
0x72: {  	_ =	shalt  }
0x73: {  	_ =	shalt  }
0x74: {  	_ =	shalt  }
0x75: {  	_ =	shalt  }
0x76: {  	_ =	shalt  }
0x77: {  	_ =	shalt  }
0x78: {  	_ =	shalt  }
0x79: {  	_ =	shalt  }
0x7a: {  	_ =	shalt  }
0x7b: {  	_ =	shalt  }
0x7c: {  	_ =	shalt  }
0x7d: {  	_ =	shalt  }
0x7e: {  	_ =	shalt  }
0x7f: {  	_ =	shalt  }
0x80: {  	_ =	shalt  }
0x81: {  	_ =	shalt  }
0x82: {  	_ =	shalt  }
0x83: {  	_ =	shalt  }
0x84: {  	_ =	shalt  }
0x85: {  	_ =	shalt  }
0x86: {  	_ =	shalt  }
0x87: {  	_ =	shalt  }
.Lfunc_end0:
.L_simem_size_0:
called_computation.5_lowered:
.L_overlay_start_0:
0x88: {  	s2 =	sld [smem:$0x3FD9]  }
0x89: {  	s3 =	sld [smem:$0x3FFE];
	_ =	sdelay $0x1  }
0x8a: {  	s1 =	srdreg.scid  }
0x8b: {  	s0 =	sand.u32 $0x1, s1  }
0x8c: {  	s16 =	sshll.u32 s0, $0xA;
	s2 =	sadd.s32 s3, s2  }
0x8d: {  	s2 =	sadd.s32 s2, s16  }
0x8e: {  	[smem:$0x3FAD] =	sst s2  }
0x8f: {  	_ = 	snop  }
0x90: {  	(tm) =	ssettm $0x1  }
0x91: {  	s17 =	sld [smem:$0x3FFB];
	_ =	sdelay $0x3  }
0x92: {  	_ =	strace s17  }
0x93: {  	s2 =	sld [smem:$0x3FFC];
	_ =	sdelay $0x3  }
0x94: {  	_ =	strace s2  }
0x95: {  	s2 =	sld [smem:$0x3FFD];
	_ =	sdelay $0x3  }
0x96: {  	_ =	strace s2  }
0x97: {  	_ =	strace $0x8FFFFFFF  }
0x98: {  	s18 =	sld [smem:$0x3FDB];
	_ =	sdelay $0x1  }
0x99: {  	s19 =	simm.s32 $_scs_section_size  }
0x9a: {  	s4 =	simm.s32 $_size__tile_overlayer_lowered;
	s5 =	simm.s32 $_tile_overlayer_lowered  }
0x9b: {  	s22 =	simm.s32 $0x1BFF;
	s21 =	sshll.u32 s5, $0x1;
	s2 =	sadd.s32 s19, s18  }
0x9c: {  	s6 =	simm.s32 $0x0;
	s20 =	sshll.u32 s4, $0x1;
	s4 =	sadd.s32 s21, s2  }
0x9d: {  	[timem:s6], [sflag:s22] =	dma.local [hbm:s4], s20  }
0x9e: {  	_ =	swait.ge [sflag:s22], s20  }
0x9f: {  	s3 =	ssub.s32 $0x0, s20;
	[sflag:s22] =	ssyncset.done $0x0  }
0xa0: {  	[sflag:s22] =	ssyncadd.s32 s3;
	_ =	sdelay $0x1  }
0xa1: {  	s23 =	simm.s32 $0x1B8B  }
0xa2: {  	_ =	swait.ge [sflag:s23], $0x1  }
0xa3: {  	[sflag:s23] =	ssyncset.done $0x0  }
0xa4: {  	s25 =	simm.s32 $0x1B8E;
	s24 =	sld [smem:$0x3FFE];
	[sflag:s23] =	ssyncadd.s32 $0xFFFFFFFF  }
0xa5: {  	s26 =	simm.s32 $execute0_lowered;
	[smem:$0x3FD2] =	sst s25  }
0xa6: {  	s4 =	sshll.u32 s26, $0x1;
	_ =	strace $0x80000055;
	[dreg:$0x1] =	wrdreg $0xFFFFFFFF  }
0xa7: {  	s28 =	simm.s32 $_size_execute0_lowered;
	s2 =	sadd.s32 s2, s4;
	[dreg:$0x0] =	wrdreg $0x0  }
0xa8: {  	s4 =	sshll.u32 s28, $0x1;
	[dreg:$0x2] =	wrdreg s2  }
0xa9: {  	[dreg:$0x3] =	wrdreg s4  }
0xaa: {  	[dreg:$0x4] =	wrdreg $0xC0  }
0xab: {  	_ =	task [dreg:s6], $0x5FFFF  }
0xac: {  	[dreg:$0x1] =	wrdreg $0xFFFFFFFF  }
0xad: {  	[dreg:$0x0] =	wrdreg $0x60  }
0xae: {  	[dreg:$0x2] =	wrdreg s24  }
0xaf: {  	[dreg:$0x3] =	wrdreg $0x0  }
0xb0: {  	[dreg:$0x4] =	wrdreg $0x9  }
0xb1: {  	_ =	task.clear_ibuf [dreg:s6], $0x5FFFF;
	_ =	strace $0x90000055  }
0xb2: {  	s29 =	simm.s32 $0x9;
	_ =	strace $0x80000057  }
0xb3: {  	_ =	swait.ge [sflag:s29], $0x1  }
0xb4: {  	[sflag:s29] =	ssyncadd.s32 $0xFFFFFFFF  }
0xb5: {  	_ =	strace $0x90000057  }
0xb6: {  	_ =	sfence  }
0xb7: {  	s30 =	sld [smem:$0x0];
	_ =	sdelay $0x2  }
0xb8: {  	s31 =	sshll.u32 s1, $0xD;
	s1 =	sshrl.u32 s1, $0x2  }
0xb9: {  	s3 =	sand.u32 $0x4000, s31;
	s1 =	sadd.s32 s1, s30  }
0xba: {  	s0 =	sor.u32 s3, s0;
	s1 =	sshll.u32 s1, $0x11  }
0xbb: {  	s0 =	sor.u32 s1, s0  }
0xbc: {  	s0 =	sadd.s32 $0x8F2B, s0  }
0xbd: {  	[sflag:s0] =	ssyncadd.remote.s32 $0x1  }
0xbe: {  	_ =	sfence.sel $0xFFFF  }
0xbf: {  	[dreg:$0x0] =	wrdreg $0xFFFFFFFF;
	(pc) =	sbr.abs _section_cstart, $3  }
0xc0: {  	[dreg:$0x1] =	wrdreg $0xFFFFFFFF  }
0xc1: {  	_ =	task.clear_ibuf [dreg:s6], $0x2FFFF;
	_ =	strace $0x9FFFFFFF  }
0xc2: {  	(tm) =	ssettm $0x7FFFFFFF  }
0xc3: {  	_ =	shalt  }
tec
execute0_lowered:
.L_overlay_start_1:
0x0: {  	(tag) =	ssettag $0x1  }
0x1: {  	s6 =	rddreg [dreg:$0x0]  }
0x2: {  	s1 =	rddreg [dreg:$0x1]  }
0x3: {  	s0 =	rddreg [dreg:$0x2];
	s3 =	simm.s32 $0x0;
	s4 =	srdreg.scid  }
0x4: {  	s2 =	stileid.u32;
	s12 =	simm.s32 $0x641C00;
	[smem:$0x7FF] =	sst s3  }
0x5: {  	s5 =	sand.u32 $0x1, s4;
	s7 =	sshll.u32 s2, $0x8;
	s28 =	smul.u32 $0x50000, s2  }
0x6: {  	s8 =	sshll.u32 s2, $0xC;
	s30 =	sshll.u32 s2, $0x6;
	s13 =	smul.u32 $0x2800, s2  }
0x7: {  	_ =	strace $0x80000056;
	s4 =	sshll.u32 s5, $0x7;
	s8 =	sadd.s32 s8, s6  }
0x8: {  	s9 =	ssub.s32 $0x2, s5;
	p0 =	seq.s32 s5, $0x1;
	s14 =	sshll.u32 s5, $0xB  }
0x9: {  	s5 =	sor.u32 $0x1C01, s30;
	s4 =	sor.u32 s4, s7;
	s11 =	sshrl.u32 s9, $0x1  }
0xa: {  	s7 =	sshrl.u32 s28, $0x2;
	s12 =	simm.s32 @!p0 $0x15E00;
	s8 =	sadd.s32 s14, s8  }
0xb: {  	s4 =	sshrl.u32 s4, $0x3;
	s9 =	ssub.s32 s9, s11;
	s29 =	sadd.s32 s7, s1  }
0xc: {  	s31 =	sadd.s32 s12, s6;
	s8 =	sadd.s32 $0xFB5C00, s8;
	s11 =	simm.s32 $0x1  }
0xd: {  	s10 =	sadd.s32 s4, s6;
	s4 =	sadd.s32 $0x3DE00, s6;
	s6 =	smax.u32 s9, $0x1  }
0xe: {  	s7 =	sadd.s32 s31, s13;
	s9 =	sadd.s32 $0x10E00, s10;
	s10 =	sshrl.u32 s29, $0x3  }
.LBB2_1:
0xf: {  	[spmem:s10], [sflag:s5] =	dma.local [hbm:s4], $0x2800  }
0x10: {  	s12 =	sadd.s32 $0x0, s2;
	_ =	swait.ge [sflag:s11], $0x2800  }
0x11: {  	p0 =	sgt.u32 s12, $0x270;
	[sflag:s11] =	ssyncset.done $0x0  }
0x12: {  	s12 =	simm.s32 @!p0 $0x0;
	[sflag:s11] =	ssyncadd.s32 $0xFFFFD800  }
0x13: {  	s13 =	simm.s32 @!p0 $0x14000;
	s15 =	simm.s32 @!p0 $0x2;
	[bflag:$0x0] =	sbarrier.arrive $0xFFFF  }
0x14: {  	[tilespmem:s13], [sflag:$0x2] =	stream.linear.gather @!p0 [hbm4b:s9+s12], $0x80, $0x38;
	[tilespmem:$0x18080] =	vst v63  }
0x15: {  	_ =	swait.ge @!p0 [sflag:s15], $0x80;
	p0 =	por p0, p0  }
0x16: {  	[sflag:s15] =	ssyncset.done @!p0 $0x0  }
0x17: {  	s16 =	simm.s32 @!p0 $0x14080;
	[sflag:s15] =	ssyncadd.s32 @!p0 $0xFFFFFF80  }
0x18: {  	[tilespmem:s16], [sflag:$0x2] =	stream.linear.gather @!p0 [hbm4b:s8+s12], $0x4000, $0x38;
	[tilespmem:$0x18080] =	vst v63  }
0x19: {  	s31 =	sadd.s32 $0x10, s2;
	_ =	swait.ge @!p0 [sflag:s15], $0x4000  }
0x1a: {  	s14 =	simm.s32 $0x20;
	p1 =	sgt.u32 s31, $0x270;
	[sflag:s15] =	ssyncset.done @!p0 $0x0  }
0x1b: {  	s12 =	simm.s32 @!p0 $0x80;
	[sflag:s15] =	ssyncadd.s32 @!p0 $0xFFFFC000;
	s15 =	simm.s32 @!p0 $0x1  }
0x1c: {  	[spmem:s1] =	stream.indirect.scatter.add.f32 @!p0 [tilespmem:s16], [sflag:$0x1], $0x80, s13, s12, $0xb8;
	[tilespmem:$0x18080] =	vst v63  }
0x1d: {  	s13 =	sadd.s32 $0x200, s9;
	s12 =	sadd.s32 $0x10000, s8;
	_ =	swait.ge @!p0 [sflag:s15], $0x4000  }
.LBB2_2:
0x1e: {  	s16 =	simm.s32 @!p1 $0x0  }
0x1f: {  	s17 =	simm.s32 @!p1 $0x14000;
	[sflag:s15] =	ssyncset.done @!p0 $0x0;
	s18 =	smov.u32 s14  }
0x20: {  	s14 =	sadd.s32 $0x10, s14;
	s19 =	simm.s32 @!p1 $0x2;
	[sflag:s15] =	ssyncadd.s32 @!p0 $0xFFFFC000  }
0x21: {  	[tilespmem:s17], [sflag:$0x2] =	stream.linear.gather @!p1 [hbm4b:s13+s16], $0x80, $0x38;
	[tilespmem:$0x18080] =	vst v63  }
0x22: {  	p2 =	sne.s32 s14, $0x280;
	p0 =	por p1, p1;
	_ =	swait.ge @!p1 [sflag:s19], $0x80  }
0x23: {  	[sflag:s19] =	ssyncset.done @!p0 $0x0  }
0x24: {  	s20 =	simm.s32 @!p0 $0x14080;
	[sflag:s19] =	ssyncadd.s32 @!p0 $0xFFFFFF80  }
0x25: {  	[tilespmem:s20], [sflag:$0x2] =	stream.linear.gather @!p0 [hbm4b:s12+s16], $0x4000, $0x38;
	[tilespmem:$0x18080] =	vst v63  }
.Ltmp0:
0x26: {  	_ =	swait.ge @!p0 [sflag:s19], $0x4000;
	(pc) =	sbr.rel @p2 .LBB2_2-.Ltmp0, $4  }
0x27: {  	s15 =	simm.s32 @!p0 $0x1;
	s13 =	sadd.s32 $0x200, s13;
	[sflag:s19] =	ssyncset.done @!p0 $0x0  }
0x28: {  	s16 =	sadd.s32 s18, s2;
	s18 =	simm.s32 @!p0 $0x80;
	[sflag:s19] =	ssyncadd.s32 @!p0 $0xFFFFC000  }
0x29: {  	[spmem:s1] =	stream.indirect.scatter.add.f32 @!p0 [tilespmem:s20], [sflag:$0x1], $0x80, s17, s18, $0xb8;
	[tilespmem:$0x18080] =	vst v63  }
0x2a: {  	s12 =	sadd.s32 $0x10000, s12;
	p1 =	sgt.u32 s16, $0x270;
	_ =	swait.ge @!p0 [sflag:s15], $0x4000  }
0x2b: {  	s14 =	simm.s32 @!p1 $0x0;
	[sflag:s15] =	ssyncset.done @!p0 $0x0  }
0x2c: {  	s16 =	simm.s32 @!p1 $0x14000;
	s17 =	simm.s32 @!p1 $0x2;
	[sflag:s15] =	ssyncadd.s32 @!p0 $0xFFFFC000  }
0x2d: {  	[tilespmem:s16], [sflag:$0x2] =	stream.linear.gather @!p1 [hbm4b:s13+s14], $0x80, $0x38;
	[tilespmem:$0x18080] =	vst v63  }
0x2e: {  	p0 =	por p1, p1;
	_ =	swait.ge @!p1 [sflag:s17], $0x80  }
0x2f: {  	[sflag:s17] =	ssyncset.done @!p0 $0x0  }
0x30: {  	s13 =	simm.s32 @!p0 $0x14080;
	[sflag:s17] =	ssyncadd.s32 @!p0 $0xFFFFFF80  }
0x31: {  	[tilespmem:s13], [sflag:$0x2] =	stream.linear.gather @!p0 [hbm4b:s12+s14], $0x4000, $0x38;
	[tilespmem:$0x18080] =	vst v63  }
0x32: {  	_ =	swait.ge @!p0 [sflag:s17], $0x4000  }
0x33: {  	[sflag:s17] =	ssyncset.done @!p0 $0x0  }
0x34: {  	s12 =	simm.s32 @!p0 $0x1;
	s14 =	simm.s32 @!p0 $0x80;
	[sflag:s17] =	ssyncadd.s32 @!p0 $0xFFFFC000  }
0x35: {  	[spmem:s1] =	stream.indirect.scatter.add.f32 @!p0 [tilespmem:s13], [sflag:$0x1], $0x80, s16, s14, $0xb8;
	[tilespmem:$0x18080] =	vst v63  }
0x36: {  	_ =	swait.ge @!p0 [sflag:s12], $0x4000  }
0x37: {  	s3 =	sadd.s32 $0x1, s3;
	[sflag:s12] =	ssyncset.done @!p0 $0x0  }
0x38: {  	[sflag:s12] =	ssyncadd.s32 @!p0 $0xFFFFC000;
	p0 =	sne.s32 s3, s6  }
.Ltmp1:
0x39: {  	[bflag:$0x0] =	sbarrier.arrive $0xFFFF;
	(pc) =	sbr.rel @p0 .LBB2_1-.Ltmp1, $4  }
0x3a: {  	[hbm:s7], [sflag:s5] =	dma.local [spmem:s10], $0x2800  }
0x3b: {  	_ =	swait.ge [sflag:s11], $0x2800  }
0x3c: {  	[sflag:s11] =	ssyncset.done $0x0  }
0x3d: {  	[sflag:s11] =	ssyncadd.s32 $0xFFFFD800  }
0x3e: {  	_ =	sfence.sel $0x180000  }
0x3f: {  	[bflag:$0x0] =	sbarrier.arrive $0xFFFF  }
0x40: {  	p0 =	sne.s32 s2, $0x0;
	_ =	strace $0x90000056  }
0x41: {  	s0 =	sadd.s32 @!p0 $0x100000, s0;
	[bflag:$0x2] =	sbarrier.arrive $0xFFFF  }
0x42: {  	[sflag:s0] =	ssyncadd.tile.s32 @!p0 $0x1;
	_ =	shalt  }
.Lfunc_end2:
_tile_overlayer_lowered:
.L_overlay_start_2:
0x43: {  	(tag) =	ssettag $0x2  }
0x44: {  	s0 =	rddreg [dreg:$0x0];
	s2 =	stileid.u32  }
0x45: {  	s1 =	rddreg [dreg:$0x1];
	p0 =	sne.s32 s2, $0x0  }
0x46: {  	s3 =	rddreg [dreg:$0x2];
	[bflag:$0x3] =	sbarrier.arrive $0xFFFF;
	s2 =	simm.s32 @!p0 $0x1C01  }
0x47: {  	[timem:s3], [sflag:s2] =	dma.local @!p0 [hbm:s0], s1  }
0x48: {  	s0 =	simm.s32 @!p0 $0x1  }
0x49: {  	_ =	swait.ge @!p0 [sflag:s0], s1  }
0x4a: {  	s1 =	ssub.s32 @!p0 $0x0, s1;
	[sflag:s0] =	ssyncset.done @!p0 $0x0  }
0x4b: {  	[sflag:s0] =	ssyncadd.s32 @!p0 s1  }
0x4c: {  	[bflag:$0x3] =	sbarrier.arrive $0xFFFF  }
0x4d: {  	_ =	shalt  }

// kernel: kernel.38.cloned.1.call-start
scs
__scs_entry_jumppad:
0x0: {  	(pc) =	sbr.rel $0x88, $3  }
0x1: {  	(tag) =	ssettag $0x0;
	lr =	simm.s32 $0x1  }
0x2: {  	[smem:$0x3F86] =	sst lr;
	_ =	strace $0xD0000000  }
0x3: {  	_ = 	snop  }
0x4: {  	_ = 	snop  }
0x5: {  	_ = 	snop  }
0x6: {  	_ = 	snop  }
0x7: {  	_ = 	snop  }
__scs_overlays_trampoline_lowered:
0x8: {  	[smem:$0x3F95] =	sst s0  }
0x9: {  	[smem:$0x3F96] =	sst s1  }
0xa: {  	[smem:$0x3F97] =	sst s2  }
0xb: {  	[smem:$0x3F98] =	sst s3  }
0xc: {  	[smem:$0x3F99] =	sst s4  }
0xd: {  	[smem:$0x3F9A] =	sst s5  }
0xe: {  	[smem:$0x3F9B] =	sst s6  }
0xf: {  	[smem:$0x3F9C] =	sst s7  }
0x10: {  	[smem:$0x3F9D] =	sst s8  }
0x11: {  	[smem:$0x3F9E] =	sst s9;
	s0 =	simm.s32 @!p0 $0x0  }
0x12: {  	s1 =	sld [smem:$0x3F84];
	s0 =	simm.s32 @p0 $0x1  }
0x13: {  	[smem:$0x3F9F] =	sst s0;
	s0 =	simm.s32 @!p1 $0x0  }
0x14: {  	s2 =	sld [smem:$0x3F83];
	s0 =	simm.s32 @p1 $0x1  }
0x15: {  	[smem:$0x3FA0] =	sst s0;
	s0 =	simm.s32 @!p2 $0x0  }
0x16: {  	s3 =	sld [smem:$0x3FDB];
	s0 =	simm.s32 @p2 $0x1  }
0x17: {  	s4 =	simm.s32 $0x1BF5;
	[smem:$0x3FA2] =	sst s0  }
0x18: {  	s0 =	sld [smem:$0x3F85];
	_ =	swait.ge [sflag:s4], $0x0  }
0x19: {  	s7 =	sld [smem:$0x3F86]  }
0x1a: {  	s8 =	sadd.s32 $0xFFFFE003, lr  }
0x1b: {  	s9 =	sadd.s32 $0xFFFFFEF7, lr;
	s5 =	simm.s32 $0xFFFFFFFF;
	p2 =	slt.u32 s8, $0xFFFFF086  }
0x1c: {  	p1 =	slt.u32 s9, $0xF7A;
	s5 =	simm.s32 @!p2 $0x0  }
0x1d: {  	s5 =	simm.s32 @p1 $0x1;
	p0 =	seq.s32 s7, s2  }
0x1e: {  	s7 =	smul.u32 @!p0 $0xF7A, s2;
	p2 =	seq.s32 @!p0 s5, $0x0  }
0x1f: {  	s9 =	smul.u32 $0xF7A, s1;
	s8 =	simm.s32 @!p0 $0x1BF5;
	p2 =	por !p2, p0  }
0x20: {  	[sflag:s8] =	ssyncset.s32 @!p0 $0xFFFFF086;
	s6 =	sadd.s32 @!p0 s3, s7;
	s7 =	simm.s32 @!p0 $0x108  }
0x21: {  	s3 =	sadd.s32 s3, s9;
	s6 =	sadd.s32 @!p0 $0x88, s6;
	s7 =	simm.s32 @p2 $0x1082  }
0x22: {  	[simem:s7], [sflag:s8] =	dma.local @!p0 [hbm:s6], $0xF7A  }
0x23: {  	s9 =	sor.u32 $0xD0000000, s2;
	s6 =	simm.s32 $0x108;
	_ =	swait.ge @!p0 [sflag:s8], $0x0  }
0x24: {  	s3 =	sadd.s32 $0x88, s3;
	s6 =	simm.s32 @!p1 $0x1082;
	[sflag:s4] =	ssyncset.s32 $0xFFFFF086  }
0x25: {  	[simem:s6], [sflag:s4] =	dma.local [hbm:s3], $0xF7A  }
0x26: {  	[smem:$0x3F86] =	sst s1;
	(tag) =	ssettag s2;
	_ =	strace s9  }
0x27: {  	s1 =	sld [smem:$0x3F96]  }
0x28: {  	s2 =	sld [smem:$0x3F97]  }
0x29: {  	s4 =	sld [smem:$0x3F99]  }
0x2a: {  	p0 =	seq.s32 s5, $0x0;
	s5 =	sld [smem:$0x3F9A]  }
0x2b: {  	s6 =	sld [smem:$0x3F9B]  }
0x2c: {  	s7 =	sld [smem:$0x3F9C]  }
0x2d: {  	s3 =	simm.s32 $0x108;
	s8 =	sld [smem:$0x3F9D]  }
0x2e: {  	s3 =	simm.s32 @!p0 $0x1082;
	s9 =	sld [smem:$0x3F9E]  }
0x2f: {  	lr =	sadd.s32 s0, s3;
	s0 =	sld [smem:$0x3F95]  }
0x30: {  	s3 =	sld [smem:$0x3F98]  }
0x31: {  	[smem:$0x3FA1] =	sst s10  }
0x32: {  	s10 =	sld [smem:$0x3F9F];
	_ =	sdelay $0x3  }
0x33: {  	p0 =	seq.s32 s10, $0x1;
	s10 =	sld [smem:$0x3FA1];
	_ =	sdelay $0x3  }
0x34: {  	[smem:$0x3FA1] =	sst s10  }
0x35: {  	s10 =	sld [smem:$0x3FA0];
	_ =	sdelay $0x3  }
0x36: {  	p1 =	seq.s32 s10, $0x1;
	s10 =	sld [smem:$0x3FA1];
	_ =	sdelay $0x3  }
0x37: {  	[smem:$0x3FA1] =	sst s10  }
0x38: {  	s10 =	sld [smem:$0x3FA2]  }
0x39: {  	_ = 	snop;
	(pc) =	sbr.ind lr, $3  }
0x3a: {  	_ = 	snop  }
0x3b: {  	_ = 	snop  }
0x3c: {  	p2 =	seq.s32 s10, $0x1;
	s10 =	sld [smem:$0x3FA1]  }
0x3d: {  	_ =	shalt  }
0x3e: {  	_ =	shalt  }
0x3f: {  	_ =	shalt  }
0x40: {  	_ =	shalt  }
0x41: {  	_ =	shalt  }
0x42: {  	_ =	shalt  }
0x43: {  	_ =	shalt  }
0x44: {  	_ =	shalt  }
0x45: {  	_ =	shalt  }
0x46: {  	_ =	shalt  }
0x47: {  	_ =	shalt  }
0x48: {  	_ =	shalt  }
0x49: {  	_ =	shalt  }
0x4a: {  	_ =	shalt  }
0x4b: {  	_ =	shalt  }
0x4c: {  	_ =	shalt  }
0x4d: {  	_ =	shalt  }
0x4e: {  	_ =	shalt  }
0x4f: {  	_ =	shalt  }
0x50: {  	_ =	shalt  }
0x51: {  	_ =	shalt  }
0x52: {  	_ =	shalt  }
0x53: {  	_ =	shalt  }
0x54: {  	_ =	shalt  }
0x55: {  	_ =	shalt  }
0x56: {  	_ =	shalt  }
0x57: {  	_ =	shalt  }
0x58: {  	_ =	shalt  }
0x59: {  	_ =	shalt  }
0x5a: {  	_ =	shalt  }
0x5b: {  	_ =	shalt  }
0x5c: {  	_ =	shalt  }
0x5d: {  	_ =	shalt  }
0x5e: {  	_ =	shalt  }
0x5f: {  	_ =	shalt  }
0x60: {  	_ =	shalt  }
0x61: {  	_ =	shalt  }
0x62: {  	_ =	shalt  }
0x63: {  	_ =	shalt  }
0x64: {  	_ =	shalt  }
0x65: {  	_ =	shalt  }
0x66: {  	_ =	shalt  }
0x67: {  	_ =	shalt  }
0x68: {  	_ =	shalt  }
0x69: {  	_ =	shalt  }
0x6a: {  	_ =	shalt  }
0x6b: {  	_ =	shalt  }
0x6c: {  	_ =	shalt  }
0x6d: {  	_ =	shalt  }
0x6e: {  	_ =	shalt  }
0x6f: {  	_ =	shalt  }
0x70: {  	_ =	shalt  }
0x71: {  	_ =	shalt  }
0x72: {  	_ =	shalt  }
0x73: {  	_ =	shalt  }
0x74: {  	_ =	shalt  }
0x75: {  	_ =	shalt  }
0x76: {  	_ =	shalt  }
0x77: {  	_ =	shalt  }
0x78: {  	_ =	shalt  }
0x79: {  	_ =	shalt  }
0x7a: {  	_ =	shalt  }
0x7b: {  	_ =	shalt  }
0x7c: {  	_ =	shalt  }
0x7d: {  	_ =	shalt  }
0x7e: {  	_ =	shalt  }
0x7f: {  	_ =	shalt  }
0x80: {  	_ =	shalt  }
0x81: {  	_ =	shalt  }
0x82: {  	_ =	shalt  }
0x83: {  	_ =	shalt  }
0x84: {  	_ =	shalt  }
0x85: {  	_ =	shalt  }
0x86: {  	_ =	shalt  }
0x87: {  	_ =	shalt  }
.Lfunc_end0:
.L_simem_size_0:
called_computation.6_lowered:
.L_overlay_start_0:
0x88: {  	s2 =	sld [smem:$0x3FD9]  }
0x89: {  	s3 =	sld [smem:$0x3FFE];
	_ =	sdelay $0x1  }
0x8a: {  	s1 =	srdreg.scid  }
0x8b: {  	s0 =	sand.u32 $0x1, s1  }
0x8c: {  	s16 =	sshll.u32 s0, $0xA;
	s2 =	sadd.s32 s3, s2  }
0x8d: {  	s2 =	sadd.s32 s2, s16  }
0x8e: {  	[smem:$0x3FAD] =	sst s2  }
0x8f: {  	_ = 	snop  }
0x90: {  	(tm) =	ssettm $0x1  }
0x91: {  	s17 =	sld [smem:$0x3FFB];
	_ =	sdelay $0x3  }
0x92: {  	_ =	strace s17  }
0x93: {  	s2 =	sld [smem:$0x3FFC];
	_ =	sdelay $0x3  }
0x94: {  	_ =	strace s2  }
0x95: {  	s2 =	sld [smem:$0x3FFD];
	_ =	sdelay $0x3  }
0x96: {  	_ =	strace s2  }
0x97: {  	_ =	strace $0x8FFFFFFF  }
0x98: {  	s18 =	sld [smem:$0x3FDB];
	_ =	sdelay $0x1  }
0x99: {  	s19 =	simm.s32 $_scs_section_size  }
0x9a: {  	s4 =	simm.s32 $_size__tile_overlayer_lowered;
	s5 =	simm.s32 $_tile_overlayer_lowered  }
0x9b: {  	s22 =	simm.s32 $0x1BFF;
	s21 =	sshll.u32 s5, $0x1;
	s2 =	sadd.s32 s19, s18  }
0x9c: {  	s6 =	simm.s32 $0x0;
	s20 =	sshll.u32 s4, $0x1;
	s4 =	sadd.s32 s21, s2  }
0x9d: {  	[timem:s6], [sflag:s22] =	dma.local [hbm:s4], s20  }
0x9e: {  	_ =	swait.ge [sflag:s22], s20  }
0x9f: {  	s3 =	ssub.s32 $0x0, s20;
	[sflag:s22] =	ssyncset.done $0x0  }
0xa0: {  	[sflag:s22] =	ssyncadd.s32 s3;
	_ =	sdelay $0x1  }
0xa1: {  	s23 =	simm.s32 $0x1B8B  }
0xa2: {  	_ =	swait.ge [sflag:s23], $0x1  }
0xa3: {  	[sflag:s23] =	ssyncset.done $0x0  }
0xa4: {  	s25 =	simm.s32 $0x1B8E;
	s24 =	sld [smem:$0x3FFE];
	[sflag:s23] =	ssyncadd.s32 $0xFFFFFFFF  }
0xa5: {  	s26 =	simm.s32 $execute0_lowered;
	[smem:$0x3FD2] =	sst s25  }
0xa6: {  	s4 =	sshll.u32 s26, $0x1;
	_ =	strace $0x80000058;
	[dreg:$0x1] =	wrdreg $0xFFFFFFFF  }
0xa7: {  	s28 =	simm.s32 $_size_execute0_lowered;
	s2 =	sadd.s32 s2, s4;
	[dreg:$0x0] =	wrdreg $0x0  }
0xa8: {  	s4 =	sshll.u32 s28, $0x1;
	[dreg:$0x2] =	wrdreg s2  }
0xa9: {  	[dreg:$0x3] =	wrdreg s4  }
0xaa: {  	[dreg:$0x4] =	wrdreg $0xC0  }
0xab: {  	_ =	task [dreg:s6], $0x5FFFF  }
0xac: {  	[dreg:$0x1] =	wrdreg $0xFFFFFFFF  }
0xad: {  	[dreg:$0x0] =	wrdreg $0x60  }
0xae: {  	[dreg:$0x2] =	wrdreg s24  }
0xaf: {  	[dreg:$0x3] =	wrdreg $0x9  }
0xb0: {  	_ =	task.clear_ibuf [dreg:s6], $0x4FFFF;
	_ =	strace $0x90000058  }
0xb1: {  	s29 =	simm.s32 $0x9;
	_ =	strace $0x8000005A  }
0xb2: {  	_ =	swait.ge [sflag:s29], $0x1  }
0xb3: {  	[sflag:s29] =	ssyncadd.s32 $0xFFFFFFFF  }
0xb4: {  	_ =	strace $0x9000005A  }
0xb5: {  	_ =	sfence  }
0xb6: {  	s30 =	sld [smem:$0x0];
	_ =	sdelay $0x2  }
0xb7: {  	s31 =	sshll.u32 s1, $0xD;
	s1 =	sshrl.u32 s1, $0x2  }
0xb8: {  	s3 =	sand.u32 $0x4000, s31;
	s1 =	sadd.s32 s1, s30  }
0xb9: {  	s0 =	sor.u32 s3, s0;
	s1 =	sshll.u32 s1, $0x11  }
0xba: {  	s0 =	sor.u32 s1, s0  }
0xbb: {  	s0 =	sadd.s32 $0x8F2B, s0  }
0xbc: {  	[sflag:s0] =	ssyncadd.remote.s32 $0x1  }
0xbd: {  	_ =	sfence.sel $0xFFFF  }
0xbe: {  	[dreg:$0x0] =	wrdreg $0xFFFFFFFF;
	(pc) =	sbr.abs _section_cstart, $3  }
0xbf: {  	[dreg:$0x1] =	wrdreg $0xFFFFFFFF  }
0xc0: {  	_ =	task.clear_ibuf [dreg:s6], $0x2FFFF;
	_ =	strace $0x9FFFFFFF  }
0xc1: {  	(tm) =	ssettm $0x7FFFFFFF  }
tec
execute0_lowered:
.L_overlay_start_1:
0x0: {  	(tag) =	ssettag $0x1  }
0x1: {  	s4 =	rddreg [dreg:$0x0]  }
0x2: {  	s0 =	rddreg [dreg:$0x1];
	s1 =	simm.s32 $0x0;
	s5 =	srdreg.scid  }
0x3: {  	s2 =	stileid.u32;
	[smem:$0x7FF] =	sst s1  }
0x4: {  	s3 =	sadd.s32 $0x10E00, s4;
	s5 =	sand.u32 $0x1, s5;
	s6 =	sshll.u32 s2, $0x5  }
0x5: {  	s7 =	sshll.u32 s2, $0xC;
	_ =	strace $0x80000059;
	s8 =	ssub.s32 $0x2, s5  }
0x6: {  	s6 =	sadd.s32 s6, s4;
	s7 =	sadd.s32 s7, s4;
	s9 =	sshll.u32 s5, $0xB  }
0x7: {  	s5 =	sshll.u32 s5, $0x4;
	s4 =	sshll.u32 s2, $0x1;
	s30 =	sshrl.u32 s8, $0x1  }
0x8: {  	s7 =	sadd.s32 s9, s7;
	s31 =	sadd.s32 s5, s6;
	s8 =	ssub.s32 s8, s30  }
0x9: {  	s6 =	sadd.s32 $0xD44C00, s7;
	s7 =	sadd.s32 $0xBE00, s31;
	s5 =	smax.u32 s8, $0x1  }
.LBB2_1:
0xa: {  	s8 =	sadd.s32 $0x0, s4  }
0xb: {  	p0 =	sgt.u32 s8, $0x4E1  }
0xc: {  	s8 =	simm.s32 @!p0 $0x0;
	s9 =	simm.s32 @!p0 $0x3  }
0xd: {  	[tilespmem:s8], [sflag:$0x3] =	stream.linear.gather @!p0 [hbm4b:s7+s8], $0x80, $0x38;
	[tilespmem:$0x4080] =	vst v63  }
0xe: {  	_ =	swait.ge @!p0 [sflag:s9], $0x80  }
0xf: {  	[sflag:s9] =	ssyncset.done @!p0 $0x0;
	p0 =	por p0, p0  }
0x10: {  	[sflag:s9] =	ssyncadd.s32 @!p0 $0xFFFFFF80;
	s10 =	simm.s32 @!p0 $0x80;
	s11 =	simm.s32 @!p0 $0x1  }
0x11: {  	[tilespmem:s10], [sflag:$0x1] =	stream.indirect.gather @!p0 [hbm4b:s3+s10], $0x80, s8, s10, $0xb8;
	[tilespmem:$0x4080] =	vst v63  }
0x12: {  	_ =	swait.ge @!p0 [sflag:s11], $0x4000  }
0x13: {  	[sflag:s11] =	ssyncset.done @!p0 $0x0  }
0x14: {  	s31 =	sadd.s32 $0x20, s4;
	[sflag:s11] =	ssyncadd.s32 @!p0 $0xFFFFC000;
	s11 =	simm.s32 @!p0 $0x2  }
0x15: {  	[hbm4b:s6+s8] =	stream.linear.scatter @!p0 [tilespmem:s10], [sflag:$0x2], $0x4000, $0x38;
	[tilespmem:$0x4080] =	vst v63  }
0x16: {  	p1 =	sgt.u32 s31, $0x4E1;
	s9 =	simm.s32 $0x40;
	_ =	swait.ge @!p0 [sflag:s11], $0x4000  }
0x17: {  	s10 =	sadd.s32 $0x200, s7;
	s8 =	sadd.s32 $0x10000, s6;
	[sflag:s11] =	ssyncset.done @!p0 $0x0  }
.LBB2_2:
0x18: {  	s12 =	simm.s32 @!p1 $0x0;
	s13 =	simm.s32 @!p1 $0x3;
	[sflag:s11] =	ssyncadd.s32 @!p0 $0xFFFFC000  }
0x19: {  	[tilespmem:s12], [sflag:$0x3] =	stream.linear.gather @!p1 [hbm4b:s10+s12], $0x80, $0x38;
	[tilespmem:$0x4080] =	vst v63  }
0x1a: {  	s14 =	smov.u32 s9;
	s9 =	sadd.s32 $0x20, s9;
	_ =	swait.ge @!p1 [sflag:s13], $0x80  }
0x1b: {  	p0 =	por p1, p1;
	p2 =	sne.s32 s9, $0x500;
	[sflag:s13] =	ssyncset.done @!p1 $0x0  }
0x1c: {  	s11 =	simm.s32 @!p0 $0x1;
	[sflag:s13] =	ssyncadd.s32 @!p0 $0xFFFFFF80;
	s13 =	simm.s32 @!p0 $0x80  }
0x1d: {  	[tilespmem:s13], [sflag:$0x1] =	stream.indirect.gather @!p0 [hbm4b:s3+s13], $0x80, s12, s13, $0xb8;
	[tilespmem:$0x4080] =	vst v63  }
0x1e: {  	_ =	swait.ge @!p0 [sflag:s11], $0x4000  }
.Ltmp0:
0x1f: {  	[sflag:s11] =	ssyncset.done @!p0 $0x0;
	(pc) =	sbr.rel @p2 .LBB2_2-.Ltmp0, $4  }
0x20: {  	[sflag:s11] =	ssyncadd.s32 @!p0 $0xFFFFC000;
	s11 =	simm.s32 @!p0 $0x2  }
0x21: {  	[hbm4b:s8+s12] =	stream.linear.scatter @!p0 [tilespmem:s13], [sflag:$0x2], $0x4000, $0x38;
	[tilespmem:$0x4080] =	vst v63  }
0x22: {  	s10 =	sadd.s32 $0x200, s10;
	s12 =	sadd.s32 s14, s4;
	_ =	swait.ge @!p0 [sflag:s11], $0x4000  }
0x23: {  	s8 =	sadd.s32 $0x10000, s8;
	p1 =	sgt.u32 s12, $0x4E1;
	[sflag:s11] =	ssyncset.done @!p0 $0x0  }
0x24: {  	s9 =	simm.s32 @!p1 $0x0;
	s12 =	simm.s32 @!p1 $0x3;
	[sflag:s11] =	ssyncadd.s32 @!p0 $0xFFFFC000  }
0x25: {  	[tilespmem:s9], [sflag:$0x3] =	stream.linear.gather @!p1 [hbm4b:s10+s9], $0x80, $0x38;
	[tilespmem:$0x4080] =	vst v63  }
0x26: {  	_ =	swait.ge @!p1 [sflag:s12], $0x80  }
0x27: {  	p0 =	por p1, p1;
	[sflag:s12] =	ssyncset.done @!p1 $0x0  }
0x28: {  	s10 =	simm.s32 @!p0 $0x80;
	s11 =	simm.s32 @!p0 $0x1;
	[sflag:s12] =	ssyncadd.s32 @!p0 $0xFFFFFF80  }
0x29: {  	[tilespmem:s10], [sflag:$0x1] =	stream.indirect.gather @!p0 [hbm4b:s3+s10], $0x80, s9, s10, $0xb8;
	[tilespmem:$0x4080] =	vst v63  }
0x2a: {  	s1 =	sadd.s32 $0x1, s1;
	_ =	swait.ge @!p0 [sflag:s11], $0x4000  }
0x2b: {  	p1 =	sne.s32 s1, s5;
	[sflag:s11] =	ssyncset.done @!p0 $0x0  }
.Ltmp1:
0x2c: {  	[sflag:s11] =	ssyncadd.s32 @!p0 $0xFFFFC000;
	s11 =	simm.s32 @!p0 $0x2;
	(pc) =	sbr.rel @p1 .LBB2_1-.Ltmp1, $4  }
0x2d: {  	[hbm4b:s8+s9] =	stream.linear.scatter @!p0 [tilespmem:s10], [sflag:$0x2], $0x4000, $0x38;
	[tilespmem:$0x4080] =	vst v63  }
0x2e: {  	_ =	swait.ge @!p0 [sflag:s11], $0x4000  }
0x2f: {  	[sflag:s11] =	ssyncset.done @!p0 $0x0  }
0x30: {  	[sflag:s11] =	ssyncadd.s32 @!p0 $0xFFFFC000  }
0x31: {  	_ =	sfence.sel $0x180000  }
0x32: {  	[bflag:$0x0] =	sbarrier.arrive $0xFFFF  }
0x33: {  	p0 =	sne.s32 s2, $0x0;
	_ =	strace $0x90000059  }
0x34: {  	s0 =	sadd.s32 @!p0 $0x100000, s0;
	[bflag:$0x2] =	sbarrier.arrive $0xFFFF  }
0x35: {  	[sflag:s0] =	ssyncadd.tile.s32 @!p0 $0x1;
	_ =	shalt  }
.Lfunc_end2:
_tile_overlayer_lowered:
.L_overlay_start_2:
0x36: {  	(tag) =	ssettag $0x2  }
0x37: {  	s0 =	rddreg [dreg:$0x0];
	s2 =	stileid.u32  }
0x38: {  	s1 =	rddreg [dreg:$0x1];
	p0 =	sne.s32 s2, $0x0  }
0x39: {  	s3 =	rddreg [dreg:$0x2];
	[bflag:$0x3] =	sbarrier.arrive $0xFFFF;
	s2 =	simm.s32 @!p0 $0x1C02  }
0x3a: {  	[timem:s3], [sflag:s2] =	dma.local @!p0 [hbm:s0], s1  }
0x3b: {  	s0 =	simm.s32 @!p0 $0x2  }
0x3c: {  	_ =	swait.ge @!p0 [sflag:s0], s1  }
0x3d: {  	s1 =	ssub.s32 @!p0 $0x0, s1;
	[sflag:s0] =	ssyncset.done @!p0 $0x0  }
0x3e: {  	[sflag:s0] =	ssyncadd.s32 @!p0 s1  }
0x3f: {  	[bflag:$0x3] =	sbarrier.arrive $0xFFFF  }
0x40: {  	_ =	shalt  }

// kernel: kernel.41.cloned.1.call-start
scs
__scs_entry_jumppad:
0x0: {  	(pc) =	sbr.rel $0x88, $3  }
0x1: {  	(tag) =	ssettag $0x0;
	lr =	simm.s32 $0x1  }
0x2: {  	[smem:$0x3F86] =	sst lr;
	_ =	strace $0xD0000000  }
0x3: {  	_ = 	snop  }
0x4: {  	_ = 	snop  }
0x5: {  	_ = 	snop  }
0x6: {  	_ = 	snop  }
0x7: {  	_ = 	snop  }
__scs_overlays_trampoline_lowered:
0x8: {  	[smem:$0x3F95] =	sst s0  }
0x9: {  	[smem:$0x3F96] =	sst s1  }
0xa: {  	[smem:$0x3F97] =	sst s2  }
0xb: {  	[smem:$0x3F98] =	sst s3  }
0xc: {  	[smem:$0x3F99] =	sst s4  }
0xd: {  	[smem:$0x3F9A] =	sst s5  }
0xe: {  	[smem:$0x3F9B] =	sst s6  }
0xf: {  	[smem:$0x3F9C] =	sst s7  }
0x10: {  	[smem:$0x3F9D] =	sst s8  }
0x11: {  	[smem:$0x3F9E] =	sst s9;
	s0 =	simm.s32 @!p0 $0x0  }
0x12: {  	s1 =	sld [smem:$0x3F84];
	s0 =	simm.s32 @p0 $0x1  }
0x13: {  	[smem:$0x3F9F] =	sst s0;
	s0 =	simm.s32 @!p1 $0x0  }
0x14: {  	s2 =	sld [smem:$0x3F83];
	s0 =	simm.s32 @p1 $0x1  }
0x15: {  	[smem:$0x3FA0] =	sst s0;
	s0 =	simm.s32 @!p2 $0x0  }
0x16: {  	s3 =	sld [smem:$0x3FDB];
	s0 =	simm.s32 @p2 $0x1  }
0x17: {  	s4 =	simm.s32 $0x1BF5;
	[smem:$0x3FA2] =	sst s0  }
0x18: {  	s0 =	sld [smem:$0x3F85];
	_ =	swait.ge [sflag:s4], $0x0  }
0x19: {  	s7 =	sld [smem:$0x3F86]  }
0x1a: {  	s8 =	sadd.s32 $0xFFFFE003, lr  }
0x1b: {  	s9 =	sadd.s32 $0xFFFFFEF7, lr;
	s5 =	simm.s32 $0xFFFFFFFF;
	p2 =	slt.u32 s8, $0xFFFFF086  }
0x1c: {  	p1 =	slt.u32 s9, $0xF7A;
	s5 =	simm.s32 @!p2 $0x0  }
0x1d: {  	s5 =	simm.s32 @p1 $0x1;
	p0 =	seq.s32 s7, s2  }
0x1e: {  	s7 =	smul.u32 @!p0 $0xF7A, s2;
	p2 =	seq.s32 @!p0 s5, $0x0  }
0x1f: {  	s9 =	smul.u32 $0xF7A, s1;
	s8 =	simm.s32 @!p0 $0x1BF5;
	p2 =	por !p2, p0  }
0x20: {  	[sflag:s8] =	ssyncset.s32 @!p0 $0xFFFFF086;
	s6 =	sadd.s32 @!p0 s3, s7;
	s7 =	simm.s32 @!p0 $0x108  }
0x21: {  	s3 =	sadd.s32 s3, s9;
	s6 =	sadd.s32 @!p0 $0x88, s6;
	s7 =	simm.s32 @p2 $0x1082  }
0x22: {  	[simem:s7], [sflag:s8] =	dma.local @!p0 [hbm:s6], $0xF7A  }
0x23: {  	s9 =	sor.u32 $0xD0000000, s2;
	s6 =	simm.s32 $0x108;
	_ =	swait.ge @!p0 [sflag:s8], $0x0  }
0x24: {  	s3 =	sadd.s32 $0x88, s3;
	s6 =	simm.s32 @!p1 $0x1082;
	[sflag:s4] =	ssyncset.s32 $0xFFFFF086  }
0x25: {  	[simem:s6], [sflag:s4] =	dma.local [hbm:s3], $0xF7A  }
0x26: {  	[smem:$0x3F86] =	sst s1;
	(tag) =	ssettag s2;
	_ =	strace s9  }
0x27: {  	s1 =	sld [smem:$0x3F96]  }
0x28: {  	s2 =	sld [smem:$0x3F97]  }
0x29: {  	s4 =	sld [smem:$0x3F99]  }
0x2a: {  	p0 =	seq.s32 s5, $0x0;
	s5 =	sld [smem:$0x3F9A]  }
0x2b: {  	s6 =	sld [smem:$0x3F9B]  }
0x2c: {  	s7 =	sld [smem:$0x3F9C]  }
0x2d: {  	s3 =	simm.s32 $0x108;
	s8 =	sld [smem:$0x3F9D]  }
0x2e: {  	s3 =	simm.s32 @!p0 $0x1082;
	s9 =	sld [smem:$0x3F9E]  }
0x2f: {  	lr =	sadd.s32 s0, s3;
	s0 =	sld [smem:$0x3F95]  }
0x30: {  	s3 =	sld [smem:$0x3F98]  }
0x31: {  	[smem:$0x3FA1] =	sst s10  }
0x32: {  	s10 =	sld [smem:$0x3F9F];
	_ =	sdelay $0x3  }
0x33: {  	p0 =	seq.s32 s10, $0x1;
	s10 =	sld [smem:$0x3FA1];
	_ =	sdelay $0x3  }
0x34: {  	[smem:$0x3FA1] =	sst s10  }
0x35: {  	s10 =	sld [smem:$0x3FA0];
	_ =	sdelay $0x3  }
0x36: {  	p1 =	seq.s32 s10, $0x1;
	s10 =	sld [smem:$0x3FA1];
	_ =	sdelay $0x3  }
0x37: {  	[smem:$0x3FA1] =	sst s10  }
0x38: {  	s10 =	sld [smem:$0x3FA2]  }
0x39: {  	_ = 	snop;
	(pc) =	sbr.ind lr, $3  }
0x3a: {  	_ = 	snop  }
0x3b: {  	_ = 	snop  }
0x3c: {  	p2 =	seq.s32 s10, $0x1;
	s10 =	sld [smem:$0x3FA1]  }
0x3d: {  	_ =	shalt  }
0x3e: {  	_ =	shalt  }
0x3f: {  	_ =	shalt  }
0x40: {  	_ =	shalt  }
0x41: {  	_ =	shalt  }
0x42: {  	_ =	shalt  }
0x43: {  	_ =	shalt  }
0x44: {  	_ =	shalt  }
0x45: {  	_ =	shalt  }
0x46: {  	_ =	shalt  }
0x47: {  	_ =	shalt  }
0x48: {  	_ =	shalt  }
0x49: {  	_ =	shalt  }
0x4a: {  	_ =	shalt  }
0x4b: {  	_ =	shalt  }
0x4c: {  	_ =	shalt  }
0x4d: {  	_ =	shalt  }
0x4e: {  	_ =	shalt  }
0x4f: {  	_ =	shalt  }
0x50: {  	_ =	shalt  }
0x51: {  	_ =	shalt  }
0x52: {  	_ =	shalt  }
0x53: {  	_ =	shalt  }
0x54: {  	_ =	shalt  }
0x55: {  	_ =	shalt  }
0x56: {  	_ =	shalt  }
0x57: {  	_ =	shalt  }
0x58: {  	_ =	shalt  }
0x59: {  	_ =	shalt  }
0x5a: {  	_ =	shalt  }
0x5b: {  	_ =	shalt  }
0x5c: {  	_ =	shalt  }
0x5d: {  	_ =	shalt  }
0x5e: {  	_ =	shalt  }
0x5f: {  	_ =	shalt  }
0x60: {  	_ =	shalt  }
0x61: {  	_ =	shalt  }
0x62: {  	_ =	shalt  }
0x63: {  	_ =	shalt  }
0x64: {  	_ =	shalt  }
0x65: {  	_ =	shalt  }
0x66: {  	_ =	shalt  }
0x67: {  	_ =	shalt  }
0x68: {  	_ =	shalt  }
0x69: {  	_ =	shalt  }
0x6a: {  	_ =	shalt  }
0x6b: {  	_ =	shalt  }
0x6c: {  	_ =	shalt  }
0x6d: {  	_ =	shalt  }
0x6e: {  	_ =	shalt  }
0x6f: {  	_ =	shalt  }
0x70: {  	_ =	shalt  }
0x71: {  	_ =	shalt  }
0x72: {  	_ =	shalt  }
0x73: {  	_ =	shalt  }
0x74: {  	_ =	shalt  }
0x75: {  	_ =	shalt  }
0x76: {  	_ =	shalt  }
0x77: {  	_ =	shalt  }
0x78: {  	_ =	shalt  }
0x79: {  	_ =	shalt  }
0x7a: {  	_ =	shalt  }
0x7b: {  	_ =	shalt  }
0x7c: {  	_ =	shalt  }
0x7d: {  	_ =	shalt  }
0x7e: {  	_ =	shalt  }
0x7f: {  	_ =	shalt  }
0x80: {  	_ =	shalt  }
0x81: {  	_ =	shalt  }
0x82: {  	_ =	shalt  }
0x83: {  	_ =	shalt  }
0x84: {  	_ =	shalt  }
0x85: {  	_ =	shalt  }
0x86: {  	_ =	shalt  }
0x87: {  	_ =	shalt  }
.Lfunc_end0:
.L_simem_size_0:
called_computation.7_lowered:
.L_overlay_start_0:
0x88: {  	s2 =	sld [smem:$0x3FD9]  }
0x89: {  	s3 =	sld [smem:$0x3FFE];
	_ =	sdelay $0x1  }
0x8a: {  	s1 =	srdreg.scid  }
0x8b: {  	s0 =	sand.u32 $0x1, s1  }
0x8c: {  	s16 =	sshll.u32 s0, $0xA;
	s2 =	sadd.s32 s3, s2  }
0x8d: {  	s2 =	sadd.s32 s2, s16  }
0x8e: {  	[smem:$0x3FAD] =	sst s2  }
0x8f: {  	_ = 	snop  }
0x90: {  	(tm) =	ssettm $0x1  }
0x91: {  	s17 =	sld [smem:$0x3FFB];
	_ =	sdelay $0x3  }
0x92: {  	_ =	strace s17  }
0x93: {  	s2 =	sld [smem:$0x3FFC];
	_ =	sdelay $0x3  }
0x94: {  	_ =	strace s2  }
0x95: {  	s2 =	sld [smem:$0x3FFD];
	_ =	sdelay $0x3  }
0x96: {  	_ =	strace s2  }
0x97: {  	_ =	strace $0x8FFFFFFF  }
0x98: {  	s18 =	sld [smem:$0x3FDB];
	_ =	sdelay $0x1  }
0x99: {  	s19 =	simm.s32 $_scs_section_size  }
0x9a: {  	s4 =	simm.s32 $_size__tile_overlayer_lowered;
	s5 =	simm.s32 $_tile_overlayer_lowered  }
0x9b: {  	s22 =	simm.s32 $0x1BFF;
	s21 =	sshll.u32 s5, $0x1;
	s2 =	sadd.s32 s19, s18  }
0x9c: {  	s6 =	simm.s32 $0x0;
	s20 =	sshll.u32 s4, $0x1;
	s4 =	sadd.s32 s21, s2  }
0x9d: {  	[timem:s6], [sflag:s22] =	dma.local [hbm:s4], s20  }
0x9e: {  	_ =	swait.ge [sflag:s22], s20  }
0x9f: {  	s3 =	ssub.s32 $0x0, s20;
	[sflag:s22] =	ssyncset.done $0x0  }
0xa0: {  	[sflag:s22] =	ssyncadd.s32 s3;
	_ =	sdelay $0x1  }
0xa1: {  	s23 =	simm.s32 $0x1B8B  }
0xa2: {  	_ =	swait.ge [sflag:s23], $0x1  }
0xa3: {  	[sflag:s23] =	ssyncset.done $0x0  }
0xa4: {  	s25 =	simm.s32 $0x1B8E;
	s24 =	sld [smem:$0x3FFE];
	[sflag:s23] =	ssyncadd.s32 $0xFFFFFFFF  }
0xa5: {  	s26 =	simm.s32 $execute0_lowered;
	[smem:$0x3FD2] =	sst s25  }
0xa6: {  	s4 =	sshll.u32 s26, $0x1;
	_ =	strace $0x8000005B;
	[dreg:$0x1] =	wrdreg $0xFFFFFFFF  }
0xa7: {  	s28 =	simm.s32 $_size_execute0_lowered;
	s2 =	sadd.s32 s2, s4;
	[dreg:$0x0] =	wrdreg $0x0  }
0xa8: {  	s4 =	sshll.u32 s28, $0x1;
	[dreg:$0x2] =	wrdreg s2  }
0xa9: {  	[dreg:$0x3] =	wrdreg s4  }
0xaa: {  	[dreg:$0x4] =	wrdreg $0xC0  }
0xab: {  	_ =	task [dreg:s6], $0x5FFFF  }
0xac: {  	[dreg:$0x1] =	wrdreg $0xFFFFFFFF  }
0xad: {  	[dreg:$0x0] =	wrdreg $0x60  }
0xae: {  	[dreg:$0x2] =	wrdreg s24  }
0xaf: {  	[dreg:$0x3] =	wrdreg $0x0  }
0xb0: {  	[dreg:$0x4] =	wrdreg $0x9  }
0xb1: {  	_ =	task.clear_ibuf [dreg:s6], $0x5FFFF;
	_ =	strace $0x9000005B  }
0xb2: {  	s29 =	simm.s32 $0x9;
	_ =	strace $0x8000005D  }
0xb3: {  	_ =	swait.ge [sflag:s29], $0x1  }
0xb4: {  	[sflag:s29] =	ssyncadd.s32 $0xFFFFFFFF  }
0xb5: {  	_ =	strace $0x9000005D  }
0xb6: {  	_ =	sfence  }
0xb7: {  	s30 =	sld [smem:$0x0];
	_ =	sdelay $0x2  }
0xb8: {  	s31 =	sshll.u32 s1, $0xD;
	s1 =	sshrl.u32 s1, $0x2  }
0xb9: {  	s3 =	sand.u32 $0x4000, s31;
	s1 =	sadd.s32 s1, s30  }
0xba: {  	s0 =	sor.u32 s3, s0;
	s1 =	sshll.u32 s1, $0x11  }
0xbb: {  	s0 =	sor.u32 s1, s0  }
0xbc: {  	s0 =	sadd.s32 $0x8F2B, s0  }
0xbd: {  	[sflag:s0] =	ssyncadd.remote.s32 $0x1  }
0xbe: {  	_ =	sfence.sel $0xFFFF  }
0xbf: {  	[dreg:$0x0] =	wrdreg $0xFFFFFFFF;
	(pc) =	sbr.abs _section_cstart, $3  }
0xc0: {  	[dreg:$0x1] =	wrdreg $0xFFFFFFFF  }
0xc1: {  	_ =	task.clear_ibuf [dreg:s6], $0x2FFFF;
	_ =	strace $0x9FFFFFFF  }
0xc2: {  	(tm) =	ssettm $0x7FFFFFFF  }
0xc3: {  	_ =	shalt  }
tec
execute0_lowered:
.L_overlay_start_1:
0x0: {  	(tag) =	ssettag $0x1  }
0x1: {  	s6 =	rddreg [dreg:$0x0]  }
0x2: {  	s1 =	rddreg [dreg:$0x1]  }
0x3: {  	s0 =	rddreg [dreg:$0x2];
	s3 =	simm.s32 $0x0;
	s2 =	srdreg.scid  }
0x4: {  	[smem:$0x7FF] =	sst s3;
	s5 =	sand.u32 $0x1, s2  }
0x5: {  	s2 =	stileid.u32;
	s4 =	smul.u32 $0x27100, s5  }
0x6: {  	_ =	strace $0x8000005C;
	s7 =	sshll.u32 s2, $0xB;
	s8 =	sshll.u32 s2, $0x7  }
0x7: {  	s26 =	ssub.s32 $0x2, s5;
	s10 =	smul.u32 $0x50000, s2;
	p0 =	seq.s32 s5, $0x1  }
0x8: {  	s30 =	sshll.u32 s2, $0x6;
	s12 =	smul.u32 $0x2800, s2;
	s9 =	sadd.s32 s7, s6  }
0x9: {  	s28 =	sshrl.u32 s26, $0x1;
	s5 =	sor.u32 $0x1C01, s30;
	s4 =	sadd.s32 s8, s4  }
0xa: {  	s7 =	ssub.s32 s26, s28;
	s29 =	sshrl.u32 s10, $0x2;
	s10 =	simm.s32 $0x40600  }
0xb: {  	s9 =	sadd.s32 $0x6B9C00, s9;
	s4 =	sshrl.u32 s4, $0x3;
	s10 =	simm.s32 @!p0 $0xBE00  }
0xc: {  	s13 =	sadd.s32 s29, s1;
	s11 =	sadd.s32 s4, s6;
	s4 =	sadd.s32 $0x3DE00, s6  }
0xd: {  	s31 =	sadd.s32 s10, s6;
	s6 =	smax.u32 s7, $0x1;
	s10 =	sshrl.u32 s13, $0x3  }
0xe: {  	s7 =	sadd.s32 s31, s12;
	s8 =	sadd.s32 $0x8DE00, s11;
	s11 =	simm.s32 $0x1  }
.LBB2_1:
0xf: {  	[spmem:s10], [sflag:s5] =	dma.local [hbm:s4], $0x2800  }
0x10: {  	s12 =	sadd.s32 $0x0, s2;
	_ =	swait.ge [sflag:s11], $0x2800  }
0x11: {  	p0 =	sgt.u32 s12, $0x4E1;
	[sflag:s11] =	ssyncset.done $0x0  }
0x12: {  	s12 =	simm.s32 @!p0 $0x0;
	[sflag:s11] =	ssyncadd.s32 $0xFFFFD800  }
0x13: {  	s14 =	simm.s32 @!p0 $0x14000;
	s15 =	simm.s32 @!p0 $0x2;
	[bflag:$0x0] =	sbarrier.arrive $0xFFFF  }
0x14: {  	[tilespmem:s14], [sflag:$0x2] =	stream.linear.gather @!p0 [hbm4b:s8+s12], $0x80, $0x38;
	[tilespmem:$0x18080] =	vst v63  }
0x15: {  	_ =	swait.ge @!p0 [sflag:s15], $0x80;
	p0 =	por p0, p0  }
0x16: {  	[sflag:s15] =	ssyncset.done @!p0 $0x0  }
0x17: {  	s16 =	simm.s32 @!p0 $0x14080;
	[sflag:s15] =	ssyncadd.s32 @!p0 $0xFFFFFF80  }
0x18: {  	[tilespmem:s16], [sflag:$0x2] =	stream.linear.gather @!p0 [hbm4b:s9+s12], $0x4000, $0x38;
	[tilespmem:$0x18080] =	vst v63  }
0x19: {  	s31 =	sadd.s32 $0x10, s2;
	_ =	swait.ge @!p0 [sflag:s15], $0x4000  }
0x1a: {  	s13 =	simm.s32 $0x20;
	p1 =	sgt.u32 s31, $0x4E1;
	[sflag:s15] =	ssyncset.done @!p0 $0x0  }
0x1b: {  	s12 =	simm.s32 @!p0 $0x80;
	[sflag:s15] =	ssyncadd.s32 @!p0 $0xFFFFC000;
	s15 =	simm.s32 @!p0 $0x1  }
0x1c: {  	[spmem:s1] =	stream.indirect.scatter.add.f32 @!p0 [tilespmem:s16], [sflag:$0x1], $0x80, s14, s12, $0xb8;
	[tilespmem:$0x18080] =	vst v63  }
0x1d: {  	s12 =	sadd.s32 $0x8000, s9;
	s14 =	sadd.s32 $0x100, s8;
	_ =	swait.ge @!p0 [sflag:s15], $0x4000  }
.LBB2_2:
0x1e: {  	s16 =	simm.s32 @!p1 $0x0  }
0x1f: {  	s17 =	simm.s32 @!p1 $0x14000;
	[sflag:s15] =	ssyncset.done @!p0 $0x0;
	s18 =	smov.u32 s13  }
0x20: {  	s13 =	sadd.s32 $0x10, s13;
	s19 =	simm.s32 @!p1 $0x2;
	[sflag:s15] =	ssyncadd.s32 @!p0 $0xFFFFC000  }
0x21: {  	[tilespmem:s17], [sflag:$0x2] =	stream.linear.gather @!p1 [hbm4b:s14+s16], $0x80, $0x38;
	[tilespmem:$0x18080] =	vst v63  }
0x22: {  	p2 =	sne.s32 s13, $0x4F0;
	p0 =	por p1, p1;
	_ =	swait.ge @!p1 [sflag:s19], $0x80  }
0x23: {  	[sflag:s19] =	ssyncset.done @!p0 $0x0  }
0x24: {  	s20 =	simm.s32 @!p0 $0x14080;
	[sflag:s19] =	ssyncadd.s32 @!p0 $0xFFFFFF80  }
0x25: {  	[tilespmem:s20], [sflag:$0x2] =	stream.linear.gather @!p0 [hbm4b:s12+s16], $0x4000, $0x38;
	[tilespmem:$0x18080] =	vst v63  }
.Ltmp0:
0x26: {  	_ =	swait.ge @!p0 [sflag:s19], $0x4000;
	(pc) =	sbr.rel @p2 .LBB2_2-.Ltmp0, $4  }
0x27: {  	s15 =	simm.s32 @!p0 $0x1;
	s12 =	sadd.s32 $0x8000, s12;
	[sflag:s19] =	ssyncset.done @!p0 $0x0  }
0x28: {  	s16 =	sadd.s32 s18, s2;
	s18 =	simm.s32 @!p0 $0x80;
	[sflag:s19] =	ssyncadd.s32 @!p0 $0xFFFFC000  }
0x29: {  	[spmem:s1] =	stream.indirect.scatter.add.f32 @!p0 [tilespmem:s20], [sflag:$0x1], $0x80, s17, s18, $0xb8;
	[tilespmem:$0x18080] =	vst v63  }
0x2a: {  	s14 =	sadd.s32 $0x100, s14;
	p1 =	sgt.u32 s16, $0x4E1;
	_ =	swait.ge @!p0 [sflag:s15], $0x4000  }
0x2b: {  	s13 =	simm.s32 @!p1 $0x0;
	[sflag:s15] =	ssyncset.done @!p0 $0x0  }
0x2c: {  	s16 =	simm.s32 @!p1 $0x14000;
	s17 =	simm.s32 @!p1 $0x2;
	[sflag:s15] =	ssyncadd.s32 @!p0 $0xFFFFC000  }
0x2d: {  	[tilespmem:s16], [sflag:$0x2] =	stream.linear.gather @!p1 [hbm4b:s14+s13], $0x80, $0x38;
	[tilespmem:$0x18080] =	vst v63  }
0x2e: {  	p0 =	por p1, p1;
	_ =	swait.ge @!p1 [sflag:s17], $0x80  }
0x2f: {  	[sflag:s17] =	ssyncset.done @!p0 $0x0  }
0x30: {  	s14 =	simm.s32 @!p0 $0x14080;
	[sflag:s17] =	ssyncadd.s32 @!p0 $0xFFFFFF80  }
0x31: {  	[tilespmem:s14], [sflag:$0x2] =	stream.linear.gather @!p0 [hbm4b:s12+s13], $0x4000, $0x38;
	[tilespmem:$0x18080] =	vst v63  }
0x32: {  	_ =	swait.ge @!p0 [sflag:s17], $0x4000  }
0x33: {  	[sflag:s17] =	ssyncset.done @!p0 $0x0  }
0x34: {  	s12 =	simm.s32 @!p0 $0x1;
	s13 =	simm.s32 @!p0 $0x80;
	[sflag:s17] =	ssyncadd.s32 @!p0 $0xFFFFC000  }
0x35: {  	[spmem:s1] =	stream.indirect.scatter.add.f32 @!p0 [tilespmem:s14], [sflag:$0x1], $0x80, s16, s13, $0xb8;
	[tilespmem:$0x18080] =	vst v63  }
0x36: {  	_ =	swait.ge @!p0 [sflag:s12], $0x4000  }
0x37: {  	s3 =	sadd.s32 $0x1, s3;
	[sflag:s12] =	ssyncset.done @!p0 $0x0  }
0x38: {  	[sflag:s12] =	ssyncadd.s32 @!p0 $0xFFFFC000;
	p0 =	sne.s32 s3, s6  }
.Ltmp1:
0x39: {  	[bflag:$0x0] =	sbarrier.arrive $0xFFFF;
	(pc) =	sbr.rel @p0 .LBB2_1-.Ltmp1, $4  }
0x3a: {  	[hbm:s7], [sflag:s5] =	dma.local [spmem:s10], $0x2800  }
0x3b: {  	_ =	swait.ge [sflag:s11], $0x2800  }
0x3c: {  	[sflag:s11] =	ssyncset.done $0x0  }
0x3d: {  	[sflag:s11] =	ssyncadd.s32 $0xFFFFD800  }
0x3e: {  	_ =	sfence.sel $0x180000  }
0x3f: {  	[bflag:$0x0] =	sbarrier.arrive $0xFFFF  }
0x40: {  	p0 =	sne.s32 s2, $0x0;
	_ =	strace $0x9000005C  }
0x41: {  	s0 =	sadd.s32 @!p0 $0x100000, s0;
	[bflag:$0x2] =	sbarrier.arrive $0xFFFF  }
0x42: {  	[sflag:s0] =	ssyncadd.tile.s32 @!p0 $0x1;
	_ =	shalt  }
.Lfunc_end2:
_tile_overlayer_lowered:
.L_overlay_start_2:
0x43: {  	(tag) =	ssettag $0x2  }
0x44: {  	s0 =	rddreg [dreg:$0x0];
	s2 =	stileid.u32  }
0x45: {  	s1 =	rddreg [dreg:$0x1];
	p0 =	sne.s32 s2, $0x0  }
0x46: {  	s3 =	rddreg [dreg:$0x2];
	[bflag:$0x3] =	sbarrier.arrive $0xFFFF;
	s2 =	simm.s32 @!p0 $0x1C01  }
0x47: {  	[timem:s3], [sflag:s2] =	dma.local @!p0 [hbm:s0], s1  }
0x48: {  	s0 =	simm.s32 @!p0 $0x1  }
0x49: {  	_ =	swait.ge @!p0 [sflag:s0], s1  }
0x4a: {  	s1 =	ssub.s32 @!p0 $0x0, s1;
	[sflag:s0] =	ssyncset.done @!p0 $0x0  }
0x4b: {  	[sflag:s0] =	ssyncadd.s32 @!p0 s1  }
0x4c: {  	[bflag:$0x3] =	sbarrier.arrive $0xFFFF  }
0x4d: {  	_ =	shalt  }

</sc_bundles>
